<compile_context>
chip_gen: v7x
topology: tpu7x:2x2x1
jax: 0.10.2.dev20260603
libtpu: 0.0.44.dev20260713+nightly
codegen_flags: <defaults>
</compile_context>

<pallas_src>
import functools

import jax
import jax.numpy as jnp
from jax import lax
from jax.experimental import pallas as pl
from jax.experimental.pallas import tpu as pltpu
from jax.experimental.pallas import tpu_sc as plsc

D = 768
E = 192
V = 64
NTOK = 4 * 8192
NW = 32
TOK_PER_W = NTOK // NW
G = 16
NCHUNK = TOK_PER_W // G
NBUF = 4
A_BLK = 8


def _tables_body(et_ref, w_ref, b_ref, ft01_ref, ft23_ref, s_ref):
    i = pl.program_id(0)

    @pl.when(i == 0)
    def _():
        for s in range(4):
            s_ref[s] = lax.dot_general(
                et_ref[:], w_ref[:, s * E:(s + 1) * E],
                (((1,), (1,)), ((), ())),
                preferred_element_type=jnp.float32)

    a0 = s_ref[0, pl.ds(i * A_BLK, A_BLK)]
    a2 = s_ref[2, pl.ds(i * A_BLK, A_BLK)]
    c1 = s_ref[1] + b_ref[:]
    c3 = s_ref[3]
    ft01_ref[:] = a0[:, None, :] + c1[None, :, :]
    ft23_ref[:] = a2[:, None, :] + c3[None, :, :]


def _make_tables(et, w, b2):
    grid = V // A_BLK
    return pl.pallas_call(
        _tables_body,
        grid=(grid,),
        in_specs=[
            pl.BlockSpec((V, E), lambda i: (0, 0)),
            pl.BlockSpec((D, D), lambda i: (0, 0)),
            pl.BlockSpec((1, D), lambda i: (0, 0)),
        ],
        out_specs=[
            pl.BlockSpec((A_BLK, V, D), lambda i: (i, 0, 0)),
            pl.BlockSpec((A_BLK, V, D), lambda i: (i, 0, 0)),
        ],
        out_shape=[
            jax.ShapeDtypeStruct((V, V, D), jnp.float32),
            jax.ShapeDtypeStruct((V, V, D), jnp.float32),
        ],
        scratch_shapes=[pltpu.VMEM((4, V, D), jnp.float32)],
    )(et, w, b2)


def _sc_body(t0_hbm, t1_hbm, t2_hbm, t3_hbm, ft01_hbm, ft23_hbm, out_hbm,
             t0_v, t1_v, t2_v, t3_v, i01_v, i23_v,
             st1a_v, st2a_v, st1b_v, st2b_v,
             st1c_v, st2c_v, st1d_v, st2d_v,
             gsem0, gsem1, gsem2, gsem3, osem0, osem1, osem2, osem3):
    cid = lax.axis_index("c")
    sid = lax.axis_index("s")
    wid = sid * 2 + cid
    base = wid * TOK_PER_W

    pltpu.sync_copy(t0_hbm.at[pl.ds(base, TOK_PER_W)], t0_v)
    pltpu.sync_copy(t1_hbm.at[pl.ds(base, TOK_PER_W)], t1_v)
    pltpu.sync_copy(t2_hbm.at[pl.ds(base, TOK_PER_W)], t2_v)
    pltpu.sync_copy(t3_hbm.at[pl.ds(base, TOK_PER_W)], t3_v)

    def ibody(i, _):
        ds = pl.ds(i * 16, 16)
        i01_v[ds] = t0_v[ds] * 64 + t1_v[ds]
        i23_v[ds] = t2_v[ds] * 64 + t3_v[ds]
        return 0

    lax.fori_loop(0, TOK_PER_W // 16, ibody, 0)

    st1 = (st1a_v, st1b_v, st1c_v, st1d_v)
    st2 = (st2a_v, st2b_v, st2c_v, st2d_v)
    gsem = (gsem0, gsem1, gsem2, gsem3)
    osem = (osem0, osem1, osem2, osem3)

    def fire_gathers(c, b):
        cc = jnp.where(c < NCHUNK, c, 0)
        idx01 = i01_v.at[pl.ds(cc * G, G)]
        idx23 = i23_v.at[pl.ds(cc * G, G)]
        pltpu.async_copy(ft01_hbm.at[idx01], st1[b], gsem[b])
        pltpu.async_copy(ft23_hbm.at[idx23], st2[b], gsem[b])

    def drain_gathers(b):
        pltpu.make_async_copy(ft01_hbm.at[pl.ds(0, G)], st1[b], gsem[b]).wait()
        pltpu.make_async_copy(ft23_hbm.at[pl.ds(0, G)], st2[b], gsem[b]).wait()

    def drain_store(b):
        pltpu.make_async_copy(
            st1[b], out_hbm.at[pl.ds(base, G)], osem[b]).wait()

    def addrows(b):
        def addrow(t, _):
            for j in range(D // 16):
                ds = pl.ds(16 * j, 16)
                plsc.addupdate(st1[b].at[t, ds], st2[b][t, ds])
            return 0

        lax.fori_loop(0, G, addrow, 0)

    fire_gathers(0, 0)
    fire_gathers(1, 1)
    pltpu.async_copy(st1c_v, out_hbm.at[pl.ds(base + 2 * G, G)], osem2)
    pltpu.async_copy(st1d_v, out_hbm.at[pl.ds(base + 3 * G, G)], osem3)

    def quad(i, _):
        c0 = 4 * i
        for b in range(NBUF):
            c = c0 + b
            b2 = (b + 2) % NBUF
            drain_gathers(b)
            drain_store(b2)
            fire_gathers(c + 2, b2)
            addrows(b)
            pltpu.async_copy(
                st1[b], out_hbm.at[pl.ds(base + c * G, G)], osem[b])
        return 0

    lax.fori_loop(0, NCHUNK // NBUF, quad, 0)
    drain_gathers(0)
    drain_gathers(1)
    drain_store(2)
    drain_store(3)


@functools.lru_cache(maxsize=1)
def _sc_lookup():
    return pl.kernel(
        _sc_body,
        out_type=jax.ShapeDtypeStruct((NTOK, D), jnp.float32),
        mesh=plsc.VectorSubcoreMesh(core_axis_name="c", subcore_axis_name="s"),
        scratch_types=[
            pltpu.VMEM((TOK_PER_W,), jnp.int32),
            pltpu.VMEM((TOK_PER_W,), jnp.int32),
            pltpu.VMEM((TOK_PER_W,), jnp.int32),
            pltpu.VMEM((TOK_PER_W,), jnp.int32),
            pltpu.VMEM((TOK_PER_W,), jnp.int32),
            pltpu.VMEM((TOK_PER_W,), jnp.int32),
            pltpu.VMEM((G, D), jnp.float32),
            pltpu.VMEM((G, D), jnp.float32),
            pltpu.VMEM((G, D), jnp.float32),
            pltpu.VMEM((G, D), jnp.float32),
            pltpu.VMEM((G, D), jnp.float32),
            pltpu.VMEM((G, D), jnp.float32),
            pltpu.VMEM((G, D), jnp.float32),
            pltpu.VMEM((G, D), jnp.float32),
            pltpu.SemaphoreType.DMA,
            pltpu.SemaphoreType.DMA,
            pltpu.SemaphoreType.DMA,
            pltpu.SemaphoreType.DMA,
            pltpu.SemaphoreType.DMA,
            pltpu.SemaphoreType.DMA,
            pltpu.SemaphoreType.DMA,
            pltpu.SemaphoreType.DMA,
        ],
    )


def kernel(ctrl_tokens, embed_table, W, b):
    Bc, Tc, _ = ctrl_tokens.shape
    ft01, ft23 = _make_tables(embed_table, W, b.reshape(1, D))
    tf = ctrl_tokens.reshape(-1, 4)
    out = _sc_lookup()(tf[:, 0], tf[:, 1], tf[:, 2], tf[:, 3],
                       ft01.reshape(V * V, D), ft23.reshape(V * V, D))
    return out.reshape(Bc, Tc, D)

# --- scband reference (transcript-rebuilt; emitter-appended) ---
"""Pipeline reference for scband-control-encoder-temporal-13984413515786 (READ-ONLY COPY).

The authoritative reference and input builder live on the scoring server;
editing this copy changes nothing except your own understanding.
"""

import jax, jax.numpy as jnp
import numpy as np

VOCAB = 64
D_MODEL = 768
E_DIM = D_MODEL // 4  # 192
B, T = 4, 8192


def setup_inputs(seed: int = 0) -> dict:
    key = jax.random.key(seed)
    k1, k2, k3, k4 = jax.random.split(key, 4)
    ctrl_tokens = jax.random.randint(k1, (B, T, 4), 0, VOCAB, dtype=jnp.int64 if jax.config.jax_enable_x64 else jnp.int32).astype(jnp.int32)
    embed_table = jax.random.normal(k2, (VOCAB, E_DIM), dtype=jnp.float32)
    # nn.Linear(d_model, d_model): weight [out, in], bias [out]
    bound = 1.0 / np.sqrt(D_MODEL)
    W = jax.random.uniform(k3, (D_MODEL, D_MODEL), dtype=jnp.float32, minval=-bound, maxval=bound)
    b = jax.random.uniform(k4, (D_MODEL,), dtype=jnp.float32, minval=-bound, maxval=bound)
    return {"ctrl_tokens": ctrl_tokens, "embed_table": embed_table, "W": W, "b": b}


def reference(ctrl_tokens, embed_table, W, b):
    Bc, Tc, _ = ctrl_tokens.shape
    # embedding lookup (gather)
    e = jnp.take(embed_table, ctrl_tokens, axis=0)  # [B, T, 4, E_DIM]
    e = e.reshape(Bc, Tc, D_MODEL)
    # nn.Linear: y = x @ W^T + b
    out = jnp.einsum("btd,od->bto", e, W) + b
    return out

if __name__ == "__main__":
    import jax
    _d = setup_inputs()
    print(jax.jit(kernel)(*tuple(_d.values())))

</pallas_src>

<mosaic_0001>
#map = affine_map<(d0, d1) -> (0)>
#map1 = affine_map<(d0, d1) -> (0, 0)>
module attributes {stable_mosaic.version = 14 : i64} {
  func.func @_sc_body(%arg0: i32, %arg1: i32, %arg2: memref<32768xi32, #tpu.memory_space<hbm>>, %arg3: memref<32768xi32, #tpu.memory_space<hbm>>, %arg4: memref<32768xi32, #tpu.memory_space<hbm>>, %arg5: memref<32768xi32, #tpu.memory_space<hbm>>, %arg6: memref<4096x768xf32, #tpu.memory_space<hbm>>, %arg7: memref<4096x768xf32, #tpu.memory_space<hbm>>, %arg8: memref<32768x768xf32, #tpu.memory_space<hbm>>, %arg9: memref<1024xi32, #tpu.memory_space<vmem>>, %arg10: memref<1024xi32, #tpu.memory_space<vmem>>, %arg11: memref<1024xi32, #tpu.memory_space<vmem>>, %arg12: memref<1024xi32, #tpu.memory_space<vmem>>, %arg13: memref<1024xi32, #tpu.memory_space<vmem>>, %arg14: memref<1024xi32, #tpu.memory_space<vmem>>, %arg15: memref<16x768xf32, #tpu.memory_space<vmem>>, %arg16: memref<16x768xf32, #tpu.memory_space<vmem>>, %arg17: memref<16x768xf32, #tpu.memory_space<vmem>>, %arg18: memref<16x768xf32, #tpu.memory_space<vmem>>, %arg19: memref<16x768xf32, #tpu.memory_space<vmem>>, %arg20: memref<16x768xf32, #tpu.memory_space<vmem>>, %arg21: memref<16x768xf32, #tpu.memory_space<vmem>>, %arg22: memref<16x768xf32, #tpu.memory_space<vmem>>, %arg23: memref<!tpu.dma_semaphore, #tpu.memory_space<semaphore_mem>>, %arg24: memref<!tpu.dma_semaphore, #tpu.memory_space<semaphore_mem>>, %arg25: memref<!tpu.dma_semaphore, #tpu.memory_space<semaphore_mem>>, %arg26: memref<!tpu.dma_semaphore, #tpu.memory_space<semaphore_mem>>, %arg27: memref<!tpu.dma_semaphore, #tpu.memory_space<semaphore_mem>>, %arg28: memref<!tpu.dma_semaphore, #tpu.memory_space<semaphore_mem>>, %arg29: memref<!tpu.dma_semaphore, #tpu.memory_space<semaphore_mem>>, %arg30: memref<!tpu.dma_semaphore, #tpu.memory_space<semaphore_mem>>) attributes {dimension_semantics = [#tpu.dimension_semantics<core_parallel>, #tpu.dimension_semantics<subcore_parallel>], iteration_bounds = array<i64: 2, 16>, scalar_prefetch = 0 : i64, scratch_operands = 22 : i64, tpu.core_type = #tpu.core_type<sc_vector_subcore>, window_params = [{transform_indices = #map}, {transform_indices = #map}, {transform_indices = #map}, {transform_indices = #map}, {transform_indices = #map1}, {transform_indices = #map1}, {transform_indices = #map1}]} {
    %mul3A = arith.constant 2 : i32
    %mul3A_0 = arith.muli %arg1, %mul3A : i32
    %add3A = arith.addi %mul3A_0, %arg0 : i32
    %mul3A_1 = arith.constant 1024 : i32
    %mul3A_2 = arith.muli %add3A, %mul3A_1 : i32
    "tpu.region"() ({
      %run_scoped3A = tpu.sem_alloc : memref<!tpu.dma_semaphore, #tpu.memory_space<semaphore_mem>>
      %dma_start3A_88 = tpu.memref_slice %arg2[%mul3A_2] : memref<32768xi32, #tpu.memory_space<hbm>> -> memref<1024xi32, #tpu.memory_space<hbm>>
      %dma_start3A_89 = tpu.memref_slice %arg2[%mul3A_2] : memref<32768xi32, #tpu.memory_space<hbm>> -> memref<1024xi32, #tpu.memory_space<hbm>>
      tpu.enqueue_dma source(%dma_start3A_89 : memref<1024xi32, #tpu.memory_space<hbm>>) target(%arg9 : memref<1024xi32, #tpu.memory_space<vmem>>) target_semaphore(%run_scoped3A : memref<!tpu.dma_semaphore, #tpu.memory_space<semaphore_mem>>)
      %dma_wait3A_90 = tpu.memref_slice %arg2[%mul3A_2] : memref<32768xi32, #tpu.memory_space<hbm>> -> memref<1024xi32, #tpu.memory_space<hbm>>
      %dma_wait3A_91 = tpu.memref_slice %arg2[%mul3A_2] : memref<32768xi32, #tpu.memory_space<hbm>> -> memref<1024xi32, #tpu.memory_space<hbm>>
      tpu.wait_dma2 semaphore(%run_scoped3A : memref<!tpu.dma_semaphore, #tpu.memory_space<semaphore_mem>>) src(%dma_wait3A_91 : memref<1024xi32, #tpu.memory_space<hbm>>) dst(%arg9 : memref<1024xi32, #tpu.memory_space<vmem>>)
      tpu.yield
    }) : () -> ()
    "tpu.region"() ({
      %run_scoped3A = tpu.sem_alloc : memref<!tpu.dma_semaphore, #tpu.memory_space<semaphore_mem>>
      %dma_start3A_88 = tpu.memref_slice %arg3[%mul3A_2] : memref<32768xi32, #tpu.memory_space<hbm>> -> memref<1024xi32, #tpu.memory_space<hbm>>
      %dma_start3A_89 = tpu.memref_slice %arg3[%mul3A_2] : memref<32768xi32, #tpu.memory_space<hbm>> -> memref<1024xi32, #tpu.memory_space<hbm>>
      tpu.enqueue_dma source(%dma_start3A_89 : memref<1024xi32, #tpu.memory_space<hbm>>) target(%arg10 : memref<1024xi32, #tpu.memory_space<vmem>>) target_semaphore(%run_scoped3A : memref<!tpu.dma_semaphore, #tpu.memory_space<semaphore_mem>>)
      %dma_wait3A_90 = tpu.memref_slice %arg3[%mul3A_2] : memref<32768xi32, #tpu.memory_space<hbm>> -> memref<1024xi32, #tpu.memory_space<hbm>>
      %dma_wait3A_91 = tpu.memref_slice %arg3[%mul3A_2] : memref<32768xi32, #tpu.memory_space<hbm>> -> memref<1024xi32, #tpu.memory_space<hbm>>
      tpu.wait_dma2 semaphore(%run_scoped3A : memref<!tpu.dma_semaphore, #tpu.memory_space<semaphore_mem>>) src(%dma_wait3A_91 : memref<1024xi32, #tpu.memory_space<hbm>>) dst(%arg10 : memref<1024xi32, #tpu.memory_space<vmem>>)
      tpu.yield
    }) : () -> ()
    "tpu.region"() ({
      %run_scoped3A = tpu.sem_alloc : memref<!tpu.dma_semaphore, #tpu.memory_space<semaphore_mem>>
      %dma_start3A_88 = tpu.memref_slice %arg4[%mul3A_2] : memref<32768xi32, #tpu.memory_space<hbm>> -> memref<1024xi32, #tpu.memory_space<hbm>>
      %dma_start3A_89 = tpu.memref_slice %arg4[%mul3A_2] : memref<32768xi32, #tpu.memory_space<hbm>> -> memref<1024xi32, #tpu.memory_space<hbm>>
      tpu.enqueue_dma source(%dma_start3A_89 : memref<1024xi32, #tpu.memory_space<hbm>>) target(%arg11 : memref<1024xi32, #tpu.memory_space<vmem>>) target_semaphore(%run_scoped3A : memref<!tpu.dma_semaphore, #tpu.memory_space<semaphore_mem>>)
      %dma_wait3A_90 = tpu.memref_slice %arg4[%mul3A_2] : memref<32768xi32, #tpu.memory_space<hbm>> -> memref<1024xi32, #tpu.memory_space<hbm>>
      %dma_wait3A_91 = tpu.memref_slice %arg4[%mul3A_2] : memref<32768xi32, #tpu.memory_space<hbm>> -> memref<1024xi32, #tpu.memory_space<hbm>>
      tpu.wait_dma2 semaphore(%run_scoped3A : memref<!tpu.dma_semaphore, #tpu.memory_space<semaphore_mem>>) src(%dma_wait3A_91 : memref<1024xi32, #tpu.memory_space<hbm>>) dst(%arg11 : memref<1024xi32, #tpu.memory_space<vmem>>)
      tpu.yield
    }) : () -> ()
    "tpu.region"() ({
      %run_scoped3A = tpu.sem_alloc : memref<!tpu.dma_semaphore, #tpu.memory_space<semaphore_mem>>
      %dma_start3A_88 = tpu.memref_slice %arg5[%mul3A_2] : memref<32768xi32, #tpu.memory_space<hbm>> -> memref<1024xi32, #tpu.memory_space<hbm>>
      %dma_start3A_89 = tpu.memref_slice %arg5[%mul3A_2] : memref<32768xi32, #tpu.memory_space<hbm>> -> memref<1024xi32, #tpu.memory_space<hbm>>
      tpu.enqueue_dma source(%dma_start3A_89 : memref<1024xi32, #tpu.memory_space<hbm>>) target(%arg12 : memref<1024xi32, #tpu.memory_space<vmem>>) target_semaphore(%run_scoped3A : memref<!tpu.dma_semaphore, #tpu.memory_space<semaphore_mem>>)
      %dma_wait3A_90 = tpu.memref_slice %arg5[%mul3A_2] : memref<32768xi32, #tpu.memory_space<hbm>> -> memref<1024xi32, #tpu.memory_space<hbm>>
      %dma_wait3A_91 = tpu.memref_slice %arg5[%mul3A_2] : memref<32768xi32, #tpu.memory_space<hbm>> -> memref<1024xi32, #tpu.memory_space<hbm>>
      tpu.wait_dma2 semaphore(%run_scoped3A : memref<!tpu.dma_semaphore, #tpu.memory_space<semaphore_mem>>) src(%dma_wait3A_91 : memref<1024xi32, #tpu.memory_space<hbm>>) dst(%arg12 : memref<1024xi32, #tpu.memory_space<vmem>>)
      tpu.yield
    }) : () -> ()
    %scan3A = arith.constant 0 : i32
    %scan3A_3 = arith.constant 0 : i32
    %scan3A_4 = arith.constant 64 : i32
    %scan3A_5 = arith.addi %scan3A_3, %scan3A_4 : i32
    %scan3A_6 = arith.constant 1 : i32
    %scan3A_7 = scf.for %scan3A_88 = %scan3A_3 to %scan3A_5 step %scan3A_6 iter_args(%scan3A_89 = %scan3A) -> (i32)  : i32 {
      %mul3A_90 = arith.constant 16 : i32
      %mul3A_91 = arith.muli %scan3A_88, %mul3A_90 : i32
      %get3A = arith.index_cast %mul3A_91 : i32 to index
      %get3A_92 = tpu.vector_load %arg9[%get3A] {strides = array<i32>} : memref<1024xi32, #tpu.memory_space<vmem>>, vector<16xi32>,
      %get3A_93 = vector.shape_cast %get3A_92 : vector<16xi32> to vector<16xi32>
      %mul3A_94 = arith.constant 64 : i32
      %mul3A_95 = vector.broadcast %mul3A_94 : i32 to vector<16xi32>
      %mul3A_96 = arith.muli %get3A_93, %mul3A_95 : vector<16xi32>
      %get3A_97 = arith.index_cast %mul3A_91 : i32 to index
      %get3A_98 = tpu.vector_load %arg10[%get3A_97] {strides = array<i32>} : memref<1024xi32, #tpu.memory_space<vmem>>, vector<16xi32>,
      %get3A_99 = vector.shape_cast %get3A_98 : vector<16xi32> to vector<16xi32>
      %add3A_100 = arith.addi %mul3A_96, %get3A_99 : vector<16xi32>
      %swap3A = arith.index_cast %mul3A_91 : i32 to index
      %swap3A_101 = tpu.vector_load %arg13[%swap3A] {strides = array<i32>} : memref<1024xi32, #tpu.memory_space<vmem>>, vector<16xi32>,
      %swap3A_102 = vector.shape_cast %swap3A_101 : vector<16xi32> to vector<16xi32>
      %swap3A_103 = vector.shape_cast %add3A_100 : vector<16xi32> to vector<16xi32>
      tpu.vector_store %arg13[%swap3A], %swap3A_103 {strides = array<i32>} : memref<1024xi32, #tpu.memory_space<vmem>>, vector<16xi32>,
      %get3A_104 = arith.index_cast %mul3A_91 : i32 to index
      %get3A_105 = tpu.vector_load %arg11[%get3A_104] {strides = array<i32>} : memref<1024xi32, #tpu.memory_space<vmem>>, vector<16xi32>,
      %get3A_106 = vector.shape_cast %get3A_105 : vector<16xi32> to vector<16xi32>
      %mul3A_107 = arith.constant 64 : i32
      %mul3A_108 = vector.broadcast %mul3A_107 : i32 to vector<16xi32>
      %mul3A_109 = arith.muli %get3A_106, %mul3A_108 : vector<16xi32>
      %get3A_110 = arith.index_cast %mul3A_91 : i32 to index
      %get3A_111 = tpu.vector_load %arg12[%get3A_110] {strides = array<i32>} : memref<1024xi32, #tpu.memory_space<vmem>>, vector<16xi32>,
      %get3A_112 = vector.shape_cast %get3A_111 : vector<16xi32> to vector<16xi32>
      %add3A_113 = arith.addi %mul3A_109, %get3A_112 : vector<16xi32>
      %swap3A_114 = arith.index_cast %mul3A_91 : i32 to index
      %swap3A_115 = tpu.vector_load %arg14[%swap3A_114] {strides = array<i32>} : memref<1024xi32, #tpu.memory_space<vmem>>, vector<16xi32>,
      %swap3A_116 = vector.shape_cast %swap3A_115 : vector<16xi32> to vector<16xi32>
      %swap3A_117 = vector.shape_cast %add3A_113 : vector<16xi32> to vector<16xi32>
      tpu.vector_store %arg14[%swap3A_114], %swap3A_117 {strides = array<i32>} : memref<1024xi32, #tpu.memory_space<vmem>>, vector<16xi32>,
      %scan3A_118 = arith.constant 0 : i32
      scf.yield %scan3A_118 : i32
    }
    %scan3A_8 = arith.constant 64 : i32
    %jit3A = arith.constant true
    %jit3A_9 = arith.constant 0 : i32
    %jit3A_10 = arith.constant 0 : i32
    %select_n3A = arith.select %jit3A, %jit3A_9, %jit3A_10 : i32
    %mul3A_11 = arith.constant 16 : i32
    %mul3A_12 = arith.muli %select_n3A, %mul3A_11 : i32
    %mul3A_13 = arith.constant 16 : i32
    %mul3A_14 = arith.muli %select_n3A, %mul3A_13 : i32
    %dma_start3A = tpu.memref_slice %arg13[%mul3A_12] : memref<1024xi32, #tpu.memory_space<vmem>> -> memref<16xi32, #tpu.memory_space<vmem>>
    %dma_start3A_15 = arith.constant 0 : i32
    %dma_start3A_16 = arith.constant 0 : i32
    %dma_start3A_17 = tpu.memref_slice %arg6[%dma_start3A_15, %dma_start3A_16] : memref<4096x768xf32, #tpu.memory_space<hbm>> -> memref<4096x768xf32, #tpu.memory_space<hbm>>
    tpu.enqueue_indirect_dma source(%dma_start3A_17 : memref<4096x768xf32, #tpu.memory_space<hbm>>) target(%arg15 : memref<16x768xf32, #tpu.memory_space<vmem>>) offsets(%dma_start3A : memref<16xi32, #tpu.memory_space<vmem>>) semaphore(%arg23 : memref<!tpu.dma_semaphore, #tpu.memory_space<semaphore_mem>>)
    %dma_start3A_18 = tpu.memref_slice %arg14[%mul3A_14] : memref<1024xi32, #tpu.memory_space<vmem>> -> memref<16xi32, #tpu.memory_space<vmem>>
    %dma_start3A_19 = arith.constant 0 : i32
    %dma_start3A_20 = arith.constant 0 : i32
    %dma_start3A_21 = tpu.memref_slice %arg7[%dma_start3A_19, %dma_start3A_20] : memref<4096x768xf32, #tpu.memory_space<hbm>> -> memref<4096x768xf32, #tpu.memory_space<hbm>>
    tpu.enqueue_indirect_dma source(%dma_start3A_21 : memref<4096x768xf32, #tpu.memory_space<hbm>>) target(%arg16 : memref<16x768xf32, #tpu.memory_space<vmem>>) offsets(%dma_start3A_18 : memref<16xi32, #tpu.memory_space<vmem>>) semaphore(%arg23 : memref<!tpu.dma_semaphore, #tpu.memory_space<semaphore_mem>>)
    %jit3A_22 = arith.constant true
    %jit3A_23 = arith.constant 1 : i32
    %jit3A_24 = arith.constant 0 : i32
    %select_n3A_25 = arith.select %jit3A_22, %jit3A_23, %jit3A_24 : i32
    %mul3A_26 = arith.constant 16 : i32
    %mul3A_27 = arith.muli %select_n3A_25, %mul3A_26 : i32
    %mul3A_28 = arith.constant 16 : i32
    %mul3A_29 = arith.muli %select_n3A_25, %mul3A_28 : i32
    %dma_start3A_30 = tpu.memref_slice %arg13[%mul3A_27] : memref<1024xi32, #tpu.memory_space<vmem>> -> memref<16xi32, #tpu.memory_space<vmem>>
    %dma_start3A_31 = arith.constant 0 : i32
    %dma_start3A_32 = arith.constant 0 : i32
    %dma_start3A_33 = tpu.memref_slice %arg6[%dma_start3A_31, %dma_start3A_32] : memref<4096x768xf32, #tpu.memory_space<hbm>> -> memref<4096x768xf32, #tpu.memory_space<hbm>>
    tpu.enqueue_indirect_dma source(%dma_start3A_33 : memref<4096x768xf32, #tpu.memory_space<hbm>>) target(%arg17 : memref<16x768xf32, #tpu.memory_space<vmem>>) offsets(%dma_start3A_30 : memref<16xi32, #tpu.memory_space<vmem>>) semaphore(%arg24 : memref<!tpu.dma_semaphore, #tpu.memory_space<semaphore_mem>>)
    %dma_start3A_34 = tpu.memref_slice %arg14[%mul3A_29] : memref<1024xi32, #tpu.memory_space<vmem>> -> memref<16xi32, #tpu.memory_space<vmem>>
    %dma_start3A_35 = arith.constant 0 : i32
    %dma_start3A_36 = arith.constant 0 : i32
    %dma_start3A_37 = tpu.memref_slice %arg7[%dma_start3A_35, %dma_start3A_36] : memref<4096x768xf32, #tpu.memory_space<hbm>> -> memref<4096x768xf32, #tpu.memory_space<hbm>>
    tpu.enqueue_indirect_dma source(%dma_start3A_37 : memref<4096x768xf32, #tpu.memory_space<hbm>>) target(%arg18 : memref<16x768xf32, #tpu.memory_space<vmem>>) offsets(%dma_start3A_34 : memref<16xi32, #tpu.memory_space<vmem>>) semaphore(%arg24 : memref<!tpu.dma_semaphore, #tpu.memory_space<semaphore_mem>>)
    %add3A_38 = arith.constant 32 : i32
    %add3A_39 = arith.addi %mul3A_2, %add3A_38 : i32
    %dma_start3A_40 = arith.constant 0 : i32
    %dma_start3A_41 = tpu.memref_slice %arg8[%add3A_39, %dma_start3A_40] : memref<32768x768xf32, #tpu.memory_space<hbm>> -> memref<16x768xf32, #tpu.memory_space<hbm>>
    %dma_start3A_42 = arith.constant 0 : i32
    %dma_start3A_43 = tpu.memref_slice %arg8[%add3A_39, %dma_start3A_42] : memref<32768x768xf32, #tpu.memory_space<hbm>> -> memref<16x768xf32, #tpu.memory_space<hbm>>
    tpu.enqueue_dma source(%arg19 : memref<16x768xf32, #tpu.memory_space<vmem>>) target(%dma_start3A_43 : memref<16x768xf32, #tpu.memory_space<hbm>>) target_semaphore(%arg29 : memref<!tpu.dma_semaphore, #tpu.memory_space<semaphore_mem>>)
    %add3A_44 = arith.constant 48 : i32
    %add3A_45 = arith.addi %mul3A_2, %add3A_44 : i32
    %dma_start3A_46 = arith.constant 0 : i32
    %dma_start3A_47 = tpu.memref_slice %arg8[%add3A_45, %dma_start3A_46] : memref<32768x768xf32, #tpu.memory_space<hbm>> -> memref<16x768xf32, #tpu.memory_space<hbm>>
    %dma_start3A_48 = arith.constant 0 : i32
    %dma_start3A_49 = tpu.memref_slice %arg8[%add3A_45, %dma_start3A_48] : memref<32768x768xf32, #tpu.memory_space<hbm>> -> memref<16x768xf32, #tpu.memory_space<hbm>>
    tpu.enqueue_dma source(%arg21 : memref<16x768xf32, #tpu.memory_space<vmem>>) target(%dma_start3A_49 : memref<16x768xf32, #tpu.memory_space<hbm>>) target_semaphore(%arg30 : memref<!tpu.dma_semaphore, #tpu.memory_space<semaphore_mem>>)
    %scan3A_50 = arith.constant 0 : i32
    %scan3A_51 = arith.constant 0 : i32
    %scan3A_52 = arith.constant 16 : i32
    %scan3A_53 = arith.addi %scan3A_51, %scan3A_52 : i32
    %scan3A_54 = arith.constant 1 : i32
    %scan3A_55 = scf.for %scan3A_88 = %scan3A_51 to %scan3A_53 step %scan3A_54 iter_args(%scan3A_89 = %scan3A_50) -> (i32)  : i32 {
      %mul3A_90 = arith.constant 4 : i32
      %mul3A_91 = arith.muli %mul3A_90, %scan3A_88 : i32
      %add3A_92 = arith.constant 0 : i32
      %add3A_93 = arith.addi %mul3A_91, %add3A_92 : i32
      %dma_wait3A_94 = arith.constant 0 : i32
      %dma_wait3A_95 = arith.constant 0 : i32
      %dma_wait3A_96 = tpu.memref_slice %arg6[%dma_wait3A_94, %dma_wait3A_95] : memref<4096x768xf32, #tpu.memory_space<hbm>> -> memref<16x768xf32, #tpu.memory_space<hbm>>
      %dma_wait3A_97 = arith.constant 0 : i32
      %dma_wait3A_98 = arith.constant 0 : i32
      %dma_wait3A_99 = tpu.memref_slice %arg6[%dma_wait3A_97, %dma_wait3A_98] : memref<4096x768xf32, #tpu.memory_space<hbm>> -> memref<16x768xf32, #tpu.memory_space<hbm>>
      tpu.wait_dma2 semaphore(%arg23 : memref<!tpu.dma_semaphore, #tpu.memory_space<semaphore_mem>>) src(%dma_wait3A_99 : memref<16x768xf32, #tpu.memory_space<hbm>>) dst(%arg15 : memref<16x768xf32, #tpu.memory_space<vmem>>)
      %dma_wait3A_100 = arith.constant 0 : i32
      %dma_wait3A_101 = arith.constant 0 : i32
      %dma_wait3A_102 = tpu.memref_slice %arg7[%dma_wait3A_100, %dma_wait3A_101] : memref<4096x768xf32, #tpu.memory_space<hbm>> -> memref<16x768xf32, #tpu.memory_space<hbm>>
      %dma_wait3A_103 = arith.constant 0 : i32
      %dma_wait3A_104 = arith.constant 0 : i32
      %dma_wait3A_105 = tpu.memref_slice %arg7[%dma_wait3A_103, %dma_wait3A_104] : memref<4096x768xf32, #tpu.memory_space<hbm>> -> memref<16x768xf32, #tpu.memory_space<hbm>>
      tpu.wait_dma2 semaphore(%arg23 : memref<!tpu.dma_semaphore, #tpu.memory_space<semaphore_mem>>) src(%dma_wait3A_105 : memref<16x768xf32, #tpu.memory_space<hbm>>) dst(%arg16 : memref<16x768xf32, #tpu.memory_space<vmem>>)
      %dma_wait3A_106 = arith.constant 0 : i32
      %dma_wait3A_107 = tpu.memref_slice %arg8[%mul3A_2, %dma_wait3A_106] : memref<32768x768xf32, #tpu.memory_space<hbm>> -> memref<16x768xf32, #tpu.memory_space<hbm>>
      %dma_wait3A_108 = arith.constant 0 : i32
      %dma_wait3A_109 = tpu.memref_slice %arg8[%mul3A_2, %dma_wait3A_108] : memref<32768x768xf32, #tpu.memory_space<hbm>> -> memref<16x768xf32, #tpu.memory_space<hbm>>
      tpu.wait_dma2 semaphore(%arg29 : memref<!tpu.dma_semaphore, #tpu.memory_space<semaphore_mem>>) src(%arg19 : memref<16x768xf32, #tpu.memory_space<vmem>>) dst(%dma_wait3A_109 : memref<16x768xf32, #tpu.memory_space<hbm>>)
      %add3A_110 = arith.constant 2 : i32
      %add3A_111 = arith.addi %add3A_93, %add3A_110 : i32
      %lt3A = arith.constant 64 : i32
      %lt3A_112 = arith.cmpi slt, %add3A_111, %lt3A : i32
      %jit3A_113 = arith.constant 0 : i32
      %select_n3A_114 = arith.select %lt3A_112, %add3A_111, %jit3A_113 : i32
      %mul3A_115 = arith.constant 16 : i32
      %mul3A_116 = arith.muli %select_n3A_114, %mul3A_115 : i32
      %mul3A_117 = arith.constant 16 : i32
      %mul3A_118 = arith.muli %select_n3A_114, %mul3A_117 : i32
      %dma_start3A_119 = tpu.memref_slice %arg13[%mul3A_116] : memref<1024xi32, #tpu.memory_space<vmem>> -> memref<16xi32, #tpu.memory_space<vmem>>
      %dma_start3A_120 = arith.constant 0 : i32
      %dma_start3A_121 = arith.constant 0 : i32
      %dma_start3A_122 = tpu.memref_slice %arg6[%dma_start3A_120, %dma_start3A_121] : memref<4096x768xf32, #tpu.memory_space<hbm>> -> memref<4096x768xf32, #tpu.memory_space<hbm>>
      tpu.enqueue_indirect_dma source(%dma_start3A_122 : memref<4096x768xf32, #tpu.memory_space<hbm>>) target(%arg19 : memref<16x768xf32, #tpu.memory_space<vmem>>) offsets(%dma_start3A_119 : memref<16xi32, #tpu.memory_space<vmem>>) semaphore(%arg25 : memref<!tpu.dma_semaphore, #tpu.memory_space<semaphore_mem>>)
      %dma_start3A_123 = tpu.memref_slice %arg14[%mul3A_118] : memref<1024xi32, #tpu.memory_space<vmem>> -> memref<16xi32, #tpu.memory_space<vmem>>
      %dma_start3A_124 = arith.constant 0 : i32
      %dma_start3A_125 = arith.constant 0 : i32
      %dma_start3A_126 = tpu.memref_slice %arg7[%dma_start3A_124, %dma_start3A_125] : memref<4096x768xf32, #tpu.memory_space<hbm>> -> memref<4096x768xf32, #tpu.memory_space<hbm>>
      tpu.enqueue_indirect_dma source(%dma_start3A_126 : memref<4096x768xf32, #tpu.memory_space<hbm>>) target(%arg20 : memref<16x768xf32, #tpu.memory_space<vmem>>) offsets(%dma_start3A_123 : memref<16xi32, #tpu.memory_space<vmem>>) semaphore(%arg25 : memref<!tpu.dma_semaphore, #tpu.memory_space<semaphore_mem>>)
      %scan3A_127 = arith.constant 0 : i32
      %scan3A_128 = arith.constant 0 : i32
      %scan3A_129 = arith.constant 16 : i32
      %scan3A_130 = arith.addi %scan3A_128, %scan3A_129 : i32
      %scan3A_131 = arith.constant 1 : i32
      %scan3A_132 = scf.for %scan3A_292 = %scan3A_128 to %scan3A_130 step %scan3A_131 iter_args(%scan3A_293 = %scan3A_127) -> (i32)  : i32 {
        %get3A = arith.index_cast %scan3A_292 : i32 to index
        %get3A_294 = arith.constant 0 : index
        %get3A_295 = tpu.vector_load %arg16[%get3A, %get3A_294] {strides = array<i32>} : memref<16x768xf32, #tpu.memory_space<vmem>>, vector<1x16xf32>,
        %get3A_296 = vector.shape_cast %get3A_295 : vector<1x16xf32> to vector<16xf32>
        %swap3A = arith.index_cast %scan3A_292 : i32 to index
        %swap3A_297 = arith.constant 0 : index
        %swap3A_298 = tpu.vector_load %arg15[%swap3A, %swap3A_297] {strides = array<i32>} : memref<16x768xf32, #tpu.memory_space<vmem>>, vector<1x16xf32>,
        %swap3A_299 = vector.shape_cast %swap3A_298 : vector<1x16xf32> to vector<16xf32>
        %swap3A_300 = vector.shape_cast %get3A_296 : vector<16xf32> to vector<1x16xf32>
        tpu.vector_store %arg15[%swap3A, %swap3A_297], %swap3A_300 {add = true, strides = array<i32>} : memref<16x768xf32, #tpu.memory_space<vmem>>, vector<1x16xf32>,
        %get3A_301 = arith.index_cast %scan3A_292 : i32 to index
        %get3A_302 = arith.constant 16 : index
        %get3A_303 = tpu.vector_load %arg16[%get3A_301, %get3A_302] {strides = array<i32>} : memref<16x768xf32, #tpu.memory_space<vmem>>, vector<1x16xf32>,
        %get3A_304 = vector.shape_cast %get3A_303 : vector<1x16xf32> to vector<16xf32>
        %swap3A_305 = arith.index_cast %scan3A_292 : i32 to index
        %swap3A_306 = arith.constant 16 : index
        %swap3A_307 = tpu.vector_load %arg15[%swap3A_305, %swap3A_306] {strides = array<i32>} : memref<16x768xf32, #tpu.memory_space<vmem>>, vector<1x16xf32>,
        %swap3A_308 = vector.shape_cast %swap3A_307 : vector<1x16xf32> to vector<16xf32>
        %swap3A_309 = vector.shape_cast %get3A_304 : vector<16xf32> to vector<1x16xf32>
        tpu.vector_store %arg15[%swap3A_305, %swap3A_306], %swap3A_309 {add = true, strides = array<i32>} : memref<16x768xf32, #tpu.memory_space<vmem>>, vector<1x16xf32>,
        %get3A_310 = arith.index_cast %scan3A_292 : i32 to index
        %get3A_311 = arith.constant 32 : index
        %get3A_312 = tpu.vector_load %arg16[%get3A_310, %get3A_311] {strides = array<i32>} : memref<16x768xf32, #tpu.memory_space<vmem>>, vector<1x16xf32>,
        %get3A_313 = vector.shape_cast %get3A_312 : vector<1x16xf32> to vector<16xf32>
        %swap3A_314 = arith.index_cast %scan3A_292 : i32 to index
        %swap3A_315 = arith.constant 32 : index
        %swap3A_316 = tpu.vector_load %arg15[%swap3A_314, %swap3A_315] {strides = array<i32>} : memref<16x768xf32, #tpu.memory_space<vmem>>, vector<1x16xf32>,
        %swap3A_317 = vector.shape_cast %swap3A_316 : vector<1x16xf32> to vector<16xf32>
        %swap3A_318 = vector.shape_cast %get3A_313 : vector<16xf32> to vector<1x16xf32>
        tpu.vector_store %arg15[%swap3A_314, %swap3A_315], %swap3A_318 {add = true, strides = array<i32>} : memref<16x768xf32, #tpu.memory_space<vmem>>, vector<1x16xf32>,
        %get3A_319 = arith.index_cast %scan3A_292 : i32 to index
        %get3A_320 = arith.constant 48 : index
        %get3A_321 = tpu.vector_load %arg16[%get3A_319, %get3A_320] {strides = array<i32>} : memref<16x768xf32, #tpu.memory_space<vmem>>, vector<1x16xf32>,
        %get3A_322 = vector.shape_cast %get3A_321 : vector<1x16xf32> to vector<16xf32>
        %swap3A_323 = arith.index_cast %scan3A_292 : i32 to index
        %swap3A_324 = arith.constant 48 : index
        %swap3A_325 = tpu.vector_load %arg15[%swap3A_323, %swap3A_324] {strides = array<i32>} : memref<16x768xf32, #tpu.memory_space<vmem>>, vector<1x16xf32>,
        %swap3A_326 = vector.shape_cast %swap3A_325 : vector<1x16xf32> to vector<16xf32>
        %swap3A_327 = vector.shape_cast %get3A_322 : vector<16xf32> to vector<1x16xf32>
        tpu.vector_store %arg15[%swap3A_323, %swap3A_324], %swap3A_327 {add = true, strides = array<i32>} : memref<16x768xf32, #tpu.memory_space<vmem>>, vector<1x16xf32>,
        %get3A_328 = arith.index_cast %scan3A_292 : i32 to index
        %get3A_329 = arith.constant 64 : index
        %get3A_330 = tpu.vector_load %arg16[%get3A_328, %get3A_329] {strides = array<i32>} : memref<16x768xf32, #tpu.memory_space<vmem>>, vector<1x16xf32>,
        %get3A_331 = vector.shape_cast %get3A_330 : vector<1x16xf32> to vector<16xf32>
        %swap3A_332 = arith.index_cast %scan3A_292 : i32 to index
        %swap3A_333 = arith.constant 64 : index
        %swap3A_334 = tpu.vector_load %arg15[%swap3A_332, %swap3A_333] {strides = array<i32>} : memref<16x768xf32, #tpu.memory_space<vmem>>, vector<1x16xf32>,
        %swap3A_335 = vector.shape_cast %swap3A_334 : vector<1x16xf32> to vector<16xf32>
        %swap3A_336 = vector.shape_cast %get3A_331 : vector<16xf32> to vector<1x16xf32>
        tpu.vector_store %arg15[%swap3A_332, %swap3A_333], %swap3A_336 {add = true, strides = array<i32>} : memref<16x768xf32, #tpu.memory_space<vmem>>, vector<1x16xf32>,
        %get3A_337 = arith.index_cast %scan3A_292 : i32 to index
        %get3A_338 = arith.constant 80 : index
        %get3A_339 = tpu.vector_load %arg16[%get3A_337, %get3A_338] {strides = array<i32>} : memref<16x768xf32, #tpu.memory_space<vmem>>, vector<1x16xf32>,
        %get3A_340 = vector.shape_cast %get3A_339 : vector<1x16xf32> to vector<16xf32>
        %swap3A_341 = arith.index_cast %scan3A_292 : i32 to index
        %swap3A_342 = arith.constant 80 : index
        %swap3A_343 = tpu.vector_load %arg15[%swap3A_341, %swap3A_342] {strides = array<i32>} : memref<16x768xf32, #tpu.memory_space<vmem>>, vector<1x16xf32>,
        %swap3A_344 = vector.shape_cast %swap3A_343 : vector<1x16xf32> to vector<16xf32>
        %swap3A_345 = vector.shape_cast %get3A_340 : vector<16xf32> to vector<1x16xf32>
        tpu.vector_store %arg15[%swap3A_341, %swap3A_342], %swap3A_345 {add = true, strides = array<i32>} : memref<16x768xf32, #tpu.memory_space<vmem>>, vector<1x16xf32>,
        %get3A_346 = arith.index_cast %scan3A_292 : i32 to index
        %get3A_347 = arith.constant 96 : index
        %get3A_348 = tpu.vector_load %arg16[%get3A_346, %get3A_347] {strides = array<i32>} : memref<16x768xf32, #tpu.memory_space<vmem>>, vector<1x16xf32>,
        %get3A_349 = vector.shape_cast %get3A_348 : vector<1x16xf32> to vector<16xf32>
        %swap3A_350 = arith.index_cast %scan3A_292 : i32 to index
        %swap3A_351 = arith.constant 96 : index
        %swap3A_352 = tpu.vector_load %arg15[%swap3A_350, %swap3A_351] {strides = array<i32>} : memref<16x768xf32, #tpu.memory_space<vmem>>, vector<1x16xf32>,
        %swap3A_353 = vector.shape_cast %swap3A_352 : vector<1x16xf32> to vector<16xf32>
        %swap3A_354 = vector.shape_cast %get3A_349 : vector<16xf32> to vector<1x16xf32>
        tpu.vector_store %arg15[%swap3A_350, %swap3A_351], %swap3A_354 {add = true, strides = array<i32>} : memref<16x768xf32, #tpu.memory_space<vmem>>, vector<1x16xf32>,
        %get3A_355 = arith.index_cast %scan3A_292 : i32 to index
        %get3A_356 = arith.constant 112 : index
        %get3A_357 = tpu.vector_load %arg16[%get3A_355, %get3A_356] {strides = array<i32>} : memref<16x768xf32, #tpu.memory_space<vmem>>, vector<1x16xf32>,
        %get3A_358 = vector.shape_cast %get3A_357 : vector<1x16xf32> to vector<16xf32>
        %swap3A_359 = arith.index_cast %scan3A_292 : i32 to index
        %swap3A_360 = arith.constant 112 : index
        %swap3A_361 = tpu.vector_load %arg15[%swap3A_359, %swap3A_360] {strides = array<i32>} : memref<16x768xf32, #tpu.memory_space<vmem>>, vector<1x16xf32>,
        %swap3A_362 = vector.shape_cast %swap3A_361 : vector<1x16xf32> to vector<16xf32>
        %swap3A_363 = vector.shape_cast %get3A_358 : vector<16xf32> to vector<1x16xf32>
        tpu.vector_store %arg15[%swap3A_359, %swap3A_360], %swap3A_363 {add = true, strides = array<i32>} : memref<16x768xf32, #tpu.memory_space<vmem>>, vector<1x16xf32>,
        %get3A_364 = arith.index_cast %scan3A_292 : i32 to index
        %get3A_365 = arith.constant 128 : index
        %get3A_366 = tpu.vector_load %arg16[%get3A_364, %get3A_365] {strides = array<i32>} : memref<16x768xf32, #tpu.memory_space<vmem>>, vector<1x16xf32>,
        %get3A_367 = vector.shape_cast %get3A_366 : vector<1x16xf32> to vector<16xf32>
        %swap3A_368 = arith.index_cast %scan3A_292 : i32 to index
        %swap3A_369 = arith.constant 128 : index
        %swap3A_370 = tpu.vector_load %arg15[%swap3A_368, %swap3A_369] {strides = array<i32>} : memref<16x768xf32, #tpu.memory_space<vmem>>, vector<1x16xf32>,
        %swap3A_371 = vector.shape_cast %swap3A_370 : vector<1x16xf32> to vector<16xf32>
        %swap3A_372 = vector.shape_cast %get3A_367 : vector<16xf32> to vector<1x16xf32>
        tpu.vector_store %arg15[%swap3A_368, %swap3A_369], %swap3A_372 {add = true, strides = array<i32>} : memref<16x768xf32, #tpu.memory_space<vmem>>, vector<1x16xf32>,
        %get3A_373 = arith.index_cast %scan3A_292 : i32 to index
        %get3A_374 = arith.constant 144 : index
        %get3A_375 = tpu.vector_load %arg16[%get3A_373, %get3A_374] {strides = array<i32>} : memref<16x768xf32, #tpu.memory_space<vmem>>, vector<1x16xf32>,
        %get3A_376 = vector.shape_cast %get3A_375 : vector<1x16xf32> to vector<16xf32>
        %swap3A_377 = arith.index_cast %scan3A_292 : i32 to index
        %swap3A_378 = arith.constant 144 : index
        %swap3A_379 = tpu.vector_load %arg15[%swap3A_377, %swap3A_378] {strides = array<i32>} : memref<16x768xf32, #tpu.memory_space<vmem>>, vector<1x16xf32>,
        %swap3A_380 = vector.shape_cast %swap3A_379 : vector<1x16xf32> to vector<16xf32>
        %swap3A_381 = vector.shape_cast %get3A_376 : vector<16xf32> to vector<1x16xf32>
        tpu.vector_store %arg15[%swap3A_377, %swap3A_378], %swap3A_381 {add = true, strides = array<i32>} : memref<16x768xf32, #tpu.memory_space<vmem>>, vector<1x16xf32>,
        %get3A_382 = arith.index_cast %scan3A_292 : i32 to index
        %get3A_383 = arith.constant 160 : index
        %get3A_384 = tpu.vector_load %arg16[%get3A_382, %get3A_383] {strides = array<i32>} : memref<16x768xf32, #tpu.memory_space<vmem>>, vector<1x16xf32>,
        %get3A_385 = vector.shape_cast %get3A_384 : vector<1x16xf32> to vector<16xf32>
        %swap3A_386 = arith.index_cast %scan3A_292 : i32 to index
        %swap3A_387 = arith.constant 160 : index
        %swap3A_388 = tpu.vector_load %arg15[%swap3A_386, %swap3A_387] {strides = array<i32>} : memref<16x768xf32, #tpu.memory_space<vmem>>, vector<1x16xf32>,
        %swap3A_389 = vector.shape_cast %swap3A_388 : vector<1x16xf32> to vector<16xf32>
        %swap3A_390 = vector.shape_cast %get3A_385 : vector<16xf32> to vector<1x16xf32>
        tpu.vector_store %arg15[%swap3A_386, %swap3A_387], %swap3A_390 {add = true, strides = array<i32>} : memref<16x768xf32, #tpu.memory_space<vmem>>, vector<1x16xf32>,
        %get3A_391 = arith.index_cast %scan3A_292 : i32 to index
        %get3A_392 = arith.constant 176 : index
        %get3A_393 = tpu.vector_load %arg16[%get3A_391, %get3A_392] {strides = array<i32>} : memref<16x768xf32, #tpu.memory_space<vmem>>, vector<1x16xf32>,
        %get3A_394 = vector.shape_cast %get3A_393 : vector<1x16xf32> to vector<16xf32>
        %swap3A_395 = arith.index_cast %scan3A_292 : i32 to index
        %swap3A_396 = arith.constant 176 : index
        %swap3A_397 = tpu.vector_load %arg15[%swap3A_395, %swap3A_396] {strides = array<i32>} : memref<16x768xf32, #tpu.memory_space<vmem>>, vector<1x16xf32>,
        %swap3A_398 = vector.shape_cast %swap3A_397 : vector<1x16xf32> to vector<16xf32>
        %swap3A_399 = vector.shape_cast %get3A_394 : vector<16xf32> to vector<1x16xf32>
        tpu.vector_store %arg15[%swap3A_395, %swap3A_396], %swap3A_399 {add = true, strides = array<i32>} : memref<16x768xf32, #tpu.memory_space<vmem>>, vector<1x16xf32>,
        %get3A_400 = arith.index_cast %scan3A_292 : i32 to index
        %get3A_401 = arith.constant 192 : index
        %get3A_402 = tpu.vector_load %arg16[%get3A_400, %get3A_401] {strides = array<i32>} : memref<16x768xf32, #tpu.memory_space<vmem>>, vector<1x16xf32>,
        %get3A_403 = vector.shape_cast %get3A_402 : vector<1x16xf32> to vector<16xf32>
        %swap3A_404 = arith.index_cast %scan3A_292 : i32 to index
        %swap3A_405 = arith.constant 192 : index
        %swap3A_406 = tpu.vector_load %arg15[%swap3A_404, %swap3A_405] {strides = array<i32>} : memref<16x768xf32, #tpu.memory_space<vmem>>, vector<1x16xf32>,
        %swap3A_407 = vector.shape_cast %swap3A_406 : vector<1x16xf32> to vector<16xf32>
        %swap3A_408 = vector.shape_cast %get3A_403 : vector<16xf32> to vector<1x16xf32>
        tpu.vector_store %arg15[%swap3A_404, %swap3A_405], %swap3A_408 {add = true, strides = array<i32>} : memref<16x768xf32, #tpu.memory_space<vmem>>, vector<1x16xf32>,
        %get3A_409 = arith.index_cast %scan3A_292 : i32 to index
        %get3A_410 = arith.constant 208 : index
        %get3A_411 = tpu.vector_load %arg16[%get3A_409, %get3A_410] {strides = array<i32>} : memref<16x768xf32, #tpu.memory_space<vmem>>, vector<1x16xf32>,
        %get3A_412 = vector.shape_cast %get3A_411 : vector<1x16xf32> to vector<16xf32>
        %swap3A_413 = arith.index_cast %scan3A_292 : i32 to index
        %swap3A_414 = arith.constant 208 : index
        %swap3A_415 = tpu.vector_load %arg15[%swap3A_413, %swap3A_414] {strides = array<i32>} : memref<16x768xf32, #tpu.memory_space<vmem>>, vector<1x16xf32>,
        %swap3A_416 = vector.shape_cast %swap3A_415 : vector<1x16xf32> to vector<16xf32>
        %swap3A_417 = vector.shape_cast %get3A_412 : vector<16xf32> to vector<1x16xf32>
        tpu.vector_store %arg15[%swap3A_413, %swap3A_414], %swap3A_417 {add = true, strides = array<i32>} : memref<16x768xf32, #tpu.memory_space<vmem>>, vector<1x16xf32>,
        %get3A_418 = arith.index_cast %scan3A_292 : i32 to index
        %get3A_419 = arith.constant 224 : index
        %get3A_420 = tpu.vector_load %arg16[%get3A_418, %get3A_419] {strides = array<i32>} : memref<16x768xf32, #tpu.memory_space<vmem>>, vector<1x16xf32>,
        %get3A_421 = vector.shape_cast %get3A_420 : vector<1x16xf32> to vector<16xf32>
        %swap3A_422 = arith.index_cast %scan3A_292 : i32 to index
        %swap3A_423 = arith.constant 224 : index
        %swap3A_424 = tpu.vector_load %arg15[%swap3A_422, %swap3A_423] {strides = array<i32>} : memref<16x768xf32, #tpu.memory_space<vmem>>, vector<1x16xf32>,
        %swap3A_425 = vector.shape_cast %swap3A_424 : vector<1x16xf32> to vector<16xf32>
        %swap3A_426 = vector.shape_cast %get3A_421 : vector<16xf32> to vector<1x16xf32>
        tpu.vector_store %arg15[%swap3A_422, %swap3A_423], %swap3A_426 {add = true, strides = array<i32>} : memref<16x768xf32, #tpu.memory_space<vmem>>, vector<1x16xf32>,
        %get3A_427 = arith.index_cast %scan3A_292 : i32 to index
        %get3A_428 = arith.constant 240 : index
        %get3A_429 = tpu.vector_load %arg16[%get3A_427, %get3A_428] {strides = array<i32>} : memref<16x768xf32, #tpu.memory_space<vmem>>, vector<1x16xf32>,
        %get3A_430 = vector.shape_cast %get3A_429 : vector<1x16xf32> to vector<16xf32>
        %swap3A_431 = arith.index_cast %scan3A_292 : i32 to index
        %swap3A_432 = arith.constant 240 : index
        %swap3A_433 = tpu.vector_load %arg15[%swap3A_431, %swap3A_432] {strides = array<i32>} : memref<16x768xf32, #tpu.memory_space<vmem>>, vector<1x16xf32>,
        %swap3A_434 = vector.shape_cast %swap3A_433 : vector<1x16xf32> to vector<16xf32>
        %swap3A_435 = vector.shape_cast %get3A_430 : vector<16xf32> to vector<1x16xf32>
        tpu.vector_store %arg15[%swap3A_431, %swap3A_432], %swap3A_435 {add = true, strides = array<i32>} : memref<16x768xf32, #tpu.memory_space<vmem>>, vector<1x16xf32>,
        %get3A_436 = arith.index_cast %scan3A_292 : i32 to index
        %get3A_437 = arith.constant 256 : index
        %get3A_438 = tpu.vector_load %arg16[%get3A_436, %get3A_437] {strides = array<i32>} : memref<16x768xf32, #tpu.memory_space<vmem>>, vector<1x16xf32>,
        %get3A_439 = vector.shape_cast %get3A_438 : vector<1x16xf32> to vector<16xf32>
        %swap3A_440 = arith.index_cast %scan3A_292 : i32 to index
        %swap3A_441 = arith.constant 256 : index
        %swap3A_442 = tpu.vector_load %arg15[%swap3A_440, %swap3A_441] {strides = array<i32>} : memref<16x768xf32, #tpu.memory_space<vmem>>, vector<1x16xf32>,
        %swap3A_443 = vector.shape_cast %swap3A_442 : vector<1x16xf32> to vector<16xf32>
        %swap3A_444 = vector.shape_cast %get3A_439 : vector<16xf32> to vector<1x16xf32>
        tpu.vector_store %arg15[%swap3A_440, %swap3A_441], %swap3A_444 {add = true, strides = array<i32>} : memref<16x768xf32, #tpu.memory_space<vmem>>, vector<1x16xf32>,
        %get3A_445 = arith.index_cast %scan3A_292 : i32 to index
        %get3A_446 = arith.constant 272 : index
        %get3A_447 = tpu.vector_load %arg16[%get3A_445, %get3A_446] {strides = array<i32>} : memref<16x768xf32, #tpu.memory_space<vmem>>, vector<1x16xf32>,
        %get3A_448 = vector.shape_cast %get3A_447 : vector<1x16xf32> to vector<16xf32>
        %swap3A_449 = arith.index_cast %scan3A_292 : i32 to index
        %swap3A_450 = arith.constant 272 : index
        %swap3A_451 = tpu.vector_load %arg15[%swap3A_449, %swap3A_450] {strides = array<i32>} : memref<16x768xf32, #tpu.memory_space<vmem>>, vector<1x16xf32>,
        %swap3A_452 = vector.shape_cast %swap3A_451 : vector<1x16xf32> to vector<16xf32>
        %swap3A_453 = vector.shape_cast %get3A_448 : vector<16xf32> to vector<1x16xf32>
        tpu.vector_store %arg15[%swap3A_449, %swap3A_450], %swap3A_453 {add = true, strides = array<i32>} : memref<16x768xf32, #tpu.memory_space<vmem>>, vector<1x16xf32>,
        %get3A_454 = arith.index_cast %scan3A_292 : i32 to index
        %get3A_455 = arith.constant 288 : index
        %get3A_456 = tpu.vector_load %arg16[%get3A_454, %get3A_455] {strides = array<i32>} : memref<16x768xf32, #tpu.memory_space<vmem>>, vector<1x16xf32>,
        %get3A_457 = vector.shape_cast %get3A_456 : vector<1x16xf32> to vector<16xf32>
        %swap3A_458 = arith.index_cast %scan3A_292 : i32 to index
        %swap3A_459 = arith.constant 288 : index
        %swap3A_460 = tpu.vector_load %arg15[%swap3A_458, %swap3A_459] {strides = array<i32>} : memref<16x768xf32, #tpu.memory_space<vmem>>, vector<1x16xf32>,
        %swap3A_461 = vector.shape_cast %swap3A_460 : vector<1x16xf32> to vector<16xf32>
        %swap3A_462 = vector.shape_cast %get3A_457 : vector<16xf32> to vector<1x16xf32>
        tpu.vector_store %arg15[%swap3A_458, %swap3A_459], %swap3A_462 {add = true, strides = array<i32>} : memref<16x768xf32, #tpu.memory_space<vmem>>, vector<1x16xf32>,
        %get3A_463 = arith.index_cast %scan3A_292 : i32 to index
        %get3A_464 = arith.constant 304 : index
        %get3A_465 = tpu.vector_load %arg16[%get3A_463, %get3A_464] {strides = array<i32>} : memref<16x768xf32, #tpu.memory_space<vmem>>, vector<1x16xf32>,
        %get3A_466 = vector.shape_cast %get3A_465 : vector<1x16xf32> to vector<16xf32>
        %swap3A_467 = arith.index_cast %scan3A_292 : i32 to index
        %swap3A_468 = arith.constant 304 : index
        %swap3A_469 = tpu.vector_load %arg15[%swap3A_467, %swap3A_468] {strides = array<i32>} : memref<16x768xf32, #tpu.memory_space<vmem>>, vector<1x16xf32>,
        %swap3A_470 = vector.shape_cast %swap3A_469 : vector<1x16xf32> to vector<16xf32>
        %swap3A_471 = vector.shape_cast %get3A_466 : vector<16xf32> to vector<1x16xf32>
        tpu.vector_store %arg15[%swap3A_467, %swap3A_468], %swap3A_471 {add = true, strides = array<i32>} : memref<16x768xf32, #tpu.memory_space<vmem>>, vector<1x16xf32>,
        %get3A_472 = arith.index_cast %scan3A_292 : i32 to index
        %get3A_473 = arith.constant 320 : index
        %get3A_474 = tpu.vector_load %arg16[%get3A_472, %get3A_473] {strides = array<i32>} : memref<16x768xf32, #tpu.memory_space<vmem>>, vector<1x16xf32>,
        %get3A_475 = vector.shape_cast %get3A_474 : vector<1x16xf32> to vector<16xf32>
        %swap3A_476 = arith.index_cast %scan3A_292 : i32 to index
        %swap3A_477 = arith.constant 320 : index
        %swap3A_478 = tpu.vector_load %arg15[%swap3A_476, %swap3A_477] {strides = array<i32>} : memref<16x768xf32, #tpu.memory_space<vmem>>, vector<1x16xf32>,
        %swap3A_479 = vector.shape_cast %swap3A_478 : vector<1x16xf32> to vector<16xf32>
        %swap3A_480 = vector.shape_cast %get3A_475 : vector<16xf32> to vector<1x16xf32>
        tpu.vector_store %arg15[%swap3A_476, %swap3A_477], %swap3A_480 {add = true, strides = array<i32>} : memref<16x768xf32, #tpu.memory_space<vmem>>, vector<1x16xf32>,
        %get3A_481 = arith.index_cast %scan3A_292 : i32 to index
        %get3A_482 = arith.constant 336 : index
        %get3A_483 = tpu.vector_load %arg16[%get3A_481, %get3A_482] {strides = array<i32>} : memref<16x768xf32, #tpu.memory_space<vmem>>, vector<1x16xf32>,
        %get3A_484 = vector.shape_cast %get3A_483 : vector<1x16xf32> to vector<16xf32>
        %swap3A_485 = arith.index_cast %scan3A_292 : i32 to index
        %swap3A_486 = arith.constant 336 : index
        %swap3A_487 = tpu.vector_load %arg15[%swap3A_485, %swap3A_486] {strides = array<i32>} : memref<16x768xf32, #tpu.memory_space<vmem>>, vector<1x16xf32>,
        %swap3A_488 = vector.shape_cast %swap3A_487 : vector<1x16xf32> to vector<16xf32>
        %swap3A_489 = vector.shape_cast %get3A_484 : vector<16xf32> to vector<1x16xf32>
        tpu.vector_store %arg15[%swap3A_485, %swap3A_486], %swap3A_489 {add = true, strides = array<i32>} : memref<16x768xf32, #tpu.memory_space<vmem>>, vector<1x16xf32>,
        %get3A_490 = arith.index_cast %scan3A_292 : i32 to index
        %get3A_491 = arith.constant 352 : index
        %get3A_492 = tpu.vector_load %arg16[%get3A_490, %get3A_491] {strides = array<i32>} : memref<16x768xf32, #tpu.memory_space<vmem>>, vector<1x16xf32>,
        %get3A_493 = vector.shape_cast %get3A_492 : vector<1x16xf32> to vector<16xf32>
        %swap3A_494 = arith.index_cast %scan3A_292 : i32 to index
        %swap3A_495 = arith.constant 352 : index
        %swap3A_496 = tpu.vector_load %arg15[%swap3A_494, %swap3A_495] {strides = array<i32>} : memref<16x768xf32, #tpu.memory_space<vmem>>, vector<1x16xf32>,
        %swap3A_497 = vector.shape_cast %swap3A_496 : vector<1x16xf32> to vector<16xf32>
        %swap3A_498 = vector.shape_cast %get3A_493 : vector<16xf32> to vector<1x16xf32>
        tpu.vector_store %arg15[%swap3A_494, %swap3A_495], %swap3A_498 {add = true, strides = array<i32>} : memref<16x768xf32, #tpu.memory_space<vmem>>, vector<1x16xf32>,
        %get3A_499 = arith.index_cast %scan3A_292 : i32 to index
        %get3A_500 = arith.constant 368 : index
        %get3A_501 = tpu.vector_load %arg16[%get3A_499, %get3A_500] {strides = array<i32>} : memref<16x768xf32, #tpu.memory_space<vmem>>, vector<1x16xf32>,
        %get3A_502 = vector.shape_cast %get3A_501 : vector<1x16xf32> to vector<16xf32>
        %swap3A_503 = arith.index_cast %scan3A_292 : i32 to index
        %swap3A_504 = arith.constant 368 : index
        %swap3A_505 = tpu.vector_load %arg15[%swap3A_503, %swap3A_504] {strides = array<i32>} : memref<16x768xf32, #tpu.memory_space<vmem>>, vector<1x16xf32>,
        %swap3A_506 = vector.shape_cast %swap3A_505 : vector<1x16xf32> to vector<16xf32>
        %swap3A_507 = vector.shape_cast %get3A_502 : vector<16xf32> to vector<1x16xf32>
        tpu.vector_store %arg15[%swap3A_503, %swap3A_504], %swap3A_507 {add = true, strides = array<i32>} : memref<16x768xf32, #tpu.memory_space<vmem>>, vector<1x16xf32>,
        %get3A_508 = arith.index_cast %scan3A_292 : i32 to index
        %get3A_509 = arith.constant 384 : index
        %get3A_510 = tpu.vector_load %arg16[%get3A_508, %get3A_509] {strides = array<i32>} : memref<16x768xf32, #tpu.memory_space<vmem>>, vector<1x16xf32>,
        %get3A_511 = vector.shape_cast %get3A_510 : vector<1x16xf32> to vector<16xf32>
        %swap3A_512 = arith.index_cast %scan3A_292 : i32 to index
        %swap3A_513 = arith.constant 384 : index
        %swap3A_514 = tpu.vector_load %arg15[%swap3A_512, %swap3A_513] {strides = array<i32>} : memref<16x768xf32, #tpu.memory_space<vmem>>, vector<1x16xf32>,
        %swap3A_515 = vector.shape_cast %swap3A_514 : vector<1x16xf32> to vector<16xf32>
        %swap3A_516 = vector.shape_cast %get3A_511 : vector<16xf32> to vector<1x16xf32>
        tpu.vector_store %arg15[%swap3A_512, %swap3A_513], %swap3A_516 {add = true, strides = array<i32>} : memref<16x768xf32, #tpu.memory_space<vmem>>, vector<1x16xf32>,
        %get3A_517 = arith.index_cast %scan3A_292 : i32 to index
        %get3A_518 = arith.constant 400 : index
        %get3A_519 = tpu.vector_load %arg16[%get3A_517, %get3A_518] {strides = array<i32>} : memref<16x768xf32, #tpu.memory_space<vmem>>, vector<1x16xf32>,
        %get3A_520 = vector.shape_cast %get3A_519 : vector<1x16xf32> to vector<16xf32>
        %swap3A_521 = arith.index_cast %scan3A_292 : i32 to index
        %swap3A_522 = arith.constant 400 : index
        %swap3A_523 = tpu.vector_load %arg15[%swap3A_521, %swap3A_522] {strides = array<i32>} : memref<16x768xf32, #tpu.memory_space<vmem>>, vector<1x16xf32>,
        %swap3A_524 = vector.shape_cast %swap3A_523 : vector<1x16xf32> to vector<16xf32>
        %swap3A_525 = vector.shape_cast %get3A_520 : vector<16xf32> to vector<1x16xf32>
        tpu.vector_store %arg15[%swap3A_521, %swap3A_522], %swap3A_525 {add = true, strides = array<i32>} : memref<16x768xf32, #tpu.memory_space<vmem>>, vector<1x16xf32>,
        %get3A_526 = arith.index_cast %scan3A_292 : i32 to index
        %get3A_527 = arith.constant 416 : index
        %get3A_528 = tpu.vector_load %arg16[%get3A_526, %get3A_527] {strides = array<i32>} : memref<16x768xf32, #tpu.memory_space<vmem>>, vector<1x16xf32>,
        %get3A_529 = vector.shape_cast %get3A_528 : vector<1x16xf32> to vector<16xf32>
        %swap3A_530 = arith.index_cast %scan3A_292 : i32 to index
        %swap3A_531 = arith.constant 416 : index
        %swap3A_532 = tpu.vector_load %arg15[%swap3A_530, %swap3A_531] {strides = array<i32>} : memref<16x768xf32, #tpu.memory_space<vmem>>, vector<1x16xf32>,
        %swap3A_533 = vector.shape_cast %swap3A_532 : vector<1x16xf32> to vector<16xf32>
        %swap3A_534 = vector.shape_cast %get3A_529 : vector<16xf32> to vector<1x16xf32>
        tpu.vector_store %arg15[%swap3A_530, %swap3A_531], %swap3A_534 {add = true, strides = array<i32>} : memref<16x768xf32, #tpu.memory_space<vmem>>, vector<1x16xf32>,
        %get3A_535 = arith.index_cast %scan3A_292 : i32 to index
        %get3A_536 = arith.constant 432 : index
        %get3A_537 = tpu.vector_load %arg16[%get3A_535, %get3A_536] {strides = array<i32>} : memref<16x768xf32, #tpu.memory_space<vmem>>, vector<1x16xf32>,
        %get3A_538 = vector.shape_cast %get3A_537 : vector<1x16xf32> to vector<16xf32>
        %swap3A_539 = arith.index_cast %scan3A_292 : i32 to index
        %swap3A_540 = arith.constant 432 : index
        %swap3A_541 = tpu.vector_load %arg15[%swap3A_539, %swap3A_540] {strides = array<i32>} : memref<16x768xf32, #tpu.memory_space<vmem>>, vector<1x16xf32>,
        %swap3A_542 = vector.shape_cast %swap3A_541 : vector<1x16xf32> to vector<16xf32>
        %swap3A_543 = vector.shape_cast %get3A_538 : vector<16xf32> to vector<1x16xf32>
        tpu.vector_store %arg15[%swap3A_539, %swap3A_540], %swap3A_543 {add = true, strides = array<i32>} : memref<16x768xf32, #tpu.memory_space<vmem>>, vector<1x16xf32>,
        %get3A_544 = arith.index_cast %scan3A_292 : i32 to index
        %get3A_545 = arith.constant 448 : index
        %get3A_546 = tpu.vector_load %arg16[%get3A_544, %get3A_545] {strides = array<i32>} : memref<16x768xf32, #tpu.memory_space<vmem>>, vector<1x16xf32>,
        %get3A_547 = vector.shape_cast %get3A_546 : vector<1x16xf32> to vector<16xf32>
        %swap3A_548 = arith.index_cast %scan3A_292 : i32 to index
        %swap3A_549 = arith.constant 448 : index
        %swap3A_550 = tpu.vector_load %arg15[%swap3A_548, %swap3A_549] {strides = array<i32>} : memref<16x768xf32, #tpu.memory_space<vmem>>, vector<1x16xf32>,
        %swap3A_551 = vector.shape_cast %swap3A_550 : vector<1x16xf32> to vector<16xf32>
        %swap3A_552 = vector.shape_cast %get3A_547 : vector<16xf32> to vector<1x16xf32>
        tpu.vector_store %arg15[%swap3A_548, %swap3A_549], %swap3A_552 {add = true, strides = array<i32>} : memref<16x768xf32, #tpu.memory_space<vmem>>, vector<1x16xf32>,
        %get3A_553 = arith.index_cast %scan3A_292 : i32 to index
        %get3A_554 = arith.constant 464 : index
        %get3A_555 = tpu.vector_load %arg16[%get3A_553, %get3A_554] {strides = array<i32>} : memref<16x768xf32, #tpu.memory_space<vmem>>, vector<1x16xf32>,
        %get3A_556 = vector.shape_cast %get3A_555 : vector<1x16xf32> to vector<16xf32>
        %swap3A_557 = arith.index_cast %scan3A_292 : i32 to index
        %swap3A_558 = arith.constant 464 : index
        %swap3A_559 = tpu.vector_load %arg15[%swap3A_557, %swap3A_558] {strides = array<i32>} : memref<16x768xf32, #tpu.memory_space<vmem>>, vector<1x16xf32>,
        %swap3A_560 = vector.shape_cast %swap3A_559 : vector<1x16xf32> to vector<16xf32>
        %swap3A_561 = vector.shape_cast %get3A_556 : vector<16xf32> to vector<1x16xf32>
        tpu.vector_store %arg15[%swap3A_557, %swap3A_558], %swap3A_561 {add = true, strides = array<i32>} : memref<16x768xf32, #tpu.memory_space<vmem>>, vector<1x16xf32>,
        %get3A_562 = arith.index_cast %scan3A_292 : i32 to index
        %get3A_563 = arith.constant 480 : index
        %get3A_564 = tpu.vector_load %arg16[%get3A_562, %get3A_563] {strides = array<i32>} : memref<16x768xf32, #tpu.memory_space<vmem>>, vector<1x16xf32>,
        %get3A_565 = vector.shape_cast %get3A_564 : vector<1x16xf32> to vector<16xf32>
        %swap3A_566 = arith.index_cast %scan3A_292 : i32 to index
        %swap3A_567 = arith.constant 480 : index
        %swap3A_568 = tpu.vector_load %arg15[%swap3A_566, %swap3A_567] {strides = array<i32>} : memref<16x768xf32, #tpu.memory_space<vmem>>, vector<1x16xf32>,
        %swap3A_569 = vector.shape_cast %swap3A_568 : vector<1x16xf32> to vector<16xf32>
        %swap3A_570 = vector.shape_cast %get3A_565 : vector<16xf32> to vector<1x16xf32>
        tpu.vector_store %arg15[%swap3A_566, %swap3A_567], %swap3A_570 {add = true, strides = array<i32>} : memref<16x768xf32, #tpu.memory_space<vmem>>, vector<1x16xf32>,
        %get3A_571 = arith.index_cast %scan3A_292 : i32 to index
        %get3A_572 = arith.constant 496 : index
        %get3A_573 = tpu.vector_load %arg16[%get3A_571, %get3A_572] {strides = array<i32>} : memref<16x768xf32, #tpu.memory_space<vmem>>, vector<1x16xf32>,
        %get3A_574 = vector.shape_cast %get3A_573 : vector<1x16xf32> to vector<16xf32>
        %swap3A_575 = arith.index_cast %scan3A_292 : i32 to index
        %swap3A_576 = arith.constant 496 : index
        %swap3A_577 = tpu.vector_load %arg15[%swap3A_575, %swap3A_576] {strides = array<i32>} : memref<16x768xf32, #tpu.memory_space<vmem>>, vector<1x16xf32>,
        %swap3A_578 = vector.shape_cast %swap3A_577 : vector<1x16xf32> to vector<16xf32>
        %swap3A_579 = vector.shape_cast %get3A_574 : vector<16xf32> to vector<1x16xf32>
        tpu.vector_store %arg15[%swap3A_575, %swap3A_576], %swap3A_579 {add = true, strides = array<i32>} : memref<16x768xf32, #tpu.memory_space<vmem>>, vector<1x16xf32>,
        %get3A_580 = arith.index_cast %scan3A_292 : i32 to index
        %get3A_581 = arith.constant 512 : index
        %get3A_582 = tpu.vector_load %arg16[%get3A_580, %get3A_581] {strides = array<i32>} : memref<16x768xf32, #tpu.memory_space<vmem>>, vector<1x16xf32>,
        %get3A_583 = vector.shape_cast %get3A_582 : vector<1x16xf32> to vector<16xf32>
        %swap3A_584 = arith.index_cast %scan3A_292 : i32 to index
        %swap3A_585 = arith.constant 512 : index
        %swap3A_586 = tpu.vector_load %arg15[%swap3A_584, %swap3A_585] {strides = array<i32>} : memref<16x768xf32, #tpu.memory_space<vmem>>, vector<1x16xf32>,
        %swap3A_587 = vector.shape_cast %swap3A_586 : vector<1x16xf32> to vector<16xf32>
        %swap3A_588 = vector.shape_cast %get3A_583 : vector<16xf32> to vector<1x16xf32>
        tpu.vector_store %arg15[%swap3A_584, %swap3A_585], %swap3A_588 {add = true, strides = array<i32>} : memref<16x768xf32, #tpu.memory_space<vmem>>, vector<1x16xf32>,
        %get3A_589 = arith.index_cast %scan3A_292 : i32 to index
        %get3A_590 = arith.constant 528 : index
        %get3A_591 = tpu.vector_load %arg16[%get3A_589, %get3A_590] {strides = array<i32>} : memref<16x768xf32, #tpu.memory_space<vmem>>, vector<1x16xf32>,
        %get3A_592 = vector.shape_cast %get3A_591 : vector<1x16xf32> to vector<16xf32>
        %swap3A_593 = arith.index_cast %scan3A_292 : i32 to index
        %swap3A_594 = arith.constant 528 : index
        %swap3A_595 = tpu.vector_load %arg15[%swap3A_593, %swap3A_594] {strides = array<i32>} : memref<16x768xf32, #tpu.memory_space<vmem>>, vector<1x16xf32>,
        %swap3A_596 = vector.shape_cast %swap3A_595 : vector<1x16xf32> to vector<16xf32>
        %swap3A_597 = vector.shape_cast %get3A_592 : vector<16xf32> to vector<1x16xf32>
        tpu.vector_store %arg15[%swap3A_593, %swap3A_594], %swap3A_597 {add = true, strides = array<i32>} : memref<16x768xf32, #tpu.memory_space<vmem>>, vector<1x16xf32>,
        %get3A_598 = arith.index_cast %scan3A_292 : i32 to index
        %get3A_599 = arith.constant 544 : index
        %get3A_600 = tpu.vector_load %arg16[%get3A_598, %get3A_599] {strides = array<i32>} : memref<16x768xf32, #tpu.memory_space<vmem>>, vector<1x16xf32>,
        %get3A_601 = vector.shape_cast %get3A_600 : vector<1x16xf32> to vector<16xf32>
        %swap3A_602 = arith.index_cast %scan3A_292 : i32 to index
        %swap3A_603 = arith.constant 544 : index
        %swap3A_604 = tpu.vector_load %arg15[%swap3A_602, %swap3A_603] {strides = array<i32>} : memref<16x768xf32, #tpu.memory_space<vmem>>, vector<1x16xf32>,
        %swap3A_605 = vector.shape_cast %swap3A_604 : vector<1x16xf32> to vector<16xf32>
        %swap3A_606 = vector.shape_cast %get3A_601 : vector<16xf32> to vector<1x16xf32>
        tpu.vector_store %arg15[%swap3A_602, %swap3A_603], %swap3A_606 {add = true, strides = array<i32>} : memref<16x768xf32, #tpu.memory_space<vmem>>, vector<1x16xf32>,
        %get3A_607 = arith.index_cast %scan3A_292 : i32 to index
        %get3A_608 = arith.constant 560 : index
        %get3A_609 = tpu.vector_load %arg16[%get3A_607, %get3A_608] {strides = array<i32>} : memref<16x768xf32, #tpu.memory_space<vmem>>, vector<1x16xf32>,
        %get3A_610 = vector.shape_cast %get3A_609 : vector<1x16xf32> to vector<16xf32>
        %swap3A_611 = arith.index_cast %scan3A_292 : i32 to index
        %swap3A_612 = arith.constant 560 : index
        %swap3A_613 = tpu.vector_load %arg15[%swap3A_611, %swap3A_612] {strides = array<i32>} : memref<16x768xf32, #tpu.memory_space<vmem>>, vector<1x16xf32>,
        %swap3A_614 = vector.shape_cast %swap3A_613 : vector<1x16xf32> to vector<16xf32>
        %swap3A_615 = vector.shape_cast %get3A_610 : vector<16xf32> to vector<1x16xf32>
        tpu.vector_store %arg15[%swap3A_611, %swap3A_612], %swap3A_615 {add = true, strides = array<i32>} : memref<16x768xf32, #tpu.memory_space<vmem>>, vector<1x16xf32>,
        %get3A_616 = arith.index_cast %scan3A_292 : i32 to index
        %get3A_617 = arith.constant 576 : index
        %get3A_618 = tpu.vector_load %arg16[%get3A_616, %get3A_617] {strides = array<i32>} : memref<16x768xf32, #tpu.memory_space<vmem>>, vector<1x16xf32>,
        %get3A_619 = vector.shape_cast %get3A_618 : vector<1x16xf32> to vector<16xf32>
        %swap3A_620 = arith.index_cast %scan3A_292 : i32 to index
        %swap3A_621 = arith.constant 576 : index
        %swap3A_622 = tpu.vector_load %arg15[%swap3A_620, %swap3A_621] {strides = array<i32>} : memref<16x768xf32, #tpu.memory_space<vmem>>, vector<1x16xf32>,
        %swap3A_623 = vector.shape_cast %swap3A_622 : vector<1x16xf32> to vector<16xf32>
        %swap3A_624 = vector.shape_cast %get3A_619 : vector<16xf32> to vector<1x16xf32>
        tpu.vector_store %arg15[%swap3A_620, %swap3A_621], %swap3A_624 {add = true, strides = array<i32>} : memref<16x768xf32, #tpu.memory_space<vmem>>, vector<1x16xf32>,
        %get3A_625 = arith.index_cast %scan3A_292 : i32 to index
        %get3A_626 = arith.constant 592 : index
        %get3A_627 = tpu.vector_load %arg16[%get3A_625, %get3A_626] {strides = array<i32>} : memref<16x768xf32, #tpu.memory_space<vmem>>, vector<1x16xf32>,
        %get3A_628 = vector.shape_cast %get3A_627 : vector<1x16xf32> to vector<16xf32>
        %swap3A_629 = arith.index_cast %scan3A_292 : i32 to index
        %swap3A_630 = arith.constant 592 : index
        %swap3A_631 = tpu.vector_load %arg15[%swap3A_629, %swap3A_630] {strides = array<i32>} : memref<16x768xf32, #tpu.memory_space<vmem>>, vector<1x16xf32>,
        %swap3A_632 = vector.shape_cast %swap3A_631 : vector<1x16xf32> to vector<16xf32>
        %swap3A_633 = vector.shape_cast %get3A_628 : vector<16xf32> to vector<1x16xf32>
        tpu.vector_store %arg15[%swap3A_629, %swap3A_630], %swap3A_633 {add = true, strides = array<i32>} : memref<16x768xf32, #tpu.memory_space<vmem>>, vector<1x16xf32>,
        %get3A_634 = arith.index_cast %scan3A_292 : i32 to index
        %get3A_635 = arith.constant 608 : index
        %get3A_636 = tpu.vector_load %arg16[%get3A_634, %get3A_635] {strides = array<i32>} : memref<16x768xf32, #tpu.memory_space<vmem>>, vector<1x16xf32>,
        %get3A_637 = vector.shape_cast %get3A_636 : vector<1x16xf32> to vector<16xf32>
        %swap3A_638 = arith.index_cast %scan3A_292 : i32 to index
        %swap3A_639 = arith.constant 608 : index
        %swap3A_640 = tpu.vector_load %arg15[%swap3A_638, %swap3A_639] {strides = array<i32>} : memref<16x768xf32, #tpu.memory_space<vmem>>, vector<1x16xf32>,
        %swap3A_641 = vector.shape_cast %swap3A_640 : vector<1x16xf32> to vector<16xf32>
        %swap3A_642 = vector.shape_cast %get3A_637 : vector<16xf32> to vector<1x16xf32>
        tpu.vector_store %arg15[%swap3A_638, %swap3A_639], %swap3A_642 {add = true, strides = array<i32>} : memref<16x768xf32, #tpu.memory_space<vmem>>, vector<1x16xf32>,
        %get3A_643 = arith.index_cast %scan3A_292 : i32 to index
        %get3A_644 = arith.constant 624 : index
        %get3A_645 = tpu.vector_load %arg16[%get3A_643, %get3A_644] {strides = array<i32>} : memref<16x768xf32, #tpu.memory_space<vmem>>, vector<1x16xf32>,
        %get3A_646 = vector.shape_cast %get3A_645 : vector<1x16xf32> to vector<16xf32>
        %swap3A_647 = arith.index_cast %scan3A_292 : i32 to index
        %swap3A_648 = arith.constant 624 : index
        %swap3A_649 = tpu.vector_load %arg15[%swap3A_647, %swap3A_648] {strides = array<i32>} : memref<16x768xf32, #tpu.memory_space<vmem>>, vector<1x16xf32>,
        %swap3A_650 = vector.shape_cast %swap3A_649 : vector<1x16xf32> to vector<16xf32>
        %swap3A_651 = vector.shape_cast %get3A_646 : vector<16xf32> to vector<1x16xf32>
        tpu.vector_store %arg15[%swap3A_647, %swap3A_648], %swap3A_651 {add = true, strides = array<i32>} : memref<16x768xf32, #tpu.memory_space<vmem>>, vector<1x16xf32>,
        %get3A_652 = arith.index_cast %scan3A_292 : i32 to index
        %get3A_653 = arith.constant 640 : index
        %get3A_654 = tpu.vector_load %arg16[%get3A_652, %get3A_653] {strides = array<i32>} : memref<16x768xf32, #tpu.memory_space<vmem>>, vector<1x16xf32>,
        %get3A_655 = vector.shape_cast %get3A_654 : vector<1x16xf32> to vector<16xf32>
        %swap3A_656 = arith.index_cast %scan3A_292 : i32 to index
        %swap3A_657 = arith.constant 640 : index
        %swap3A_658 = tpu.vector_load %arg15[%swap3A_656, %swap3A_657] {strides = array<i32>} : memref<16x768xf32, #tpu.memory_space<vmem>>, vector<1x16xf32>,
        %swap3A_659 = vector.shape_cast %swap3A_658 : vector<1x16xf32> to vector<16xf32>
        %swap3A_660 = vector.shape_cast %get3A_655 : vector<16xf32> to vector<1x16xf32>
        tpu.vector_store %arg15[%swap3A_656, %swap3A_657], %swap3A_660 {add = true, strides = array<i32>} : memref<16x768xf32, #tpu.memory_space<vmem>>, vector<1x16xf32>,
        %get3A_661 = arith.index_cast %scan3A_292 : i32 to index
        %get3A_662 = arith.constant 656 : index
        %get3A_663 = tpu.vector_load %arg16[%get3A_661, %get3A_662] {strides = array<i32>} : memref<16x768xf32, #tpu.memory_space<vmem>>, vector<1x16xf32>,
        %get3A_664 = vector.shape_cast %get3A_663 : vector<1x16xf32> to vector<16xf32>
        %swap3A_665 = arith.index_cast %scan3A_292 : i32 to index
        %swap3A_666 = arith.constant 656 : index
        %swap3A_667 = tpu.vector_load %arg15[%swap3A_665, %swap3A_666] {strides = array<i32>} : memref<16x768xf32, #tpu.memory_space<vmem>>, vector<1x16xf32>,
        %swap3A_668 = vector.shape_cast %swap3A_667 : vector<1x16xf32> to vector<16xf32>
        %swap3A_669 = vector.shape_cast %get3A_664 : vector<16xf32> to vector<1x16xf32>
        tpu.vector_store %arg15[%swap3A_665, %swap3A_666], %swap3A_669 {add = true, strides = array<i32>} : memref<16x768xf32, #tpu.memory_space<vmem>>, vector<1x16xf32>,
        %get3A_670 = arith.index_cast %scan3A_292 : i32 to index
        %get3A_671 = arith.constant 672 : index
        %get3A_672 = tpu.vector_load %arg16[%get3A_670, %get3A_671] {strides = array<i32>} : memref<16x768xf32, #tpu.memory_space<vmem>>, vector<1x16xf32>,
        %get3A_673 = vector.shape_cast %get3A_672 : vector<1x16xf32> to vector<16xf32>
        %swap3A_674 = arith.index_cast %scan3A_292 : i32 to index
        %swap3A_675 = arith.constant 672 : index
        %swap3A_676 = tpu.vector_load %arg15[%swap3A_674, %swap3A_675] {strides = array<i32>} : memref<16x768xf32, #tpu.memory_space<vmem>>, vector<1x16xf32>,
        %swap3A_677 = vector.shape_cast %swap3A_676 : vector<1x16xf32> to vector<16xf32>
        %swap3A_678 = vector.shape_cast %get3A_673 : vector<16xf32> to vector<1x16xf32>
        tpu.vector_store %arg15[%swap3A_674, %swap3A_675], %swap3A_678 {add = true, strides = array<i32>} : memref<16x768xf32, #tpu.memory_space<vmem>>, vector<1x16xf32>,
        %get3A_679 = arith.index_cast %scan3A_292 : i32 to index
        %get3A_680 = arith.constant 688 : index
        %get3A_681 = tpu.vector_load %arg16[%get3A_679, %get3A_680] {strides = array<i32>} : memref<16x768xf32, #tpu.memory_space<vmem>>, vector<1x16xf32>,
        %get3A_682 = vector.shape_cast %get3A_681 : vector<1x16xf32> to vector<16xf32>
        %swap3A_683 = arith.index_cast %scan3A_292 : i32 to index
        %swap3A_684 = arith.constant 688 : index
        %swap3A_685 = tpu.vector_load %arg15[%swap3A_683, %swap3A_684] {strides = array<i32>} : memref<16x768xf32, #tpu.memory_space<vmem>>, vector<1x16xf32>,
        %swap3A_686 = vector.shape_cast %swap3A_685 : vector<1x16xf32> to vector<16xf32>
        %swap3A_687 = vector.shape_cast %get3A_682 : vector<16xf32> to vector<1x16xf32>
        tpu.vector_store %arg15[%swap3A_683, %swap3A_684], %swap3A_687 {add = true, strides = array<i32>} : memref<16x768xf32, #tpu.memory_space<vmem>>, vector<1x16xf32>,
        %get3A_688 = arith.index_cast %scan3A_292 : i32 to index
        %get3A_689 = arith.constant 704 : index
        %get3A_690 = tpu.vector_load %arg16[%get3A_688, %get3A_689] {strides = array<i32>} : memref<16x768xf32, #tpu.memory_space<vmem>>, vector<1x16xf32>,
        %get3A_691 = vector.shape_cast %get3A_690 : vector<1x16xf32> to vector<16xf32>
        %swap3A_692 = arith.index_cast %scan3A_292 : i32 to index
        %swap3A_693 = arith.constant 704 : index
        %swap3A_694 = tpu.vector_load %arg15[%swap3A_692, %swap3A_693] {strides = array<i32>} : memref<16x768xf32, #tpu.memory_space<vmem>>, vector<1x16xf32>,
        %swap3A_695 = vector.shape_cast %swap3A_694 : vector<1x16xf32> to vector<16xf32>
        %swap3A_696 = vector.shape_cast %get3A_691 : vector<16xf32> to vector<1x16xf32>
        tpu.vector_store %arg15[%swap3A_692, %swap3A_693], %swap3A_696 {add = true, strides = array<i32>} : memref<16x768xf32, #tpu.memory_space<vmem>>, vector<1x16xf32>,
        %get3A_697 = arith.index_cast %scan3A_292 : i32 to index
        %get3A_698 = arith.constant 720 : index
        %get3A_699 = tpu.vector_load %arg16[%get3A_697, %get3A_698] {strides = array<i32>} : memref<16x768xf32, #tpu.memory_space<vmem>>, vector<1x16xf32>,
        %get3A_700 = vector.shape_cast %get3A_699 : vector<1x16xf32> to vector<16xf32>
        %swap3A_701 = arith.index_cast %scan3A_292 : i32 to index
        %swap3A_702 = arith.constant 720 : index
        %swap3A_703 = tpu.vector_load %arg15[%swap3A_701, %swap3A_702] {strides = array<i32>} : memref<16x768xf32, #tpu.memory_space<vmem>>, vector<1x16xf32>,
        %swap3A_704 = vector.shape_cast %swap3A_703 : vector<1x16xf32> to vector<16xf32>
        %swap3A_705 = vector.shape_cast %get3A_700 : vector<16xf32> to vector<1x16xf32>
        tpu.vector_store %arg15[%swap3A_701, %swap3A_702], %swap3A_705 {add = true, strides = array<i32>} : memref<16x768xf32, #tpu.memory_space<vmem>>, vector<1x16xf32>,
        %get3A_706 = arith.index_cast %scan3A_292 : i32 to index
        %get3A_707 = arith.constant 736 : index
        %get3A_708 = tpu.vector_load %arg16[%get3A_706, %get3A_707] {strides = array<i32>} : memref<16x768xf32, #tpu.memory_space<vmem>>, vector<1x16xf32>,
        %get3A_709 = vector.shape_cast %get3A_708 : vector<1x16xf32> to vector<16xf32>
        %swap3A_710 = arith.index_cast %scan3A_292 : i32 to index
        %swap3A_711 = arith.constant 736 : index
        %swap3A_712 = tpu.vector_load %arg15[%swap3A_710, %swap3A_711] {strides = array<i32>} : memref<16x768xf32, #tpu.memory_space<vmem>>, vector<1x16xf32>,
        %swap3A_713 = vector.shape_cast %swap3A_712 : vector<1x16xf32> to vector<16xf32>
        %swap3A_714 = vector.shape_cast %get3A_709 : vector<16xf32> to vector<1x16xf32>
        tpu.vector_store %arg15[%swap3A_710, %swap3A_711], %swap3A_714 {add = true, strides = array<i32>} : memref<16x768xf32, #tpu.memory_space<vmem>>, vector<1x16xf32>,
        %get3A_715 = arith.index_cast %scan3A_292 : i32 to index
        %get3A_716 = arith.constant 752 : index
        %get3A_717 = tpu.vector_load %arg16[%get3A_715, %get3A_716] {strides = array<i32>} : memref<16x768xf32, #tpu.memory_space<vmem>>, vector<1x16xf32>,
        %get3A_718 = vector.shape_cast %get3A_717 : vector<1x16xf32> to vector<16xf32>
        %swap3A_719 = arith.index_cast %scan3A_292 : i32 to index
        %swap3A_720 = arith.constant 752 : index
        %swap3A_721 = tpu.vector_load %arg15[%swap3A_719, %swap3A_720] {strides = array<i32>} : memref<16x768xf32, #tpu.memory_space<vmem>>, vector<1x16xf32>,
        %swap3A_722 = vector.shape_cast %swap3A_721 : vector<1x16xf32> to vector<16xf32>
        %swap3A_723 = vector.shape_cast %get3A_718 : vector<16xf32> to vector<1x16xf32>
        tpu.vector_store %arg15[%swap3A_719, %swap3A_720], %swap3A_723 {add = true, strides = array<i32>} : memref<16x768xf32, #tpu.memory_space<vmem>>, vector<1x16xf32>,
        %scan3A_724 = arith.constant 0 : i32
        scf.yield %scan3A_724 : i32
      }
      %scan3A_133 = arith.constant 16 : i32
      %mul3A_134 = arith.constant 16 : i32
      %mul3A_135 = arith.muli %add3A_93, %mul3A_134 : i32
      %add3A_136 = arith.addi %mul3A_2, %mul3A_135 : i32
      %dma_start3A_137 = arith.constant 0 : i32
      %dma_start3A_138 = tpu.memref_slice %arg8[%add3A_136, %dma_start3A_137] : memref<32768x768xf32, #tpu.memory_space<hbm>> -> memref<16x768xf32, #tpu.memory_space<hbm>>
      %dma_start3A_139 = arith.constant 0 : i32
      %dma_start3A_140 = tpu.memref_slice %arg8[%add3A_136, %dma_start3A_139] : memref<32768x768xf32, #tpu.memory_space<hbm>> -> memref<16x768xf32, #tpu.memory_space<hbm>>
      tpu.enqueue_dma source(%arg15 : memref<16x768xf32, #tpu.memory_space<vmem>>) target(%dma_start3A_140 : memref<16x768xf32, #tpu.memory_space<hbm>>) target_semaphore(%arg27 : memref<!tpu.dma_semaphore, #tpu.memory_space<semaphore_mem>>)
      %add3A_141 = arith.constant 1 : i32
      %add3A_142 = arith.addi %mul3A_91, %add3A_141 : i32
      %dma_wait3A_143 = arith.constant 0 : i32
      %dma_wait3A_144 = arith.constant 0 : i32
      %dma_wait3A_145 = tpu.memref_slice %arg6[%dma_wait3A_143, %dma_wait3A_144] : memref<4096x768xf32, #tpu.memory_space<hbm>> -> memref<16x768xf32, #tpu.memory_space<hbm>>
      %dma_wait3A_146 = arith.constant 0 : i32
      %dma_wait3A_147 = arith.constant 0 : i32
      %dma_wait3A_148 = tpu.memref_slice %arg6[%dma_wait3A_146, %dma_wait3A_147] : memref<4096x768xf32, #tpu.memory_space<hbm>> -> memref<16x768xf32, #tpu.memory_space<hbm>>
      tpu.wait_dma2 semaphore(%arg24 : memref<!tpu.dma_semaphore, #tpu.memory_space<semaphore_mem>>) src(%dma_wait3A_148 : memref<16x768xf32, #tpu.memory_space<hbm>>) dst(%arg17 : memref<16x768xf32, #tpu.memory_space<vmem>>)
      %dma_wait3A_149 = arith.constant 0 : i32
      %dma_wait3A_150 = arith.constant 0 : i32
      %dma_wait3A_151 = tpu.memref_slice %arg7[%dma_wait3A_149, %dma_wait3A_150] : memref<4096x768xf32, #tpu.memory_space<hbm>> -> memref<16x768xf32, #tpu.memory_space<hbm>>
      %dma_wait3A_152 = arith.constant 0 : i32
      %dma_wait3A_153 = arith.constant 0 : i32
      %dma_wait3A_154 = tpu.memref_slice %arg7[%dma_wait3A_152, %dma_wait3A_153] : memref<4096x768xf32, #tpu.memory_space<hbm>> -> memref<16x768xf32, #tpu.memory_space<hbm>>
      tpu.wait_dma2 semaphore(%arg24 : memref<!tpu.dma_semaphore, #tpu.memory_space<semaphore_mem>>) src(%dma_wait3A_154 : memref<16x768xf32, #tpu.memory_space<hbm>>) dst(%arg18 : memref<16x768xf32, #tpu.memory_space<vmem>>)
      %dma_wait3A_155 = arith.constant 0 : i32
      %dma_wait3A_156 = tpu.memref_slice %arg8[%mul3A_2, %dma_wait3A_155] : memref<32768x768xf32, #tpu.memory_space<hbm>> -> memref<16x768xf32, #tpu.memory_space<hbm>>
      %dma_wait3A_157 = arith.constant 0 : i32
      %dma_wait3A_158 = tpu.memref_slice %arg8[%mul3A_2, %dma_wait3A_157] : memref<32768x768xf32, #tpu.memory_space<hbm>> -> memref<16x768xf32, #tpu.memory_space<hbm>>
      tpu.wait_dma2 semaphore(%arg30 : memref<!tpu.dma_semaphore, #tpu.memory_space<semaphore_mem>>) src(%arg21 : memref<16x768xf32, #tpu.memory_space<vmem>>) dst(%dma_wait3A_158 : memref<16x768xf32, #tpu.memory_space<hbm>>)
      %add3A_159 = arith.constant 2 : i32
      %add3A_160 = arith.addi %add3A_142, %add3A_159 : i32
      %lt3A_161 = arith.constant 64 : i32
      %lt3A_162 = arith.cmpi slt, %add3A_160, %lt3A_161 : i32
      %jit3A_163 = arith.constant 0 : i32
      %select_n3A_164 = arith.select %lt3A_162, %add3A_160, %jit3A_163 : i32
      %mul3A_165 = arith.constant 16 : i32
      %mul3A_166 = arith.muli %select_n3A_164, %mul3A_165 : i32
      %mul3A_167 = arith.constant 16 : i32
      %mul3A_168 = arith.muli %select_n3A_164, %mul3A_167 : i32
      %dma_start3A_169 = tpu.memref_slice %arg13[%mul3A_166] : memref<1024xi32, #tpu.memory_space<vmem>> -> memref<16xi32, #tpu.memory_space<vmem>>
      %dma_start3A_170 = arith.constant 0 : i32
      %dma_start3A_171 = arith.constant 0 : i32
      %dma_start3A_172 = tpu.memref_slice %arg6[%dma_start3A_170, %dma_start3A_171] : memref<4096x768xf32, #tpu.memory_space<hbm>> -> memref<4096x768xf32, #tpu.memory_space<hbm>>
      tpu.enqueue_indirect_dma source(%dma_start3A_172 : memref<4096x768xf32, #tpu.memory_space<hbm>>) target(%arg21 : memref<16x768xf32, #tpu.memory_space<vmem>>) offsets(%dma_start3A_169 : memref<16xi32, #tpu.memory_space<vmem>>) semaphore(%arg26 : memref<!tpu.dma_semaphore, #tpu.memory_space<semaphore_mem>>)
      %dma_start3A_173 = tpu.memref_slice %arg14[%mul3A_168] : memref<1024xi32, #tpu.memory_space<vmem>> -> memref<16xi32, #tpu.memory_space<vmem>>
      %dma_start3A_174 = arith.constant 0 : i32
      %dma_start3A_175 = arith.constant 0 : i32
      %dma_start3A_176 = tpu.memref_slice %arg7[%dma_start3A_174, %dma_start3A_175] : memref<4096x768xf32, #tpu.memory_space<hbm>> -> memref<4096x768xf32, #tpu.memory_space<hbm>>
      tpu.enqueue_indirect_dma source(%dma_start3A_176 : memref<4096x768xf32, #tpu.memory_space<hbm>>) target(%arg22 : memref<16x768xf32, #tpu.memory_space<vmem>>) offsets(%dma_start3A_173 : memref<16xi32, #tpu.memory_space<vmem>>) semaphore(%arg26 : memref<!tpu.dma_semaphore, #tpu.memory_space<semaphore_mem>>)
      %scan3A_177 = arith.constant 0 : i32
      %scan3A_178 = arith.constant 0 : i32
      %scan3A_179 = arith.constant 16 : i32
      %scan3A_180 = arith.addi %scan3A_178, %scan3A_179 : i32
      %scan3A_181 = arith.constant 1 : i32
      %scan3A_182 = scf.for %scan3A_292 = %scan3A_178 to %scan3A_180 step %scan3A_181 iter_args(%scan3A_293 = %scan3A_177) -> (i32)  : i32 {
        %get3A = arith.index_cast %scan3A_292 : i32 to index
        %get3A_294 = arith.constant 0 : index
        %get3A_295 = tpu.vector_load %arg18[%get3A, %get3A_294] {strides = array<i32>} : memref<16x768xf32, #tpu.memory_space<vmem>>, vector<1x16xf32>,
        %get3A_296 = vector.shape_cast %get3A_295 : vector<1x16xf32> to vector<16xf32>
        %swap3A = arith.index_cast %scan3A_292 : i32 to index
        %swap3A_297 = arith.constant 0 : index
        %swap3A_298 = tpu.vector_load %arg17[%swap3A, %swap3A_297] {strides = array<i32>} : memref<16x768xf32, #tpu.memory_space<vmem>>, vector<1x16xf32>,
        %swap3A_299 = vector.shape_cast %swap3A_298 : vector<1x16xf32> to vector<16xf32>
        %swap3A_300 = vector.shape_cast %get3A_296 : vector<16xf32> to vector<1x16xf32>
        tpu.vector_store %arg17[%swap3A, %swap3A_297], %swap3A_300 {add = true, strides = array<i32>} : memref<16x768xf32, #tpu.memory_space<vmem>>, vector<1x16xf32>,
        %get3A_301 = arith.index_cast %scan3A_292 : i32 to index
        %get3A_302 = arith.constant 16 : index
        %get3A_303 = tpu.vector_load %arg18[%get3A_301, %get3A_302] {strides = array<i32>} : memref<16x768xf32, #tpu.memory_space<vmem>>, vector<1x16xf32>,
        %get3A_304 = vector.shape_cast %get3A_303 : vector<1x16xf32> to vector<16xf32>
        %swap3A_305 = arith.index_cast %scan3A_292 : i32 to index
        %swap3A_306 = arith.constant 16 : index
        %swap3A_307 = tpu.vector_load %arg17[%swap3A_305, %swap3A_306] {strides = array<i32>} : memref<16x768xf32, #tpu.memory_space<vmem>>, vector<1x16xf32>,
        %swap3A_308 = vector.shape_cast %swap3A_307 : vector<1x16xf32> to vector<16xf32>
        %swap3A_309 = vector.shape_cast %get3A_304 : vector<16xf32> to vector<1x16xf32>
        tpu.vector_store %arg17[%swap3A_305, %swap3A_306], %swap3A_309 {add = true, strides = array<i32>} : memref<16x768xf32, #tpu.memory_space<vmem>>, vector<1x16xf32>,
        %get3A_310 = arith.index_cast %scan3A_292 : i32 to index
        %get3A_311 = arith.constant 32 : index
        %get3A_312 = tpu.vector_load %arg18[%get3A_310, %get3A_311] {strides = array<i32>} : memref<16x768xf32, #tpu.memory_space<vmem>>, vector<1x16xf32>,
        %get3A_313 = vector.shape_cast %get3A_312 : vector<1x16xf32> to vector<16xf32>
        %swap3A_314 = arith.index_cast %scan3A_292 : i32 to index
        %swap3A_315 = arith.constant 32 : index
        %swap3A_316 = tpu.vector_load %arg17[%swap3A_314, %swap3A_315] {strides = array<i32>} : memref<16x768xf32, #tpu.memory_space<vmem>>, vector<1x16xf32>,
        %swap3A_317 = vector.shape_cast %swap3A_316 : vector<1x16xf32> to vector<16xf32>
        %swap3A_318 = vector.shape_cast %get3A_313 : vector<16xf32> to vector<1x16xf32>
        tpu.vector_store %arg17[%swap3A_314, %swap3A_315], %swap3A_318 {add = true, strides = array<i32>} : memref<16x768xf32, #tpu.memory_space<vmem>>, vector<1x16xf32>,
        %get3A_319 = arith.index_cast %scan3A_292 : i32 to index
        %get3A_320 = arith.constant 48 : index
        %get3A_321 = tpu.vector_load %arg18[%get3A_319, %get3A_320] {strides = array<i32>} : memref<16x768xf32, #tpu.memory_space<vmem>>, vector<1x16xf32>,
        %get3A_322 = vector.shape_cast %get3A_321 : vector<1x16xf32> to vector<16xf32>
        %swap3A_323 = arith.index_cast %scan3A_292 : i32 to index
        %swap3A_324 = arith.constant 48 : index
        %swap3A_325 = tpu.vector_load %arg17[%swap3A_323, %swap3A_324] {strides = array<i32>} : memref<16x768xf32, #tpu.memory_space<vmem>>, vector<1x16xf32>,
        %swap3A_326 = vector.shape_cast %swap3A_325 : vector<1x16xf32> to vector<16xf32>
        %swap3A_327 = vector.shape_cast %get3A_322 : vector<16xf32> to vector<1x16xf32>
        tpu.vector_store %arg17[%swap3A_323, %swap3A_324], %swap3A_327 {add = true, strides = array<i32>} : memref<16x768xf32, #tpu.memory_space<vmem>>, vector<1x16xf32>,
        %get3A_328 = arith.index_cast %scan3A_292 : i32 to index
        %get3A_329 = arith.constant 64 : index
        %get3A_330 = tpu.vector_load %arg18[%get3A_328, %get3A_329] {strides = array<i32>} : memref<16x768xf32, #tpu.memory_space<vmem>>, vector<1x16xf32>,
        %get3A_331 = vector.shape_cast %get3A_330 : vector<1x16xf32> to vector<16xf32>
        %swap3A_332 = arith.index_cast %scan3A_292 : i32 to index
        %swap3A_333 = arith.constant 64 : index
        %swap3A_334 = tpu.vector_load %arg17[%swap3A_332, %swap3A_333] {strides = array<i32>} : memref<16x768xf32, #tpu.memory_space<vmem>>, vector<1x16xf32>,
        %swap3A_335 = vector.shape_cast %swap3A_334 : vector<1x16xf32> to vector<16xf32>
        %swap3A_336 = vector.shape_cast %get3A_331 : vector<16xf32> to vector<1x16xf32>
        tpu.vector_store %arg17[%swap3A_332, %swap3A_333], %swap3A_336 {add = true, strides = array<i32>} : memref<16x768xf32, #tpu.memory_space<vmem>>, vector<1x16xf32>,
        %get3A_337 = arith.index_cast %scan3A_292 : i32 to index
        %get3A_338 = arith.constant 80 : index
        %get3A_339 = tpu.vector_load %arg18[%get3A_337, %get3A_338] {strides = array<i32>} : memref<16x768xf32, #tpu.memory_space<vmem>>, vector<1x16xf32>,
        %get3A_340 = vector.shape_cast %get3A_339 : vector<1x16xf32> to vector<16xf32>
        %swap3A_341 = arith.index_cast %scan3A_292 : i32 to index
        %swap3A_342 = arith.constant 80 : index
        %swap3A_343 = tpu.vector_load %arg17[%swap3A_341, %swap3A_342] {strides = array<i32>} : memref<16x768xf32, #tpu.memory_space<vmem>>, vector<1x16xf32>,
        %swap3A_344 = vector.shape_cast %swap3A_343 : vector<1x16xf32> to vector<16xf32>
        %swap3A_345 = vector.shape_cast %get3A_340 : vector<16xf32> to vector<1x16xf32>
        tpu.vector_store %arg17[%swap3A_341, %swap3A_342], %swap3A_345 {add = true, strides = array<i32>} : memref<16x768xf32, #tpu.memory_space<vmem>>, vector<1x16xf32>,
        %get3A_346 = arith.index_cast %scan3A_292 : i32 to index
        %get3A_347 = arith.constant 96 : index
        %get3A_348 = tpu.vector_load %arg18[%get3A_346, %get3A_347] {strides = array<i32>} : memref<16x768xf32, #tpu.memory_space<vmem>>, vector<1x16xf32>,
        %get3A_349 = vector.shape_cast %get3A_348 : vector<1x16xf32> to vector<16xf32>
        %swap3A_350 = arith.index_cast %scan3A_292 : i32 to index
        %swap3A_351 = arith.constant 96 : index
        %swap3A_352 = tpu.vector_load %arg17[%swap3A_350, %swap3A_351] {strides = array<i32>} : memref<16x768xf32, #tpu.memory_space<vmem>>, vector<1x16xf32>,
        %swap3A_353 = vector.shape_cast %swap3A_352 : vector<1x16xf32> to vector<16xf32>
        %swap3A_354 = vector.shape_cast %get3A_349 : vector<16xf32> to vector<1x16xf32>
        tpu.vector_store %arg17[%swap3A_350, %swap3A_351], %swap3A_354 {add = true, strides = array<i32>} : memref<16x768xf32, #tpu.memory_space<vmem>>, vector<1x16xf32>,
        %get3A_355 = arith.index_cast %scan3A_292 : i32 to index
        %get3A_356 = arith.constant 112 : index
        %get3A_357 = tpu.vector_load %arg18[%get3A_355, %get3A_356] {strides = array<i32>} : memref<16x768xf32, #tpu.memory_space<vmem>>, vector<1x16xf32>,
        %get3A_358 = vector.shape_cast %get3A_357 : vector<1x16xf32> to vector<16xf32>
        %swap3A_359 = arith.index_cast %scan3A_292 : i32 to index
        %swap3A_360 = arith.constant 112 : index
        %swap3A_361 = tpu.vector_load %arg17[%swap3A_359, %swap3A_360] {strides = array<i32>} : memref<16x768xf32, #tpu.memory_space<vmem>>, vector<1x16xf32>,
        %swap3A_362 = vector.shape_cast %swap3A_361 : vector<1x16xf32> to vector<16xf32>
        %swap3A_363 = vector.shape_cast %get3A_358 : vector<16xf32> to vector<1x16xf32>
        tpu.vector_store %arg17[%swap3A_359, %swap3A_360], %swap3A_363 {add = true, strides = array<i32>} : memref<16x768xf32, #tpu.memory_space<vmem>>, vector<1x16xf32>,
        %get3A_364 = arith.index_cast %scan3A_292 : i32 to index
        %get3A_365 = arith.constant 128 : index
        %get3A_366 = tpu.vector_load %arg18[%get3A_364, %get3A_365] {strides = array<i32>} : memref<16x768xf32, #tpu.memory_space<vmem>>, vector<1x16xf32>,
        %get3A_367 = vector.shape_cast %get3A_366 : vector<1x16xf32> to vector<16xf32>
        %swap3A_368 = arith.index_cast %scan3A_292 : i32 to index
        %swap3A_369 = arith.constant 128 : index
        %swap3A_370 = tpu.vector_load %arg17[%swap3A_368, %swap3A_369] {strides = array<i32>} : memref<16x768xf32, #tpu.memory_space<vmem>>, vector<1x16xf32>,
        %swap3A_371 = vector.shape_cast %swap3A_370 : vector<1x16xf32> to vector<16xf32>
        %swap3A_372 = vector.shape_cast %get3A_367 : vector<16xf32> to vector<1x16xf32>
        tpu.vector_store %arg17[%swap3A_368, %swap3A_369], %swap3A_372 {add = true, strides = array<i32>} : memref<16x768xf32, #tpu.memory_space<vmem>>, vector<1x16xf32>,
        %get3A_373 = arith.index_cast %scan3A_292 : i32 to index
        %get3A_374 = arith.constant 144 : index
        %get3A_375 = tpu.vector_load %arg18[%get3A_373, %get3A_374] {strides = array<i32>} : memref<16x768xf32, #tpu.memory_space<vmem>>, vector<1x16xf32>,
        %get3A_376 = vector.shape_cast %get3A_375 : vector<1x16xf32> to vector<16xf32>
        %swap3A_377 = arith.index_cast %scan3A_292 : i32 to index
        %swap3A_378 = arith.constant 144 : index
        %swap3A_379 = tpu.vector_load %arg17[%swap3A_377, %swap3A_378] {strides = array<i32>} : memref<16x768xf32, #tpu.memory_space<vmem>>, vector<1x16xf32>,
        %swap3A_380 = vector.shape_cast %swap3A_379 : vector<1x16xf32> to vector<16xf32>
        %swap3A_381 = vector.shape_cast %get3A_376 : vector<16xf32> to vector<1x16xf32>
        tpu.vector_store %arg17[%swap3A_377, %swap3A_378], %swap3A_381 {add = true, strides = array<i32>} : memref<16x768xf32, #tpu.memory_space<vmem>>, vector<1x16xf32>,
        %get3A_382 = arith.index_cast %scan3A_292 : i32 to index
        %get3A_383 = arith.constant 160 : index
        %get3A_384 = tpu.vector_load %arg18[%get3A_382, %get3A_383] {strides = array<i32>} : memref<16x768xf32, #tpu.memory_space<vmem>>, vector<1x16xf32>,
        %get3A_385 = vector.shape_cast %get3A_384 : vector<1x16xf32> to vector<16xf32>
        %swap3A_386 = arith.index_cast %scan3A_292 : i32 to index
        %swap3A_387 = arith.constant 160 : index
        %swap3A_388 = tpu.vector_load %arg17[%swap3A_386, %swap3A_387] {strides = array<i32>} : memref<16x768xf32, #tpu.memory_space<vmem>>, vector<1x16xf32>,
        %swap3A_389 = vector.shape_cast %swap3A_388 : vector<1x16xf32> to vector<16xf32>
        %swap3A_390 = vector.shape_cast %get3A_385 : vector<16xf32> to vector<1x16xf32>
        tpu.vector_store %arg17[%swap3A_386, %swap3A_387], %swap3A_390 {add = true, strides = array<i32>} : memref<16x768xf32, #tpu.memory_space<vmem>>, vector<1x16xf32>,
        %get3A_391 = arith.index_cast %scan3A_292 : i32 to index
        %get3A_392 = arith.constant 176 : index
        %get3A_393 = tpu.vector_load %arg18[%get3A_391, %get3A_392] {strides = array<i32>} : memref<16x768xf32, #tpu.memory_space<vmem>>, vector<1x16xf32>,
        %get3A_394 = vector.shape_cast %get3A_393 : vector<1x16xf32> to vector<16xf32>
        %swap3A_395 = arith.index_cast %scan3A_292 : i32 to index
        %swap3A_396 = arith.constant 176 : index
        %swap3A_397 = tpu.vector_load %arg17[%swap3A_395, %swap3A_396] {strides = array<i32>} : memref<16x768xf32, #tpu.memory_space<vmem>>, vector<1x16xf32>,
        %swap3A_398 = vector.shape_cast %swap3A_397 : vector<1x16xf32> to vector<16xf32>
        %swap3A_399 = vector.shape_cast %get3A_394 : vector<16xf32> to vector<1x16xf32>
        tpu.vector_store %arg17[%swap3A_395, %swap3A_396], %swap3A_399 {add = true, strides = array<i32>} : memref<16x768xf32, #tpu.memory_space<vmem>>, vector<1x16xf32>,
        %get3A_400 = arith.index_cast %scan3A_292 : i32 to index
        %get3A_401 = arith.constant 192 : index
        %get3A_402 = tpu.vector_load %arg18[%get3A_400, %get3A_401] {strides = array<i32>} : memref<16x768xf32, #tpu.memory_space<vmem>>, vector<1x16xf32>,
        %get3A_403 = vector.shape_cast %get3A_402 : vector<1x16xf32> to vector<16xf32>
        %swap3A_404 = arith.index_cast %scan3A_292 : i32 to index
        %swap3A_405 = arith.constant 192 : index
        %swap3A_406 = tpu.vector_load %arg17[%swap3A_404, %swap3A_405] {strides = array<i32>} : memref<16x768xf32, #tpu.memory_space<vmem>>, vector<1x16xf32>,
        %swap3A_407 = vector.shape_cast %swap3A_406 : vector<1x16xf32> to vector<16xf32>
        %swap3A_408 = vector.shape_cast %get3A_403 : vector<16xf32> to vector<1x16xf32>
        tpu.vector_store %arg17[%swap3A_404, %swap3A_405], %swap3A_408 {add = true, strides = array<i32>} : memref<16x768xf32, #tpu.memory_space<vmem>>, vector<1x16xf32>,
        %get3A_409 = arith.index_cast %scan3A_292 : i32 to index
        %get3A_410 = arith.constant 208 : index
        %get3A_411 = tpu.vector_load %arg18[%get3A_409, %get3A_410] {strides = array<i32>} : memref<16x768xf32, #tpu.memory_space<vmem>>, vector<1x16xf32>,
        %get3A_412 = vector.shape_cast %get3A_411 : vector<1x16xf32> to vector<16xf32>
        %swap3A_413 = arith.index_cast %scan3A_292 : i32 to index
        %swap3A_414 = arith.constant 208 : index
        %swap3A_415 = tpu.vector_load %arg17[%swap3A_413, %swap3A_414] {strides = array<i32>} : memref<16x768xf32, #tpu.memory_space<vmem>>, vector<1x16xf32>,
        %swap3A_416 = vector.shape_cast %swap3A_415 : vector<1x16xf32> to vector<16xf32>
        %swap3A_417 = vector.shape_cast %get3A_412 : vector<16xf32> to vector<1x16xf32>
        tpu.vector_store %arg17[%swap3A_413, %swap3A_414], %swap3A_417 {add = true, strides = array<i32>} : memref<16x768xf32, #tpu.memory_space<vmem>>, vector<1x16xf32>,
        %get3A_418 = arith.index_cast %scan3A_292 : i32 to index
        %get3A_419 = arith.constant 224 : index
        %get3A_420 = tpu.vector_load %arg18[%get3A_418, %get3A_419] {strides = array<i32>} : memref<16x768xf32, #tpu.memory_space<vmem>>, vector<1x16xf32>,
        %get3A_421 = vector.shape_cast %get3A_420 : vector<1x16xf32> to vector<16xf32>
        %swap3A_422 = arith.index_cast %scan3A_292 : i32 to index
        %swap3A_423 = arith.constant 224 : index
        %swap3A_424 = tpu.vector_load %arg17[%swap3A_422, %swap3A_423] {strides = array<i32>} : memref<16x768xf32, #tpu.memory_space<vmem>>, vector<1x16xf32>,
        %swap3A_425 = vector.shape_cast %swap3A_424 : vector<1x16xf32> to vector<16xf32>
        %swap3A_426 = vector.shape_cast %get3A_421 : vector<16xf32> to vector<1x16xf32>
        tpu.vector_store %arg17[%swap3A_422, %swap3A_423], %swap3A_426 {add = true, strides = array<i32>} : memref<16x768xf32, #tpu.memory_space<vmem>>, vector<1x16xf32>,
        %get3A_427 = arith.index_cast %scan3A_292 : i32 to index
        %get3A_428 = arith.constant 240 : index
        %get3A_429 = tpu.vector_load %arg18[%get3A_427, %get3A_428] {strides = array<i32>} : memref<16x768xf32, #tpu.memory_space<vmem>>, vector<1x16xf32>,
        %get3A_430 = vector.shape_cast %get3A_429 : vector<1x16xf32> to vector<16xf32>
        %swap3A_431 = arith.index_cast %scan3A_292 : i32 to index
        %swap3A_432 = arith.constant 240 : index
        %swap3A_433 = tpu.vector_load %arg17[%swap3A_431, %swap3A_432] {strides = array<i32>} : memref<16x768xf32, #tpu.memory_space<vmem>>, vector<1x16xf32>,
        %swap3A_434 = vector.shape_cast %swap3A_433 : vector<1x16xf32> to vector<16xf32>
        %swap3A_435 = vector.shape_cast %get3A_430 : vector<16xf32> to vector<1x16xf32>
        tpu.vector_store %arg17[%swap3A_431, %swap3A_432], %swap3A_435 {add = true, strides = array<i32>} : memref<16x768xf32, #tpu.memory_space<vmem>>, vector<1x16xf32>,
        %get3A_436 = arith.index_cast %scan3A_292 : i32 to index
        %get3A_437 = arith.constant 256 : index
        %get3A_438 = tpu.vector_load %arg18[%get3A_436, %get3A_437] {strides = array<i32>} : memref<16x768xf32, #tpu.memory_space<vmem>>, vector<1x16xf32>,
        %get3A_439 = vector.shape_cast %get3A_438 : vector<1x16xf32> to vector<16xf32>
        %swap3A_440 = arith.index_cast %scan3A_292 : i32 to index
        %swap3A_441 = arith.constant 256 : index
        %swap3A_442 = tpu.vector_load %arg17[%swap3A_440, %swap3A_441] {strides = array<i32>} : memref<16x768xf32, #tpu.memory_space<vmem>>, vector<1x16xf32>,
        %swap3A_443 = vector.shape_cast %swap3A_442 : vector<1x16xf32> to vector<16xf32>
        %swap3A_444 = vector.shape_cast %get3A_439 : vector<16xf32> to vector<1x16xf32>
        tpu.vector_store %arg17[%swap3A_440, %swap3A_441], %swap3A_444 {add = true, strides = array<i32>} : memref<16x768xf32, #tpu.memory_space<vmem>>, vector<1x16xf32>,
        %get3A_445 = arith.index_cast %scan3A_292 : i32 to index
        %get3A_446 = arith.constant 272 : index
        %get3A_447 = tpu.vector_load %arg18[%get3A_445, %get3A_446] {strides = array<i32>} : memref<16x768xf32, #tpu.memory_space<vmem>>, vector<1x16xf32>,
        %get3A_448 = vector.shape_cast %get3A_447 : vector<1x16xf32> to vector<16xf32>
        %swap3A_449 = arith.index_cast %scan3A_292 : i32 to index
        %swap3A_450 = arith.constant 272 : index
        %swap3A_451 = tpu.vector_load %arg17[%swap3A_449, %swap3A_450] {strides = array<i32>} : memref<16x768xf32, #tpu.memory_space<vmem>>, vector<1x16xf32>,
        %swap3A_452 = vector.shape_cast %swap3A_451 : vector<1x16xf32> to vector<16xf32>
        %swap3A_453 = vector.shape_cast %get3A_448 : vector<16xf32> to vector<1x16xf32>
        tpu.vector_store %arg17[%swap3A_449, %swap3A_450], %swap3A_453 {add = true, strides = array<i32>} : memref<16x768xf32, #tpu.memory_space<vmem>>, vector<1x16xf32>,
        %get3A_454 = arith.index_cast %scan3A_292 : i32 to index
        %get3A_455 = arith.constant 288 : index
        %get3A_456 = tpu.vector_load %arg18[%get3A_454, %get3A_455] {strides = array<i32>} : memref<16x768xf32, #tpu.memory_space<vmem>>, vector<1x16xf32>,
        %get3A_457 = vector.shape_cast %get3A_456 : vector<1x16xf32> to vector<16xf32>
        %swap3A_458 = arith.index_cast %scan3A_292 : i32 to index
        %swap3A_459 = arith.constant 288 : index
        %swap3A_460 = tpu.vector_load %arg17[%swap3A_458, %swap3A_459] {strides = array<i32>} : memref<16x768xf32, #tpu.memory_space<vmem>>, vector<1x16xf32>,
        %swap3A_461 = vector.shape_cast %swap3A_460 : vector<1x16xf32> to vector<16xf32>
        %swap3A_462 = vector.shape_cast %get3A_457 : vector<16xf32> to vector<1x16xf32>
        tpu.vector_store %arg17[%swap3A_458, %swap3A_459], %swap3A_462 {add = true, strides = array<i32>} : memref<16x768xf32, #tpu.memory_space<vmem>>, vector<1x16xf32>,
        %get3A_463 = arith.index_cast %scan3A_292 : i32 to index
        %get3A_464 = arith.constant 304 : index
        %get3A_465 = tpu.vector_load %arg18[%get3A_463, %get3A_464] {strides = array<i32>} : memref<16x768xf32, #tpu.memory_space<vmem>>, vector<1x16xf32>,
        %get3A_466 = vector.shape_cast %get3A_465 : vector<1x16xf32> to vector<16xf32>
        %swap3A_467 = arith.index_cast %scan3A_292 : i32 to index
        %swap3A_468 = arith.constant 304 : index
        %swap3A_469 = tpu.vector_load %arg17[%swap3A_467, %swap3A_468] {strides = array<i32>} : memref<16x768xf32, #tpu.memory_space<vmem>>, vector<1x16xf32>,
        %swap3A_470 = vector.shape_cast %swap3A_469 : vector<1x16xf32> to vector<16xf32>
        %swap3A_471 = vector.shape_cast %get3A_466 : vector<16xf32> to vector<1x16xf32>
        tpu.vector_store %arg17[%swap3A_467, %swap3A_468], %swap3A_471 {add = true, strides = array<i32>} : memref<16x768xf32, #tpu.memory_space<vmem>>, vector<1x16xf32>,
        %get3A_472 = arith.index_cast %scan3A_292 : i32 to index
        %get3A_473 = arith.constant 320 : index
        %get3A_474 = tpu.vector_load %arg18[%get3A_472, %get3A_473] {strides = array<i32>} : memref<16x768xf32, #tpu.memory_space<vmem>>, vector<1x16xf32>,
        %get3A_475 = vector.shape_cast %get3A_474 : vector<1x16xf32> to vector<16xf32>
        %swap3A_476 = arith.index_cast %scan3A_292 : i32 to index
        %swap3A_477 = arith.constant 320 : index
        %swap3A_478 = tpu.vector_load %arg17[%swap3A_476, %swap3A_477] {strides = array<i32>} : memref<16x768xf32, #tpu.memory_space<vmem>>, vector<1x16xf32>,
        %swap3A_479 = vector.shape_cast %swap3A_478 : vector<1x16xf32> to vector<16xf32>
        %swap3A_480 = vector.shape_cast %get3A_475 : vector<16xf32> to vector<1x16xf32>
        tpu.vector_store %arg17[%swap3A_476, %swap3A_477], %swap3A_480 {add = true, strides = array<i32>} : memref<16x768xf32, #tpu.memory_space<vmem>>, vector<1x16xf32>,
        %get3A_481 = arith.index_cast %scan3A_292 : i32 to index
        %get3A_482 = arith.constant 336 : index
        %get3A_483 = tpu.vector_load %arg18[%get3A_481, %get3A_482] {strides = array<i32>} : memref<16x768xf32, #tpu.memory_space<vmem>>, vector<1x16xf32>,
        %get3A_484 = vector.shape_cast %get3A_483 : vector<1x16xf32> to vector<16xf32>
        %swap3A_485 = arith.index_cast %scan3A_292 : i32 to index
        %swap3A_486 = arith.constant 336 : index
        %swap3A_487 = tpu.vector_load %arg17[%swap3A_485, %swap3A_486] {strides = array<i32>} : memref<16x768xf32, #tpu.memory_space<vmem>>, vector<1x16xf32>,
        %swap3A_488 = vector.shape_cast %swap3A_487 : vector<1x16xf32> to vector<16xf32>
        %swap3A_489 = vector.shape_cast %get3A_484 : vector<16xf32> to vector<1x16xf32>
        tpu.vector_store %arg17[%swap3A_485, %swap3A_486], %swap3A_489 {add = true, strides = array<i32>} : memref<16x768xf32, #tpu.memory_space<vmem>>, vector<1x16xf32>,
        %get3A_490 = arith.index_cast %scan3A_292 : i32 to index
        %get3A_491 = arith.constant 352 : index
        %get3A_492 = tpu.vector_load %arg18[%get3A_490, %get3A_491] {strides = array<i32>} : memref<16x768xf32, #tpu.memory_space<vmem>>, vector<1x16xf32>,
        %get3A_493 = vector.shape_cast %get3A_492 : vector<1x16xf32> to vector<16xf32>
        %swap3A_494 = arith.index_cast %scan3A_292 : i32 to index
        %swap3A_495 = arith.constant 352 : index
        %swap3A_496 = tpu.vector_load %arg17[%swap3A_494, %swap3A_495] {strides = array<i32>} : memref<16x768xf32, #tpu.memory_space<vmem>>, vector<1x16xf32>,
        %swap3A_497 = vector.shape_cast %swap3A_496 : vector<1x16xf32> to vector<16xf32>
        %swap3A_498 = vector.shape_cast %get3A_493 : vector<16xf32> to vector<1x16xf32>
        tpu.vector_store %arg17[%swap3A_494, %swap3A_495], %swap3A_498 {add = true, strides = array<i32>} : memref<16x768xf32, #tpu.memory_space<vmem>>, vector<1x16xf32>,
        %get3A_499 = arith.index_cast %scan3A_292 : i32 to index
        %get3A_500 = arith.constant 368 : index
        %get3A_501 = tpu.vector_load %arg18[%get3A_499, %get3A_500] {strides = array<i32>} : memref<16x768xf32, #tpu.memory_space<vmem>>, vector<1x16xf32>,
        %get3A_502 = vector.shape_cast %get3A_501 : vector<1x16xf32> to vector<16xf32>
        %swap3A_503 = arith.index_cast %scan3A_292 : i32 to index
        %swap3A_504 = arith.constant 368 : index
        %swap3A_505 = tpu.vector_load %arg17[%swap3A_503, %swap3A_504] {strides = array<i32>} : memref<16x768xf32, #tpu.memory_space<vmem>>, vector<1x16xf32>,
        %swap3A_506 = vector.shape_cast %swap3A_505 : vector<1x16xf32> to vector<16xf32>
        %swap3A_507 = vector.shape_cast %get3A_502 : vector<16xf32> to vector<1x16xf32>
        tpu.vector_store %arg17[%swap3A_503, %swap3A_504], %swap3A_507 {add = true, strides = array<i32>} : memref<16x768xf32, #tpu.memory_space<vmem>>, vector<1x16xf32>,
        %get3A_508 = arith.index_cast %scan3A_292 : i32 to index
        %get3A_509 = arith.constant 384 : index
        %get3A_510 = tpu.vector_load %arg18[%get3A_508, %get3A_509] {strides = array<i32>} : memref<16x768xf32, #tpu.memory_space<vmem>>, vector<1x16xf32>,
        %get3A_511 = vector.shape_cast %get3A_510 : vector<1x16xf32> to vector<16xf32>
        %swap3A_512 = arith.index_cast %scan3A_292 : i32 to index
        %swap3A_513 = arith.constant 384 : index
        %swap3A_514 = tpu.vector_load %arg17[%swap3A_512, %swap3A_513] {strides = array<i32>} : memref<16x768xf32, #tpu.memory_space<vmem>>, vector<1x16xf32>,
        %swap3A_515 = vector.shape_cast %swap3A_514 : vector<1x16xf32> to vector<16xf32>
        %swap3A_516 = vector.shape_cast %get3A_511 : vector<16xf32> to vector<1x16xf32>
        tpu.vector_store %arg17[%swap3A_512, %swap3A_513], %swap3A_516 {add = true, strides = array<i32>} : memref<16x768xf32, #tpu.memory_space<vmem>>, vector<1x16xf32>,
        %get3A_517 = arith.index_cast %scan3A_292 : i32 to index
        %get3A_518 = arith.constant 400 : index
        %get3A_519 = tpu.vector_load %arg18[%get3A_517, %get3A_518] {strides = array<i32>} : memref<16x768xf32, #tpu.memory_space<vmem>>, vector<1x16xf32>,
        %get3A_520 = vector.shape_cast %get3A_519 : vector<1x16xf32> to vector<16xf32>
        %swap3A_521 = arith.index_cast %scan3A_292 : i32 to index
        %swap3A_522 = arith.constant 400 : index
        %swap3A_523 = tpu.vector_load %arg17[%swap3A_521, %swap3A_522] {strides = array<i32>} : memref<16x768xf32, #tpu.memory_space<vmem>>, vector<1x16xf32>,
        %swap3A_524 = vector.shape_cast %swap3A_523 : vector<1x16xf32> to vector<16xf32>
        %swap3A_525 = vector.shape_cast %get3A_520 : vector<16xf32> to vector<1x16xf32>
        tpu.vector_store %arg17[%swap3A_521, %swap3A_522], %swap3A_525 {add = true, strides = array<i32>} : memref<16x768xf32, #tpu.memory_space<vmem>>, vector<1x16xf32>,
        %get3A_526 = arith.index_cast %scan3A_292 : i32 to index
        %get3A_527 = arith.constant 416 : index
        %get3A_528 = tpu.vector_load %arg18[%get3A_526, %get3A_527] {strides = array<i32>} : memref<16x768xf32, #tpu.memory_space<vmem>>, vector<1x16xf32>,
        %get3A_529 = vector.shape_cast %get3A_528 : vector<1x16xf32> to vector<16xf32>
        %swap3A_530 = arith.index_cast %scan3A_292 : i32 to index
        %swap3A_531 = arith.constant 416 : index
        %swap3A_532 = tpu.vector_load %arg17[%swap3A_530, %swap3A_531] {strides = array<i32>} : memref<16x768xf32, #tpu.memory_space<vmem>>, vector<1x16xf32>,
        %swap3A_533 = vector.shape_cast %swap3A_532 : vector<1x16xf32> to vector<16xf32>
        %swap3A_534 = vector.shape_cast %get3A_529 : vector<16xf32> to vector<1x16xf32>
        tpu.vector_store %arg17[%swap3A_530, %swap3A_531], %swap3A_534 {add = true, strides = array<i32>} : memref<16x768xf32, #tpu.memory_space<vmem>>, vector<1x16xf32>,
        %get3A_535 = arith.index_cast %scan3A_292 : i32 to index
        %get3A_536 = arith.constant 432 : index
        %get3A_537 = tpu.vector_load %arg18[%get3A_535, %get3A_536] {strides = array<i32>} : memref<16x768xf32, #tpu.memory_space<vmem>>, vector<1x16xf32>,
        %get3A_538 = vector.shape_cast %get3A_537 : vector<1x16xf32> to vector<16xf32>
        %swap3A_539 = arith.index_cast %scan3A_292 : i32 to index
        %swap3A_540 = arith.constant 432 : index
        %swap3A_541 = tpu.vector_load %arg17[%swap3A_539, %swap3A_540] {strides = array<i32>} : memref<16x768xf32, #tpu.memory_space<vmem>>, vector<1x16xf32>,
        %swap3A_542 = vector.shape_cast %swap3A_541 : vector<1x16xf32> to vector<16xf32>
        %swap3A_543 = vector.shape_cast %get3A_538 : vector<16xf32> to vector<1x16xf32>
        tpu.vector_store %arg17[%swap3A_539, %swap3A_540], %swap3A_543 {add = true, strides = array<i32>} : memref<16x768xf32, #tpu.memory_space<vmem>>, vector<1x16xf32>,
        %get3A_544 = arith.index_cast %scan3A_292 : i32 to index
        %get3A_545 = arith.constant 448 : index
        %get3A_546 = tpu.vector_load %arg18[%get3A_544, %get3A_545] {strides = array<i32>} : memref<16x768xf32, #tpu.memory_space<vmem>>, vector<1x16xf32>,
        %get3A_547 = vector.shape_cast %get3A_546 : vector<1x16xf32> to vector<16xf32>
        %swap3A_548 = arith.index_cast %scan3A_292 : i32 to index
        %swap3A_549 = arith.constant 448 : index
        %swap3A_550 = tpu.vector_load %arg17[%swap3A_548, %swap3A_549] {strides = array<i32>} : memref<16x768xf32, #tpu.memory_space<vmem>>, vector<1x16xf32>,
        %swap3A_551 = vector.shape_cast %swap3A_550 : vector<1x16xf32> to vector<16xf32>
        %swap3A_552 = vector.shape_cast %get3A_547 : vector<16xf32> to vector<1x16xf32>
        tpu.vector_store %arg17[%swap3A_548, %swap3A_549], %swap3A_552 {add = true, strides = array<i32>} : memref<16x768xf32, #tpu.memory_space<vmem>>, vector<1x16xf32>,
        %get3A_553 = arith.index_cast %scan3A_292 : i32 to index
        %get3A_554 = arith.constant 464 : index
        %get3A_555 = tpu.vector_load %arg18[%get3A_553, %get3A_554] {strides = array<i32>} : memref<16x768xf32, #tpu.memory_space<vmem>>, vector<1x16xf32>,
        %get3A_556 = vector.shape_cast %get3A_555 : vector<1x16xf32> to vector<16xf32>
        %swap3A_557 = arith.index_cast %scan3A_292 : i32 to index
        %swap3A_558 = arith.constant 464 : index
        %swap3A_559 = tpu.vector_load %arg17[%swap3A_557, %swap3A_558] {strides = array<i32>} : memref<16x768xf32, #tpu.memory_space<vmem>>, vector<1x16xf32>,
        %swap3A_560 = vector.shape_cast %swap3A_559 : vector<1x16xf32> to vector<16xf32>
        %swap3A_561 = vector.shape_cast %get3A_556 : vector<16xf32> to vector<1x16xf32>
        tpu.vector_store %arg17[%swap3A_557, %swap3A_558], %swap3A_561 {add = true, strides = array<i32>} : memref<16x768xf32, #tpu.memory_space<vmem>>, vector<1x16xf32>,
        %get3A_562 = arith.index_cast %scan3A_292 : i32 to index
        %get3A_563 = arith.constant 480 : index
        %get3A_564 = tpu.vector_load %arg18[%get3A_562, %get3A_563] {strides = array<i32>} : memref<16x768xf32, #tpu.memory_space<vmem>>, vector<1x16xf32>,
        %get3A_565 = vector.shape_cast %get3A_564 : vector<1x16xf32> to vector<16xf32>
        %swap3A_566 = arith.index_cast %scan3A_292 : i32 to index
        %swap3A_567 = arith.constant 480 : index
        %swap3A_568 = tpu.vector_load %arg17[%swap3A_566, %swap3A_567] {strides = array<i32>} : memref<16x768xf32, #tpu.memory_space<vmem>>, vector<1x16xf32>,
        %swap3A_569 = vector.shape_cast %swap3A_568 : vector<1x16xf32> to vector<16xf32>
        %swap3A_570 = vector.shape_cast %get3A_565 : vector<16xf32> to vector<1x16xf32>
        tpu.vector_store %arg17[%swap3A_566, %swap3A_567], %swap3A_570 {add = true, strides = array<i32>} : memref<16x768xf32, #tpu.memory_space<vmem>>, vector<1x16xf32>,
        %get3A_571 = arith.index_cast %scan3A_292 : i32 to index
        %get3A_572 = arith.constant 496 : index
        %get3A_573 = tpu.vector_load %arg18[%get3A_571, %get3A_572] {strides = array<i32>} : memref<16x768xf32, #tpu.memory_space<vmem>>, vector<1x16xf32>,
        %get3A_574 = vector.shape_cast %get3A_573 : vector<1x16xf32> to vector<16xf32>
        %swap3A_575 = arith.index_cast %scan3A_292 : i32 to index
        %swap3A_576 = arith.constant 496 : index
        %swap3A_577 = tpu.vector_load %arg17[%swap3A_575, %swap3A_576] {strides = array<i32>} : memref<16x768xf32, #tpu.memory_space<vmem>>, vector<1x16xf32>,
        %swap3A_578 = vector.shape_cast %swap3A_577 : vector<1x16xf32> to vector<16xf32>
        %swap3A_579 = vector.shape_cast %get3A_574 : vector<16xf32> to vector<1x16xf32>
        tpu.vector_store %arg17[%swap3A_575, %swap3A_576], %swap3A_579 {add = true, strides = array<i32>} : memref<16x768xf32, #tpu.memory_space<vmem>>, vector<1x16xf32>,
        %get3A_580 = arith.index_cast %scan3A_292 : i32 to index
        %get3A_581 = arith.constant 512 : index
        %get3A_582 = tpu.vector_load %arg18[%get3A_580, %get3A_581] {strides = array<i32>} : memref<16x768xf32, #tpu.memory_space<vmem>>, vector<1x16xf32>,
        %get3A_583 = vector.shape_cast %get3A_582 : vector<1x16xf32> to vector<16xf32>
        %swap3A_584 = arith.index_cast %scan3A_292 : i32 to index
        %swap3A_585 = arith.constant 512 : index
        %swap3A_586 = tpu.vector_load %arg17[%swap3A_584, %swap3A_585] {strides = array<i32>} : memref<16x768xf32, #tpu.memory_space<vmem>>, vector<1x16xf32>,
        %swap3A_587 = vector.shape_cast %swap3A_586 : vector<1x16xf32> to vector<16xf32>
        %swap3A_588 = vector.shape_cast %get3A_583 : vector<16xf32> to vector<1x16xf32>
        tpu.vector_store %arg17[%swap3A_584, %swap3A_585], %swap3A_588 {add = true, strides = array<i32>} : memref<16x768xf32, #tpu.memory_space<vmem>>, vector<1x16xf32>,
        %get3A_589 = arith.index_cast %scan3A_292 : i32 to index
        %get3A_590 = arith.constant 528 : index
        %get3A_591 = tpu.vector_load %arg18[%get3A_589, %get3A_590] {strides = array<i32>} : memref<16x768xf32, #tpu.memory_space<vmem>>, vector<1x16xf32>,
        %get3A_592 = vector.shape_cast %get3A_591 : vector<1x16xf32> to vector<16xf32>
        %swap3A_593 = arith.index_cast %scan3A_292 : i32 to index
        %swap3A_594 = arith.constant 528 : index
        %swap3A_595 = tpu.vector_load %arg17[%swap3A_593, %swap3A_594] {strides = array<i32>} : memref<16x768xf32, #tpu.memory_space<vmem>>, vector<1x16xf32>,
        %swap3A_596 = vector.shape_cast %swap3A_595 : vector<1x16xf32> to vector<16xf32>
        %swap3A_597 = vector.shape_cast %get3A_592 : vector<16xf32> to vector<1x16xf32>
        tpu.vector_store %arg17[%swap3A_593, %swap3A_594], %swap3A_597 {add = true, strides = array<i32>} : memref<16x768xf32, #tpu.memory_space<vmem>>, vector<1x16xf32>,
        %get3A_598 = arith.index_cast %scan3A_292 : i32 to index
        %get3A_599 = arith.constant 544 : index
        %get3A_600 = tpu.vector_load %arg18[%get3A_598, %get3A_599] {strides = array<i32>} : memref<16x768xf32, #tpu.memory_space<vmem>>, vector<1x16xf32>,
        %get3A_601 = vector.shape_cast %get3A_600 : vector<1x16xf32> to vector<16xf32>
        %swap3A_602 = arith.index_cast %scan3A_292 : i32 to index
        %swap3A_603 = arith.constant 544 : index
        %swap3A_604 = tpu.vector_load %arg17[%swap3A_602, %swap3A_603] {strides = array<i32>} : memref<16x768xf32, #tpu.memory_space<vmem>>, vector<1x16xf32>,
        %swap3A_605 = vector.shape_cast %swap3A_604 : vector<1x16xf32> to vector<16xf32>
        %swap3A_606 = vector.shape_cast %get3A_601 : vector<16xf32> to vector<1x16xf32>
        tpu.vector_store %arg17[%swap3A_602, %swap3A_603], %swap3A_606 {add = true, strides = array<i32>} : memref<16x768xf32, #tpu.memory_space<vmem>>, vector<1x16xf32>,
        %get3A_607 = arith.index_cast %scan3A_292 : i32 to index
        %get3A_608 = arith.constant 560 : index
        %get3A_609 = tpu.vector_load %arg18[%get3A_607, %get3A_608] {strides = array<i32>} : memref<16x768xf32, #tpu.memory_space<vmem>>, vector<1x16xf32>,
        %get3A_610 = vector.shape_cast %get3A_609 : vector<1x16xf32> to vector<16xf32>
        %swap3A_611 = arith.index_cast %scan3A_292 : i32 to index
        %swap3A_612 = arith.constant 560 : index
        %swap3A_613 = tpu.vector_load %arg17[%swap3A_611, %swap3A_612] {strides = array<i32>} : memref<16x768xf32, #tpu.memory_space<vmem>>, vector<1x16xf32>,
        %swap3A_614 = vector.shape_cast %swap3A_613 : vector<1x16xf32> to vector<16xf32>
        %swap3A_615 = vector.shape_cast %get3A_610 : vector<16xf32> to vector<1x16xf32>
        tpu.vector_store %arg17[%swap3A_611, %swap3A_612], %swap3A_615 {add = true, strides = array<i32>} : memref<16x768xf32, #tpu.memory_space<vmem>>, vector<1x16xf32>,
        %get3A_616 = arith.index_cast %scan3A_292 : i32 to index
        %get3A_617 = arith.constant 576 : index
        %get3A_618 = tpu.vector_load %arg18[%get3A_616, %get3A_617] {strides = array<i32>} : memref<16x768xf32, #tpu.memory_space<vmem>>, vector<1x16xf32>,
        %get3A_619 = vector.shape_cast %get3A_618 : vector<1x16xf32> to vector<16xf32>
        %swap3A_620 = arith.index_cast %scan3A_292 : i32 to index
        %swap3A_621 = arith.constant 576 : index
        %swap3A_622 = tpu.vector_load %arg17[%swap3A_620, %swap3A_621] {strides = array<i32>} : memref<16x768xf32, #tpu.memory_space<vmem>>, vector<1x16xf32>,
        %swap3A_623 = vector.shape_cast %swap3A_622 : vector<1x16xf32> to vector<16xf32>
        %swap3A_624 = vector.shape_cast %get3A_619 : vector<16xf32> to vector<1x16xf32>
        tpu.vector_store %arg17[%swap3A_620, %swap3A_621], %swap3A_624 {add = true, strides = array<i32>} : memref<16x768xf32, #tpu.memory_space<vmem>>, vector<1x16xf32>,
        %get3A_625 = arith.index_cast %scan3A_292 : i32 to index
        %get3A_626 = arith.constant 592 : index
        %get3A_627 = tpu.vector_load %arg18[%get3A_625, %get3A_626] {strides = array<i32>} : memref<16x768xf32, #tpu.memory_space<vmem>>, vector<1x16xf32>,
        %get3A_628 = vector.shape_cast %get3A_627 : vector<1x16xf32> to vector<16xf32>
        %swap3A_629 = arith.index_cast %scan3A_292 : i32 to index
        %swap3A_630 = arith.constant 592 : index
        %swap3A_631 = tpu.vector_load %arg17[%swap3A_629, %swap3A_630] {strides = array<i32>} : memref<16x768xf32, #tpu.memory_space<vmem>>, vector<1x16xf32>,
        %swap3A_632 = vector.shape_cast %swap3A_631 : vector<1x16xf32> to vector<16xf32>
        %swap3A_633 = vector.shape_cast %get3A_628 : vector<16xf32> to vector<1x16xf32>
        tpu.vector_store %arg17[%swap3A_629, %swap3A_630], %swap3A_633 {add = true, strides = array<i32>} : memref<16x768xf32, #tpu.memory_space<vmem>>, vector<1x16xf32>,
        %get3A_634 = arith.index_cast %scan3A_292 : i32 to index
        %get3A_635 = arith.constant 608 : index
        %get3A_636 = tpu.vector_load %arg18[%get3A_634, %get3A_635] {strides = array<i32>} : memref<16x768xf32, #tpu.memory_space<vmem>>, vector<1x16xf32>,
        %get3A_637 = vector.shape_cast %get3A_636 : vector<1x16xf32> to vector<16xf32>
        %swap3A_638 = arith.index_cast %scan3A_292 : i32 to index
        %swap3A_639 = arith.constant 608 : index
        %swap3A_640 = tpu.vector_load %arg17[%swap3A_638, %swap3A_639] {strides = array<i32>} : memref<16x768xf32, #tpu.memory_space<vmem>>, vector<1x16xf32>,
        %swap3A_641 = vector.shape_cast %swap3A_640 : vector<1x16xf32> to vector<16xf32>
        %swap3A_642 = vector.shape_cast %get3A_637 : vector<16xf32> to vector<1x16xf32>
        tpu.vector_store %arg17[%swap3A_638, %swap3A_639], %swap3A_642 {add = true, strides = array<i32>} : memref<16x768xf32, #tpu.memory_space<vmem>>, vector<1x16xf32>,
        %get3A_643 = arith.index_cast %scan3A_292 : i32 to index
        %get3A_644 = arith.constant 624 : index
        %get3A_645 = tpu.vector_load %arg18[%get3A_643, %get3A_644] {strides = array<i32>} : memref<16x768xf32, #tpu.memory_space<vmem>>, vector<1x16xf32>,
        %get3A_646 = vector.shape_cast %get3A_645 : vector<1x16xf32> to vector<16xf32>
        %swap3A_647 = arith.index_cast %scan3A_292 : i32 to index
        %swap3A_648 = arith.constant 624 : index
        %swap3A_649 = tpu.vector_load %arg17[%swap3A_647, %swap3A_648] {strides = array<i32>} : memref<16x768xf32, #tpu.memory_space<vmem>>, vector<1x16xf32>,
        %swap3A_650 = vector.shape_cast %swap3A_649 : vector<1x16xf32> to vector<16xf32>
        %swap3A_651 = vector.shape_cast %get3A_646 : vector<16xf32> to vector<1x16xf32>
        tpu.vector_store %arg17[%swap3A_647, %swap3A_648], %swap3A_651 {add = true, strides = array<i32>} : memref<16x768xf32, #tpu.memory_space<vmem>>, vector<1x16xf32>,
        %get3A_652 = arith.index_cast %scan3A_292 : i32 to index
        %get3A_653 = arith.constant 640 : index
        %get3A_654 = tpu.vector_load %arg18[%get3A_652, %get3A_653] {strides = array<i32>} : memref<16x768xf32, #tpu.memory_space<vmem>>, vector<1x16xf32>,
        %get3A_655 = vector.shape_cast %get3A_654 : vector<1x16xf32> to vector<16xf32>
        %swap3A_656 = arith.index_cast %scan3A_292 : i32 to index
        %swap3A_657 = arith.constant 640 : index
        %swap3A_658 = tpu.vector_load %arg17[%swap3A_656, %swap3A_657] {strides = array<i32>} : memref<16x768xf32, #tpu.memory_space<vmem>>, vector<1x16xf32>,
        %swap3A_659 = vector.shape_cast %swap3A_658 : vector<1x16xf32> to vector<16xf32>
        %swap3A_660 = vector.shape_cast %get3A_655 : vector<16xf32> to vector<1x16xf32>
        tpu.vector_store %arg17[%swap3A_656, %swap3A_657], %swap3A_660 {add = true, strides = array<i32>} : memref<16x768xf32, #tpu.memory_space<vmem>>, vector<1x16xf32>,
        %get3A_661 = arith.index_cast %scan3A_292 : i32 to index
        %get3A_662 = arith.constant 656 : index
        %get3A_663 = tpu.vector_load %arg18[%get3A_661, %get3A_662] {strides = array<i32>} : memref<16x768xf32, #tpu.memory_space<vmem>>, vector<1x16xf32>,
        %get3A_664 = vector.shape_cast %get3A_663 : vector<1x16xf32> to vector<16xf32>
        %swap3A_665 = arith.index_cast %scan3A_292 : i32 to index
        %swap3A_666 = arith.constant 656 : index
        %swap3A_667 = tpu.vector_load %arg17[%swap3A_665, %swap3A_666] {strides = array<i32>} : memref<16x768xf32, #tpu.memory_space<vmem>>, vector<1x16xf32>,
        %swap3A_668 = vector.shape_cast %swap3A_667 : vector<1x16xf32> to vector<16xf32>
        %swap3A_669 = vector.shape_cast %get3A_664 : vector<16xf32> to vector<1x16xf32>
        tpu.vector_store %arg17[%swap3A_665, %swap3A_666], %swap3A_669 {add = true, strides = array<i32>} : memref<16x768xf32, #tpu.memory_space<vmem>>, vector<1x16xf32>,
        %get3A_670 = arith.index_cast %scan3A_292 : i32 to index
        %get3A_671 = arith.constant 672 : index
        %get3A_672 = tpu.vector_load %arg18[%get3A_670, %get3A_671] {strides = array<i32>} : memref<16x768xf32, #tpu.memory_space<vmem>>, vector<1x16xf32>,
        %get3A_673 = vector.shape_cast %get3A_672 : vector<1x16xf32> to vector<16xf32>
        %swap3A_674 = arith.index_cast %scan3A_292 : i32 to index
        %swap3A_675 = arith.constant 672 : index
        %swap3A_676 = tpu.vector_load %arg17[%swap3A_674, %swap3A_675] {strides = array<i32>} : memref<16x768xf32, #tpu.memory_space<vmem>>, vector<1x16xf32>,
        %swap3A_677 = vector.shape_cast %swap3A_676 : vector<1x16xf32> to vector<16xf32>
        %swap3A_678 = vector.shape_cast %get3A_673 : vector<16xf32> to vector<1x16xf32>
        tpu.vector_store %arg17[%swap3A_674, %swap3A_675], %swap3A_678 {add = true, strides = array<i32>} : memref<16x768xf32, #tpu.memory_space<vmem>>, vector<1x16xf32>,
        %get3A_679 = arith.index_cast %scan3A_292 : i32 to index
        %get3A_680 = arith.constant 688 : index
        %get3A_681 = tpu.vector_load %arg18[%get3A_679, %get3A_680] {strides = array<i32>} : memref<16x768xf32, #tpu.memory_space<vmem>>, vector<1x16xf32>,
        %get3A_682 = vector.shape_cast %get3A_681 : vector<1x16xf32> to vector<16xf32>
        %swap3A_683 = arith.index_cast %scan3A_292 : i32 to index
        %swap3A_684 = arith.constant 688 : index
        %swap3A_685 = tpu.vector_load %arg17[%swap3A_683, %swap3A_684] {strides = array<i32>} : memref<16x768xf32, #tpu.memory_space<vmem>>, vector<1x16xf32>,
        %swap3A_686 = vector.shape_cast %swap3A_685 : vector<1x16xf32> to vector<16xf32>
        %swap3A_687 = vector.shape_cast %get3A_682 : vector<16xf32> to vector<1x16xf32>
        tpu.vector_store %arg17[%swap3A_683, %swap3A_684], %swap3A_687 {add = true, strides = array<i32>} : memref<16x768xf32, #tpu.memory_space<vmem>>, vector<1x16xf32>,
        %get3A_688 = arith.index_cast %scan3A_292 : i32 to index
        %get3A_689 = arith.constant 704 : index
        %get3A_690 = tpu.vector_load %arg18[%get3A_688, %get3A_689] {strides = array<i32>} : memref<16x768xf32, #tpu.memory_space<vmem>>, vector<1x16xf32>,
        %get3A_691 = vector.shape_cast %get3A_690 : vector<1x16xf32> to vector<16xf32>
        %swap3A_692 = arith.index_cast %scan3A_292 : i32 to index
        %swap3A_693 = arith.constant 704 : index
        %swap3A_694 = tpu.vector_load %arg17[%swap3A_692, %swap3A_693] {strides = array<i32>} : memref<16x768xf32, #tpu.memory_space<vmem>>, vector<1x16xf32>,
        %swap3A_695 = vector.shape_cast %swap3A_694 : vector<1x16xf32> to vector<16xf32>
        %swap3A_696 = vector.shape_cast %get3A_691 : vector<16xf32> to vector<1x16xf32>
        tpu.vector_store %arg17[%swap3A_692, %swap3A_693], %swap3A_696 {add = true, strides = array<i32>} : memref<16x768xf32, #tpu.memory_space<vmem>>, vector<1x16xf32>,
        %get3A_697 = arith.index_cast %scan3A_292 : i32 to index
        %get3A_698 = arith.constant 720 : index
        %get3A_699 = tpu.vector_load %arg18[%get3A_697, %get3A_698] {strides = array<i32>} : memref<16x768xf32, #tpu.memory_space<vmem>>, vector<1x16xf32>,
        %get3A_700 = vector.shape_cast %get3A_699 : vector<1x16xf32> to vector<16xf32>
        %swap3A_701 = arith.index_cast %scan3A_292 : i32 to index
        %swap3A_702 = arith.constant 720 : index
        %swap3A_703 = tpu.vector_load %arg17[%swap3A_701, %swap3A_702] {strides = array<i32>} : memref<16x768xf32, #tpu.memory_space<vmem>>, vector<1x16xf32>,
        %swap3A_704 = vector.shape_cast %swap3A_703 : vector<1x16xf32> to vector<16xf32>
        %swap3A_705 = vector.shape_cast %get3A_700 : vector<16xf32> to vector<1x16xf32>
        tpu.vector_store %arg17[%swap3A_701, %swap3A_702], %swap3A_705 {add = true, strides = array<i32>} : memref<16x768xf32, #tpu.memory_space<vmem>>, vector<1x16xf32>,
        %get3A_706 = arith.index_cast %scan3A_292 : i32 to index
        %get3A_707 = arith.constant 736 : index
        %get3A_708 = tpu.vector_load %arg18[%get3A_706, %get3A_707] {strides = array<i32>} : memref<16x768xf32, #tpu.memory_space<vmem>>, vector<1x16xf32>,
        %get3A_709 = vector.shape_cast %get3A_708 : vector<1x16xf32> to vector<16xf32>
        %swap3A_710 = arith.index_cast %scan3A_292 : i32 to index
        %swap3A_711 = arith.constant 736 : index
        %swap3A_712 = tpu.vector_load %arg17[%swap3A_710, %swap3A_711] {strides = array<i32>} : memref<16x768xf32, #tpu.memory_space<vmem>>, vector<1x16xf32>,
        %swap3A_713 = vector.shape_cast %swap3A_712 : vector<1x16xf32> to vector<16xf32>
        %swap3A_714 = vector.shape_cast %get3A_709 : vector<16xf32> to vector<1x16xf32>
        tpu.vector_store %arg17[%swap3A_710, %swap3A_711], %swap3A_714 {add = true, strides = array<i32>} : memref<16x768xf32, #tpu.memory_space<vmem>>, vector<1x16xf32>,
        %get3A_715 = arith.index_cast %scan3A_292 : i32 to index
        %get3A_716 = arith.constant 752 : index
        %get3A_717 = tpu.vector_load %arg18[%get3A_715, %get3A_716] {strides = array<i32>} : memref<16x768xf32, #tpu.memory_space<vmem>>, vector<1x16xf32>,
        %get3A_718 = vector.shape_cast %get3A_717 : vector<1x16xf32> to vector<16xf32>
        %swap3A_719 = arith.index_cast %scan3A_292 : i32 to index
        %swap3A_720 = arith.constant 752 : index
        %swap3A_721 = tpu.vector_load %arg17[%swap3A_719, %swap3A_720] {strides = array<i32>} : memref<16x768xf32, #tpu.memory_space<vmem>>, vector<1x16xf32>,
        %swap3A_722 = vector.shape_cast %swap3A_721 : vector<1x16xf32> to vector<16xf32>
        %swap3A_723 = vector.shape_cast %get3A_718 : vector<16xf32> to vector<1x16xf32>
        tpu.vector_store %arg17[%swap3A_719, %swap3A_720], %swap3A_723 {add = true, strides = array<i32>} : memref<16x768xf32, #tpu.memory_space<vmem>>, vector<1x16xf32>,
        %scan3A_724 = arith.constant 0 : i32
        scf.yield %scan3A_724 : i32
      }
      %scan3A_183 = arith.constant 16 : i32
      %mul3A_184 = arith.constant 16 : i32
      %mul3A_185 = arith.muli %add3A_142, %mul3A_184 : i32
      %add3A_186 = arith.addi %mul3A_2, %mul3A_185 : i32
      %dma_start3A_187 = arith.constant 0 : i32
      %dma_start3A_188 = tpu.memref_slice %arg8[%add3A_186, %dma_start3A_187] : memref<32768x768xf32, #tpu.memory_space<hbm>> -> memref<16x768xf32, #tpu.memory_space<hbm>>
      %dma_start3A_189 = arith.constant 0 : i32
      %dma_start3A_190 = tpu.memref_slice %arg8[%add3A_186, %dma_start3A_189] : memref<32768x768xf32, #tpu.memory_space<hbm>> -> memref<16x768xf32, #tpu.memory_space<hbm>>
      tpu.enqueue_dma source(%arg17 : memref<16x768xf32, #tpu.memory_space<vmem>>) target(%dma_start3A_190 : memref<16x768xf32, #tpu.memory_space<hbm>>) target_semaphore(%arg28 : memref<!tpu.dma_semaphore, #tpu.memory_space<semaphore_mem>>)
      %add3A_191 = arith.constant 2 : i32
      %add3A_192 = arith.addi %mul3A_91, %add3A_191 : i32
      %dma_wait3A_193 = arith.constant 0 : i32
      %dma_wait3A_194 = arith.constant 0 : i32
      %dma_wait3A_195 = tpu.memref_slice %arg6[%dma_wait3A_193, %dma_wait3A_194] : memref<4096x768xf32, #tpu.memory_space<hbm>> -> memref<16x768xf32, #tpu.memory_space<hbm>>
      %dma_wait3A_196 = arith.constant 0 : i32
      %dma_wait3A_197 = arith.constant 0 : i32
      %dma_wait3A_198 = tpu.memref_slice %arg6[%dma_wait3A_196, %dma_wait3A_197] : memref<4096x768xf32, #tpu.memory_space<hbm>> -> memref<16x768xf32, #tpu.memory_space<hbm>>
      tpu.wait_dma2 semaphore(%arg25 : memref<!tpu.dma_semaphore, #tpu.memory_space<semaphore_mem>>) src(%dma_wait3A_198 : memref<16x768xf32, #tpu.memory_space<hbm>>) dst(%arg19 : memref<16x768xf32, #tpu.memory_space<vmem>>)
      %dma_wait3A_199 = arith.constant 0 : i32
      %dma_wait3A_200 = arith.constant 0 : i32
      %dma_wait3A_201 = tpu.memref_slice %arg7[%dma_wait3A_199, %dma_wait3A_200] : memref<4096x768xf32, #tpu.memory_space<hbm>> -> memref<16x768xf32, #tpu.memory_space<hbm>>
      %dma_wait3A_202 = arith.constant 0 : i32
      %dma_wait3A_203 = arith.constant 0 : i32
      %dma_wait3A_204 = tpu.memref_slice %arg7[%dma_wait3A_202, %dma_wait3A_203] : memref<4096x768xf32, #tpu.memory_space<hbm>> -> memref<16x768xf32, #tpu.memory_space<hbm>>
      tpu.wait_dma2 semaphore(%arg25 : memref<!tpu.dma_semaphore, #tpu.memory_space<semaphore_mem>>) src(%dma_wait3A_204 : memref<16x768xf32, #tpu.memory_space<hbm>>) dst(%arg20 : memref<16x768xf32, #tpu.memory_space<vmem>>)
      %dma_wait3A_205 = arith.constant 0 : i32
      %dma_wait3A_206 = tpu.memref_slice %arg8[%mul3A_2, %dma_wait3A_205] : memref<32768x768xf32, #tpu.memory_space<hbm>> -> memref<16x768xf32, #tpu.memory_space<hbm>>
      %dma_wait3A_207 = arith.constant 0 : i32
      %dma_wait3A_208 = tpu.memref_slice %arg8[%mul3A_2, %dma_wait3A_207] : memref<32768x768xf32, #tpu.memory_space<hbm>> -> memref<16x768xf32, #tpu.memory_space<hbm>>
      tpu.wait_dma2 semaphore(%arg27 : memref<!tpu.dma_semaphore, #tpu.memory_space<semaphore_mem>>) src(%arg15 : memref<16x768xf32, #tpu.memory_space<vmem>>) dst(%dma_wait3A_208 : memref<16x768xf32, #tpu.memory_space<hbm>>)
      %add3A_209 = arith.constant 2 : i32
      %add3A_210 = arith.addi %add3A_192, %add3A_209 : i32
      %lt3A_211 = arith.constant 64 : i32
      %lt3A_212 = arith.cmpi slt, %add3A_210, %lt3A_211 : i32
      %jit3A_213 = arith.constant 0 : i32
      %select_n3A_214 = arith.select %lt3A_212, %add3A_210, %jit3A_213 : i32
      %mul3A_215 = arith.constant 16 : i32
      %mul3A_216 = arith.muli %select_n3A_214, %mul3A_215 : i32
      %mul3A_217 = arith.constant 16 : i32
      %mul3A_218 = arith.muli %select_n3A_214, %mul3A_217 : i32
      %dma_start3A_219 = tpu.memref_slice %arg13[%mul3A_216] : memref<1024xi32, #tpu.memory_space<vmem>> -> memref<16xi32, #tpu.memory_space<vmem>>
      %dma_start3A_220 = arith.constant 0 : i32
      %dma_start3A_221 = arith.constant 0 : i32
      %dma_start3A_222 = tpu.memref_slice %arg6[%dma_start3A_220, %dma_start3A_221] : memref<4096x768xf32, #tpu.memory_space<hbm>> -> memref<4096x768xf32, #tpu.memory_space<hbm>>
      tpu.enqueue_indirect_dma source(%dma_start3A_222 : memref<4096x768xf32, #tpu.memory_space<hbm>>) target(%arg15 : memref<16x768xf32, #tpu.memory_space<vmem>>) offsets(%dma_start3A_219 : memref<16xi32, #tpu.memory_space<vmem>>) semaphore(%arg23 : memref<!tpu.dma_semaphore, #tpu.memory_space<semaphore_mem>>)
      %dma_start3A_223 = tpu.memref_slice %arg14[%mul3A_218] : memref<1024xi32, #tpu.memory_space<vmem>> -> memref<16xi32, #tpu.memory_space<vmem>>
      %dma_start3A_224 = arith.constant 0 : i32
      %dma_start3A_225 = arith.constant 0 : i32
      %dma_start3A_226 = tpu.memref_slice %arg7[%dma_start3A_224, %dma_start3A_225] : memref<4096x768xf32, #tpu.memory_space<hbm>> -> memref<4096x768xf32, #tpu.memory_space<hbm>>
      tpu.enqueue_indirect_dma source(%dma_start3A_226 : memref<4096x768xf32, #tpu.memory_space<hbm>>) target(%arg16 : memref<16x768xf32, #tpu.memory_space<vmem>>) offsets(%dma_start3A_223 : memref<16xi32, #tpu.memory_space<vmem>>) semaphore(%arg23 : memref<!tpu.dma_semaphore, #tpu.memory_space<semaphore_mem>>)
      %scan3A_227 = arith.constant 0 : i32
      %scan3A_228 = arith.constant 0 : i32
      %scan3A_229 = arith.constant 16 : i32
      %scan3A_230 = arith.addi %scan3A_228, %scan3A_229 : i32
      %scan3A_231 = arith.constant 1 : i32
      %scan3A_232 = scf.for %scan3A_292 = %scan3A_228 to %scan3A_230 step %scan3A_231 iter_args(%scan3A_293 = %scan3A_227) -> (i32)  : i32 {
        %get3A = arith.index_cast %scan3A_292 : i32 to index
        %get3A_294 = arith.constant 0 : index
        %get3A_295 = tpu.vector_load %arg20[%get3A, %get3A_294] {strides = array<i32>} : memref<16x768xf32, #tpu.memory_space<vmem>>, vector<1x16xf32>,
        %get3A_296 = vector.shape_cast %get3A_295 : vector<1x16xf32> to vector<16xf32>
        %swap3A = arith.index_cast %scan3A_292 : i32 to index
        %swap3A_297 = arith.constant 0 : index
        %swap3A_298 = tpu.vector_load %arg19[%swap3A, %swap3A_297] {strides = array<i32>} : memref<16x768xf32, #tpu.memory_space<vmem>>, vector<1x16xf32>,
        %swap3A_299 = vector.shape_cast %swap3A_298 : vector<1x16xf32> to vector<16xf32>
        %swap3A_300 = vector.shape_cast %get3A_296 : vector<16xf32> to vector<1x16xf32>
        tpu.vector_store %arg19[%swap3A, %swap3A_297], %swap3A_300 {add = true, strides = array<i32>} : memref<16x768xf32, #tpu.memory_space<vmem>>, vector<1x16xf32>,
        %get3A_301 = arith.index_cast %scan3A_292 : i32 to index
        %get3A_302 = arith.constant 16 : index
        %get3A_303 = tpu.vector_load %arg20[%get3A_301, %get3A_302] {strides = array<i32>} : memref<16x768xf32, #tpu.memory_space<vmem>>, vector<1x16xf32>,
        %get3A_304 = vector.shape_cast %get3A_303 : vector<1x16xf32> to vector<16xf32>
        %swap3A_305 = arith.index_cast %scan3A_292 : i32 to index
        %swap3A_306 = arith.constant 16 : index
        %swap3A_307 = tpu.vector_load %arg19[%swap3A_305, %swap3A_306] {strides = array<i32>} : memref<16x768xf32, #tpu.memory_space<vmem>>, vector<1x16xf32>,
        %swap3A_308 = vector.shape_cast %swap3A_307 : vector<1x16xf32> to vector<16xf32>
        %swap3A_309 = vector.shape_cast %get3A_304 : vector<16xf32> to vector<1x16xf32>
        tpu.vector_store %arg19[%swap3A_305, %swap3A_306], %swap3A_309 {add = true, strides = array<i32>} : memref<16x768xf32, #tpu.memory_space<vmem>>, vector<1x16xf32>,
        %get3A_310 = arith.index_cast %scan3A_292 : i32 to index
        %get3A_311 = arith.constant 32 : index
        %get3A_312 = tpu.vector_load %arg20[%get3A_310, %get3A_311] {strides = array<i32>} : memref<16x768xf32, #tpu.memory_space<vmem>>, vector<1x16xf32>,
        %get3A_313 = vector.shape_cast %get3A_312 : vector<1x16xf32> to vector<16xf32>
        %swap3A_314 = arith.index_cast %scan3A_292 : i32 to index
        %swap3A_315 = arith.constant 32 : index
        %swap3A_316 = tpu.vector_load %arg19[%swap3A_314, %swap3A_315] {strides = array<i32>} : memref<16x768xf32, #tpu.memory_space<vmem>>, vector<1x16xf32>,
        %swap3A_317 = vector.shape_cast %swap3A_316 : vector<1x16xf32> to vector<16xf32>
        %swap3A_318 = vector.shape_cast %get3A_313 : vector<16xf32> to vector<1x16xf32>
        tpu.vector_store %arg19[%swap3A_314, %swap3A_315], %swap3A_318 {add = true, strides = array<i32>} : memref<16x768xf32, #tpu.memory_space<vmem>>, vector<1x16xf32>,
        %get3A_319 = arith.index_cast %scan3A_292 : i32 to index
        %get3A_320 = arith.constant 48 : index
        %get3A_321 = tpu.vector_load %arg20[%get3A_319, %get3A_320] {strides = array<i32>} : memref<16x768xf32, #tpu.memory_space<vmem>>, vector<1x16xf32>,
        %get3A_322 = vector.shape_cast %get3A_321 : vector<1x16xf32> to vector<16xf32>
        %swap3A_323 = arith.index_cast %scan3A_292 : i32 to index
        %swap3A_324 = arith.constant 48 : index
        %swap3A_325 = tpu.vector_load %arg19[%swap3A_323, %swap3A_324] {strides = array<i32>} : memref<16x768xf32, #tpu.memory_space<vmem>>, vector<1x16xf32>,
        %swap3A_326 = vector.shape_cast %swap3A_325 : vector<1x16xf32> to vector<16xf32>
        %swap3A_327 = vector.shape_cast %get3A_322 : vector<16xf32> to vector<1x16xf32>
        tpu.vector_store %arg19[%swap3A_323, %swap3A_324], %swap3A_327 {add = true, strides = array<i32>} : memref<16x768xf32, #tpu.memory_space<vmem>>, vector<1x16xf32>,
        %get3A_328 = arith.index_cast %scan3A_292 : i32 to index
        %get3A_329 = arith.constant 64 : index
        %get3A_330 = tpu.vector_load %arg20[%get3A_328, %get3A_329] {strides = array<i32>} : memref<16x768xf32, #tpu.memory_space<vmem>>, vector<1x16xf32>,
        %get3A_331 = vector.shape_cast %get3A_330 : vector<1x16xf32> to vector<16xf32>
        %swap3A_332 = arith.index_cast %scan3A_292 : i32 to index
        %swap3A_333 = arith.constant 64 : index
        %swap3A_334 = tpu.vector_load %arg19[%swap3A_332, %swap3A_333] {strides = array<i32>} : memref<16x768xf32, #tpu.memory_space<vmem>>, vector<1x16xf32>,
        %swap3A_335 = vector.shape_cast %swap3A_334 : vector<1x16xf32> to vector<16xf32>
        %swap3A_336 = vector.shape_cast %get3A_331 : vector<16xf32> to vector<1x16xf32>
        tpu.vector_store %arg19[%swap3A_332, %swap3A_333], %swap3A_336 {add = true, strides = array<i32>} : memref<16x768xf32, #tpu.memory_space<vmem>>, vector<1x16xf32>,
        %get3A_337 = arith.index_cast %scan3A_292 : i32 to index
        %get3A_338 = arith.constant 80 : index
        %get3A_339 = tpu.vector_load %arg20[%get3A_337, %get3A_338] {strides = array<i32>} : memref<16x768xf32, #tpu.memory_space<vmem>>, vector<1x16xf32>,
        %get3A_340 = vector.shape_cast %get3A_339 : vector<1x16xf32> to vector<16xf32>
        %swap3A_341 = arith.index_cast %scan3A_292 : i32 to index
        %swap3A_342 = arith.constant 80 : index
        %swap3A_343 = tpu.vector_load %arg19[%swap3A_341, %swap3A_342] {strides = array<i32>} : memref<16x768xf32, #tpu.memory_space<vmem>>, vector<1x16xf32>,
        %swap3A_344 = vector.shape_cast %swap3A_343 : vector<1x16xf32> to vector<16xf32>
        %swap3A_345 = vector.shape_cast %get3A_340 : vector<16xf32> to vector<1x16xf32>
        tpu.vector_store %arg19[%swap3A_341, %swap3A_342], %swap3A_345 {add = true, strides = array<i32>} : memref<16x768xf32, #tpu.memory_space<vmem>>, vector<1x16xf32>,
        %get3A_346 = arith.index_cast %scan3A_292 : i32 to index
        %get3A_347 = arith.constant 96 : index
        %get3A_348 = tpu.vector_load %arg20[%get3A_346, %get3A_347] {strides = array<i32>} : memref<16x768xf32, #tpu.memory_space<vmem>>, vector<1x16xf32>,
        %get3A_349 = vector.shape_cast %get3A_348 : vector<1x16xf32> to vector<16xf32>
        %swap3A_350 = arith.index_cast %scan3A_292 : i32 to index
        %swap3A_351 = arith.constant 96 : index
        %swap3A_352 = tpu.vector_load %arg19[%swap3A_350, %swap3A_351] {strides = array<i32>} : memref<16x768xf32, #tpu.memory_space<vmem>>, vector<1x16xf32>,
        %swap3A_353 = vector.shape_cast %swap3A_352 : vector<1x16xf32> to vector<16xf32>
        %swap3A_354 = vector.shape_cast %get3A_349 : vector<16xf32> to vector<1x16xf32>
        tpu.vector_store %arg19[%swap3A_350, %swap3A_351], %swap3A_354 {add = true, strides = array<i32>} : memref<16x768xf32, #tpu.memory_space<vmem>>, vector<1x16xf32>,
        %get3A_355 = arith.index_cast %scan3A_292 : i32 to index
        %get3A_356 = arith.constant 112 : index
        %get3A_357 = tpu.vector_load %arg20[%get3A_355, %get3A_356] {strides = array<i32>} : memref<16x768xf32, #tpu.memory_space<vmem>>, vector<1x16xf32>,
        %get3A_358 = vector.shape_cast %get3A_357 : vector<1x16xf32> to vector<16xf32>
        %swap3A_359 = arith.index_cast %scan3A_292 : i32 to index
        %swap3A_360 = arith.constant 112 : index
        %swap3A_361 = tpu.vector_load %arg19[%swap3A_359, %swap3A_360] {strides = array<i32>} : memref<16x768xf32, #tpu.memory_space<vmem>>, vector<1x16xf32>,
        %swap3A_362 = vector.shape_cast %swap3A_361 : vector<1x16xf32> to vector<16xf32>
        %swap3A_363 = vector.shape_cast %get3A_358 : vector<16xf32> to vector<1x16xf32>
        tpu.vector_store %arg19[%swap3A_359, %swap3A_360], %swap3A_363 {add = true, strides = array<i32>} : memref<16x768xf32, #tpu.memory_space<vmem>>, vector<1x16xf32>,
        %get3A_364 = arith.index_cast %scan3A_292 : i32 to index
        %get3A_365 = arith.constant 128 : index
        %get3A_366 = tpu.vector_load %arg20[%get3A_364, %get3A_365] {strides = array<i32>} : memref<16x768xf32, #tpu.memory_space<vmem>>, vector<1x16xf32>,
        %get3A_367 = vector.shape_cast %get3A_366 : vector<1x16xf32> to vector<16xf32>
        %swap3A_368 = arith.index_cast %scan3A_292 : i32 to index
        %swap3A_369 = arith.constant 128 : index
        %swap3A_370 = tpu.vector_load %arg19[%swap3A_368, %swap3A_369] {strides = array<i32>} : memref<16x768xf32, #tpu.memory_space<vmem>>, vector<1x16xf32>,
        %swap3A_371 = vector.shape_cast %swap3A_370 : vector<1x16xf32> to vector<16xf32>
        %swap3A_372 = vector.shape_cast %get3A_367 : vector<16xf32> to vector<1x16xf32>
        tpu.vector_store %arg19[%swap3A_368, %swap3A_369], %swap3A_372 {add = true, strides = array<i32>} : memref<16x768xf32, #tpu.memory_space<vmem>>, vector<1x16xf32>,
        %get3A_373 = arith.index_cast %scan3A_292 : i32 to index
        %get3A_374 = arith.constant 144 : index
        %get3A_375 = tpu.vector_load %arg20[%get3A_373, %get3A_374] {strides = array<i32>} : memref<16x768xf32, #tpu.memory_space<vmem>>, vector<1x16xf32>,
        %get3A_376 = vector.shape_cast %get3A_375 : vector<1x16xf32> to vector<16xf32>
        %swap3A_377 = arith.index_cast %scan3A_292 : i32 to index
        %swap3A_378 = arith.constant 144 : index
        %swap3A_379 = tpu.vector_load %arg19[%swap3A_377, %swap3A_378] {strides = array<i32>} : memref<16x768xf32, #tpu.memory_space<vmem>>, vector<1x16xf32>,
        %swap3A_380 = vector.shape_cast %swap3A_379 : vector<1x16xf32> to vector<16xf32>
        %swap3A_381 = vector.shape_cast %get3A_376 : vector<16xf32> to vector<1x16xf32>
        tpu.vector_store %arg19[%swap3A_377, %swap3A_378], %swap3A_381 {add = true, strides = array<i32>} : memref<16x768xf32, #tpu.memory_space<vmem>>, vector<1x16xf32>,
        %get3A_382 = arith.index_cast %scan3A_292 : i32 to index
        %get3A_383 = arith.constant 160 : index
        %get3A_384 = tpu.vector_load %arg20[%get3A_382, %get3A_383] {strides = array<i32>} : memref<16x768xf32, #tpu.memory_space<vmem>>, vector<1x16xf32>,
        %get3A_385 = vector.shape_cast %get3A_384 : vector<1x16xf32> to vector<16xf32>
        %swap3A_386 = arith.index_cast %scan3A_292 : i32 to index
        %swap3A_387 = arith.constant 160 : index
        %swap3A_388 = tpu.vector_load %arg19[%swap3A_386, %swap3A_387] {strides = array<i32>} : memref<16x768xf32, #tpu.memory_space<vmem>>, vector<1x16xf32>,
        %swap3A_389 = vector.shape_cast %swap3A_388 : vector<1x16xf32> to vector<16xf32>
        %swap3A_390 = vector.shape_cast %get3A_385 : vector<16xf32> to vector<1x16xf32>
        tpu.vector_store %arg19[%swap3A_386, %swap3A_387], %swap3A_390 {add = true, strides = array<i32>} : memref<16x768xf32, #tpu.memory_space<vmem>>, vector<1x16xf32>,
        %get3A_391 = arith.index_cast %scan3A_292 : i32 to index
        %get3A_392 = arith.constant 176 : index
        %get3A_393 = tpu.vector_load %arg20[%get3A_391, %get3A_392] {strides = array<i32>} : memref<16x768xf32, #tpu.memory_space<vmem>>, vector<1x16xf32>,
        %get3A_394 = vector.shape_cast %get3A_393 : vector<1x16xf32> to vector<16xf32>
        %swap3A_395 = arith.index_cast %scan3A_292 : i32 to index
        %swap3A_396 = arith.constant 176 : index
        %swap3A_397 = tpu.vector_load %arg19[%swap3A_395, %swap3A_396] {strides = array<i32>} : memref<16x768xf32, #tpu.memory_space<vmem>>, vector<1x16xf32>,
        %swap3A_398 = vector.shape_cast %swap3A_397 : vector<1x16xf32> to vector<16xf32>
        %swap3A_399 = vector.shape_cast %get3A_394 : vector<16xf32> to vector<1x16xf32>
        tpu.vector_store %arg19[%swap3A_395, %swap3A_396], %swap3A_399 {add = true, strides = array<i32>} : memref<16x768xf32, #tpu.memory_space<vmem>>, vector<1x16xf32>,
        %get3A_400 = arith.index_cast %scan3A_292 : i32 to index
        %get3A_401 = arith.constant 192 : index
        %get3A_402 = tpu.vector_load %arg20[%get3A_400, %get3A_401] {strides = array<i32>} : memref<16x768xf32, #tpu.memory_space<vmem>>, vector<1x16xf32>,
        %get3A_403 = vector.shape_cast %get3A_402 : vector<1x16xf32> to vector<16xf32>
        %swap3A_404 = arith.index_cast %scan3A_292 : i32 to index
        %swap3A_405 = arith.constant 192 : index
        %swap3A_406 = tpu.vector_load %arg19[%swap3A_404, %swap3A_405] {strides = array<i32>} : memref<16x768xf32, #tpu.memory_space<vmem>>, vector<1x16xf32>,
        %swap3A_407 = vector.shape_cast %swap3A_406 : vector<1x16xf32> to vector<16xf32>
        %swap3A_408 = vector.shape_cast %get3A_403 : vector<16xf32> to vector<1x16xf32>
        tpu.vector_store %arg19[%swap3A_404, %swap3A_405], %swap3A_408 {add = true, strides = array<i32>} : memref<16x768xf32, #tpu.memory_space<vmem>>, vector<1x16xf32>,
        %get3A_409 = arith.index_cast %scan3A_292 : i32 to index
        %get3A_410 = arith.constant 208 : index
        %get3A_411 = tpu.vector_load %arg20[%get3A_409, %get3A_410] {strides = array<i32>} : memref<16x768xf32, #tpu.memory_space<vmem>>, vector<1x16xf32>,
        %get3A_412 = vector.shape_cast %get3A_411 : vector<1x16xf32> to vector<16xf32>
        %swap3A_413 = arith.index_cast %scan3A_292 : i32 to index
        %swap3A_414 = arith.constant 208 : index
        %swap3A_415 = tpu.vector_load %arg19[%swap3A_413, %swap3A_414] {strides = array<i32>} : memref<16x768xf32, #tpu.memory_space<vmem>>, vector<1x16xf32>,
        %swap3A_416 = vector.shape_cast %swap3A_415 : vector<1x16xf32> to vector<16xf32>
        %swap3A_417 = vector.shape_cast %get3A_412 : vector<16xf32> to vector<1x16xf32>
        tpu.vector_store %arg19[%swap3A_413, %swap3A_414], %swap3A_417 {add = true, strides = array<i32>} : memref<16x768xf32, #tpu.memory_space<vmem>>, vector<1x16xf32>,
        %get3A_418 = arith.index_cast %scan3A_292 : i32 to index
        %get3A_419 = arith.constant 224 : index
        %get3A_420 = tpu.vector_load %arg20[%get3A_418, %get3A_419] {strides = array<i32>} : memref<16x768xf32, #tpu.memory_space<vmem>>, vector<1x16xf32>,
        %get3A_421 = vector.shape_cast %get3A_420 : vector<1x16xf32> to vector<16xf32>
        %swap3A_422 = arith.index_cast %scan3A_292 : i32 to index
        %swap3A_423 = arith.constant 224 : index
        %swap3A_424 = tpu.vector_load %arg19[%swap3A_422, %swap3A_423] {strides = array<i32>} : memref<16x768xf32, #tpu.memory_space<vmem>>, vector<1x16xf32>,
        %swap3A_425 = vector.shape_cast %swap3A_424 : vector<1x16xf32> to vector<16xf32>
        %swap3A_426 = vector.shape_cast %get3A_421 : vector<16xf32> to vector<1x16xf32>
        tpu.vector_store %arg19[%swap3A_422, %swap3A_423], %swap3A_426 {add = true, strides = array<i32>} : memref<16x768xf32, #tpu.memory_space<vmem>>, vector<1x16xf32>,
        %get3A_427 = arith.index_cast %scan3A_292 : i32 to index
        %get3A_428 = arith.constant 240 : index
        %get3A_429 = tpu.vector_load %arg20[%get3A_427, %get3A_428] {strides = array<i32>} : memref<16x768xf32, #tpu.memory_space<vmem>>, vector<1x16xf32>,
        %get3A_430 = vector.shape_cast %get3A_429 : vector<1x16xf32> to vector<16xf32>
        %swap3A_431 = arith.index_cast %scan3A_292 : i32 to index
        %swap3A_432 = arith.constant 240 : index
        %swap3A_433 = tpu.vector_load %arg19[%swap3A_431, %swap3A_432] {strides = array<i32>} : memref<16x768xf32, #tpu.memory_space<vmem>>, vector<1x16xf32>,
        %swap3A_434 = vector.shape_cast %swap3A_433 : vector<1x16xf32> to vector<16xf32>
        %swap3A_435 = vector.shape_cast %get3A_430 : vector<16xf32> to vector<1x16xf32>
        tpu.vector_store %arg19[%swap3A_431, %swap3A_432], %swap3A_435 {add = true, strides = array<i32>} : memref<16x768xf32, #tpu.memory_space<vmem>>, vector<1x16xf32>,
        %get3A_436 = arith.index_cast %scan3A_292 : i32 to index
        %get3A_437 = arith.constant 256 : index
        %get3A_438 = tpu.vector_load %arg20[%get3A_436, %get3A_437] {strides = array<i32>} : memref<16x768xf32, #tpu.memory_space<vmem>>, vector<1x16xf32>,
        %get3A_439 = vector.shape_cast %get3A_438 : vector<1x16xf32> to vector<16xf32>
        %swap3A_440 = arith.index_cast %scan3A_292 : i32 to index
        %swap3A_441 = arith.constant 256 : index
        %swap3A_442 = tpu.vector_load %arg19[%swap3A_440, %swap3A_441] {strides = array<i32>} : memref<16x768xf32, #tpu.memory_space<vmem>>, vector<1x16xf32>,
        %swap3A_443 = vector.shape_cast %swap3A_442 : vector<1x16xf32> to vector<16xf32>
        %swap3A_444 = vector.shape_cast %get3A_439 : vector<16xf32> to vector<1x16xf32>
        tpu.vector_store %arg19[%swap3A_440, %swap3A_441], %swap3A_444 {add = true, strides = array<i32>} : memref<16x768xf32, #tpu.memory_space<vmem>>, vector<1x16xf32>,
        %get3A_445 = arith.index_cast %scan3A_292 : i32 to index
        %get3A_446 = arith.constant 272 : index
        %get3A_447 = tpu.vector_load %arg20[%get3A_445, %get3A_446] {strides = array<i32>} : memref<16x768xf32, #tpu.memory_space<vmem>>, vector<1x16xf32>,
        %get3A_448 = vector.shape_cast %get3A_447 : vector<1x16xf32> to vector<16xf32>
        %swap3A_449 = arith.index_cast %scan3A_292 : i32 to index
        %swap3A_450 = arith.constant 272 : index
        %swap3A_451 = tpu.vector_load %arg19[%swap3A_449, %swap3A_450] {strides = array<i32>} : memref<16x768xf32, #tpu.memory_space<vmem>>, vector<1x16xf32>,
        %swap3A_452 = vector.shape_cast %swap3A_451 : vector<1x16xf32> to vector<16xf32>
        %swap3A_453 = vector.shape_cast %get3A_448 : vector<16xf32> to vector<1x16xf32>
        tpu.vector_store %arg19[%swap3A_449, %swap3A_450], %swap3A_453 {add = true, strides = array<i32>} : memref<16x768xf32, #tpu.memory_space<vmem>>, vector<1x16xf32>,
        %get3A_454 = arith.index_cast %scan3A_292 : i32 to index
        %get3A_455 = arith.constant 288 : index
        %get3A_456 = tpu.vector_load %arg20[%get3A_454, %get3A_455] {strides = array<i32>} : memref<16x768xf32, #tpu.memory_space<vmem>>, vector<1x16xf32>,
        %get3A_457 = vector.shape_cast %get3A_456 : vector<1x16xf32> to vector<16xf32>
        %swap3A_458 = arith.index_cast %scan3A_292 : i32 to index
        %swap3A_459 = arith.constant 288 : index
        %swap3A_460 = tpu.vector_load %arg19[%swap3A_458, %swap3A_459] {strides = array<i32>} : memref<16x768xf32, #tpu.memory_space<vmem>>, vector<1x16xf32>,
        %swap3A_461 = vector.shape_cast %swap3A_460 : vector<1x16xf32> to vector<16xf32>
        %swap3A_462 = vector.shape_cast %get3A_457 : vector<16xf32> to vector<1x16xf32>
        tpu.vector_store %arg19[%swap3A_458, %swap3A_459], %swap3A_462 {add = true, strides = array<i32>} : memref<16x768xf32, #tpu.memory_space<vmem>>, vector<1x16xf32>,
        %get3A_463 = arith.index_cast %scan3A_292 : i32 to index
        %get3A_464 = arith.constant 304 : index
        %get3A_465 = tpu.vector_load %arg20[%get3A_463, %get3A_464] {strides = array<i32>} : memref<16x768xf32, #tpu.memory_space<vmem>>, vector<1x16xf32>,
        %get3A_466 = vector.shape_cast %get3A_465 : vector<1x16xf32> to vector<16xf32>
        %swap3A_467 = arith.index_cast %scan3A_292 : i32 to index
        %swap3A_468 = arith.constant 304 : index
        %swap3A_469 = tpu.vector_load %arg19[%swap3A_467, %swap3A_468] {strides = array<i32>} : memref<16x768xf32, #tpu.memory_space<vmem>>, vector<1x16xf32>,
        %swap3A_470 = vector.shape_cast %swap3A_469 : vector<1x16xf32> to vector<16xf32>
        %swap3A_471 = vector.shape_cast %get3A_466 : vector<16xf32> to vector<1x16xf32>
        tpu.vector_store %arg19[%swap3A_467, %swap3A_468], %swap3A_471 {add = true, strides = array<i32>} : memref<16x768xf32, #tpu.memory_space<vmem>>, vector<1x16xf32>,
        %get3A_472 = arith.index_cast %scan3A_292 : i32 to index
        %get3A_473 = arith.constant 320 : index
        %get3A_474 = tpu.vector_load %arg20[%get3A_472, %get3A_473] {strides = array<i32>} : memref<16x768xf32, #tpu.memory_space<vmem>>, vector<1x16xf32>,
        %get3A_475 = vector.shape_cast %get3A_474 : vector<1x16xf32> to vector<16xf32>
        %swap3A_476 = arith.index_cast %scan3A_292 : i32 to index
        %swap3A_477 = arith.constant 320 : index
        %swap3A_478 = tpu.vector_load %arg19[%swap3A_476, %swap3A_477] {strides = array<i32>} : memref<16x768xf32, #tpu.memory_space<vmem>>, vector<1x16xf32>,
        %swap3A_479 = vector.shape_cast %swap3A_478 : vector<1x16xf32> to vector<16xf32>
        %swap3A_480 = vector.shape_cast %get3A_475 : vector<16xf32> to vector<1x16xf32>
        tpu.vector_store %arg19[%swap3A_476, %swap3A_477], %swap3A_480 {add = true, strides = array<i32>} : memref<16x768xf32, #tpu.memory_space<vmem>>, vector<1x16xf32>,
        %get3A_481 = arith.index_cast %scan3A_292 : i32 to index
        %get3A_482 = arith.constant 336 : index
        %get3A_483 = tpu.vector_load %arg20[%get3A_481, %get3A_482] {strides = array<i32>} : memref<16x768xf32, #tpu.memory_space<vmem>>, vector<1x16xf32>,
        %get3A_484 = vector.shape_cast %get3A_483 : vector<1x16xf32> to vector<16xf32>
        %swap3A_485 = arith.index_cast %scan3A_292 : i32 to index
        %swap3A_486 = arith.constant 336 : index
        %swap3A_487 = tpu.vector_load %arg19[%swap3A_485, %swap3A_486] {strides = array<i32>} : memref<16x768xf32, #tpu.memory_space<vmem>>, vector<1x16xf32>,
        %swap3A_488 = vector.shape_cast %swap3A_487 : vector<1x16xf32> to vector<16xf32>
        %swap3A_489 = vector.shape_cast %get3A_484 : vector<16xf32> to vector<1x16xf32>
        tpu.vector_store %arg19[%swap3A_485, %swap3A_486], %swap3A_489 {add = true, strides = array<i32>} : memref<16x768xf32, #tpu.memory_space<vmem>>, vector<1x16xf32>,
        %get3A_490 = arith.index_cast %scan3A_292 : i32 to index
        %get3A_491 = arith.constant 352 : index
        %get3A_492 = tpu.vector_load %arg20[%get3A_490, %get3A_491] {strides = array<i32>} : memref<16x768xf32, #tpu.memory_space<vmem>>, vector<1x16xf32>,
        %get3A_493 = vector.shape_cast %get3A_492 : vector<1x16xf32> to vector<16xf32>
        %swap3A_494 = arith.index_cast %scan3A_292 : i32 to index
        %swap3A_495 = arith.constant 352 : index
        %swap3A_496 = tpu.vector_load %arg19[%swap3A_494, %swap3A_495] {strides = array<i32>} : memref<16x768xf32, #tpu.memory_space<vmem>>, vector<1x16xf32>,
        %swap3A_497 = vector.shape_cast %swap3A_496 : vector<1x16xf32> to vector<16xf32>
        %swap3A_498 = vector.shape_cast %get3A_493 : vector<16xf32> to vector<1x16xf32>
        tpu.vector_store %arg19[%swap3A_494, %swap3A_495], %swap3A_498 {add = true, strides = array<i32>} : memref<16x768xf32, #tpu.memory_space<vmem>>, vector<1x16xf32>,
        %get3A_499 = arith.index_cast %scan3A_292 : i32 to index
        %get3A_500 = arith.constant 368 : index
        %get3A_501 = tpu.vector_load %arg20[%get3A_499, %get3A_500] {strides = array<i32>} : memref<16x768xf32, #tpu.memory_space<vmem>>, vector<1x16xf32>,
        %get3A_502 = vector.shape_cast %get3A_501 : vector<1x16xf32> to vector<16xf32>
        %swap3A_503 = arith.index_cast %scan3A_292 : i32 to index
        %swap3A_504 = arith.constant 368 : index
        %swap3A_505 = tpu.vector_load %arg19[%swap3A_503, %swap3A_504] {strides = array<i32>} : memref<16x768xf32, #tpu.memory_space<vmem>>, vector<1x16xf32>,
        %swap3A_506 = vector.shape_cast %swap3A_505 : vector<1x16xf32> to vector<16xf32>
        %swap3A_507 = vector.shape_cast %get3A_502 : vector<16xf32> to vector<1x16xf32>
        tpu.vector_store %arg19[%swap3A_503, %swap3A_504], %swap3A_507 {add = true, strides = array<i32>} : memref<16x768xf32, #tpu.memory_space<vmem>>, vector<1x16xf32>,
        %get3A_508 = arith.index_cast %scan3A_292 : i32 to index
        %get3A_509 = arith.constant 384 : index
        %get3A_510 = tpu.vector_load %arg20[%get3A_508, %get3A_509] {strides = array<i32>} : memref<16x768xf32, #tpu.memory_space<vmem>>, vector<1x16xf32>,
        %get3A_511 = vector.shape_cast %get3A_510 : vector<1x16xf32> to vector<16xf32>
        %swap3A_512 = arith.index_cast %scan3A_292 : i32 to index
        %swap3A_513 = arith.constant 384 : index
        %swap3A_514 = tpu.vector_load %arg19[%swap3A_512, %swap3A_513] {strides = array<i32>} : memref<16x768xf32, #tpu.memory_space<vmem>>, vector<1x16xf32>,
        %swap3A_515 = vector.shape_cast %swap3A_514 : vector<1x16xf32> to vector<16xf32>
        %swap3A_516 = vector.shape_cast %get3A_511 : vector<16xf32> to vector<1x16xf32>
        tpu.vector_store %arg19[%swap3A_512, %swap3A_513], %swap3A_516 {add = true, strides = array<i32>} : memref<16x768xf32, #tpu.memory_space<vmem>>, vector<1x16xf32>,
        %get3A_517 = arith.index_cast %scan3A_292 : i32 to index
        %get3A_518 = arith.constant 400 : index
        %get3A_519 = tpu.vector_load %arg20[%get3A_517, %get3A_518] {strides = array<i32>} : memref<16x768xf32, #tpu.memory_space<vmem>>, vector<1x16xf32>,
        %get3A_520 = vector.shape_cast %get3A_519 : vector<1x16xf32> to vector<16xf32>
        %swap3A_521 = arith.index_cast %scan3A_292 : i32 to index
        %swap3A_522 = arith.constant 400 : index
        %swap3A_523 = tpu.vector_load %arg19[%swap3A_521, %swap3A_522] {strides = array<i32>} : memref<16x768xf32, #tpu.memory_space<vmem>>, vector<1x16xf32>,
        %swap3A_524 = vector.shape_cast %swap3A_523 : vector<1x16xf32> to vector<16xf32>
        %swap3A_525 = vector.shape_cast %get3A_520 : vector<16xf32> to vector<1x16xf32>
        tpu.vector_store %arg19[%swap3A_521, %swap3A_522], %swap3A_525 {add = true, strides = array<i32>} : memref<16x768xf32, #tpu.memory_space<vmem>>, vector<1x16xf32>,
        %get3A_526 = arith.index_cast %scan3A_292 : i32 to index
        %get3A_527 = arith.constant 416 : index
        %get3A_528 = tpu.vector_load %arg20[%get3A_526, %get3A_527] {strides = array<i32>} : memref<16x768xf32, #tpu.memory_space<vmem>>, vector<1x16xf32>,
        %get3A_529 = vector.shape_cast %get3A_528 : vector<1x16xf32> to vector<16xf32>
        %swap3A_530 = arith.index_cast %scan3A_292 : i32 to index
        %swap3A_531 = arith.constant 416 : index
        %swap3A_532 = tpu.vector_load %arg19[%swap3A_530, %swap3A_531] {strides = array<i32>} : memref<16x768xf32, #tpu.memory_space<vmem>>, vector<1x16xf32>,
        %swap3A_533 = vector.shape_cast %swap3A_532 : vector<1x16xf32> to vector<16xf32>
        %swap3A_534 = vector.shape_cast %get3A_529 : vector<16xf32> to vector<1x16xf32>
        tpu.vector_store %arg19[%swap3A_530, %swap3A_531], %swap3A_534 {add = true, strides = array<i32>} : memref<16x768xf32, #tpu.memory_space<vmem>>, vector<1x16xf32>,
        %get3A_535 = arith.index_cast %scan3A_292 : i32 to index
        %get3A_536 = arith.constant 432 : index
        %get3A_537 = tpu.vector_load %arg20[%get3A_535, %get3A_536] {strides = array<i32>} : memref<16x768xf32, #tpu.memory_space<vmem>>, vector<1x16xf32>,
        %get3A_538 = vector.shape_cast %get3A_537 : vector<1x16xf32> to vector<16xf32>
        %swap3A_539 = arith.index_cast %scan3A_292 : i32 to index
        %swap3A_540 = arith.constant 432 : index
        %swap3A_541 = tpu.vector_load %arg19[%swap3A_539, %swap3A_540] {strides = array<i32>} : memref<16x768xf32, #tpu.memory_space<vmem>>, vector<1x16xf32>,
        %swap3A_542 = vector.shape_cast %swap3A_541 : vector<1x16xf32> to vector<16xf32>
        %swap3A_543 = vector.shape_cast %get3A_538 : vector<16xf32> to vector<1x16xf32>
        tpu.vector_store %arg19[%swap3A_539, %swap3A_540], %swap3A_543 {add = true, strides = array<i32>} : memref<16x768xf32, #tpu.memory_space<vmem>>, vector<1x16xf32>,
        %get3A_544 = arith.index_cast %scan3A_292 : i32 to index
        %get3A_545 = arith.constant 448 : index
        %get3A_546 = tpu.vector_load %arg20[%get3A_544, %get3A_545] {strides = array<i32>} : memref<16x768xf32, #tpu.memory_space<vmem>>, vector<1x16xf32>,
        %get3A_547 = vector.shape_cast %get3A_546 : vector<1x16xf32> to vector<16xf32>
        %swap3A_548 = arith.index_cast %scan3A_292 : i32 to index
        %swap3A_549 = arith.constant 448 : index
        %swap3A_550 = tpu.vector_load %arg19[%swap3A_548, %swap3A_549] {strides = array<i32>} : memref<16x768xf32, #tpu.memory_space<vmem>>, vector<1x16xf32>,
        %swap3A_551 = vector.shape_cast %swap3A_550 : vector<1x16xf32> to vector<16xf32>
        %swap3A_552 = vector.shape_cast %get3A_547 : vector<16xf32> to vector<1x16xf32>
        tpu.vector_store %arg19[%swap3A_548, %swap3A_549], %swap3A_552 {add = true, strides = array<i32>} : memref<16x768xf32, #tpu.memory_space<vmem>>, vector<1x16xf32>,
        %get3A_553 = arith.index_cast %scan3A_292 : i32 to index
        %get3A_554 = arith.constant 464 : index
        %get3A_555 = tpu.vector_load %arg20[%get3A_553, %get3A_554] {strides = array<i32>} : memref<16x768xf32, #tpu.memory_space<vmem>>, vector<1x16xf32>,
        %get3A_556 = vector.shape_cast %get3A_555 : vector<1x16xf32> to vector<16xf32>
        %swap3A_557 = arith.index_cast %scan3A_292 : i32 to index
        %swap3A_558 = arith.constant 464 : index
        %swap3A_559 = tpu.vector_load %arg19[%swap3A_557, %swap3A_558] {strides = array<i32>} : memref<16x768xf32, #tpu.memory_space<vmem>>, vector<1x16xf32>,
        %swap3A_560 = vector.shape_cast %swap3A_559 : vector<1x16xf32> to vector<16xf32>
        %swap3A_561 = vector.shape_cast %get3A_556 : vector<16xf32> to vector<1x16xf32>
        tpu.vector_store %arg19[%swap3A_557, %swap3A_558], %swap3A_561 {add = true, strides = array<i32>} : memref<16x768xf32, #tpu.memory_space<vmem>>, vector<1x16xf32>,
        %get3A_562 = arith.index_cast %scan3A_292 : i32 to index
        %get3A_563 = arith.constant 480 : index
        %get3A_564 = tpu.vector_load %arg20[%get3A_562, %get3A_563] {strides = array<i32>} : memref<16x768xf32, #tpu.memory_space<vmem>>, vector<1x16xf32>,
        %get3A_565 = vector.shape_cast %get3A_564 : vector<1x16xf32> to vector<16xf32>
        %swap3A_566 = arith.index_cast %scan3A_292 : i32 to index
        %swap3A_567 = arith.constant 480 : index
        %swap3A_568 = tpu.vector_load %arg19[%swap3A_566, %swap3A_567] {strides = array<i32>} : memref<16x768xf32, #tpu.memory_space<vmem>>, vector<1x16xf32>,
        %swap3A_569 = vector.shape_cast %swap3A_568 : vector<1x16xf32> to vector<16xf32>
        %swap3A_570 = vector.shape_cast %get3A_565 : vector<16xf32> to vector<1x16xf32>
        tpu.vector_store %arg19[%swap3A_566, %swap3A_567], %swap3A_570 {add = true, strides = array<i32>} : memref<16x768xf32, #tpu.memory_space<vmem>>, vector<1x16xf32>,
        %get3A_571 = arith.index_cast %scan3A_292 : i32 to index
        %get3A_572 = arith.constant 496 : index
        %get3A_573 = tpu.vector_load %arg20[%get3A_571, %get3A_572] {strides = array<i32>} : memref<16x768xf32, #tpu.memory_space<vmem>>, vector<1x16xf32>,
        %get3A_574 = vector.shape_cast %get3A_573 : vector<1x16xf32> to vector<16xf32>
        %swap3A_575 = arith.index_cast %scan3A_292 : i32 to index
        %swap3A_576 = arith.constant 496 : index
        %swap3A_577 = tpu.vector_load %arg19[%swap3A_575, %swap3A_576] {strides = array<i32>} : memref<16x768xf32, #tpu.memory_space<vmem>>, vector<1x16xf32>,
        %swap3A_578 = vector.shape_cast %swap3A_577 : vector<1x16xf32> to vector<16xf32>
        %swap3A_579 = vector.shape_cast %get3A_574 : vector<16xf32> to vector<1x16xf32>
        tpu.vector_store %arg19[%swap3A_575, %swap3A_576], %swap3A_579 {add = true, strides = array<i32>} : memref<16x768xf32, #tpu.memory_space<vmem>>, vector<1x16xf32>,
        %get3A_580 = arith.index_cast %scan3A_292 : i32 to index
        %get3A_581 = arith.constant 512 : index
        %get3A_582 = tpu.vector_load %arg20[%get3A_580, %get3A_581] {strides = array<i32>} : memref<16x768xf32, #tpu.memory_space<vmem>>, vector<1x16xf32>,
        %get3A_583 = vector.shape_cast %get3A_582 : vector<1x16xf32> to vector<16xf32>
        %swap3A_584 = arith.index_cast %scan3A_292 : i32 to index
        %swap3A_585 = arith.constant 512 : index
        %swap3A_586 = tpu.vector_load %arg19[%swap3A_584, %swap3A_585] {strides = array<i32>} : memref<16x768xf32, #tpu.memory_space<vmem>>, vector<1x16xf32>,
        %swap3A_587 = vector.shape_cast %swap3A_586 : vector<1x16xf32> to vector<16xf32>
        %swap3A_588 = vector.shape_cast %get3A_583 : vector<16xf32> to vector<1x16xf32>
        tpu.vector_store %arg19[%swap3A_584, %swap3A_585], %swap3A_588 {add = true, strides = array<i32>} : memref<16x768xf32, #tpu.memory_space<vmem>>, vector<1x16xf32>,
        %get3A_589 = arith.index_cast %scan3A_292 : i32 to index
        %get3A_590 = arith.constant 528 : index
        %get3A_591 = tpu.vector_load %arg20[%get3A_589, %get3A_590] {strides = array<i32>} : memref<16x768xf32, #tpu.memory_space<vmem>>, vector<1x16xf32>,
        %get3A_592 = vector.shape_cast %get3A_591 : vector<1x16xf32> to vector<16xf32>
        %swap3A_593 = arith.index_cast %scan3A_292 : i32 to index
        %swap3A_594 = arith.constant 528 : index
        %swap3A_595 = tpu.vector_load %arg19[%swap3A_593, %swap3A_594] {strides = array<i32>} : memref<16x768xf32, #tpu.memory_space<vmem>>, vector<1x16xf32>,
        %swap3A_596 = vector.shape_cast %swap3A_595 : vector<1x16xf32> to vector<16xf32>
        %swap3A_597 = vector.shape_cast %get3A_592 : vector<16xf32> to vector<1x16xf32>
        tpu.vector_store %arg19[%swap3A_593, %swap3A_594], %swap3A_597 {add = true, strides = array<i32>} : memref<16x768xf32, #tpu.memory_space<vmem>>, vector<1x16xf32>,
        %get3A_598 = arith.index_cast %scan3A_292 : i32 to index
        %get3A_599 = arith.constant 544 : index
        %get3A_600 = tpu.vector_load %arg20[%get3A_598, %get3A_599] {strides = array<i32>} : memref<16x768xf32, #tpu.memory_space<vmem>>, vector<1x16xf32>,
        %get3A_601 = vector.shape_cast %get3A_600 : vector<1x16xf32> to vector<16xf32>
        %swap3A_602 = arith.index_cast %scan3A_292 : i32 to index
        %swap3A_603 = arith.constant 544 : index
        %swap3A_604 = tpu.vector_load %arg19[%swap3A_602, %swap3A_603] {strides = array<i32>} : memref<16x768xf32, #tpu.memory_space<vmem>>, vector<1x16xf32>,
        %swap3A_605 = vector.shape_cast %swap3A_604 : vector<1x16xf32> to vector<16xf32>
        %swap3A_606 = vector.shape_cast %get3A_601 : vector<16xf32> to vector<1x16xf32>
        tpu.vector_store %arg19[%swap3A_602, %swap3A_603], %swap3A_606 {add = true, strides = array<i32>} : memref<16x768xf32, #tpu.memory_space<vmem>>, vector<1x16xf32>,
        %get3A_607 = arith.index_cast %scan3A_292 : i32 to index
        %get3A_608 = arith.constant 560 : index
        %get3A_609 = tpu.vector_load %arg20[%get3A_607, %get3A_608] {strides = array<i32>} : memref<16x768xf32, #tpu.memory_space<vmem>>, vector<1x16xf32>,
        %get3A_610 = vector.shape_cast %get3A_609 : vector<1x16xf32> to vector<16xf32>
        %swap3A_611 = arith.index_cast %scan3A_292 : i32 to index
        %swap3A_612 = arith.constant 560 : index
        %swap3A_613 = tpu.vector_load %arg19[%swap3A_611, %swap3A_612] {strides = array<i32>} : memref<16x768xf32, #tpu.memory_space<vmem>>, vector<1x16xf32>,
        %swap3A_614 = vector.shape_cast %swap3A_613 : vector<1x16xf32> to vector<16xf32>
        %swap3A_615 = vector.shape_cast %get3A_610 : vector<16xf32> to vector<1x16xf32>
        tpu.vector_store %arg19[%swap3A_611, %swap3A_612], %swap3A_615 {add = true, strides = array<i32>} : memref<16x768xf32, #tpu.memory_space<vmem>>, vector<1x16xf32>,
        %get3A_616 = arith.index_cast %scan3A_292 : i32 to index
        %get3A_617 = arith.constant 576 : index
        %get3A_618 = tpu.vector_load %arg20[%get3A_616, %get3A_617] {strides = array<i32>} : memref<16x768xf32, #tpu.memory_space<vmem>>, vector<1x16xf32>,
        %get3A_619 = vector.shape_cast %get3A_618 : vector<1x16xf32> to vector<16xf32>
        %swap3A_620 = arith.index_cast %scan3A_292 : i32 to index
        %swap3A_621 = arith.constant 576 : index
        %swap3A_622 = tpu.vector_load %arg19[%swap3A_620, %swap3A_621] {strides = array<i32>} : memref<16x768xf32, #tpu.memory_space<vmem>>, vector<1x16xf32>,
        %swap3A_623 = vector.shape_cast %swap3A_622 : vector<1x16xf32> to vector<16xf32>
        %swap3A_624 = vector.shape_cast %get3A_619 : vector<16xf32> to vector<1x16xf32>
        tpu.vector_store %arg19[%swap3A_620, %swap3A_621], %swap3A_624 {add = true, strides = array<i32>} : memref<16x768xf32, #tpu.memory_space<vmem>>, vector<1x16xf32>,
        %get3A_625 = arith.index_cast %scan3A_292 : i32 to index
        %get3A_626 = arith.constant 592 : index
        %get3A_627 = tpu.vector_load %arg20[%get3A_625, %get3A_626] {strides = array<i32>} : memref<16x768xf32, #tpu.memory_space<vmem>>, vector<1x16xf32>,
        %get3A_628 = vector.shape_cast %get3A_627 : vector<1x16xf32> to vector<16xf32>
        %swap3A_629 = arith.index_cast %scan3A_292 : i32 to index
        %swap3A_630 = arith.constant 592 : index
        %swap3A_631 = tpu.vector_load %arg19[%swap3A_629, %swap3A_630] {strides = array<i32>} : memref<16x768xf32, #tpu.memory_space<vmem>>, vector<1x16xf32>,
        %swap3A_632 = vector.shape_cast %swap3A_631 : vector<1x16xf32> to vector<16xf32>
        %swap3A_633 = vector.shape_cast %get3A_628 : vector<16xf32> to vector<1x16xf32>
        tpu.vector_store %arg19[%swap3A_629, %swap3A_630], %swap3A_633 {add = true, strides = array<i32>} : memref<16x768xf32, #tpu.memory_space<vmem>>, vector<1x16xf32>,
        %get3A_634 = arith.index_cast %scan3A_292 : i32 to index
        %get3A_635 = arith.constant 608 : index
        %get3A_636 = tpu.vector_load %arg20[%get3A_634, %get3A_635] {strides = array<i32>} : memref<16x768xf32, #tpu.memory_space<vmem>>, vector<1x16xf32>,
        %get3A_637 = vector.shape_cast %get3A_636 : vector<1x16xf32> to vector<16xf32>
        %swap3A_638 = arith.index_cast %scan3A_292 : i32 to index
        %swap3A_639 = arith.constant 608 : index
        %swap3A_640 = tpu.vector_load %arg19[%swap3A_638, %swap3A_639] {strides = array<i32>} : memref<16x768xf32, #tpu.memory_space<vmem>>, vector<1x16xf32>,
        %swap3A_641 = vector.shape_cast %swap3A_640 : vector<1x16xf32> to vector<16xf32>
        %swap3A_642 = vector.shape_cast %get3A_637 : vector<16xf32> to vector<1x16xf32>
        tpu.vector_store %arg19[%swap3A_638, %swap3A_639], %swap3A_642 {add = true, strides = array<i32>} : memref<16x768xf32, #tpu.memory_space<vmem>>, vector<1x16xf32>,
        %get3A_643 = arith.index_cast %scan3A_292 : i32 to index
        %get3A_644 = arith.constant 624 : index
        %get3A_645 = tpu.vector_load %arg20[%get3A_643, %get3A_644] {strides = array<i32>} : memref<16x768xf32, #tpu.memory_space<vmem>>, vector<1x16xf32>,
        %get3A_646 = vector.shape_cast %get3A_645 : vector<1x16xf32> to vector<16xf32>
        %swap3A_647 = arith.index_cast %scan3A_292 : i32 to index
        %swap3A_648 = arith.constant 624 : index
        %swap3A_649 = tpu.vector_load %arg19[%swap3A_647, %swap3A_648] {strides = array<i32>} : memref<16x768xf32, #tpu.memory_space<vmem>>, vector<1x16xf32>,
        %swap3A_650 = vector.shape_cast %swap3A_649 : vector<1x16xf32> to vector<16xf32>
        %swap3A_651 = vector.shape_cast %get3A_646 : vector<16xf32> to vector<1x16xf32>
        tpu.vector_store %arg19[%swap3A_647, %swap3A_648], %swap3A_651 {add = true, strides = array<i32>} : memref<16x768xf32, #tpu.memory_space<vmem>>, vector<1x16xf32>,
        %get3A_652 = arith.index_cast %scan3A_292 : i32 to index
        %get3A_653 = arith.constant 640 : index
        %get3A_654 = tpu.vector_load %arg20[%get3A_652, %get3A_653] {strides = array<i32>} : memref<16x768xf32, #tpu.memory_space<vmem>>, vector<1x16xf32>,
        %get3A_655 = vector.shape_cast %get3A_654 : vector<1x16xf32> to vector<16xf32>
        %swap3A_656 = arith.index_cast %scan3A_292 : i32 to index
        %swap3A_657 = arith.constant 640 : index
        %swap3A_658 = tpu.vector_load %arg19[%swap3A_656, %swap3A_657] {strides = array<i32>} : memref<16x768xf32, #tpu.memory_space<vmem>>, vector<1x16xf32>,
        %swap3A_659 = vector.shape_cast %swap3A_658 : vector<1x16xf32> to vector<16xf32>
        %swap3A_660 = vector.shape_cast %get3A_655 : vector<16xf32> to vector<1x16xf32>
        tpu.vector_store %arg19[%swap3A_656, %swap3A_657], %swap3A_660 {add = true, strides = array<i32>} : memref<16x768xf32, #tpu.memory_space<vmem>>, vector<1x16xf32>,
        %get3A_661 = arith.index_cast %scan3A_292 : i32 to index
        %get3A_662 = arith.constant 656 : index
        %get3A_663 = tpu.vector_load %arg20[%get3A_661, %get3A_662] {strides = array<i32>} : memref<16x768xf32, #tpu.memory_space<vmem>>, vector<1x16xf32>,
        %get3A_664 = vector.shape_cast %get3A_663 : vector<1x16xf32> to vector<16xf32>
        %swap3A_665 = arith.index_cast %scan3A_292 : i32 to index
        %swap3A_666 = arith.constant 656 : index
        %swap3A_667 = tpu.vector_load %arg19[%swap3A_665, %swap3A_666] {strides = array<i32>} : memref<16x768xf32, #tpu.memory_space<vmem>>, vector<1x16xf32>,
        %swap3A_668 = vector.shape_cast %swap3A_667 : vector<1x16xf32> to vector<16xf32>
        %swap3A_669 = vector.shape_cast %get3A_664 : vector<16xf32> to vector<1x16xf32>
        tpu.vector_store %arg19[%swap3A_665, %swap3A_666], %swap3A_669 {add = true, strides = array<i32>} : memref<16x768xf32, #tpu.memory_space<vmem>>, vector<1x16xf32>,
        %get3A_670 = arith.index_cast %scan3A_292 : i32 to index
        %get3A_671 = arith.constant 672 : index
        %get3A_672 = tpu.vector_load %arg20[%get3A_670, %get3A_671] {strides = array<i32>} : memref<16x768xf32, #tpu.memory_space<vmem>>, vector<1x16xf32>,
        %get3A_673 = vector.shape_cast %get3A_672 : vector<1x16xf32> to vector<16xf32>
        %swap3A_674 = arith.index_cast %scan3A_292 : i32 to index
        %swap3A_675 = arith.constant 672 : index
        %swap3A_676 = tpu.vector_load %arg19[%swap3A_674, %swap3A_675] {strides = array<i32>} : memref<16x768xf32, #tpu.memory_space<vmem>>, vector<1x16xf32>,
        %swap3A_677 = vector.shape_cast %swap3A_676 : vector<1x16xf32> to vector<16xf32>
        %swap3A_678 = vector.shape_cast %get3A_673 : vector<16xf32> to vector<1x16xf32>
        tpu.vector_store %arg19[%swap3A_674, %swap3A_675], %swap3A_678 {add = true, strides = array<i32>} : memref<16x768xf32, #tpu.memory_space<vmem>>, vector<1x16xf32>,
        %get3A_679 = arith.index_cast %scan3A_292 : i32 to index
        %get3A_680 = arith.constant 688 : index
        %get3A_681 = tpu.vector_load %arg20[%get3A_679, %get3A_680] {strides = array<i32>} : memref<16x768xf32, #tpu.memory_space<vmem>>, vector<1x16xf32>,
        %get3A_682 = vector.shape_cast %get3A_681 : vector<1x16xf32> to vector<16xf32>
        %swap3A_683 = arith.index_cast %scan3A_292 : i32 to index
        %swap3A_684 = arith.constant 688 : index
        %swap3A_685 = tpu.vector_load %arg19[%swap3A_683, %swap3A_684] {strides = array<i32>} : memref<16x768xf32, #tpu.memory_space<vmem>>, vector<1x16xf32>,
        %swap3A_686 = vector.shape_cast %swap3A_685 : vector<1x16xf32> to vector<16xf32>
        %swap3A_687 = vector.shape_cast %get3A_682 : vector<16xf32> to vector<1x16xf32>
        tpu.vector_store %arg19[%swap3A_683, %swap3A_684], %swap3A_687 {add = true, strides = array<i32>} : memref<16x768xf32, #tpu.memory_space<vmem>>, vector<1x16xf32>,
        %get3A_688 = arith.index_cast %scan3A_292 : i32 to index
        %get3A_689 = arith.constant 704 : index
        %get3A_690 = tpu.vector_load %arg20[%get3A_688, %get3A_689] {strides = array<i32>} : memref<16x768xf32, #tpu.memory_space<vmem>>, vector<1x16xf32>,
        %get3A_691 = vector.shape_cast %get3A_690 : vector<1x16xf32> to vector<16xf32>
        %swap3A_692 = arith.index_cast %scan3A_292 : i32 to index
        %swap3A_693 = arith.constant 704 : index
        %swap3A_694 = tpu.vector_load %arg19[%swap3A_692, %swap3A_693] {strides = array<i32>} : memref<16x768xf32, #tpu.memory_space<vmem>>, vector<1x16xf32>,
        %swap3A_695 = vector.shape_cast %swap3A_694 : vector<1x16xf32> to vector<16xf32>
        %swap3A_696 = vector.shape_cast %get3A_691 : vector<16xf32> to vector<1x16xf32>
        tpu.vector_store %arg19[%swap3A_692, %swap3A_693], %swap3A_696 {add = true, strides = array<i32>} : memref<16x768xf32, #tpu.memory_space<vmem>>, vector<1x16xf32>,
        %get3A_697 = arith.index_cast %scan3A_292 : i32 to index
        %get3A_698 = arith.constant 720 : index
        %get3A_699 = tpu.vector_load %arg20[%get3A_697, %get3A_698] {strides = array<i32>} : memref<16x768xf32, #tpu.memory_space<vmem>>, vector<1x16xf32>,
        %get3A_700 = vector.shape_cast %get3A_699 : vector<1x16xf32> to vector<16xf32>
        %swap3A_701 = arith.index_cast %scan3A_292 : i32 to index
        %swap3A_702 = arith.constant 720 : index
        %swap3A_703 = tpu.vector_load %arg19[%swap3A_701, %swap3A_702] {strides = array<i32>} : memref<16x768xf32, #tpu.memory_space<vmem>>, vector<1x16xf32>,
        %swap3A_704 = vector.shape_cast %swap3A_703 : vector<1x16xf32> to vector<16xf32>
        %swap3A_705 = vector.shape_cast %get3A_700 : vector<16xf32> to vector<1x16xf32>
        tpu.vector_store %arg19[%swap3A_701, %swap3A_702], %swap3A_705 {add = true, strides = array<i32>} : memref<16x768xf32, #tpu.memory_space<vmem>>, vector<1x16xf32>,
        %get3A_706 = arith.index_cast %scan3A_292 : i32 to index
        %get3A_707 = arith.constant 736 : index
        %get3A_708 = tpu.vector_load %arg20[%get3A_706, %get3A_707] {strides = array<i32>} : memref<16x768xf32, #tpu.memory_space<vmem>>, vector<1x16xf32>,
        %get3A_709 = vector.shape_cast %get3A_708 : vector<1x16xf32> to vector<16xf32>
        %swap3A_710 = arith.index_cast %scan3A_292 : i32 to index
        %swap3A_711 = arith.constant 736 : index
        %swap3A_712 = tpu.vector_load %arg19[%swap3A_710, %swap3A_711] {strides = array<i32>} : memref<16x768xf32, #tpu.memory_space<vmem>>, vector<1x16xf32>,
        %swap3A_713 = vector.shape_cast %swap3A_712 : vector<1x16xf32> to vector<16xf32>
        %swap3A_714 = vector.shape_cast %get3A_709 : vector<16xf32> to vector<1x16xf32>
        tpu.vector_store %arg19[%swap3A_710, %swap3A_711], %swap3A_714 {add = true, strides = array<i32>} : memref<16x768xf32, #tpu.memory_space<vmem>>, vector<1x16xf32>,
        %get3A_715 = arith.index_cast %scan3A_292 : i32 to index
        %get3A_716 = arith.constant 752 : index
        %get3A_717 = tpu.vector_load %arg20[%get3A_715, %get3A_716] {strides = array<i32>} : memref<16x768xf32, #tpu.memory_space<vmem>>, vector<1x16xf32>,
        %get3A_718 = vector.shape_cast %get3A_717 : vector<1x16xf32> to vector<16xf32>
        %swap3A_719 = arith.index_cast %scan3A_292 : i32 to index
        %swap3A_720 = arith.constant 752 : index
        %swap3A_721 = tpu.vector_load %arg19[%swap3A_719, %swap3A_720] {strides = array<i32>} : memref<16x768xf32, #tpu.memory_space<vmem>>, vector<1x16xf32>,
        %swap3A_722 = vector.shape_cast %swap3A_721 : vector<1x16xf32> to vector<16xf32>
        %swap3A_723 = vector.shape_cast %get3A_718 : vector<16xf32> to vector<1x16xf32>
        tpu.vector_store %arg19[%swap3A_719, %swap3A_720], %swap3A_723 {add = true, strides = array<i32>} : memref<16x768xf32, #tpu.memory_space<vmem>>, vector<1x16xf32>,
        %scan3A_724 = arith.constant 0 : i32
        scf.yield %scan3A_724 : i32
      }
      %scan3A_233 = arith.constant 16 : i32
      %mul3A_234 = arith.constant 16 : i32
      %mul3A_235 = arith.muli %add3A_192, %mul3A_234 : i32
      %add3A_236 = arith.addi %mul3A_2, %mul3A_235 : i32
      %dma_start3A_237 = arith.constant 0 : i32
      %dma_start3A_238 = tpu.memref_slice %arg8[%add3A_236, %dma_start3A_237] : memref<32768x768xf32, #tpu.memory_space<hbm>> -> memref<16x768xf32, #tpu.memory_space<hbm>>
      %dma_start3A_239 = arith.constant 0 : i32
      %dma_start3A_240 = tpu.memref_slice %arg8[%add3A_236, %dma_start3A_239] : memref<32768x768xf32, #tpu.memory_space<hbm>> -> memref<16x768xf32, #tpu.memory_space<hbm>>
      tpu.enqueue_dma source(%arg19 : memref<16x768xf32, #tpu.memory_space<vmem>>) target(%dma_start3A_240 : memref<16x768xf32, #tpu.memory_space<hbm>>) target_semaphore(%arg29 : memref<!tpu.dma_semaphore, #tpu.memory_space<semaphore_mem>>)
      %add3A_241 = arith.constant 3 : i32
      %add3A_242 = arith.addi %mul3A_91, %add3A_241 : i32
      %dma_wait3A_243 = arith.constant 0 : i32
      %dma_wait3A_244 = arith.constant 0 : i32
      %dma_wait3A_245 = tpu.memref_slice %arg6[%dma_wait3A_243, %dma_wait3A_244] : memref<4096x768xf32, #tpu.memory_space<hbm>> -> memref<16x768xf32, #tpu.memory_space<hbm>>
      %dma_wait3A_246 = arith.constant 0 : i32
      %dma_wait3A_247 = arith.constant 0 : i32
      %dma_wait3A_248 = tpu.memref_slice %arg6[%dma_wait3A_246, %dma_wait3A_247] : memref<4096x768xf32, #tpu.memory_space<hbm>> -> memref<16x768xf32, #tpu.memory_space<hbm>>
      tpu.wait_dma2 semaphore(%arg26 : memref<!tpu.dma_semaphore, #tpu.memory_space<semaphore_mem>>) src(%dma_wait3A_248 : memref<16x768xf32, #tpu.memory_space<hbm>>) dst(%arg21 : memref<16x768xf32, #tpu.memory_space<vmem>>)
      %dma_wait3A_249 = arith.constant 0 : i32
      %dma_wait3A_250 = arith.constant 0 : i32
      %dma_wait3A_251 = tpu.memref_slice %arg7[%dma_wait3A_249, %dma_wait3A_250] : memref<4096x768xf32, #tpu.memory_space<hbm>> -> memref<16x768xf32, #tpu.memory_space<hbm>>
      %dma_wait3A_252 = arith.constant 0 : i32
      %dma_wait3A_253 = arith.constant 0 : i32
      %dma_wait3A_254 = tpu.memref_slice %arg7[%dma_wait3A_252, %dma_wait3A_253] : memref<4096x768xf32, #tpu.memory_space<hbm>> -> memref<16x768xf32, #tpu.memory_space<hbm>>
      tpu.wait_dma2 semaphore(%arg26 : memref<!tpu.dma_semaphore, #tpu.memory_space<semaphore_mem>>) src(%dma_wait3A_254 : memref<16x768xf32, #tpu.memory_space<hbm>>) dst(%arg22 : memref<16x768xf32, #tpu.memory_space<vmem>>)
      %dma_wait3A_255 = arith.constant 0 : i32
      %dma_wait3A_256 = tpu.memref_slice %arg8[%mul3A_2, %dma_wait3A_255] : memref<32768x768xf32, #tpu.memory_space<hbm>> -> memref<16x768xf32, #tpu.memory_space<hbm>>
      %dma_wait3A_257 = arith.constant 0 : i32
      %dma_wait3A_258 = tpu.memref_slice %arg8[%mul3A_2, %dma_wait3A_257] : memref<32768x768xf32, #tpu.memory_space<hbm>> -> memref<16x768xf32, #tpu.memory_space<hbm>>
      tpu.wait_dma2 semaphore(%arg28 : memref<!tpu.dma_semaphore, #tpu.memory_space<semaphore_mem>>) src(%arg17 : memref<16x768xf32, #tpu.memory_space<vmem>>) dst(%dma_wait3A_258 : memref<16x768xf32, #tpu.memory_space<hbm>>)
      %add3A_259 = arith.constant 2 : i32
      %add3A_260 = arith.addi %add3A_242, %add3A_259 : i32
      %lt3A_261 = arith.constant 64 : i32
      %lt3A_262 = arith.cmpi slt, %add3A_260, %lt3A_261 : i32
      %jit3A_263 = arith.constant 0 : i32
      %select_n3A_264 = arith.select %lt3A_262, %add3A_260, %jit3A_263 : i32
      %mul3A_265 = arith.constant 16 : i32
      %mul3A_266 = arith.muli %select_n3A_264, %mul3A_265 : i32
      %mul3A_267 = arith.constant 16 : i32
      %mul3A_268 = arith.muli %select_n3A_264, %mul3A_267 : i32
      %dma_start3A_269 = tpu.memref_slice %arg13[%mul3A_266] : memref<1024xi32, #tpu.memory_space<vmem>> -> memref<16xi32, #tpu.memory_space<vmem>>
      %dma_start3A_270 = arith.constant 0 : i32
      %dma_start3A_271 = arith.constant 0 : i32
      %dma_start3A_272 = tpu.memref_slice %arg6[%dma_start3A_270, %dma_start3A_271] : memref<4096x768xf32, #tpu.memory_space<hbm>> -> memref<4096x768xf32, #tpu.memory_space<hbm>>
      tpu.enqueue_indirect_dma source(%dma_start3A_272 : memref<4096x768xf32, #tpu.memory_space<hbm>>) target(%arg17 : memref<16x768xf32, #tpu.memory_space<vmem>>) offsets(%dma_start3A_269 : memref<16xi32, #tpu.memory_space<vmem>>) semaphore(%arg24 : memref<!tpu.dma_semaphore, #tpu.memory_space<semaphore_mem>>)
      %dma_start3A_273 = tpu.memref_slice %arg14[%mul3A_268] : memref<1024xi32, #tpu.memory_space<vmem>> -> memref<16xi32, #tpu.memory_space<vmem>>
      %dma_start3A_274 = arith.constant 0 : i32
      %dma_start3A_275 = arith.constant 0 : i32
      %dma_start3A_276 = tpu.memref_slice %arg7[%dma_start3A_274, %dma_start3A_275] : memref<4096x768xf32, #tpu.memory_space<hbm>> -> memref<4096x768xf32, #tpu.memory_space<hbm>>
      tpu.enqueue_indirect_dma source(%dma_start3A_276 : memref<4096x768xf32, #tpu.memory_space<hbm>>) target(%arg18 : memref<16x768xf32, #tpu.memory_space<vmem>>) offsets(%dma_start3A_273 : memref<16xi32, #tpu.memory_space<vmem>>) semaphore(%arg24 : memref<!tpu.dma_semaphore, #tpu.memory_space<semaphore_mem>>)
      %scan3A_277 = arith.constant 0 : i32
      %scan3A_278 = arith.constant 0 : i32
      %scan3A_279 = arith.constant 16 : i32
      %scan3A_280 = arith.addi %scan3A_278, %scan3A_279 : i32
      %scan3A_281 = arith.constant 1 : i32
      %scan3A_282 = scf.for %scan3A_292 = %scan3A_278 to %scan3A_280 step %scan3A_281 iter_args(%scan3A_293 = %scan3A_277) -> (i32)  : i32 {
        %get3A = arith.index_cast %scan3A_292 : i32 to index
        %get3A_294 = arith.constant 0 : index
        %get3A_295 = tpu.vector_load %arg22[%get3A, %get3A_294] {strides = array<i32>} : memref<16x768xf32, #tpu.memory_space<vmem>>, vector<1x16xf32>,
        %get3A_296 = vector.shape_cast %get3A_295 : vector<1x16xf32> to vector<16xf32>
        %swap3A = arith.index_cast %scan3A_292 : i32 to index
        %swap3A_297 = arith.constant 0 : index
        %swap3A_298 = tpu.vector_load %arg21[%swap3A, %swap3A_297] {strides = array<i32>} : memref<16x768xf32, #tpu.memory_space<vmem>>, vector<1x16xf32>,
        %swap3A_299 = vector.shape_cast %swap3A_298 : vector<1x16xf32> to vector<16xf32>
        %swap3A_300 = vector.shape_cast %get3A_296 : vector<16xf32> to vector<1x16xf32>
        tpu.vector_store %arg21[%swap3A, %swap3A_297], %swap3A_300 {add = true, strides = array<i32>} : memref<16x768xf32, #tpu.memory_space<vmem>>, vector<1x16xf32>,
        %get3A_301 = arith.index_cast %scan3A_292 : i32 to index
        %get3A_302 = arith.constant 16 : index
        %get3A_303 = tpu.vector_load %arg22[%get3A_301, %get3A_302] {strides = array<i32>} : memref<16x768xf32, #tpu.memory_space<vmem>>, vector<1x16xf32>,
        %get3A_304 = vector.shape_cast %get3A_303 : vector<1x16xf32> to vector<16xf32>
        %swap3A_305 = arith.index_cast %scan3A_292 : i32 to index
        %swap3A_306 = arith.constant 16 : index
        %swap3A_307 = tpu.vector_load %arg21[%swap3A_305, %swap3A_306] {strides = array<i32>} : memref<16x768xf32, #tpu.memory_space<vmem>>, vector<1x16xf32>,
        %swap3A_308 = vector.shape_cast %swap3A_307 : vector<1x16xf32> to vector<16xf32>
        %swap3A_309 = vector.shape_cast %get3A_304 : vector<16xf32> to vector<1x16xf32>
        tpu.vector_store %arg21[%swap3A_305, %swap3A_306], %swap3A_309 {add = true, strides = array<i32>} : memref<16x768xf32, #tpu.memory_space<vmem>>, vector<1x16xf32>,
        %get3A_310 = arith.index_cast %scan3A_292 : i32 to index
        %get3A_311 = arith.constant 32 : index
        %get3A_312 = tpu.vector_load %arg22[%get3A_310, %get3A_311] {strides = array<i32>} : memref<16x768xf32, #tpu.memory_space<vmem>>, vector<1x16xf32>,
        %get3A_313 = vector.shape_cast %get3A_312 : vector<1x16xf32> to vector<16xf32>
        %swap3A_314 = arith.index_cast %scan3A_292 : i32 to index
        %swap3A_315 = arith.constant 32 : index
        %swap3A_316 = tpu.vector_load %arg21[%swap3A_314, %swap3A_315] {strides = array<i32>} : memref<16x768xf32, #tpu.memory_space<vmem>>, vector<1x16xf32>,
        %swap3A_317 = vector.shape_cast %swap3A_316 : vector<1x16xf32> to vector<16xf32>
        %swap3A_318 = vector.shape_cast %get3A_313 : vector<16xf32> to vector<1x16xf32>
        tpu.vector_store %arg21[%swap3A_314, %swap3A_315], %swap3A_318 {add = true, strides = array<i32>} : memref<16x768xf32, #tpu.memory_space<vmem>>, vector<1x16xf32>,
        %get3A_319 = arith.index_cast %scan3A_292 : i32 to index
        %get3A_320 = arith.constant 48 : index
        %get3A_321 = tpu.vector_load %arg22[%get3A_319, %get3A_320] {strides = array<i32>} : memref<16x768xf32, #tpu.memory_space<vmem>>, vector<1x16xf32>,
        %get3A_322 = vector.shape_cast %get3A_321 : vector<1x16xf32> to vector<16xf32>
        %swap3A_323 = arith.index_cast %scan3A_292 : i32 to index
        %swap3A_324 = arith.constant 48 : index
        %swap3A_325 = tpu.vector_load %arg21[%swap3A_323, %swap3A_324] {strides = array<i32>} : memref<16x768xf32, #tpu.memory_space<vmem>>, vector<1x16xf32>,
        %swap3A_326 = vector.shape_cast %swap3A_325 : vector<1x16xf32> to vector<16xf32>
        %swap3A_327 = vector.shape_cast %get3A_322 : vector<16xf32> to vector<1x16xf32>
        tpu.vector_store %arg21[%swap3A_323, %swap3A_324], %swap3A_327 {add = true, strides = array<i32>} : memref<16x768xf32, #tpu.memory_space<vmem>>, vector<1x16xf32>,
        %get3A_328 = arith.index_cast %scan3A_292 : i32 to index
        %get3A_329 = arith.constant 64 : index
        %get3A_330 = tpu.vector_load %arg22[%get3A_328, %get3A_329] {strides = array<i32>} : memref<16x768xf32, #tpu.memory_space<vmem>>, vector<1x16xf32>,
        %get3A_331 = vector.shape_cast %get3A_330 : vector<1x16xf32> to vector<16xf32>
        %swap3A_332 = arith.index_cast %scan3A_292 : i32 to index
        %swap3A_333 = arith.constant 64 : index
        %swap3A_334 = tpu.vector_load %arg21[%swap3A_332, %swap3A_333] {strides = array<i32>} : memref<16x768xf32, #tpu.memory_space<vmem>>, vector<1x16xf32>,
        %swap3A_335 = vector.shape_cast %swap3A_334 : vector<1x16xf32> to vector<16xf32>
        %swap3A_336 = vector.shape_cast %get3A_331 : vector<16xf32> to vector<1x16xf32>
        tpu.vector_store %arg21[%swap3A_332, %swap3A_333], %swap3A_336 {add = true, strides = array<i32>} : memref<16x768xf32, #tpu.memory_space<vmem>>, vector<1x16xf32>,
        %get3A_337 = arith.index_cast %scan3A_292 : i32 to index
        %get3A_338 = arith.constant 80 : index
        %get3A_339 = tpu.vector_load %arg22[%get3A_337, %get3A_338] {strides = array<i32>} : memref<16x768xf32, #tpu.memory_space<vmem>>, vector<1x16xf32>,
        %get3A_340 = vector.shape_cast %get3A_339 : vector<1x16xf32> to vector<16xf32>
        %swap3A_341 = arith.index_cast %scan3A_292 : i32 to index
        %swap3A_342 = arith.constant 80 : index
        %swap3A_343 = tpu.vector_load %arg21[%swap3A_341, %swap3A_342] {strides = array<i32>} : memref<16x768xf32, #tpu.memory_space<vmem>>, vector<1x16xf32>,
        %swap3A_344 = vector.shape_cast %swap3A_343 : vector<1x16xf32> to vector<16xf32>
        %swap3A_345 = vector.shape_cast %get3A_340 : vector<16xf32> to vector<1x16xf32>
        tpu.vector_store %arg21[%swap3A_341, %swap3A_342], %swap3A_345 {add = true, strides = array<i32>} : memref<16x768xf32, #tpu.memory_space<vmem>>, vector<1x16xf32>,
        %get3A_346 = arith.index_cast %scan3A_292 : i32 to index
        %get3A_347 = arith.constant 96 : index
        %get3A_348 = tpu.vector_load %arg22[%get3A_346, %get3A_347] {strides = array<i32>} : memref<16x768xf32, #tpu.memory_space<vmem>>, vector<1x16xf32>,
        %get3A_349 = vector.shape_cast %get3A_348 : vector<1x16xf32> to vector<16xf32>
        %swap3A_350 = arith.index_cast %scan3A_292 : i32 to index
        %swap3A_351 = arith.constant 96 : index
        %swap3A_352 = tpu.vector_load %arg21[%swap3A_350, %swap3A_351] {strides = array<i32>} : memref<16x768xf32, #tpu.memory_space<vmem>>, vector<1x16xf32>,
        %swap3A_353 = vector.shape_cast %swap3A_352 : vector<1x16xf32> to vector<16xf32>
        %swap3A_354 = vector.shape_cast %get3A_349 : vector<16xf32> to vector<1x16xf32>
        tpu.vector_store %arg21[%swap3A_350, %swap3A_351], %swap3A_354 {add = true, strides = array<i32>} : memref<16x768xf32, #tpu.memory_space<vmem>>, vector<1x16xf32>,
        %get3A_355 = arith.index_cast %scan3A_292 : i32 to index
        %get3A_356 = arith.constant 112 : index
        %get3A_357 = tpu.vector_load %arg22[%get3A_355, %get3A_356] {strides = array<i32>} : memref<16x768xf32, #tpu.memory_space<vmem>>, vector<1x16xf32>,
        %get3A_358 = vector.shape_cast %get3A_357 : vector<1x16xf32> to vector<16xf32>
        %swap3A_359 = arith.index_cast %scan3A_292 : i32 to index
        %swap3A_360 = arith.constant 112 : index
        %swap3A_361 = tpu.vector_load %arg21[%swap3A_359, %swap3A_360] {strides = array<i32>} : memref<16x768xf32, #tpu.memory_space<vmem>>, vector<1x16xf32>,
        %swap3A_362 = vector.shape_cast %swap3A_361 : vector<1x16xf32> to vector<16xf32>
        %swap3A_363 = vector.shape_cast %get3A_358 : vector<16xf32> to vector<1x16xf32>
        tpu.vector_store %arg21[%swap3A_359, %swap3A_360], %swap3A_363 {add = true, strides = array<i32>} : memref<16x768xf32, #tpu.memory_space<vmem>>, vector<1x16xf32>,
        %get3A_364 = arith.index_cast %scan3A_292 : i32 to index
        %get3A_365 = arith.constant 128 : index
        %get3A_366 = tpu.vector_load %arg22[%get3A_364, %get3A_365] {strides = array<i32>} : memref<16x768xf32, #tpu.memory_space<vmem>>, vector<1x16xf32>,
        %get3A_367 = vector.shape_cast %get3A_366 : vector<1x16xf32> to vector<16xf32>
        %swap3A_368 = arith.index_cast %scan3A_292 : i32 to index
        %swap3A_369 = arith.constant 128 : index
        %swap3A_370 = tpu.vector_load %arg21[%swap3A_368, %swap3A_369] {strides = array<i32>} : memref<16x768xf32, #tpu.memory_space<vmem>>, vector<1x16xf32>,
        %swap3A_371 = vector.shape_cast %swap3A_370 : vector<1x16xf32> to vector<16xf32>
        %swap3A_372 = vector.shape_cast %get3A_367 : vector<16xf32> to vector<1x16xf32>
        tpu.vector_store %arg21[%swap3A_368, %swap3A_369], %swap3A_372 {add = true, strides = array<i32>} : memref<16x768xf32, #tpu.memory_space<vmem>>, vector<1x16xf32>,
        %get3A_373 = arith.index_cast %scan3A_292 : i32 to index
        %get3A_374 = arith.constant 144 : index
        %get3A_375 = tpu.vector_load %arg22[%get3A_373, %get3A_374] {strides = array<i32>} : memref<16x768xf32, #tpu.memory_space<vmem>>, vector<1x16xf32>,
        %get3A_376 = vector.shape_cast %get3A_375 : vector<1x16xf32> to vector<16xf32>
        %swap3A_377 = arith.index_cast %scan3A_292 : i32 to index
        %swap3A_378 = arith.constant 144 : index
        %swap3A_379 = tpu.vector_load %arg21[%swap3A_377, %swap3A_378] {strides = array<i32>} : memref<16x768xf32, #tpu.memory_space<vmem>>, vector<1x16xf32>,
        %swap3A_380 = vector.shape_cast %swap3A_379 : vector<1x16xf32> to vector<16xf32>
        %swap3A_381 = vector.shape_cast %get3A_376 : vector<16xf32> to vector<1x16xf32>
        tpu.vector_store %arg21[%swap3A_377, %swap3A_378], %swap3A_381 {add = true, strides = array<i32>} : memref<16x768xf32, #tpu.memory_space<vmem>>, vector<1x16xf32>,
        %get3A_382 = arith.index_cast %scan3A_292 : i32 to index
        %get3A_383 = arith.constant 160 : index
        %get3A_384 = tpu.vector_load %arg22[%get3A_382, %get3A_383] {strides = array<i32>} : memref<16x768xf32, #tpu.memory_space<vmem>>, vector<1x16xf32>,
        %get3A_385 = vector.shape_cast %get3A_384 : vector<1x16xf32> to vector<16xf32>
        %swap3A_386 = arith.index_cast %scan3A_292 : i32 to index
        %swap3A_387 = arith.constant 160 : index
        %swap3A_388 = tpu.vector_load %arg21[%swap3A_386, %swap3A_387] {strides = array<i32>} : memref<16x768xf32, #tpu.memory_space<vmem>>, vector<1x16xf32>,
        %swap3A_389 = vector.shape_cast %swap3A_388 : vector<1x16xf32> to vector<16xf32>
        %swap3A_390 = vector.shape_cast %get3A_385 : vector<16xf32> to vector<1x16xf32>
        tpu.vector_store %arg21[%swap3A_386, %swap3A_387], %swap3A_390 {add = true, strides = array<i32>} : memref<16x768xf32, #tpu.memory_space<vmem>>, vector<1x16xf32>,
        %get3A_391 = arith.index_cast %scan3A_292 : i32 to index
        %get3A_392 = arith.constant 176 : index
        %get3A_393 = tpu.vector_load %arg22[%get3A_391, %get3A_392] {strides = array<i32>} : memref<16x768xf32, #tpu.memory_space<vmem>>, vector<1x16xf32>,
        %get3A_394 = vector.shape_cast %get3A_393 : vector<1x16xf32> to vector<16xf32>
        %swap3A_395 = arith.index_cast %scan3A_292 : i32 to index
        %swap3A_396 = arith.constant 176 : index
        %swap3A_397 = tpu.vector_load %arg21[%swap3A_395, %swap3A_396] {strides = array<i32>} : memref<16x768xf32, #tpu.memory_space<vmem>>, vector<1x16xf32>,
        %swap3A_398 = vector.shape_cast %swap3A_397 : vector<1x16xf32> to vector<16xf32>
        %swap3A_399 = vector.shape_cast %get3A_394 : vector<16xf32> to vector<1x16xf32>
        tpu.vector_store %arg21[%swap3A_395, %swap3A_396], %swap3A_399 {add = true, strides = array<i32>} : memref<16x768xf32, #tpu.memory_space<vmem>>, vector<1x16xf32>,
        %get3A_400 = arith.index_cast %scan3A_292 : i32 to index
        %get3A_401 = arith.constant 192 : index
        %get3A_402 = tpu.vector_load %arg22[%get3A_400, %get3A_401] {strides = array<i32>} : memref<16x768xf32, #tpu.memory_space<vmem>>, vector<1x16xf32>,
        %get3A_403 = vector.shape_cast %get3A_402 : vector<1x16xf32> to vector<16xf32>
        %swap3A_404 = arith.index_cast %scan3A_292 : i32 to index
        %swap3A_405 = arith.constant 192 : index
        %swap3A_406 = tpu.vector_load %arg21[%swap3A_404, %swap3A_405] {strides = array<i32>} : memref<16x768xf32, #tpu.memory_space<vmem>>, vector<1x16xf32>,
        %swap3A_407 = vector.shape_cast %swap3A_406 : vector<1x16xf32> to vector<16xf32>
        %swap3A_408 = vector.shape_cast %get3A_403 : vector<16xf32> to vector<1x16xf32>
        tpu.vector_store %arg21[%swap3A_404, %swap3A_405], %swap3A_408 {add = true, strides = array<i32>} : memref<16x768xf32, #tpu.memory_space<vmem>>, vector<1x16xf32>,
        %get3A_409 = arith.index_cast %scan3A_292 : i32 to index
        %get3A_410 = arith.constant 208 : index
        %get3A_411 = tpu.vector_load %arg22[%get3A_409, %get3A_410] {strides = array<i32>} : memref<16x768xf32, #tpu.memory_space<vmem>>, vector<1x16xf32>,
        %get3A_412 = vector.shape_cast %get3A_411 : vector<1x16xf32> to vector<16xf32>
        %swap3A_413 = arith.index_cast %scan3A_292 : i32 to index
        %swap3A_414 = arith.constant 208 : index
        %swap3A_415 = tpu.vector_load %arg21[%swap3A_413, %swap3A_414] {strides = array<i32>} : memref<16x768xf32, #tpu.memory_space<vmem>>, vector<1x16xf32>,
        %swap3A_416 = vector.shape_cast %swap3A_415 : vector<1x16xf32> to vector<16xf32>
        %swap3A_417 = vector.shape_cast %get3A_412 : vector<16xf32> to vector<1x16xf32>
        tpu.vector_store %arg21[%swap3A_413, %swap3A_414], %swap3A_417 {add = true, strides = array<i32>} : memref<16x768xf32, #tpu.memory_space<vmem>>, vector<1x16xf32>,
        %get3A_418 = arith.index_cast %scan3A_292 : i32 to index
        %get3A_419 = arith.constant 224 : index
        %get3A_420 = tpu.vector_load %arg22[%get3A_418, %get3A_419] {strides = array<i32>} : memref<16x768xf32, #tpu.memory_space<vmem>>, vector<1x16xf32>,
        %get3A_421 = vector.shape_cast %get3A_420 : vector<1x16xf32> to vector<16xf32>
        %swap3A_422 = arith.index_cast %scan3A_292 : i32 to index
        %swap3A_423 = arith.constant 224 : index
        %swap3A_424 = tpu.vector_load %arg21[%swap3A_422, %swap3A_423] {strides = array<i32>} : memref<16x768xf32, #tpu.memory_space<vmem>>, vector<1x16xf32>,
        %swap3A_425 = vector.shape_cast %swap3A_424 : vector<1x16xf32> to vector<16xf32>
        %swap3A_426 = vector.shape_cast %get3A_421 : vector<16xf32> to vector<1x16xf32>
        tpu.vector_store %arg21[%swap3A_422, %swap3A_423], %swap3A_426 {add = true, strides = array<i32>} : memref<16x768xf32, #tpu.memory_space<vmem>>, vector<1x16xf32>,
        %get3A_427 = arith.index_cast %scan3A_292 : i32 to index
        %get3A_428 = arith.constant 240 : index
        %get3A_429 = tpu.vector_load %arg22[%get3A_427, %get3A_428] {strides = array<i32>} : memref<16x768xf32, #tpu.memory_space<vmem>>, vector<1x16xf32>,
        %get3A_430 = vector.shape_cast %get3A_429 : vector<1x16xf32> to vector<16xf32>
        %swap3A_431 = arith.index_cast %scan3A_292 : i32 to index
        %swap3A_432 = arith.constant 240 : index
        %swap3A_433 = tpu.vector_load %arg21[%swap3A_431, %swap3A_432] {strides = array<i32>} : memref<16x768xf32, #tpu.memory_space<vmem>>, vector<1x16xf32>,
        %swap3A_434 = vector.shape_cast %swap3A_433 : vector<1x16xf32> to vector<16xf32>
        %swap3A_435 = vector.shape_cast %get3A_430 : vector<16xf32> to vector<1x16xf32>
        tpu.vector_store %arg21[%swap3A_431, %swap3A_432], %swap3A_435 {add = true, strides = array<i32>} : memref<16x768xf32, #tpu.memory_space<vmem>>, vector<1x16xf32>,
        %get3A_436 = arith.index_cast %scan3A_292 : i32 to index
        %get3A_437 = arith.constant 256 : index
        %get3A_438 = tpu.vector_load %arg22[%get3A_436, %get3A_437] {strides = array<i32>} : memref<16x768xf32, #tpu.memory_space<vmem>>, vector<1x16xf32>,
        %get3A_439 = vector.shape_cast %get3A_438 : vector<1x16xf32> to vector<16xf32>
        %swap3A_440 = arith.index_cast %scan3A_292 : i32 to index
        %swap3A_441 = arith.constant 256 : index
        %swap3A_442 = tpu.vector_load %arg21[%swap3A_440, %swap3A_441] {strides = array<i32>} : memref<16x768xf32, #tpu.memory_space<vmem>>, vector<1x16xf32>,
        %swap3A_443 = vector.shape_cast %swap3A_442 : vector<1x16xf32> to vector<16xf32>
        %swap3A_444 = vector.shape_cast %get3A_439 : vector<16xf32> to vector<1x16xf32>
        tpu.vector_store %arg21[%swap3A_440, %swap3A_441], %swap3A_444 {add = true, strides = array<i32>} : memref<16x768xf32, #tpu.memory_space<vmem>>, vector<1x16xf32>,
        %get3A_445 = arith.index_cast %scan3A_292 : i32 to index
        %get3A_446 = arith.constant 272 : index
        %get3A_447 = tpu.vector_load %arg22[%get3A_445, %get3A_446] {strides = array<i32>} : memref<16x768xf32, #tpu.memory_space<vmem>>, vector<1x16xf32>,
        %get3A_448 = vector.shape_cast %get3A_447 : vector<1x16xf32> to vector<16xf32>
        %swap3A_449 = arith.index_cast %scan3A_292 : i32 to index
        %swap3A_450 = arith.constant 272 : index
        %swap3A_451 = tpu.vector_load %arg21[%swap3A_449, %swap3A_450] {strides = array<i32>} : memref<16x768xf32, #tpu.memory_space<vmem>>, vector<1x16xf32>,
        %swap3A_452 = vector.shape_cast %swap3A_451 : vector<1x16xf32> to vector<16xf32>
        %swap3A_453 = vector.shape_cast %get3A_448 : vector<16xf32> to vector<1x16xf32>
        tpu.vector_store %arg21[%swap3A_449, %swap3A_450], %swap3A_453 {add = true, strides = array<i32>} : memref<16x768xf32, #tpu.memory_space<vmem>>, vector<1x16xf32>,
        %get3A_454 = arith.index_cast %scan3A_292 : i32 to index
        %get3A_455 = arith.constant 288 : index
        %get3A_456 = tpu.vector_load %arg22[%get3A_454, %get3A_455] {strides = array<i32>} : memref<16x768xf32, #tpu.memory_space<vmem>>, vector<1x16xf32>,
        %get3A_457 = vector.shape_cast %get3A_456 : vector<1x16xf32> to vector<16xf32>
        %swap3A_458 = arith.index_cast %scan3A_292 : i32 to index
        %swap3A_459 = arith.constant 288 : index
        %swap3A_460 = tpu.vector_load %arg21[%swap3A_458, %swap3A_459] {strides = array<i32>} : memref<16x768xf32, #tpu.memory_space<vmem>>, vector<1x16xf32>,
        %swap3A_461 = vector.shape_cast %swap3A_460 : vector<1x16xf32> to vector<16xf32>
        %swap3A_462 = vector.shape_cast %get3A_457 : vector<16xf32> to vector<1x16xf32>
        tpu.vector_store %arg21[%swap3A_458, %swap3A_459], %swap3A_462 {add = true, strides = array<i32>} : memref<16x768xf32, #tpu.memory_space<vmem>>, vector<1x16xf32>,
        %get3A_463 = arith.index_cast %scan3A_292 : i32 to index
        %get3A_464 = arith.constant 304 : index
        %get3A_465 = tpu.vector_load %arg22[%get3A_463, %get3A_464] {strides = array<i32>} : memref<16x768xf32, #tpu.memory_space<vmem>>, vector<1x16xf32>,
        %get3A_466 = vector.shape_cast %get3A_465 : vector<1x16xf32> to vector<16xf32>
        %swap3A_467 = arith.index_cast %scan3A_292 : i32 to index
        %swap3A_468 = arith.constant 304 : index
        %swap3A_469 = tpu.vector_load %arg21[%swap3A_467, %swap3A_468] {strides = array<i32>} : memref<16x768xf32, #tpu.memory_space<vmem>>, vector<1x16xf32>,
        %swap3A_470 = vector.shape_cast %swap3A_469 : vector<1x16xf32> to vector<16xf32>
        %swap3A_471 = vector.shape_cast %get3A_466 : vector<16xf32> to vector<1x16xf32>
        tpu.vector_store %arg21[%swap3A_467, %swap3A_468], %swap3A_471 {add = true, strides = array<i32>} : memref<16x768xf32, #tpu.memory_space<vmem>>, vector<1x16xf32>,
        %get3A_472 = arith.index_cast %scan3A_292 : i32 to index
        %get3A_473 = arith.constant 320 : index
        %get3A_474 = tpu.vector_load %arg22[%get3A_472, %get3A_473] {strides = array<i32>} : memref<16x768xf32, #tpu.memory_space<vmem>>, vector<1x16xf32>,
        %get3A_475 = vector.shape_cast %get3A_474 : vector<1x16xf32> to vector<16xf32>
        %swap3A_476 = arith.index_cast %scan3A_292 : i32 to index
        %swap3A_477 = arith.constant 320 : index
        %swap3A_478 = tpu.vector_load %arg21[%swap3A_476, %swap3A_477] {strides = array<i32>} : memref<16x768xf32, #tpu.memory_space<vmem>>, vector<1x16xf32>,
        %swap3A_479 = vector.shape_cast %swap3A_478 : vector<1x16xf32> to vector<16xf32>
        %swap3A_480 = vector.shape_cast %get3A_475 : vector<16xf32> to vector<1x16xf32>
        tpu.vector_store %arg21[%swap3A_476, %swap3A_477], %swap3A_480 {add = true, strides = array<i32>} : memref<16x768xf32, #tpu.memory_space<vmem>>, vector<1x16xf32>,
        %get3A_481 = arith.index_cast %scan3A_292 : i32 to index
        %get3A_482 = arith.constant 336 : index
        %get3A_483 = tpu.vector_load %arg22[%get3A_481, %get3A_482] {strides = array<i32>} : memref<16x768xf32, #tpu.memory_space<vmem>>, vector<1x16xf32>,
        %get3A_484 = vector.shape_cast %get3A_483 : vector<1x16xf32> to vector<16xf32>
        %swap3A_485 = arith.index_cast %scan3A_292 : i32 to index
        %swap3A_486 = arith.constant 336 : index
        %swap3A_487 = tpu.vector_load %arg21[%swap3A_485, %swap3A_486] {strides = array<i32>} : memref<16x768xf32, #tpu.memory_space<vmem>>, vector<1x16xf32>,
        %swap3A_488 = vector.shape_cast %swap3A_487 : vector<1x16xf32> to vector<16xf32>
        %swap3A_489 = vector.shape_cast %get3A_484 : vector<16xf32> to vector<1x16xf32>
        tpu.vector_store %arg21[%swap3A_485, %swap3A_486], %swap3A_489 {add = true, strides = array<i32>} : memref<16x768xf32, #tpu.memory_space<vmem>>, vector<1x16xf32>,
        %get3A_490 = arith.index_cast %scan3A_292 : i32 to index
        %get3A_491 = arith.constant 352 : index
        %get3A_492 = tpu.vector_load %arg22[%get3A_490, %get3A_491] {strides = array<i32>} : memref<16x768xf32, #tpu.memory_space<vmem>>, vector<1x16xf32>,
        %get3A_493 = vector.shape_cast %get3A_492 : vector<1x16xf32> to vector<16xf32>
        %swap3A_494 = arith.index_cast %scan3A_292 : i32 to index
        %swap3A_495 = arith.constant 352 : index
        %swap3A_496 = tpu.vector_load %arg21[%swap3A_494, %swap3A_495] {strides = array<i32>} : memref<16x768xf32, #tpu.memory_space<vmem>>, vector<1x16xf32>,
        %swap3A_497 = vector.shape_cast %swap3A_496 : vector<1x16xf32> to vector<16xf32>
        %swap3A_498 = vector.shape_cast %get3A_493 : vector<16xf32> to vector<1x16xf32>
        tpu.vector_store %arg21[%swap3A_494, %swap3A_495], %swap3A_498 {add = true, strides = array<i32>} : memref<16x768xf32, #tpu.memory_space<vmem>>, vector<1x16xf32>,
        %get3A_499 = arith.index_cast %scan3A_292 : i32 to index
        %get3A_500 = arith.constant 368 : index
        %get3A_501 = tpu.vector_load %arg22[%get3A_499, %get3A_500] {strides = array<i32>} : memref<16x768xf32, #tpu.memory_space<vmem>>, vector<1x16xf32>,
        %get3A_502 = vector.shape_cast %get3A_501 : vector<1x16xf32> to vector<16xf32>
        %swap3A_503 = arith.index_cast %scan3A_292 : i32 to index
        %swap3A_504 = arith.constant 368 : index
        %swap3A_505 = tpu.vector_load %arg21[%swap3A_503, %swap3A_504] {strides = array<i32>} : memref<16x768xf32, #tpu.memory_space<vmem>>, vector<1x16xf32>,
        %swap3A_506 = vector.shape_cast %swap3A_505 : vector<1x16xf32> to vector<16xf32>
        %swap3A_507 = vector.shape_cast %get3A_502 : vector<16xf32> to vector<1x16xf32>
        tpu.vector_store %arg21[%swap3A_503, %swap3A_504], %swap3A_507 {add = true, strides = array<i32>} : memref<16x768xf32, #tpu.memory_space<vmem>>, vector<1x16xf32>,
        %get3A_508 = arith.index_cast %scan3A_292 : i32 to index
        %get3A_509 = arith.constant 384 : index
        %get3A_510 = tpu.vector_load %arg22[%get3A_508, %get3A_509] {strides = array<i32>} : memref<16x768xf32, #tpu.memory_space<vmem>>, vector<1x16xf32>,
        %get3A_511 = vector.shape_cast %get3A_510 : vector<1x16xf32> to vector<16xf32>
        %swap3A_512 = arith.index_cast %scan3A_292 : i32 to index
        %swap3A_513 = arith.constant 384 : index
        %swap3A_514 = tpu.vector_load %arg21[%swap3A_512, %swap3A_513] {strides = array<i32>} : memref<16x768xf32, #tpu.memory_space<vmem>>, vector<1x16xf32>,
        %swap3A_515 = vector.shape_cast %swap3A_514 : vector<1x16xf32> to vector<16xf32>
        %swap3A_516 = vector.shape_cast %get3A_511 : vector<16xf32> to vector<1x16xf32>
        tpu.vector_store %arg21[%swap3A_512, %swap3A_513], %swap3A_516 {add = true, strides = array<i32>} : memref<16x768xf32, #tpu.memory_space<vmem>>, vector<1x16xf32>,
        %get3A_517 = arith.index_cast %scan3A_292 : i32 to index
        %get3A_518 = arith.constant 400 : index
        %get3A_519 = tpu.vector_load %arg22[%get3A_517, %get3A_518] {strides = array<i32>} : memref<16x768xf32, #tpu.memory_space<vmem>>, vector<1x16xf32>,
        %get3A_520 = vector.shape_cast %get3A_519 : vector<1x16xf32> to vector<16xf32>
        %swap3A_521 = arith.index_cast %scan3A_292 : i32 to index
        %swap3A_522 = arith.constant 400 : index
        %swap3A_523 = tpu.vector_load %arg21[%swap3A_521, %swap3A_522] {strides = array<i32>} : memref<16x768xf32, #tpu.memory_space<vmem>>, vector<1x16xf32>,
        %swap3A_524 = vector.shape_cast %swap3A_523 : vector<1x16xf32> to vector<16xf32>
        %swap3A_525 = vector.shape_cast %get3A_520 : vector<16xf32> to vector<1x16xf32>
        tpu.vector_store %arg21[%swap3A_521, %swap3A_522], %swap3A_525 {add = true, strides = array<i32>} : memref<16x768xf32, #tpu.memory_space<vmem>>, vector<1x16xf32>,
        %get3A_526 = arith.index_cast %scan3A_292 : i32 to index
        %get3A_527 = arith.constant 416 : index
        %get3A_528 = tpu.vector_load %arg22[%get3A_526, %get3A_527] {strides = array<i32>} : memref<16x768xf32, #tpu.memory_space<vmem>>, vector<1x16xf32>,
        %get3A_529 = vector.shape_cast %get3A_528 : vector<1x16xf32> to vector<16xf32>
        %swap3A_530 = arith.index_cast %scan3A_292 : i32 to index
        %swap3A_531 = arith.constant 416 : index
        %swap3A_532 = tpu.vector_load %arg21[%swap3A_530, %swap3A_531] {strides = array<i32>} : memref<16x768xf32, #tpu.memory_space<vmem>>, vector<1x16xf32>,
        %swap3A_533 = vector.shape_cast %swap3A_532 : vector<1x16xf32> to vector<16xf32>
        %swap3A_534 = vector.shape_cast %get3A_529 : vector<16xf32> to vector<1x16xf32>
        tpu.vector_store %arg21[%swap3A_530, %swap3A_531], %swap3A_534 {add = true, strides = array<i32>} : memref<16x768xf32, #tpu.memory_space<vmem>>, vector<1x16xf32>,
        %get3A_535 = arith.index_cast %scan3A_292 : i32 to index
        %get3A_536 = arith.constant 432 : index
        %get3A_537 = tpu.vector_load %arg22[%get3A_535, %get3A_536] {strides = array<i32>} : memref<16x768xf32, #tpu.memory_space<vmem>>, vector<1x16xf32>,
        %get3A_538 = vector.shape_cast %get3A_537 : vector<1x16xf32> to vector<16xf32>
        %swap3A_539 = arith.index_cast %scan3A_292 : i32 to index
        %swap3A_540 = arith.constant 432 : index
        %swap3A_541 = tpu.vector_load %arg21[%swap3A_539, %swap3A_540] {strides = array<i32>} : memref<16x768xf32, #tpu.memory_space<vmem>>, vector<1x16xf32>,
        %swap3A_542 = vector.shape_cast %swap3A_541 : vector<1x16xf32> to vector<16xf32>
        %swap3A_543 = vector.shape_cast %get3A_538 : vector<16xf32> to vector<1x16xf32>
        tpu.vector_store %arg21[%swap3A_539, %swap3A_540], %swap3A_543 {add = true, strides = array<i32>} : memref<16x768xf32, #tpu.memory_space<vmem>>, vector<1x16xf32>,
        %get3A_544 = arith.index_cast %scan3A_292 : i32 to index
        %get3A_545 = arith.constant 448 : index
        %get3A_546 = tpu.vector_load %arg22[%get3A_544, %get3A_545] {strides = array<i32>} : memref<16x768xf32, #tpu.memory_space<vmem>>, vector<1x16xf32>,
        %get3A_547 = vector.shape_cast %get3A_546 : vector<1x16xf32> to vector<16xf32>
        %swap3A_548 = arith.index_cast %scan3A_292 : i32 to index
        %swap3A_549 = arith.constant 448 : index
        %swap3A_550 = tpu.vector_load %arg21[%swap3A_548, %swap3A_549] {strides = array<i32>} : memref<16x768xf32, #tpu.memory_space<vmem>>, vector<1x16xf32>,
        %swap3A_551 = vector.shape_cast %swap3A_550 : vector<1x16xf32> to vector<16xf32>
        %swap3A_552 = vector.shape_cast %get3A_547 : vector<16xf32> to vector<1x16xf32>
        tpu.vector_store %arg21[%swap3A_548, %swap3A_549], %swap3A_552 {add = true, strides = array<i32>} : memref<16x768xf32, #tpu.memory_space<vmem>>, vector<1x16xf32>,
        %get3A_553 = arith.index_cast %scan3A_292 : i32 to index
        %get3A_554 = arith.constant 464 : index
        %get3A_555 = tpu.vector_load %arg22[%get3A_553, %get3A_554] {strides = array<i32>} : memref<16x768xf32, #tpu.memory_space<vmem>>, vector<1x16xf32>,
        %get3A_556 = vector.shape_cast %get3A_555 : vector<1x16xf32> to vector<16xf32>
        %swap3A_557 = arith.index_cast %scan3A_292 : i32 to index
        %swap3A_558 = arith.constant 464 : index
        %swap3A_559 = tpu.vector_load %arg21[%swap3A_557, %swap3A_558] {strides = array<i32>} : memref<16x768xf32, #tpu.memory_space<vmem>>, vector<1x16xf32>,
        %swap3A_560 = vector.shape_cast %swap3A_559 : vector<1x16xf32> to vector<16xf32>
        %swap3A_561 = vector.shape_cast %get3A_556 : vector<16xf32> to vector<1x16xf32>
        tpu.vector_store %arg21[%swap3A_557, %swap3A_558], %swap3A_561 {add = true, strides = array<i32>} : memref<16x768xf32, #tpu.memory_space<vmem>>, vector<1x16xf32>,
        %get3A_562 = arith.index_cast %scan3A_292 : i32 to index
        %get3A_563 = arith.constant 480 : index
        %get3A_564 = tpu.vector_load %arg22[%get3A_562, %get3A_563] {strides = array<i32>} : memref<16x768xf32, #tpu.memory_space<vmem>>, vector<1x16xf32>,
        %get3A_565 = vector.shape_cast %get3A_564 : vector<1x16xf32> to vector<16xf32>
        %swap3A_566 = arith.index_cast %scan3A_292 : i32 to index
        %swap3A_567 = arith.constant 480 : index
        %swap3A_568 = tpu.vector_load %arg21[%swap3A_566, %swap3A_567] {strides = array<i32>} : memref<16x768xf32, #tpu.memory_space<vmem>>, vector<1x16xf32>,
        %swap3A_569 = vector.shape_cast %swap3A_568 : vector<1x16xf32> to vector<16xf32>
        %swap3A_570 = vector.shape_cast %get3A_565 : vector<16xf32> to vector<1x16xf32>
        tpu.vector_store %arg21[%swap3A_566, %swap3A_567], %swap3A_570 {add = true, strides = array<i32>} : memref<16x768xf32, #tpu.memory_space<vmem>>, vector<1x16xf32>,
        %get3A_571 = arith.index_cast %scan3A_292 : i32 to index
        %get3A_572 = arith.constant 496 : index
        %get3A_573 = tpu.vector_load %arg22[%get3A_571, %get3A_572] {strides = array<i32>} : memref<16x768xf32, #tpu.memory_space<vmem>>, vector<1x16xf32>,
        %get3A_574 = vector.shape_cast %get3A_573 : vector<1x16xf32> to vector<16xf32>
        %swap3A_575 = arith.index_cast %scan3A_292 : i32 to index
        %swap3A_576 = arith.constant 496 : index
        %swap3A_577 = tpu.vector_load %arg21[%swap3A_575, %swap3A_576] {strides = array<i32>} : memref<16x768xf32, #tpu.memory_space<vmem>>, vector<1x16xf32>,
        %swap3A_578 = vector.shape_cast %swap3A_577 : vector<1x16xf32> to vector<16xf32>
        %swap3A_579 = vector.shape_cast %get3A_574 : vector<16xf32> to vector<1x16xf32>
        tpu.vector_store %arg21[%swap3A_575, %swap3A_576], %swap3A_579 {add = true, strides = array<i32>} : memref<16x768xf32, #tpu.memory_space<vmem>>, vector<1x16xf32>,
        %get3A_580 = arith.index_cast %scan3A_292 : i32 to index
        %get3A_581 = arith.constant 512 : index
        %get3A_582 = tpu.vector_load %arg22[%get3A_580, %get3A_581] {strides = array<i32>} : memref<16x768xf32, #tpu.memory_space<vmem>>, vector<1x16xf32>,
        %get3A_583 = vector.shape_cast %get3A_582 : vector<1x16xf32> to vector<16xf32>
        %swap3A_584 = arith.index_cast %scan3A_292 : i32 to index
        %swap3A_585 = arith.constant 512 : index
        %swap3A_586 = tpu.vector_load %arg21[%swap3A_584, %swap3A_585] {strides = array<i32>} : memref<16x768xf32, #tpu.memory_space<vmem>>, vector<1x16xf32>,
        %swap3A_587 = vector.shape_cast %swap3A_586 : vector<1x16xf32> to vector<16xf32>
        %swap3A_588 = vector.shape_cast %get3A_583 : vector<16xf32> to vector<1x16xf32>
        tpu.vector_store %arg21[%swap3A_584, %swap3A_585], %swap3A_588 {add = true, strides = array<i32>} : memref<16x768xf32, #tpu.memory_space<vmem>>, vector<1x16xf32>,
        %get3A_589 = arith.index_cast %scan3A_292 : i32 to index
        %get3A_590 = arith.constant 528 : index
        %get3A_591 = tpu.vector_load %arg22[%get3A_589, %get3A_590] {strides = array<i32>} : memref<16x768xf32, #tpu.memory_space<vmem>>, vector<1x16xf32>,
        %get3A_592 = vector.shape_cast %get3A_591 : vector<1x16xf32> to vector<16xf32>
        %swap3A_593 = arith.index_cast %scan3A_292 : i32 to index
        %swap3A_594 = arith.constant 528 : index
        %swap3A_595 = tpu.vector_load %arg21[%swap3A_593, %swap3A_594] {strides = array<i32>} : memref<16x768xf32, #tpu.memory_space<vmem>>, vector<1x16xf32>,
        %swap3A_596 = vector.shape_cast %swap3A_595 : vector<1x16xf32> to vector<16xf32>
        %swap3A_597 = vector.shape_cast %get3A_592 : vector<16xf32> to vector<1x16xf32>
        tpu.vector_store %arg21[%swap3A_593, %swap3A_594], %swap3A_597 {add = true, strides = array<i32>} : memref<16x768xf32, #tpu.memory_space<vmem>>, vector<1x16xf32>,
        %get3A_598 = arith.index_cast %scan3A_292 : i32 to index
        %get3A_599 = arith.constant 544 : index
        %get3A_600 = tpu.vector_load %arg22[%get3A_598, %get3A_599] {strides = array<i32>} : memref<16x768xf32, #tpu.memory_space<vmem>>, vector<1x16xf32>,
        %get3A_601 = vector.shape_cast %get3A_600 : vector<1x16xf32> to vector<16xf32>
        %swap3A_602 = arith.index_cast %scan3A_292 : i32 to index
        %swap3A_603 = arith.constant 544 : index
        %swap3A_604 = tpu.vector_load %arg21[%swap3A_602, %swap3A_603] {strides = array<i32>} : memref<16x768xf32, #tpu.memory_space<vmem>>, vector<1x16xf32>,
        %swap3A_605 = vector.shape_cast %swap3A_604 : vector<1x16xf32> to vector<16xf32>
        %swap3A_606 = vector.shape_cast %get3A_601 : vector<16xf32> to vector<1x16xf32>
        tpu.vector_store %arg21[%swap3A_602, %swap3A_603], %swap3A_606 {add = true, strides = array<i32>} : memref<16x768xf32, #tpu.memory_space<vmem>>, vector<1x16xf32>,
        %get3A_607 = arith.index_cast %scan3A_292 : i32 to index
        %get3A_608 = arith.constant 560 : index
        %get3A_609 = tpu.vector_load %arg22[%get3A_607, %get3A_608] {strides = array<i32>} : memref<16x768xf32, #tpu.memory_space<vmem>>, vector<1x16xf32>,
        %get3A_610 = vector.shape_cast %get3A_609 : vector<1x16xf32> to vector<16xf32>
        %swap3A_611 = arith.index_cast %scan3A_292 : i32 to index
        %swap3A_612 = arith.constant 560 : index
        %swap3A_613 = tpu.vector_load %arg21[%swap3A_611, %swap3A_612] {strides = array<i32>} : memref<16x768xf32, #tpu.memory_space<vmem>>, vector<1x16xf32>,
        %swap3A_614 = vector.shape_cast %swap3A_613 : vector<1x16xf32> to vector<16xf32>
        %swap3A_615 = vector.shape_cast %get3A_610 : vector<16xf32> to vector<1x16xf32>
        tpu.vector_store %arg21[%swap3A_611, %swap3A_612], %swap3A_615 {add = true, strides = array<i32>} : memref<16x768xf32, #tpu.memory_space<vmem>>, vector<1x16xf32>,
        %get3A_616 = arith.index_cast %scan3A_292 : i32 to index
        %get3A_617 = arith.constant 576 : index
        %get3A_618 = tpu.vector_load %arg22[%get3A_616, %get3A_617] {strides = array<i32>} : memref<16x768xf32, #tpu.memory_space<vmem>>, vector<1x16xf32>,
        %get3A_619 = vector.shape_cast %get3A_618 : vector<1x16xf32> to vector<16xf32>
        %swap3A_620 = arith.index_cast %scan3A_292 : i32 to index
        %swap3A_621 = arith.constant 576 : index
        %swap3A_622 = tpu.vector_load %arg21[%swap3A_620, %swap3A_621] {strides = array<i32>} : memref<16x768xf32, #tpu.memory_space<vmem>>, vector<1x16xf32>,
        %swap3A_623 = vector.shape_cast %swap3A_622 : vector<1x16xf32> to vector<16xf32>
        %swap3A_624 = vector.shape_cast %get3A_619 : vector<16xf32> to vector<1x16xf32>
        tpu.vector_store %arg21[%swap3A_620, %swap3A_621], %swap3A_624 {add = true, strides = array<i32>} : memref<16x768xf32, #tpu.memory_space<vmem>>, vector<1x16xf32>,
        %get3A_625 = arith.index_cast %scan3A_292 : i32 to index
        %get3A_626 = arith.constant 592 : index
        %get3A_627 = tpu.vector_load %arg22[%get3A_625, %get3A_626] {strides = array<i32>} : memref<16x768xf32, #tpu.memory_space<vmem>>, vector<1x16xf32>,
        %get3A_628 = vector.shape_cast %get3A_627 : vector<1x16xf32> to vector<16xf32>
        %swap3A_629 = arith.index_cast %scan3A_292 : i32 to index
        %swap3A_630 = arith.constant 592 : index
        %swap3A_631 = tpu.vector_load %arg21[%swap3A_629, %swap3A_630] {strides = array<i32>} : memref<16x768xf32, #tpu.memory_space<vmem>>, vector<1x16xf32>,
        %swap3A_632 = vector.shape_cast %swap3A_631 : vector<1x16xf32> to vector<16xf32>
        %swap3A_633 = vector.shape_cast %get3A_628 : vector<16xf32> to vector<1x16xf32>
        tpu.vector_store %arg21[%swap3A_629, %swap3A_630], %swap3A_633 {add = true, strides = array<i32>} : memref<16x768xf32, #tpu.memory_space<vmem>>, vector<1x16xf32>,
        %get3A_634 = arith.index_cast %scan3A_292 : i32 to index
        %get3A_635 = arith.constant 608 : index
        %get3A_636 = tpu.vector_load %arg22[%get3A_634, %get3A_635] {strides = array<i32>} : memref<16x768xf32, #tpu.memory_space<vmem>>, vector<1x16xf32>,
        %get3A_637 = vector.shape_cast %get3A_636 : vector<1x16xf32> to vector<16xf32>
        %swap3A_638 = arith.index_cast %scan3A_292 : i32 to index
        %swap3A_639 = arith.constant 608 : index
        %swap3A_640 = tpu.vector_load %arg21[%swap3A_638, %swap3A_639] {strides = array<i32>} : memref<16x768xf32, #tpu.memory_space<vmem>>, vector<1x16xf32>,
        %swap3A_641 = vector.shape_cast %swap3A_640 : vector<1x16xf32> to vector<16xf32>
        %swap3A_642 = vector.shape_cast %get3A_637 : vector<16xf32> to vector<1x16xf32>
        tpu.vector_store %arg21[%swap3A_638, %swap3A_639], %swap3A_642 {add = true, strides = array<i32>} : memref<16x768xf32, #tpu.memory_space<vmem>>, vector<1x16xf32>,
        %get3A_643 = arith.index_cast %scan3A_292 : i32 to index
        %get3A_644 = arith.constant 624 : index
        %get3A_645 = tpu.vector_load %arg22[%get3A_643, %get3A_644] {strides = array<i32>} : memref<16x768xf32, #tpu.memory_space<vmem>>, vector<1x16xf32>,
        %get3A_646 = vector.shape_cast %get3A_645 : vector<1x16xf32> to vector<16xf32>
        %swap3A_647 = arith.index_cast %scan3A_292 : i32 to index
        %swap3A_648 = arith.constant 624 : index
        %swap3A_649 = tpu.vector_load %arg21[%swap3A_647, %swap3A_648] {strides = array<i32>} : memref<16x768xf32, #tpu.memory_space<vmem>>, vector<1x16xf32>,
        %swap3A_650 = vector.shape_cast %swap3A_649 : vector<1x16xf32> to vector<16xf32>
        %swap3A_651 = vector.shape_cast %get3A_646 : vector<16xf32> to vector<1x16xf32>
        tpu.vector_store %arg21[%swap3A_647, %swap3A_648], %swap3A_651 {add = true, strides = array<i32>} : memref<16x768xf32, #tpu.memory_space<vmem>>, vector<1x16xf32>,
        %get3A_652 = arith.index_cast %scan3A_292 : i32 to index
        %get3A_653 = arith.constant 640 : index
        %get3A_654 = tpu.vector_load %arg22[%get3A_652, %get3A_653] {strides = array<i32>} : memref<16x768xf32, #tpu.memory_space<vmem>>, vector<1x16xf32>,
        %get3A_655 = vector.shape_cast %get3A_654 : vector<1x16xf32> to vector<16xf32>
        %swap3A_656 = arith.index_cast %scan3A_292 : i32 to index
        %swap3A_657 = arith.constant 640 : index
        %swap3A_658 = tpu.vector_load %arg21[%swap3A_656, %swap3A_657] {strides = array<i32>} : memref<16x768xf32, #tpu.memory_space<vmem>>, vector<1x16xf32>,
        %swap3A_659 = vector.shape_cast %swap3A_658 : vector<1x16xf32> to vector<16xf32>
        %swap3A_660 = vector.shape_cast %get3A_655 : vector<16xf32> to vector<1x16xf32>
        tpu.vector_store %arg21[%swap3A_656, %swap3A_657], %swap3A_660 {add = true, strides = array<i32>} : memref<16x768xf32, #tpu.memory_space<vmem>>, vector<1x16xf32>,
        %get3A_661 = arith.index_cast %scan3A_292 : i32 to index
        %get3A_662 = arith.constant 656 : index
        %get3A_663 = tpu.vector_load %arg22[%get3A_661, %get3A_662] {strides = array<i32>} : memref<16x768xf32, #tpu.memory_space<vmem>>, vector<1x16xf32>,
        %get3A_664 = vector.shape_cast %get3A_663 : vector<1x16xf32> to vector<16xf32>
        %swap3A_665 = arith.index_cast %scan3A_292 : i32 to index
        %swap3A_666 = arith.constant 656 : index
        %swap3A_667 = tpu.vector_load %arg21[%swap3A_665, %swap3A_666] {strides = array<i32>} : memref<16x768xf32, #tpu.memory_space<vmem>>, vector<1x16xf32>,
        %swap3A_668 = vector.shape_cast %swap3A_667 : vector<1x16xf32> to vector<16xf32>
        %swap3A_669 = vector.shape_cast %get3A_664 : vector<16xf32> to vector<1x16xf32>
        tpu.vector_store %arg21[%swap3A_665, %swap3A_666], %swap3A_669 {add = true, strides = array<i32>} : memref<16x768xf32, #tpu.memory_space<vmem>>, vector<1x16xf32>,
        %get3A_670 = arith.index_cast %scan3A_292 : i32 to index
        %get3A_671 = arith.constant 672 : index
        %get3A_672 = tpu.vector_load %arg22[%get3A_670, %get3A_671] {strides = array<i32>} : memref<16x768xf32, #tpu.memory_space<vmem>>, vector<1x16xf32>,
        %get3A_673 = vector.shape_cast %get3A_672 : vector<1x16xf32> to vector<16xf32>
        %swap3A_674 = arith.index_cast %scan3A_292 : i32 to index
        %swap3A_675 = arith.constant 672 : index
        %swap3A_676 = tpu.vector_load %arg21[%swap3A_674, %swap3A_675] {strides = array<i32>} : memref<16x768xf32, #tpu.memory_space<vmem>>, vector<1x16xf32>,
        %swap3A_677 = vector.shape_cast %swap3A_676 : vector<1x16xf32> to vector<16xf32>
        %swap3A_678 = vector.shape_cast %get3A_673 : vector<16xf32> to vector<1x16xf32>
        tpu.vector_store %arg21[%swap3A_674, %swap3A_675], %swap3A_678 {add = true, strides = array<i32>} : memref<16x768xf32, #tpu.memory_space<vmem>>, vector<1x16xf32>,
        %get3A_679 = arith.index_cast %scan3A_292 : i32 to index
        %get3A_680 = arith.constant 688 : index
        %get3A_681 = tpu.vector_load %arg22[%get3A_679, %get3A_680] {strides = array<i32>} : memref<16x768xf32, #tpu.memory_space<vmem>>, vector<1x16xf32>,
        %get3A_682 = vector.shape_cast %get3A_681 : vector<1x16xf32> to vector<16xf32>
        %swap3A_683 = arith.index_cast %scan3A_292 : i32 to index
        %swap3A_684 = arith.constant 688 : index
        %swap3A_685 = tpu.vector_load %arg21[%swap3A_683, %swap3A_684] {strides = array<i32>} : memref<16x768xf32, #tpu.memory_space<vmem>>, vector<1x16xf32>,
        %swap3A_686 = vector.shape_cast %swap3A_685 : vector<1x16xf32> to vector<16xf32>
        %swap3A_687 = vector.shape_cast %get3A_682 : vector<16xf32> to vector<1x16xf32>
        tpu.vector_store %arg21[%swap3A_683, %swap3A_684], %swap3A_687 {add = true, strides = array<i32>} : memref<16x768xf32, #tpu.memory_space<vmem>>, vector<1x16xf32>,
        %get3A_688 = arith.index_cast %scan3A_292 : i32 to index
        %get3A_689 = arith.constant 704 : index
        %get3A_690 = tpu.vector_load %arg22[%get3A_688, %get3A_689] {strides = array<i32>} : memref<16x768xf32, #tpu.memory_space<vmem>>, vector<1x16xf32>,
        %get3A_691 = vector.shape_cast %get3A_690 : vector<1x16xf32> to vector<16xf32>
        %swap3A_692 = arith.index_cast %scan3A_292 : i32 to index
        %swap3A_693 = arith.constant 704 : index
        %swap3A_694 = tpu.vector_load %arg21[%swap3A_692, %swap3A_693] {strides = array<i32>} : memref<16x768xf32, #tpu.memory_space<vmem>>, vector<1x16xf32>,
        %swap3A_695 = vector.shape_cast %swap3A_694 : vector<1x16xf32> to vector<16xf32>
        %swap3A_696 = vector.shape_cast %get3A_691 : vector<16xf32> to vector<1x16xf32>
        tpu.vector_store %arg21[%swap3A_692, %swap3A_693], %swap3A_696 {add = true, strides = array<i32>} : memref<16x768xf32, #tpu.memory_space<vmem>>, vector<1x16xf32>,
        %get3A_697 = arith.index_cast %scan3A_292 : i32 to index
        %get3A_698 = arith.constant 720 : index
        %get3A_699 = tpu.vector_load %arg22[%get3A_697, %get3A_698] {strides = array<i32>} : memref<16x768xf32, #tpu.memory_space<vmem>>, vector<1x16xf32>,
        %get3A_700 = vector.shape_cast %get3A_699 : vector<1x16xf32> to vector<16xf32>
        %swap3A_701 = arith.index_cast %scan3A_292 : i32 to index
        %swap3A_702 = arith.constant 720 : index
        %swap3A_703 = tpu.vector_load %arg21[%swap3A_701, %swap3A_702] {strides = array<i32>} : memref<16x768xf32, #tpu.memory_space<vmem>>, vector<1x16xf32>,
        %swap3A_704 = vector.shape_cast %swap3A_703 : vector<1x16xf32> to vector<16xf32>
        %swap3A_705 = vector.shape_cast %get3A_700 : vector<16xf32> to vector<1x16xf32>
        tpu.vector_store %arg21[%swap3A_701, %swap3A_702], %swap3A_705 {add = true, strides = array<i32>} : memref<16x768xf32, #tpu.memory_space<vmem>>, vector<1x16xf32>,
        %get3A_706 = arith.index_cast %scan3A_292 : i32 to index
        %get3A_707 = arith.constant 736 : index
        %get3A_708 = tpu.vector_load %arg22[%get3A_706, %get3A_707] {strides = array<i32>} : memref<16x768xf32, #tpu.memory_space<vmem>>, vector<1x16xf32>,
        %get3A_709 = vector.shape_cast %get3A_708 : vector<1x16xf32> to vector<16xf32>
        %swap3A_710 = arith.index_cast %scan3A_292 : i32 to index
        %swap3A_711 = arith.constant 736 : index
        %swap3A_712 = tpu.vector_load %arg21[%swap3A_710, %swap3A_711] {strides = array<i32>} : memref<16x768xf32, #tpu.memory_space<vmem>>, vector<1x16xf32>,
        %swap3A_713 = vector.shape_cast %swap3A_712 : vector<1x16xf32> to vector<16xf32>
        %swap3A_714 = vector.shape_cast %get3A_709 : vector<16xf32> to vector<1x16xf32>
        tpu.vector_store %arg21[%swap3A_710, %swap3A_711], %swap3A_714 {add = true, strides = array<i32>} : memref<16x768xf32, #tpu.memory_space<vmem>>, vector<1x16xf32>,
        %get3A_715 = arith.index_cast %scan3A_292 : i32 to index
        %get3A_716 = arith.constant 752 : index
        %get3A_717 = tpu.vector_load %arg22[%get3A_715, %get3A_716] {strides = array<i32>} : memref<16x768xf32, #tpu.memory_space<vmem>>, vector<1x16xf32>,
        %get3A_718 = vector.shape_cast %get3A_717 : vector<1x16xf32> to vector<16xf32>
        %swap3A_719 = arith.index_cast %scan3A_292 : i32 to index
        %swap3A_720 = arith.constant 752 : index
        %swap3A_721 = tpu.vector_load %arg21[%swap3A_719, %swap3A_720] {strides = array<i32>} : memref<16x768xf32, #tpu.memory_space<vmem>>, vector<1x16xf32>,
        %swap3A_722 = vector.shape_cast %swap3A_721 : vector<1x16xf32> to vector<16xf32>
        %swap3A_723 = vector.shape_cast %get3A_718 : vector<16xf32> to vector<1x16xf32>
        tpu.vector_store %arg21[%swap3A_719, %swap3A_720], %swap3A_723 {add = true, strides = array<i32>} : memref<16x768xf32, #tpu.memory_space<vmem>>, vector<1x16xf32>,
        %scan3A_724 = arith.constant 0 : i32
        scf.yield %scan3A_724 : i32
      }
      %scan3A_283 = arith.constant 16 : i32
      %mul3A_284 = arith.constant 16 : i32
      %mul3A_285 = arith.muli %add3A_242, %mul3A_284 : i32
      %add3A_286 = arith.addi %mul3A_2, %mul3A_285 : i32
      %dma_start3A_287 = arith.constant 0 : i32
      %dma_start3A_288 = tpu.memref_slice %arg8[%add3A_286, %dma_start3A_287] : memref<32768x768xf32, #tpu.memory_space<hbm>> -> memref<16x768xf32, #tpu.memory_space<hbm>>
      %dma_start3A_289 = arith.constant 0 : i32
      %dma_start3A_290 = tpu.memref_slice %arg8[%add3A_286, %dma_start3A_289] : memref<32768x768xf32, #tpu.memory_space<hbm>> -> memref<16x768xf32, #tpu.memory_space<hbm>>
      tpu.enqueue_dma source(%arg21 : memref<16x768xf32, #tpu.memory_space<vmem>>) target(%dma_start3A_290 : memref<16x768xf32, #tpu.memory_space<hbm>>) target_semaphore(%arg30 : memref<!tpu.dma_semaphore, #tpu.memory_space<semaphore_mem>>)
      %scan3A_291 = arith.constant 0 : i32
      scf.yield %scan3A_291 : i32
    }
    %scan3A_56 = arith.constant 16 : i32
    %dma_wait3A = arith.constant 0 : i32
    %dma_wait3A_57 = arith.constant 0 : i32
    %dma_wait3A_58 = tpu.memref_slice %arg6[%dma_wait3A, %dma_wait3A_57] : memref<4096x768xf32, #tpu.memory_space<hbm>> -> memref<16x768xf32, #tpu.memory_space<hbm>>
    %dma_wait3A_59 = arith.constant 0 : i32
    %dma_wait3A_60 = arith.constant 0 : i32
    %dma_wait3A_61 = tpu.memref_slice %arg6[%dma_wait3A_59, %dma_wait3A_60] : memref<4096x768xf32, #tpu.memory_space<hbm>> -> memref<16x768xf32, #tpu.memory_space<hbm>>
    tpu.wait_dma2 semaphore(%arg23 : memref<!tpu.dma_semaphore, #tpu.memory_space<semaphore_mem>>) src(%dma_wait3A_61 : memref<16x768xf32, #tpu.memory_space<hbm>>) dst(%arg15 : memref<16x768xf32, #tpu.memory_space<vmem>>)
    %dma_wait3A_62 = arith.constant 0 : i32
    %dma_wait3A_63 = arith.constant 0 : i32
    %dma_wait3A_64 = tpu.memref_slice %arg7[%dma_wait3A_62, %dma_wait3A_63] : memref<4096x768xf32, #tpu.memory_space<hbm>> -> memref<16x768xf32, #tpu.memory_space<hbm>>
    %dma_wait3A_65 = arith.constant 0 : i32
    %dma_wait3A_66 = arith.constant 0 : i32
    %dma_wait3A_67 = tpu.memref_slice %arg7[%dma_wait3A_65, %dma_wait3A_66] : memref<4096x768xf32, #tpu.memory_space<hbm>> -> memref<16x768xf32, #tpu.memory_space<hbm>>
    tpu.wait_dma2 semaphore(%arg23 : memref<!tpu.dma_semaphore, #tpu.memory_space<semaphore_mem>>) src(%dma_wait3A_67 : memref<16x768xf32, #tpu.memory_space<hbm>>) dst(%arg16 : memref<16x768xf32, #tpu.memory_space<vmem>>)
    %dma_wait3A_68 = arith.constant 0 : i32
    %dma_wait3A_69 = arith.constant 0 : i32
    %dma_wait3A_70 = tpu.memref_slice %arg6[%dma_wait3A_68, %dma_wait3A_69] : memref<4096x768xf32, #tpu.memory_space<hbm>> -> memref<16x768xf32, #tpu.memory_space<hbm>>
    %dma_wait3A_71 = arith.constant 0 : i32
    %dma_wait3A_72 = arith.constant 0 : i32
    %dma_wait3A_73 = tpu.memref_slice %arg6[%dma_wait3A_71, %dma_wait3A_72] : memref<4096x768xf32, #tpu.memory_space<hbm>> -> memref<16x768xf32, #tpu.memory_space<hbm>>
    tpu.wait_dma2 semaphore(%arg24 : memref<!tpu.dma_semaphore, #tpu.memory_space<semaphore_mem>>) src(%dma_wait3A_73 : memref<16x768xf32, #tpu.memory_space<hbm>>) dst(%arg17 : memref<16x768xf32, #tpu.memory_space<vmem>>)
    %dma_wait3A_74 = arith.constant 0 : i32
    %dma_wait3A_75 = arith.constant 0 : i32
    %dma_wait3A_76 = tpu.memref_slice %arg7[%dma_wait3A_74, %dma_wait3A_75] : memref<4096x768xf32, #tpu.memory_space<hbm>> -> memref<16x768xf32, #tpu.memory_space<hbm>>
    %dma_wait3A_77 = arith.constant 0 : i32
    %dma_wait3A_78 = arith.constant 0 : i32
    %dma_wait3A_79 = tpu.memref_slice %arg7[%dma_wait3A_77, %dma_wait3A_78] : memref<4096x768xf32, #tpu.memory_space<hbm>> -> memref<16x768xf32, #tpu.memory_space<hbm>>
    tpu.wait_dma2 semaphore(%arg24 : memref<!tpu.dma_semaphore, #tpu.memory_space<semaphore_mem>>) src(%dma_wait3A_79 : memref<16x768xf32, #tpu.memory_space<hbm>>) dst(%arg18 : memref<16x768xf32, #tpu.memory_space<vmem>>)
    %dma_wait3A_80 = arith.constant 0 : i32
    %dma_wait3A_81 = tpu.memref_slice %arg8[%mul3A_2, %dma_wait3A_80] : memref<32768x768xf32, #tpu.memory_space<hbm>> -> memref<16x768xf32, #tpu.memory_space<hbm>>
    %dma_wait3A_82 = arith.constant 0 : i32
    %dma_wait3A_83 = tpu.memref_slice %arg8[%mul3A_2, %dma_wait3A_82] : memref<32768x768xf32, #tpu.memory_space<hbm>> -> memref<16x768xf32, #tpu.memory_space<hbm>>
    tpu.wait_dma2 semaphore(%arg29 : memref<!tpu.dma_semaphore, #tpu.memory_space<semaphore_mem>>) src(%arg19 : memref<16x768xf32, #tpu.memory_space<vmem>>) dst(%dma_wait3A_83 : memref<16x768xf32, #tpu.memory_space<hbm>>)
    %dma_wait3A_84 = arith.constant 0 : i32
    %dma_wait3A_85 = tpu.memref_slice %arg8[%mul3A_2, %dma_wait3A_84] : memref<32768x768xf32, #tpu.memory_space<hbm>> -> memref<16x768xf32, #tpu.memory_space<hbm>>
    %dma_wait3A_86 = arith.constant 0 : i32
    %dma_wait3A_87 = tpu.memref_slice %arg8[%mul3A_2, %dma_wait3A_86] : memref<32768x768xf32, #tpu.memory_space<hbm>> -> memref<16x768xf32, #tpu.memory_space<hbm>>
    tpu.wait_dma2 semaphore(%arg30 : memref<!tpu.dma_semaphore, #tpu.memory_space<semaphore_mem>>) src(%arg21 : memref<16x768xf32, #tpu.memory_space<vmem>>) dst(%dma_wait3A_87 : memref<16x768xf32, #tpu.memory_space<hbm>>)
    return
  }
}

module attributes {stable_mosaic.version = 14 : i64} {
  func.func @_tables_body(%arg0: i32, %arg1: memref<64x192xf32, #tpu.memory_space<vmem>>, %arg2: memref<768x768xf32, #tpu.memory_space<vmem>>, %arg3: memref<1x768xf32, #tpu.memory_space<vmem>>, %arg4: memref<8x64x768xf32, #tpu.memory_space<vmem>>, %arg5: memref<8x64x768xf32, #tpu.memory_space<vmem>>, %arg6: memref<4x64x768xf32, #tpu.memory_space<vmem>>) attributes {dimension_semantics = [#tpu.dimension_semantics<arbitrary>], iteration_bounds = array<i64: 8>, scalar_prefetch = 0 : i64, scratch_operands = 1 : i64, tpu.core_type = #tpu.core_type<tc>, window_params = [{pipeline_mode = #tpu.pipeline_mode<synchronous>, transform_indices = @transform_0, window_bounds = array<i64: 64, 192>}, {pipeline_mode = #tpu.pipeline_mode<synchronous>, transform_indices = @transform_1, window_bounds = array<i64: 768, 768>}, {pipeline_mode = #tpu.pipeline_mode<synchronous>, transform_indices = @transform_2, window_bounds = array<i64: 1, 768>}, {transform_indices = @transform_3, window_bounds = array<i64: 8, 64, 768>}, {transform_indices = @transform_4, window_bounds = array<i64: 8, 64, 768>}]} {
    %eq3A = arith.constant 0 : i32
    %eq3A_0 = arith.cmpi eq, %arg0, %eq3A : i32
    %convert_element_type3A = arith.extui %eq3A_0 : i1 to i32
    %cond3A = arith.constant 0 : i32
    %cond3A_1 = arith.cmpi ne, %convert_element_type3A, %cond3A : i32
    scf.if %cond3A_1 {
      %get3A_44 = arith.constant 0 : index
      %get3A_45 = arith.constant 0 : index
      %get3A_46 = vector.load %arg1[%get3A_44, %get3A_45] : memref<64x192xf32, #tpu.memory_space<vmem>>, vector<64x192xf32>
      %get3A_47 = arith.constant 0 : index
      %get3A_48 = arith.constant 0 : index
      %get3A_49 = vector.load %arg2[%get3A_47, %get3A_48] : memref<768x768xf32, #tpu.memory_space<vmem>>, vector<768x192xf32>
      %dot_general3A = arith.constant dense<0.000000e+00> : vector<64x768xf32>
      %dot_general3A_50 = tpu.matmul %get3A_46, %get3A_49, %dot_general3A {dimension_numbers = #tpu.dot_dimension_numbers<[1], [1], [0], [0], [0, 0, 1, 0], [], []>, transpose_lhs_hint = false} : vector<64x192xf32>, vector<768x192xf32>, vector<64x768xf32> -> vector<64x768xf32>
      %swap3A_51 = arith.constant 0 : index
      %swap3A_52 = arith.constant 0 : index
      %swap3A_53 = arith.constant 0 : index
      %swap3A_54 = vector.load %arg6[%swap3A_51, %swap3A_52, %swap3A_53] : memref<4x64x768xf32, #tpu.memory_space<vmem>>, vector<1x64x768xf32>
      %swap3A_55 = vector.shape_cast %swap3A_54 : vector<1x64x768xf32> to vector<64x768xf32>
      %swap3A_56 = vector.shape_cast %dot_general3A_50 : vector<64x768xf32> to vector<1x64x768xf32>
      tpu.vector_store %arg6[%swap3A_51, %swap3A_52, %swap3A_53], %swap3A_56 {strides = array<i32>} : memref<4x64x768xf32, #tpu.memory_space<vmem>>, vector<1x64x768xf32>,
      %get3A_57 = arith.constant 0 : index
      %get3A_58 = arith.constant 0 : index
      %get3A_59 = vector.load %arg1[%get3A_57, %get3A_58] : memref<64x192xf32, #tpu.memory_space<vmem>>, vector<64x192xf32>
      %get3A_60 = arith.constant 0 : index
      %get3A_61 = arith.constant 192 : index
      %get3A_62 = vector.load %arg2[%get3A_60, %get3A_61] : memref<768x768xf32, #tpu.memory_space<vmem>>, vector<768x192xf32>
      %dot_general3A_63 = arith.constant dense<0.000000e+00> : vector<64x768xf32>
      %dot_general3A_64 = tpu.matmul %get3A_59, %get3A_62, %dot_general3A_63 {dimension_numbers = #tpu.dot_dimension_numbers<[1], [1], [0], [0], [0, 0, 1, 0], [], []>, transpose_lhs_hint = false} : vector<64x192xf32>, vector<768x192xf32>, vector<64x768xf32> -> vector<64x768xf32>
      %swap3A_65 = arith.constant 1 : index
      %swap3A_66 = arith.constant 0 : index
      %swap3A_67 = arith.constant 0 : index
      %swap3A_68 = vector.load %arg6[%swap3A_65, %swap3A_66, %swap3A_67] : memref<4x64x768xf32, #tpu.memory_space<vmem>>, vector<1x64x768xf32>
      %swap3A_69 = vector.shape_cast %swap3A_68 : vector<1x64x768xf32> to vector<64x768xf32>
      %swap3A_70 = vector.shape_cast %dot_general3A_64 : vector<64x768xf32> to vector<1x64x768xf32>
      tpu.vector_store %arg6[%swap3A_65, %swap3A_66, %swap3A_67], %swap3A_70 {strides = array<i32>} : memref<4x64x768xf32, #tpu.memory_space<vmem>>, vector<1x64x768xf32>,
      %get3A_71 = arith.constant 0 : index
      %get3A_72 = arith.constant 0 : index
      %get3A_73 = vector.load %arg1[%get3A_71, %get3A_72] : memref<64x192xf32, #tpu.memory_space<vmem>>, vector<64x192xf32>
      %get3A_74 = arith.constant 0 : index
      %get3A_75 = arith.constant 384 : index
      %get3A_76 = vector.load %arg2[%get3A_74, %get3A_75] : memref<768x768xf32, #tpu.memory_space<vmem>>, vector<768x192xf32>
      %dot_general3A_77 = arith.constant dense<0.000000e+00> : vector<64x768xf32>
      %dot_general3A_78 = tpu.matmul %get3A_73, %get3A_76, %dot_general3A_77 {dimension_numbers = #tpu.dot_dimension_numbers<[1], [1], [0], [0], [0, 0, 1, 0], [], []>, transpose_lhs_hint = false} : vector<64x192xf32>, vector<768x192xf32>, vector<64x768xf32> -> vector<64x768xf32>
      %swap3A_79 = arith.constant 2 : index
      %swap3A_80 = arith.constant 0 : index
      %swap3A_81 = arith.constant 0 : index
      %swap3A_82 = vector.load %arg6[%swap3A_79, %swap3A_80, %swap3A_81] : memref<4x64x768xf32, #tpu.memory_space<vmem>>, vector<1x64x768xf32>
      %swap3A_83 = vector.shape_cast %swap3A_82 : vector<1x64x768xf32> to vector<64x768xf32>
      %swap3A_84 = vector.shape_cast %dot_general3A_78 : vector<64x768xf32> to vector<1x64x768xf32>
      tpu.vector_store %arg6[%swap3A_79, %swap3A_80, %swap3A_81], %swap3A_84 {strides = array<i32>} : memref<4x64x768xf32, #tpu.memory_space<vmem>>, vector<1x64x768xf32>,
      %get3A_85 = arith.constant 0 : index
      %get3A_86 = arith.constant 0 : index
      %get3A_87 = vector.load %arg1[%get3A_85, %get3A_86] : memref<64x192xf32, #tpu.memory_space<vmem>>, vector<64x192xf32>
      %get3A_88 = arith.constant 0 : index
      %get3A_89 = arith.constant 576 : index
      %get3A_90 = vector.load %arg2[%get3A_88, %get3A_89] : memref<768x768xf32, #tpu.memory_space<vmem>>, vector<768x192xf32>
      %dot_general3A_91 = arith.constant dense<0.000000e+00> : vector<64x768xf32>
      %dot_general3A_92 = tpu.matmul %get3A_87, %get3A_90, %dot_general3A_91 {dimension_numbers = #tpu.dot_dimension_numbers<[1], [1], [0], [0], [0, 0, 1, 0], [], []>, transpose_lhs_hint = false} : vector<64x192xf32>, vector<768x192xf32>, vector<64x768xf32> -> vector<64x768xf32>
      %swap3A_93 = arith.constant 3 : index
      %swap3A_94 = arith.constant 0 : index
      %swap3A_95 = arith.constant 0 : index
      %swap3A_96 = vector.load %arg6[%swap3A_93, %swap3A_94, %swap3A_95] : memref<4x64x768xf32, #tpu.memory_space<vmem>>, vector<1x64x768xf32>
      %swap3A_97 = vector.shape_cast %swap3A_96 : vector<1x64x768xf32> to vector<64x768xf32>
      %swap3A_98 = vector.shape_cast %dot_general3A_92 : vector<64x768xf32> to vector<1x64x768xf32>
      tpu.vector_store %arg6[%swap3A_93, %swap3A_94, %swap3A_95], %swap3A_98 {strides = array<i32>} : memref<4x64x768xf32, #tpu.memory_space<vmem>>, vector<1x64x768xf32>,
    } else {
    }
    %mul3A = arith.constant 8 : i32
    %mul3A_2 = arith.muli %arg0, %mul3A : i32
    %get3A = arith.constant 0 : index
    %get3A_3 = arith.index_cast %mul3A_2 : i32 to index
    %get3A_4 = arith.constant 0 : index
    %get3A_5 = vector.load %arg6[%get3A, %get3A_3, %get3A_4] : memref<4x64x768xf32, #tpu.memory_space<vmem>>, vector<1x8x768xf32>
    %get3A_6 = vector.shape_cast %get3A_5 : vector<1x8x768xf32> to vector<8x768xf32>
    %mul3A_7 = arith.constant 8 : i32
    %mul3A_8 = arith.muli %arg0, %mul3A_7 : i32
    %get3A_9 = arith.constant 2 : index
    %get3A_10 = arith.index_cast %mul3A_8 : i32 to index
    %get3A_11 = arith.constant 0 : index
    %get3A_12 = vector.load %arg6[%get3A_9, %get3A_10, %get3A_11] : memref<4x64x768xf32, #tpu.memory_space<vmem>>, vector<1x8x768xf32>
    %get3A_13 = vector.shape_cast %get3A_12 : vector<1x8x768xf32> to vector<8x768xf32>
    %get3A_14 = arith.constant 1 : index
    %get3A_15 = arith.constant 0 : index
    %get3A_16 = arith.constant 0 : index
    %get3A_17 = vector.load %arg6[%get3A_14, %get3A_15, %get3A_16] : memref<4x64x768xf32, #tpu.memory_space<vmem>>, vector<1x64x768xf32>
    %get3A_18 = vector.shape_cast %get3A_17 : vector<1x64x768xf32> to vector<64x768xf32>
    %get3A_19 = arith.constant 0 : index
    %get3A_20 = arith.constant 0 : index
    %get3A_21 = vector.load %arg3[%get3A_19, %get3A_20] : memref<1x768xf32, #tpu.memory_space<vmem>>, vector<1x768xf32>
    %add3A = vector.broadcast %get3A_21 : vector<1x768xf32> to vector<64x768xf32>
    %add3A_22 = arith.addf %get3A_18, %add3A : vector<64x768xf32>
    %get3A_23 = arith.constant 3 : index
    %get3A_24 = arith.constant 0 : index
    %get3A_25 = arith.constant 0 : index
    %get3A_26 = vector.load %arg6[%get3A_23, %get3A_24, %get3A_25] : memref<4x64x768xf32, #tpu.memory_space<vmem>>, vector<1x64x768xf32>
    %get3A_27 = vector.shape_cast %get3A_26 : vector<1x64x768xf32> to vector<64x768xf32>
    %broadcast_in_dim3A = vector.shape_cast %get3A_6 : vector<8x768xf32> to vector<8x1x768xf32>
    %broadcast_in_dim3A_28 = vector.shape_cast %add3A_22 : vector<64x768xf32> to vector<1x64x768xf32>
    %add3A_29 = vector.broadcast %broadcast_in_dim3A : vector<8x1x768xf32> to vector<8x64x768xf32>
    %add3A_30 = vector.broadcast %broadcast_in_dim3A_28 : vector<1x64x768xf32> to vector<8x64x768xf32>
    %add3A_31 = arith.addf %add3A_29, %add3A_30 : vector<8x64x768xf32>
    %swap3A = arith.constant 0 : index
    %swap3A_32 = arith.constant 0 : index
    %swap3A_33 = arith.constant 0 : index
    %swap3A_34 = vector.load %arg4[%swap3A, %swap3A_32, %swap3A_33] : memref<8x64x768xf32, #tpu.memory_space<vmem>>, vector<8x64x768xf32>
    tpu.vector_store %arg4[%swap3A, %swap3A_32, %swap3A_33], %add3A_31 {strides = array<i32>} : memref<8x64x768xf32, #tpu.memory_space<vmem>>, vector<8x64x768xf32>,
    %broadcast_in_dim3A_35 = vector.shape_cast %get3A_13 : vector<8x768xf32> to vector<8x1x768xf32>
    %broadcast_in_dim3A_36 = vector.shape_cast %get3A_27 : vector<64x768xf32> to vector<1x64x768xf32>
    %add3A_37 = vector.broadcast %broadcast_in_dim3A_35 : vector<8x1x768xf32> to vector<8x64x768xf32>
    %add3A_38 = vector.broadcast %broadcast_in_dim3A_36 : vector<1x64x768xf32> to vector<8x64x768xf32>
    %add3A_39 = arith.addf %add3A_37, %add3A_38 : vector<8x64x768xf32>
    %swap3A_40 = arith.constant 0 : index
    %swap3A_41 = arith.constant 0 : index
    %swap3A_42 = arith.constant 0 : index
    %swap3A_43 = vector.load %arg5[%swap3A_40, %swap3A_41, %swap3A_42] : memref<8x64x768xf32, #tpu.memory_space<vmem>>, vector<8x64x768xf32>
    tpu.vector_store %arg5[%swap3A_40, %swap3A_41, %swap3A_42], %add3A_39 {strides = array<i32>} : memref<8x64x768xf32, #tpu.memory_space<vmem>>, vector<8x64x768xf32>,
    return
  }
  func.func @transform_0(%arg0: i32) -> (i32, i32) {
    %c0_i32 = arith.constant 0 : i32
    %c0_i32_0 = arith.constant 0 : i32
    %c0_i32_1 = arith.constant 0 : i32
    return %c0_i32, %c0_i32_0 : i32, i32
  }
  func.func @transform_1(%arg0: i32) -> (i32, i32) {
    %c0_i32 = arith.constant 0 : i32
    %c0_i32_0 = arith.constant 0 : i32
    %c0_i32_1 = arith.constant 0 : i32
    return %c0_i32, %c0_i32_0 : i32, i32
  }
  func.func @transform_2(%arg0: i32) -> (i32, i32) {
    %c0_i32 = arith.constant 0 : i32
    %c0_i32_0 = arith.constant 0 : i32
    %c0_i32_1 = arith.constant 0 : i32
    return %c0_i32, %c0_i32_0 : i32, i32
  }
  func.func @transform_3(%arg0: i32) -> (i32, i32, i32) {
    %c0_i32 = arith.constant 0 : i32
    %c0_i32_0 = arith.constant 0 : i32
    %c0_i32_1 = arith.constant 0 : i32
    return %arg0, %c0_i32, %c0_i32_0 : i32, i32, i32
  }
  func.func @transform_4(%arg0: i32) -> (i32, i32, i32) {
    %c0_i32 = arith.constant 0 : i32
    %c0_i32_0 = arith.constant 0 : i32
    %c0_i32_1 = arith.constant 0 : i32
    return %arg0, %c0_i32, %c0_i32_0 : i32, i32, i32
  }
}

</mosaic_0001>

<sc_bundles>
// kernel: kernel.4.cloned.1.call-start
scs
__scs_entry_jumppad:
0x0: {  	(pc) =	sbr.rel $0x88, $3  }
0x1: {  	(tag) =	ssettag $0x0;
	lr =	simm.s32 $0x1  }
0x2: {  	[smem:$0x3F9D] =	sst lr;
	_ =	strace $0xD0000000  }
0x3: {  	_ = 	snop  }
0x4: {  	_ = 	snop  }
0x5: {  	_ = 	snop  }
0x6: {  	_ = 	snop  }
0x7: {  	_ = 	snop  }
__scs_overlays_trampoline_lowered:
0x8: {  	[smem:$0x3FAC] =	sst s0  }
0x9: {  	[smem:$0x3FAD] =	sst s1  }
0xa: {  	[smem:$0x3FAE] =	sst s2  }
0xb: {  	[smem:$0x3FAF] =	sst s3  }
0xc: {  	[smem:$0x3FB0] =	sst s4  }
0xd: {  	[smem:$0x3FB1] =	sst s5  }
0xe: {  	[smem:$0x3FB2] =	sst s6  }
0xf: {  	[smem:$0x3FB3] =	sst s7  }
0x10: {  	[smem:$0x3FB4] =	sst s8  }
0x11: {  	[smem:$0x3FB5] =	sst s9;
	s0 =	simm.s32 @!p0 $0x0  }
0x12: {  	s1 =	sld [smem:$0x3F9B];
	s0 =	simm.s32 @p0 $0x1  }
0x13: {  	[smem:$0x3FB6] =	sst s0;
	s0 =	simm.s32 @!p1 $0x0  }
0x14: {  	s2 =	sld [smem:$0x3F9A];
	s0 =	simm.s32 @p1 $0x1  }
0x15: {  	[smem:$0x3FB7] =	sst s0;
	s0 =	simm.s32 @!p2 $0x0  }
0x16: {  	s3 =	sld [smem:$0x3FDB];
	s0 =	simm.s32 @p2 $0x1  }
0x17: {  	s4 =	simm.s32 $0x1BF5;
	[smem:$0x3FB9] =	sst s0  }
0x18: {  	s0 =	sld [smem:$0x3F9C];
	_ =	swait.ge [sflag:s4], $0x0  }
0x19: {  	s7 =	sld [smem:$0x3F9D]  }
0x1a: {  	s8 =	sadd.s32 $0xFFFFE003, lr  }
0x1b: {  	s9 =	sadd.s32 $0xFFFFFEF7, lr;
	s5 =	simm.s32 $0xFFFFFFFF;
	p2 =	slt.u32 s8, $0xFFFFF086  }
0x1c: {  	p1 =	slt.u32 s9, $0xF7A;
	s5 =	simm.s32 @!p2 $0x0  }
0x1d: {  	s5 =	simm.s32 @p1 $0x1;
	p0 =	seq.s32 s7, s2  }
0x1e: {  	s7 =	smul.u32 @!p0 $0xF7A, s2;
	p2 =	seq.s32 @!p0 s5, $0x0  }
0x1f: {  	s9 =	smul.u32 $0xF7A, s1;
	s8 =	simm.s32 @!p0 $0x1BF5;
	p2 =	por !p2, p0  }
0x20: {  	[sflag:s8] =	ssyncset.s32 @!p0 $0xFFFFF086;
	s6 =	sadd.s32 @!p0 s3, s7;
	s7 =	simm.s32 @!p0 $0x108  }
0x21: {  	s3 =	sadd.s32 s3, s9;
	s6 =	sadd.s32 @!p0 $0x88, s6;
	s7 =	simm.s32 @p2 $0x1082  }
0x22: {  	[simem:s7], [sflag:s8] =	dma.local @!p0 [hbm:s6], $0xF7A  }
0x23: {  	s9 =	sor.u32 $0xD0000000, s2;
	s6 =	simm.s32 $0x108;
	_ =	swait.ge @!p0 [sflag:s8], $0x0  }
0x24: {  	s3 =	sadd.s32 $0x88, s3;
	s6 =	simm.s32 @!p1 $0x1082;
	[sflag:s4] =	ssyncset.s32 $0xFFFFF086  }
0x25: {  	[simem:s6], [sflag:s4] =	dma.local [hbm:s3], $0xF7A  }
0x26: {  	[smem:$0x3F9D] =	sst s1;
	(tag) =	ssettag s2;
	_ =	strace s9  }
0x27: {  	s1 =	sld [smem:$0x3FAD]  }
0x28: {  	s2 =	sld [smem:$0x3FAE]  }
0x29: {  	s4 =	sld [smem:$0x3FB0]  }
0x2a: {  	p0 =	seq.s32 s5, $0x0;
	s5 =	sld [smem:$0x3FB1]  }
0x2b: {  	s6 =	sld [smem:$0x3FB2]  }
0x2c: {  	s7 =	sld [smem:$0x3FB3]  }
0x2d: {  	s3 =	simm.s32 $0x108;
	s8 =	sld [smem:$0x3FB4]  }
0x2e: {  	s3 =	simm.s32 @!p0 $0x1082;
	s9 =	sld [smem:$0x3FB5]  }
0x2f: {  	lr =	sadd.s32 s0, s3;
	s0 =	sld [smem:$0x3FAC]  }
0x30: {  	s3 =	sld [smem:$0x3FAF]  }
0x31: {  	[smem:$0x3FB8] =	sst s10  }
0x32: {  	s10 =	sld [smem:$0x3FB6];
	_ =	sdelay $0x3  }
0x33: {  	p0 =	seq.s32 s10, $0x1;
	s10 =	sld [smem:$0x3FB8];
	_ =	sdelay $0x3  }
0x34: {  	[smem:$0x3FB8] =	sst s10  }
0x35: {  	s10 =	sld [smem:$0x3FB7];
	_ =	sdelay $0x3  }
0x36: {  	p1 =	seq.s32 s10, $0x1;
	s10 =	sld [smem:$0x3FB8];
	_ =	sdelay $0x3  }
0x37: {  	[smem:$0x3FB8] =	sst s10  }
0x38: {  	s10 =	sld [smem:$0x3FB9]  }
0x39: {  	_ = 	snop;
	(pc) =	sbr.ind lr, $3  }
0x3a: {  	_ = 	snop  }
0x3b: {  	_ = 	snop  }
0x3c: {  	p2 =	seq.s32 s10, $0x1;
	s10 =	sld [smem:$0x3FB8]  }
0x3d: {  	_ =	shalt  }
0x3e: {  	_ =	shalt  }
0x3f: {  	_ =	shalt  }
0x40: {  	_ =	shalt  }
0x41: {  	_ =	shalt  }
0x42: {  	_ =	shalt  }
0x43: {  	_ =	shalt  }
0x44: {  	_ =	shalt  }
0x45: {  	_ =	shalt  }
0x46: {  	_ =	shalt  }
0x47: {  	_ =	shalt  }
0x48: {  	_ =	shalt  }
0x49: {  	_ =	shalt  }
0x4a: {  	_ =	shalt  }
0x4b: {  	_ =	shalt  }
0x4c: {  	_ =	shalt  }
0x4d: {  	_ =	shalt  }
0x4e: {  	_ =	shalt  }
0x4f: {  	_ =	shalt  }
0x50: {  	_ =	shalt  }
0x51: {  	_ =	shalt  }
0x52: {  	_ =	shalt  }
0x53: {  	_ =	shalt  }
0x54: {  	_ =	shalt  }
0x55: {  	_ =	shalt  }
0x56: {  	_ =	shalt  }
0x57: {  	_ =	shalt  }
0x58: {  	_ =	shalt  }
0x59: {  	_ =	shalt  }
0x5a: {  	_ =	shalt  }
0x5b: {  	_ =	shalt  }
0x5c: {  	_ =	shalt  }
0x5d: {  	_ =	shalt  }
0x5e: {  	_ =	shalt  }
0x5f: {  	_ =	shalt  }
0x60: {  	_ =	shalt  }
0x61: {  	_ =	shalt  }
0x62: {  	_ =	shalt  }
0x63: {  	_ =	shalt  }
0x64: {  	_ =	shalt  }
0x65: {  	_ =	shalt  }
0x66: {  	_ =	shalt  }
0x67: {  	_ =	shalt  }
0x68: {  	_ =	shalt  }
0x69: {  	_ =	shalt  }
0x6a: {  	_ =	shalt  }
0x6b: {  	_ =	shalt  }
0x6c: {  	_ =	shalt  }
0x6d: {  	_ =	shalt  }
0x6e: {  	_ =	shalt  }
0x6f: {  	_ =	shalt  }
0x70: {  	_ =	shalt  }
0x71: {  	_ =	shalt  }
0x72: {  	_ =	shalt  }
0x73: {  	_ =	shalt  }
0x74: {  	_ =	shalt  }
0x75: {  	_ =	shalt  }
0x76: {  	_ =	shalt  }
0x77: {  	_ =	shalt  }
0x78: {  	_ =	shalt  }
0x79: {  	_ =	shalt  }
0x7a: {  	_ =	shalt  }
0x7b: {  	_ =	shalt  }
0x7c: {  	_ =	shalt  }
0x7d: {  	_ =	shalt  }
0x7e: {  	_ =	shalt  }
0x7f: {  	_ =	shalt  }
0x80: {  	_ =	shalt  }
0x81: {  	_ =	shalt  }
0x82: {  	_ =	shalt  }
0x83: {  	_ =	shalt  }
0x84: {  	_ =	shalt  }
0x85: {  	_ =	shalt  }
0x86: {  	_ =	shalt  }
0x87: {  	_ =	shalt  }
.Lfunc_end0:
.L_simem_size_0:
called_computation_lowered:
.L_overlay_start_0:
0x88: {  	s2 =	sld [smem:$0x3FD9]  }
0x89: {  	s3 =	sld [smem:$0x3FFE];
	_ =	sdelay $0x1  }
0x8a: {  	s1 =	srdreg.scid  }
0x8b: {  	s0 =	sand.u32 $0x1, s1  }
0x8c: {  	s17 =	sshll.u32 s0, $0xA;
	s2 =	sadd.s32 s3, s2  }
0x8d: {  	s2 =	sadd.s32 s2, s17  }
0x8e: {  	[smem:$0x3FC4] =	sst s2  }
0x8f: {  	_ = 	snop  }
0x90: {  	s2 =	sld [smem:$0x3FD0];
	(tm) =	ssettm $0x1  }
0x91: {  	s18 =	sld [smem:$0x3FFB];
	_ =	sdelay $0x3  }
0x92: {  	_ =	strace s18  }
0x93: {  	s3 =	sld [smem:$0x3FFC];
	_ =	sdelay $0x3  }
0x94: {  	_ =	strace s3  }
0x95: {  	s3 =	sld [smem:$0x3FFD];
	_ =	sdelay $0x3  }
0x96: {  	_ =	strace s3  }
0x97: {  	_ =	strace $0x8FFFFFFF  }
0x98: {  	s19 =	sld [smem:$0x3FDB];
	_ =	sdelay $0x1  }
0x99: {  	s4 =	simm.s32 $_scs_section_size  }
0x9a: {  	s5 =	simm.s32 $_size__tile_overlayer_lowered;
	s6 =	simm.s32 $_tile_overlayer_lowered  }
0x9b: {  	s22 =	simm.s32 $0x1BFF;
	s21 =	sshll.u32 s6, $0x1;
	s3 =	sadd.s32 s4, s19  }
0x9c: {  	s7 =	simm.s32 $0x0;
	s20 =	sshll.u32 s5, $0x1;
	s5 =	sadd.s32 s21, s3  }
0x9d: {  	[timem:s7], [sflag:s22] =	dma.local [hbm:s5], s20  }
0x9e: {  	_ =	swait.ge [sflag:s22], s20  }
0x9f: {  	s4 =	ssub.s32 $0x0, s20;
	[sflag:s22] =	ssyncset.done $0x0  }
0xa0: {  	[sflag:s22] =	ssyncadd.s32 s4;
	_ =	sdelay $0x1  }
0xa1: {  	s23 =	simm.s32 $0x1B8B  }
0xa2: {  	_ =	swait.ge [sflag:s23], $0x1  }
0xa3: {  	[sflag:s23] =	ssyncset.done $0x0  }
0xa4: {  	s25 =	simm.s32 $0x1B8E;
	s24 =	sld [smem:$0x3FFE];
	[sflag:s23] =	ssyncadd.s32 $0xFFFFFFFF  }
0xa5: {  	s26 =	simm.s32 $execute0_lowered;
	[smem:$0x3FD2] =	sst s25  }
0xa6: {  	s5 =	sshll.u32 s26, $0x1;
	_ =	strace $0x80000046;
	[dreg:$0x1] =	wrdreg $0xFFFFFFFF  }
0xa7: {  	s28 =	simm.s32 $_size_execute0_lowered;
	s3 =	sadd.s32 s3, s5;
	[dreg:$0x0] =	wrdreg $0x0  }
0xa8: {  	s5 =	sshll.u32 s28, $0x1;
	[dreg:$0x2] =	wrdreg s3  }
0xa9: {  	[dreg:$0x3] =	wrdreg s5  }
0xaa: {  	[dreg:$0x4] =	wrdreg $0xC0  }
0xab: {  	_ =	task [dreg:s7], $0x5FFFF  }
0xac: {  	[dreg:$0x1] =	wrdreg $0xFFFFFFFF  }
0xad: {  	[dreg:$0x0] =	wrdreg $0x60  }
0xae: {  	[dreg:$0x2] =	wrdreg s24  }
0xaf: {  	[dreg:$0x3] =	wrdreg s2  }
0xb0: {  	[dreg:$0x4] =	wrdreg $0x9  }
0xb1: {  	_ =	task.clear_ibuf [dreg:s7], $0x5FFFF;
	_ =	strace $0x90000046  }
0xb2: {  	s29 =	simm.s32 $0x9;
	_ =	strace $0x80000048  }
0xb3: {  	_ =	swait.ge [sflag:s29], $0x1  }
0xb4: {  	[sflag:s29] =	ssyncadd.s32 $0xFFFFFFFF  }
0xb5: {  	_ =	strace $0x90000048  }
0xb6: {  	_ =	sfence  }
0xb7: {  	s30 =	sld [smem:$0x0];
	_ =	sdelay $0x2  }
0xb8: {  	s31 =	sshll.u32 s1, $0xD;
	s1 =	sshrl.u32 s1, $0x2  }
0xb9: {  	s3 =	sand.u32 $0x4000, s31;
	s1 =	sadd.s32 s1, s30  }
0xba: {  	s0 =	sor.u32 s3, s0;
	s1 =	sshll.u32 s1, $0x11  }
0xbb: {  	s0 =	sor.u32 s1, s0  }
0xbc: {  	s0 =	sadd.s32 $0x8F2B, s0  }
0xbd: {  	[sflag:s0] =	ssyncadd.remote.s32 $0x1  }
0xbe: {  	_ =	sfence.sel $0xFFFF  }
0xbf: {  	[dreg:$0x0] =	wrdreg $0xFFFFFFFF;
	(pc) =	sbr.abs _section_cstart, $3  }
0xc0: {  	[dreg:$0x1] =	wrdreg $0xFFFFFFFF  }
0xc1: {  	_ =	task.clear_ibuf [dreg:s7], $0x2FFFF;
	_ =	strace $0x9FFFFFFF  }
0xc2: {  	(tm) =	ssettm $0x7FFFFFFF  }
0xc3: {  	_ =	shalt  }
tec
execute0_lowered:
.L_overlay_start_1:
0x0: {  	(tag) =	ssettag $0x1  }
0x1: {  	s0 =	srdreg.scid  }
0x2: {  	s1 =	rddreg [dreg:$0x0];
	s3 =	stileid.u32  }
0x3: {  	s2 =	rddreg [dreg:$0x1];
	s20 =	simm.s32 $0x0;
	s28 =	simm.s32 $0x1  }
0x4: {  	s29 =	simm.s32 $0x7;
	s30 =	simm.s32 $0x2;
	s31 =	simm.s32 $0x8  }
0x5: {  	s19 =	simm.s32 $0x4;
	s0 =	sand.u32 $0x1, s0;
	s4 =	sshll.u32 s3, $0xB  }
0x6: {  	[smem:$0x7FF] =	sst s20;
	s6 =	sadd.s32 $0x4E00, s1;
	s11 =	sadd.s32 $0x64F00, s1  }
0x7: {  	s12 =	sadd.s32 $0x65000, s1;
	s5 =	sshll.u32 s0, $0xA;
	s0 =	ssub.s32 $0x2, s0  }
0x8: {  	s13 =	sadd.s32 $0x4F00, s1;
	s4 =	sor.u32 s5, s4;
	s9 =	sshrl.u32 s0, $0x1  }
0x9: {  	s14 =	sadd.s32 $0x5000, s1;
	s7 =	sshrl.u32 s4, $0x3;
	s0 =	ssub.s32 s0, s9  }
0xa: {  	s20 =	simm.s32 $0x7800;
	s8 =	sadd.s32 s7, s1;
	s0 =	smax.u32 s0, $0x1  }
0xb: {  	_ =	strace $0x80000047;
	s21 =	sadd.s32 $0x3E00, s8;
	[dreg:$0x9] =	wrdreg s0  }
0xc: {  	s5 =	sadd.s32 $0x64E00, s1;
	s22 =	sadd.s32 $0x2E00, s8;
	[dreg:$0x3] =	wrdreg s21  }
0xd: {  	s7 =	smul.u32 $0x300, s7;
	s23 =	sadd.s32 $0x1E00, s8;
	[dreg:$0x4] =	wrdreg s22  }
0xe: {  	s1 =	simm.s32 $0x3;
	s24 =	sadd.s32 $0xE00, s8;
	[dreg:$0x5] =	wrdreg s23  }
0xf: {  	s0 =	simm.s32 $0x5;
	[dreg:$0x6] =	wrdreg s24;
	s7 =	sadd.s32 s7, s2  }
0x10: {  	v2 =	vlaneseq.u32;
	s22 =	simm.s32 $0x1800;
	s21 =	simm.s32 $0x6;
	s25 =	sadd.s32 $0xC00, s7  }
0x11: {  	vm0 =	vmmov $0xffff;
	v1 =	vshrl.u32 v2, $0x3;
	s26 =	sadd.s32 $0x1200, s7;
	s7 =	simm.s32 $0x0;
	[dreg:$0x7] =	wrdreg s25  }
0x12: {  	v0 =	vand.u32 $0x7, v2;
	v2 =	vor.u32 $0x8, v2;
	v1 =	vmul.u32 $0x8, v1;
	[dreg:$0x8] =	wrdreg s26;
	s25 =	simm.s32 $0xD800;
	s26 =	simm.s32 $0x13800  }
.LBB2_1:
0x13: {  	[dreg:$0xa] =	wrdreg s7  }
0x14: {  	s3 =	simm.s32 $0x0;
	s15 =	rddreg [dreg:$0x3];
	s8 =	simm.s32 $0x9  }
0x15: {  	[tilespmem:s3], [sflag:$0x9] =	stream.linear.gather [hbm4b:s15+s3], $0x400, $0x38;
	[tilespmem:$0x19800] =	vst v63  }
0x16: {  	_ =	swait.ge [sflag:s8], $0x400  }
0x17: {  	[sflag:s8] =	ssyncset.done $0x0  }
0x18: {  	s9 =	simm.s32 $0x400;
	s16 =	rddreg [dreg:$0x4];
	[sflag:s8] =	ssyncadd.s32 $0xFFFFFC00  }
0x19: {  	[tilespmem:s9], [sflag:$0x9] =	stream.linear.gather [hbm4b:s16+s3], $0x400, $0x38;
	[tilespmem:$0x19800] =	vst v63  }
0x1a: {  	_ =	swait.ge [sflag:s8], $0x400  }
0x1b: {  	[sflag:s8] =	ssyncset.done $0x0  }
0x1c: {  	s18 =	simm.s32 $0x800;
	s17 =	rddreg [dreg:$0x5];
	[sflag:s8] =	ssyncadd.s32 $0xFFFFFC00  }
0x1d: {  	[tilespmem:s18], [sflag:$0x9] =	stream.linear.gather [hbm4b:s17+s3], $0x400, $0x38;
	[tilespmem:$0x19800] =	vst v63  }
0x1e: {  	_ =	swait.ge [sflag:s8], $0x400  }
0x1f: {  	[sflag:s8] =	ssyncset.done $0x0  }
0x20: {  	s24 =	simm.s32 $0xC00;
	s23 =	rddreg [dreg:$0x6];
	[sflag:s8] =	ssyncadd.s32 $0xFFFFFC00  }
0x21: {  	[tilespmem:s24], [sflag:$0x9] =	stream.linear.gather [hbm4b:s23+s3], $0x400, $0x38;
	[tilespmem:$0x19800] =	vst v63  }
0x22: {  	_ =	swait.ge [sflag:s8], $0x400  }
0x23: {  	[sflag:s8] =	ssyncset.done $0x0  }
0x24: {  	s7 =	simm.s32 $0x0;
	[sflag:s8] =	ssyncadd.s32 $0xFFFFFC00  }
0x25: {  	v3 =	vld [tilespmem:s7+$0x800]  }
0x26: {  	v4 =	vld [tilespmem:s7+$0xC00]  }
0x27: {  	v6 =	vld [tilespmem:s7+$0x0]  }
0x28: {  	s8 =	simm.s32 $0x40;
	v5 =	vld [tilespmem:s7+$0x400]  }
.LBB2_2:
0x29: {  	p0 =	sne.s32 s8, $0xFC0  }
.Ltmp0:
0x2a: {  	s9 =	sshra.s32 s8, $0x2;
	s8 =	sadd.s32 $0x40, s8;
	v7 =	vshll.u32 v3, $0x6;
	(pc) =	sbr.rel @p0 .LBB2_2-.Ltmp0, $4  }
0x2b: {  	v3 =	vld [tilespmem:s9+$0x800];
	v7 =	vadd.s32 v4, v7  }
0x2c: {  	v4 =	vld [tilespmem:s9+$0xC00];
	v8 =	vshll.u32 v6, $0x6;
	[tilespmem:s7+$0x1400] =	vst v7  }
0x2d: {  	v6 =	vld [tilespmem:s9+$0x0];
	v7 =	vadd.s32 v5, v8  }
0x2e: {  	v5 =	vld [tilespmem:s9+$0x400];
	[tilespmem:s7+$0x1000] =	vst v7;
	s7 =	smov.u32 s9  }
0x2f: {  	_ =	sdelay $0x1  }
0x30: {  	v3 =	vshll.u32 v3, $0x6  }
0x31: {  	v3 =	vadd.s32 v4, v3;
	v59 =	vshll.u32 v6, $0x6  }
0x32: {  	[tilespmem:s7+$0x1400] =	vst v3;
	v3 =	vadd.s32 v5, v59  }
0x33: {  	[tilespmem:s7+$0x1000] =	vst v3  }
0x34: {  	v3 =	vld [tilespmem:$0x1000];
	_ =	sdelay $0x4  }
0x35: {  	v60 =	vshrl.u32 v3, $0x3  }
0x36: {  	v4 =	vmul.u32 $0x30, v60  }
0x37: {  	v3 =	vand.u32 $0x7, v3  }
0x38: {  	v3 =	vor.u32 v3, v4  }
0x39: {  	v4 =	vperm.xlane v3, v0;
	_ =	sdelay $0x1  }
0x3a: {  	v4 =	vadd.s32 v1, v4;
	_ =	sdelay $0x3  }
0x3b: {  	s7 =	simm.s32 $0x0;
	v3 =	vperm.xlane v3, v2  }
0x3c: {  	[tilespmem:s22], [sflag:$0x1] =	stream.indirect_vreg.gather [hbm4b:s5+s7], $0x80, v4, vm0, $0xb8;
	[tilespmem:$0x19800] =	vst v63  }
0x3d: {  	s3 =	simm.s32 $0x2000;
	v3 =	vadd.s32 v1, v3  }
0x3e: {  	[tilespmem:s3], [sflag:$0x1] =	stream.indirect_vreg.gather [hbm4b:s11+s7], $0x80, v4, vm0, $0xb8;
	[tilespmem:$0x19800] =	vst v63  }
0x3f: {  	s16 =	simm.s32 $0x2800  }
0x40: {  	[tilespmem:s16], [sflag:$0x1] =	stream.indirect_vreg.gather [hbm4b:s12+s7], $0x80, v4, vm0, $0xb8;
	[tilespmem:$0x19800] =	vst v63  }
0x41: {  	s17 =	simm.s32 $0x3000  }
0x42: {  	[tilespmem:s17], [sflag:$0x1] =	stream.indirect_vreg.gather [hbm4b:s5+s7], $0x80, v3, vm0, $0xb8;
	[tilespmem:$0x19800] =	vst v63  }
0x43: {  	s18 =	simm.s32 $0x3800  }
0x44: {  	[tilespmem:s18], [sflag:$0x1] =	stream.indirect_vreg.gather [hbm4b:s11+s7], $0x80, v3, vm0, $0xb8;
	[tilespmem:$0x19800] =	vst v63  }
0x45: {  	s23 =	simm.s32 $0x4000  }
0x46: {  	[tilespmem:s23], [sflag:$0x1] =	stream.indirect_vreg.gather [hbm4b:s12+s7], $0x80, v3, vm0, $0xb8;
	[tilespmem:$0x19800] =	vst v63  }
0x47: {  	v3 =	vld [tilespmem:$0x1400];
	_ =	sdelay $0x4  }
0x48: {  	v61 =	vshrl.u32 v3, $0x3  }
0x49: {  	v4 =	vmul.u32 $0x30, v61  }
0x4a: {  	v3 =	vand.u32 $0x7, v3  }
0x4b: {  	v3 =	vor.u32 v3, v4  }
0x4c: {  	v4 =	vperm.xlane v3, v0;
	_ =	sdelay $0x1  }
0x4d: {  	v4 =	vadd.s32 v1, v4;
	_ =	sdelay $0x3  }
0x4e: {  	s24 =	simm.s32 $0x4800;
	v3 =	vperm.xlane v3, v2  }
0x4f: {  	[tilespmem:s24], [sflag:$0x1] =	stream.indirect_vreg.gather [hbm4b:s6+s7], $0x80, v4, vm0, $0xb8;
	[tilespmem:$0x19800] =	vst v63  }
0x50: {  	s8 =	simm.s32 $0x5000;
	v3 =	vadd.s32 v1, v3  }
0x51: {  	[tilespmem:s8], [sflag:$0x1] =	stream.indirect_vreg.gather [hbm4b:s13+s7], $0x80, v4, vm0, $0xb8;
	[tilespmem:$0x19800] =	vst v63  }
0x52: {  	s9 =	simm.s32 $0x5800  }
0x53: {  	[tilespmem:s9], [sflag:$0x1] =	stream.indirect_vreg.gather [hbm4b:s14+s7], $0x80, v4, vm0, $0xb8;
	[tilespmem:$0x19800] =	vst v63  }
0x54: {  	s10 =	simm.s32 $0x6000  }
0x55: {  	[tilespmem:s10], [sflag:$0x1] =	stream.indirect_vreg.gather [hbm4b:s6+s7], $0x80, v3, vm0, $0xb8;
	[tilespmem:$0x19800] =	vst v63  }
0x56: {  	s15 =	simm.s32 $0x6800  }
0x57: {  	[tilespmem:s15], [sflag:$0x1] =	stream.indirect_vreg.gather [hbm4b:s13+s7], $0x80, v3, vm0, $0xb8;
	[tilespmem:$0x19800] =	vst v63  }
0x58: {  	s16 =	simm.s32 $0x7000  }
0x59: {  	[tilespmem:s16], [sflag:$0x1] =	stream.indirect_vreg.gather [hbm4b:s14+s7], $0x80, v3, vm0, $0xb8;
	[tilespmem:$0x19800] =	vst v63  }
0x5a: {  	v3 =	vld [tilespmem:$0x1010];
	_ =	sdelay $0x4  }
0x5b: {  	v62 =	vshrl.u32 v3, $0x3  }
0x5c: {  	v4 =	vmul.u32 $0x30, v62  }
0x5d: {  	v3 =	vand.u32 $0x7, v3  }
0x5e: {  	v3 =	vor.u32 v3, v4  }
0x5f: {  	v4 =	vperm.xlane v3, v0;
	_ =	sdelay $0x1  }
0x60: {  	v4 =	vadd.s32 v1, v4;
	_ =	sdelay $0x3  }
0x61: {  	v3 =	vperm.xlane v3, v2  }
0x62: {  	[tilespmem:s20], [sflag:$0x2] =	stream.indirect_vreg.gather [hbm4b:s5+s7], $0x80, v4, vm0, $0xb8;
	[tilespmem:$0x19800] =	vst v63  }
0x63: {  	s17 =	simm.s32 $0x8000;
	v3 =	vadd.s32 v1, v3  }
0x64: {  	[tilespmem:s17], [sflag:$0x2] =	stream.indirect_vreg.gather [hbm4b:s11+s7], $0x80, v4, vm0, $0xb8;
	[tilespmem:$0x19800] =	vst v63  }
0x65: {  	s18 =	simm.s32 $0x8800  }
0x66: {  	[tilespmem:s18], [sflag:$0x2] =	stream.indirect_vreg.gather [hbm4b:s12+s7], $0x80, v4, vm0, $0xb8;
	[tilespmem:$0x19800] =	vst v63  }
0x67: {  	s23 =	simm.s32 $0x9000  }
0x68: {  	[tilespmem:s23], [sflag:$0x2] =	stream.indirect_vreg.gather [hbm4b:s5+s7], $0x80, v3, vm0, $0xb8;
	[tilespmem:$0x19800] =	vst v63  }
0x69: {  	s24 =	simm.s32 $0x9800  }
0x6a: {  	[tilespmem:s24], [sflag:$0x2] =	stream.indirect_vreg.gather [hbm4b:s11+s7], $0x80, v3, vm0, $0xb8;
	[tilespmem:$0x19800] =	vst v63  }
0x6b: {  	s8 =	simm.s32 $0xA000  }
0x6c: {  	[tilespmem:s8], [sflag:$0x2] =	stream.indirect_vreg.gather [hbm4b:s12+s7], $0x80, v3, vm0, $0xb8;
	[tilespmem:$0x19800] =	vst v63  }
0x6d: {  	v3 =	vld [tilespmem:$0x1410];
	_ =	sdelay $0x4  }
0x6e: {  	v63 =	vshrl.u32 v3, $0x3  }
0x6f: {  	v4 =	vmul.u32 $0x30, v63  }
0x70: {  	v3 =	vand.u32 $0x7, v3  }
0x71: {  	v3 =	vor.u32 v3, v4  }
0x72: {  	v4 =	vperm.xlane v3, v0;
	_ =	sdelay $0x1  }
0x73: {  	v4 =	vadd.s32 v1, v4;
	_ =	sdelay $0x3  }
0x74: {  	s9 =	simm.s32 $0xA800;
	v3 =	vperm.xlane v3, v2  }
0x75: {  	[tilespmem:s9], [sflag:$0x2] =	stream.indirect_vreg.gather [hbm4b:s6+s7], $0x80, v4, vm0, $0xb8;
	[tilespmem:$0x19800] =	vst v63  }
0x76: {  	s10 =	simm.s32 $0xB000;
	v3 =	vadd.s32 v1, v3  }
0x77: {  	[tilespmem:s10], [sflag:$0x2] =	stream.indirect_vreg.gather [hbm4b:s13+s7], $0x80, v4, vm0, $0xb8;
	[tilespmem:$0x19800] =	vst v63  }
0x78: {  	s15 =	simm.s32 $0xB800  }
0x79: {  	[tilespmem:s15], [sflag:$0x2] =	stream.indirect_vreg.gather [hbm4b:s14+s7], $0x80, v4, vm0, $0xb8;
	[tilespmem:$0x19800] =	vst v63  }
0x7a: {  	s16 =	simm.s32 $0xC000  }
0x7b: {  	[tilespmem:s16], [sflag:$0x2] =	stream.indirect_vreg.gather [hbm4b:s6+s7], $0x80, v3, vm0, $0xb8;
	[tilespmem:$0x19800] =	vst v63  }
0x7c: {  	s17 =	simm.s32 $0xC800  }
0x7d: {  	[tilespmem:s17], [sflag:$0x2] =	stream.indirect_vreg.gather [hbm4b:s13+s7], $0x80, v3, vm0, $0xb8;
	[tilespmem:$0x19800] =	vst v63  }
0x7e: {  	s18 =	simm.s32 $0xD000  }
0x7f: {  	[tilespmem:s18], [sflag:$0x2] =	stream.indirect_vreg.gather [hbm4b:s14+s7], $0x80, v3, vm0, $0xb8;
	[tilespmem:$0x19800] =	vst v63  }
0x80: {  	s23 =	rddreg [dreg:$0x7]  }
0x81: {  	[hbm4b:s23+s7] =	stream.linear.scatter [tilespmem:s25], [sflag:$0x7], $0x3000, $0x38;
	[tilespmem:$0x19800] =	vst v63  }
0x82: {  	s24 =	rddreg [dreg:$0x8];
	s8 =	simm.s32 $0x0  }
0x83: {  	[hbm4b:s24+s7] =	stream.linear.scatter [tilespmem:s26], [sflag:$0x8], $0x3000, $0x38;
	[tilespmem:$0x19800] =	vst v63  }
.LBB2_4:
0x84: {  	_ =	swait.ge [sflag:s28], $0x3000  }
0x85: {  	[sflag:s28] =	ssyncset.done $0x0  }
0x86: {  	[sflag:s28] =	ssyncadd.s32 $0xFFFFD000  }
0x87: {  	_ =	swait.ge [sflag:s28], $0x3000  }
0x88: {  	[sflag:s28] =	ssyncset.done $0x0  }
0x89: {  	[sflag:s28] =	ssyncadd.s32 $0xFFFFD000  }
0x8a: {  	_ =	swait.ge [sflag:s29], $0x3000  }
0x8b: {  	[sflag:s29] =	ssyncset.done $0x0  }
0x8c: {  	s9 =	sshll.u32 s8, $0x6;
	[sflag:s29] =	ssyncadd.s32 $0xFFFFD000  }
0x8d: {  	v3 =	vld [tilespmem:s9+$0x1020];
	_ =	sdelay $0x4  }
0x8e: {  	v4 =	vshrl.u32 v3, $0x3  }
0x8f: {  	v4 =	vmul.u32 $0x30, v4  }
0x90: {  	v3 =	vand.u32 $0x7, v3  }
0x91: {  	v3 =	vor.u32 v3, v4  }
0x92: {  	v4 =	vperm.xlane v3, v0;
	_ =	sdelay $0x1  }
0x93: {  	v4 =	vadd.s32 v1, v4;
	_ =	sdelay $0x3  }
0x94: {  	v3 =	vperm.xlane v3, v2  }
0x95: {  	[tilespmem:s25], [sflag:$0x3] =	stream.indirect_vreg.gather [hbm4b:s5+s7], $0x80, v4, vm0, $0xb8;
	[tilespmem:$0x19800] =	vst v63  }
0x96: {  	s3 =	simm.s32 $0xE000;
	v3 =	vadd.s32 v1, v3  }
0x97: {  	[tilespmem:s3], [sflag:$0x3] =	stream.indirect_vreg.gather [hbm4b:s11+s7], $0x80, v4, vm0, $0xb8;
	[tilespmem:$0x19800] =	vst v63  }
0x98: {  	s18 =	simm.s32 $0xE800  }
0x99: {  	[tilespmem:s18], [sflag:$0x3] =	stream.indirect_vreg.gather [hbm4b:s12+s7], $0x80, v4, vm0, $0xb8;
	[tilespmem:$0x19800] =	vst v63  }
0x9a: {  	s23 =	simm.s32 $0xF000  }
0x9b: {  	[tilespmem:s23], [sflag:$0x3] =	stream.indirect_vreg.gather [hbm4b:s5+s7], $0x80, v3, vm0, $0xb8;
	[tilespmem:$0x19800] =	vst v63  }
0x9c: {  	s24 =	simm.s32 $0xF800  }
0x9d: {  	[tilespmem:s24], [sflag:$0x3] =	stream.indirect_vreg.gather [hbm4b:s11+s7], $0x80, v3, vm0, $0xb8;
	[tilespmem:$0x19800] =	vst v63  }
0x9e: {  	s10 =	simm.s32 $0x10000  }
0x9f: {  	[tilespmem:s10], [sflag:$0x3] =	stream.indirect_vreg.gather [hbm4b:s12+s7], $0x80, v3, vm0, $0xb8;
	[tilespmem:$0x19800] =	vst v63  }
0xa0: {  	v3 =	vld [tilespmem:s9+$0x1420];
	_ =	sdelay $0x4  }
0xa1: {  	v4 =	vshrl.u32 v3, $0x3  }
0xa2: {  	v4 =	vmul.u32 $0x30, v4  }
0xa3: {  	v3 =	vand.u32 $0x7, v3  }
0xa4: {  	v3 =	vor.u32 v3, v4  }
0xa5: {  	v4 =	vperm.xlane v3, v0;
	_ =	sdelay $0x1  }
0xa6: {  	v4 =	vadd.s32 v1, v4;
	_ =	sdelay $0x3  }
0xa7: {  	s15 =	simm.s32 $0x10800;
	v3 =	vperm.xlane v3, v2  }
0xa8: {  	[tilespmem:s15], [sflag:$0x3] =	stream.indirect_vreg.gather [hbm4b:s6+s7], $0x80, v4, vm0, $0xb8;
	[tilespmem:$0x19800] =	vst v63  }
0xa9: {  	s16 =	simm.s32 $0x11000;
	v3 =	vadd.s32 v1, v3  }
0xaa: {  	[tilespmem:s16], [sflag:$0x3] =	stream.indirect_vreg.gather [hbm4b:s13+s7], $0x80, v4, vm0, $0xb8;
	[tilespmem:$0x19800] =	vst v63  }
0xab: {  	s17 =	simm.s32 $0x11800  }
0xac: {  	[tilespmem:s17], [sflag:$0x3] =	stream.indirect_vreg.gather [hbm4b:s14+s7], $0x80, v4, vm0, $0xb8;
	[tilespmem:$0x19800] =	vst v63  }
0xad: {  	s18 =	simm.s32 $0x12000;
	s10 =	simm.s32 $0x0  }
0xae: {  	[tilespmem:s18], [sflag:$0x3] =	stream.indirect_vreg.gather [hbm4b:s6+s7], $0x80, v3, vm0, $0xb8;
	[tilespmem:$0x19800] =	vst v63  }
0xaf: {  	s23 =	simm.s32 $0x12800;
	s10 =	smul.u32 $0x1800, s10;
	s15 =	sand.u32 $0x380, s7  }
0xb0: {  	[tilespmem:s23], [sflag:$0x3] =	stream.indirect_vreg.gather [hbm4b:s13+s7], $0x80, v3, vm0, $0xb8;
	[tilespmem:$0x19800] =	vst v63  }
0xb1: {  	s24 =	simm.s32 $0x13000;
	s15 =	sor.u32 s15, s10  }
0xb2: {  	[tilespmem:s24], [sflag:$0x3] =	stream.indirect_vreg.gather [hbm4b:s14+s7], $0x80, v3, vm0, $0xb8;
	[tilespmem:$0x19800] =	vst v63  }
0xb3: {  	v3 =	vld [tilespmem:s15+$0x5C70]  }
0xb4: {  	v6 =	vld [tilespmem:s15+$0x4800]  }
0xb5: {  	v7 =	vld [tilespmem:s15+$0x4810]  }
0xb6: {  	v8 =	vld [tilespmem:s15+$0x4820]  }
0xb7: {  	v9 =	vld [tilespmem:s15+$0x4830]  }
0xb8: {  	v10 =	vld [tilespmem:s15+$0x4840]  }
0xb9: {  	v11 =	vld [tilespmem:s15+$0x4850]  }
0xba: {  	v12 =	vld [tilespmem:s15+$0x4860]  }
0xbb: {  	v13 =	vld [tilespmem:s15+$0x4870]  }
0xbc: {  	v14 =	vld [tilespmem:s15+$0x4C00]  }
0xbd: {  	v15 =	vld [tilespmem:s15+$0x4C10]  }
0xbe: {  	v16 =	vld [tilespmem:s15+$0x4C20]  }
0xbf: {  	v17 =	vld [tilespmem:s15+$0x4C30]  }
0xc0: {  	v18 =	vld [tilespmem:s15+$0x4C40]  }
0xc1: {  	v19 =	vld [tilespmem:s15+$0x4C50]  }
0xc2: {  	v20 =	vld [tilespmem:s15+$0x4C60]  }
0xc3: {  	v21 =	vld [tilespmem:s15+$0x4C70]  }
0xc4: {  	v22 =	vld [tilespmem:s15+$0x5000]  }
0xc5: {  	v23 =	vld [tilespmem:s15+$0x5010]  }
0xc6: {  	v24 =	vld [tilespmem:s15+$0x5020]  }
0xc7: {  	v25 =	vld [tilespmem:s15+$0x5030]  }
0xc8: {  	v26 =	vld [tilespmem:s15+$0x5040]  }
0xc9: {  	v27 =	vld [tilespmem:s15+$0x5050]  }
0xca: {  	v28 =	vld [tilespmem:s15+$0x5060]  }
0xcb: {  	v29 =	vld [tilespmem:s15+$0x5070]  }
0xcc: {  	v30 =	vld [tilespmem:s15+$0x5400]  }
0xcd: {  	v31 =	vld [tilespmem:s15+$0x5410]  }
0xce: {  	v32 =	vld [tilespmem:s15+$0x5420]  }
0xcf: {  	v33 =	vld [tilespmem:s15+$0x5430]  }
0xd0: {  	v34 =	vld [tilespmem:s15+$0x5440]  }
0xd1: {  	v35 =	vld [tilespmem:s15+$0x5450]  }
0xd2: {  	v36 =	vld [tilespmem:s15+$0x5460]  }
0xd3: {  	v37 =	vld [tilespmem:s15+$0x5470]  }
0xd4: {  	v38 =	vld [tilespmem:s15+$0x5800]  }
0xd5: {  	v39 =	vld [tilespmem:s15+$0x5810]  }
0xd6: {  	v40 =	vld [tilespmem:s15+$0x5820]  }
0xd7: {  	v41 =	vld [tilespmem:s15+$0x5830]  }
0xd8: {  	v42 =	vld [tilespmem:s15+$0x5840]  }
0xd9: {  	v43 =	vld [tilespmem:s15+$0x5850]  }
0xda: {  	v44 =	vld [tilespmem:s15+$0x5860]  }
0xdb: {  	v45 =	vld [tilespmem:s15+$0x5870]  }
0xdc: {  	v46 =	vld [tilespmem:s15+$0x5C00]  }
0xdd: {  	v47 =	vld [tilespmem:s15+$0x5C10]  }
0xde: {  	v48 =	vld [tilespmem:s15+$0x5C20]  }
0xdf: {  	v49 =	vld [tilespmem:s15+$0x5C30]  }
0xe0: {  	v5 =	vld [tilespmem:s15+$0x5C40]  }
0xe1: {  	v4 =	vld [tilespmem:s15+$0x5C50]  }
0xe2: {  	[tilespmem:s15+$0x2C70] =	vst.add.f32.msk $0xffff, v3  }
0xe3: {  	v3 =	vld [tilespmem:s15+$0x5C60]  }
0xe4: {  	[tilespmem:s15+$0x1800] =	vst.add.f32.msk $0xffff, v6  }
0xe5: {  	[tilespmem:s15+$0x1810] =	vst.add.f32.msk $0xffff, v7  }
0xe6: {  	[tilespmem:s15+$0x1820] =	vst.add.f32.msk $0xffff, v8  }
0xe7: {  	[tilespmem:s15+$0x1830] =	vst.add.f32.msk $0xffff, v9  }
0xe8: {  	[tilespmem:s15+$0x1840] =	vst.add.f32.msk $0xffff, v10  }
0xe9: {  	[tilespmem:s15+$0x1850] =	vst.add.f32.msk $0xffff, v11  }
0xea: {  	[tilespmem:s15+$0x1860] =	vst.add.f32.msk $0xffff, v12  }
0xeb: {  	[tilespmem:s15+$0x1870] =	vst.add.f32.msk $0xffff, v13  }
0xec: {  	[tilespmem:s15+$0x1C00] =	vst.add.f32.msk $0xffff, v14  }
0xed: {  	[tilespmem:s15+$0x1C10] =	vst.add.f32.msk $0xffff, v15  }
0xee: {  	[tilespmem:s15+$0x1C20] =	vst.add.f32.msk $0xffff, v16  }
0xef: {  	[tilespmem:s15+$0x1C30] =	vst.add.f32.msk $0xffff, v17  }
0xf0: {  	[tilespmem:s15+$0x1C40] =	vst.add.f32.msk $0xffff, v18  }
0xf1: {  	[tilespmem:s15+$0x1C50] =	vst.add.f32.msk $0xffff, v19  }
0xf2: {  	[tilespmem:s15+$0x1C60] =	vst.add.f32.msk $0xffff, v20  }
0xf3: {  	[tilespmem:s15+$0x1C70] =	vst.add.f32.msk $0xffff, v21  }
0xf4: {  	[tilespmem:s15+$0x2000] =	vst.add.f32.msk $0xffff, v22  }
0xf5: {  	[tilespmem:s15+$0x2010] =	vst.add.f32.msk $0xffff, v23  }
0xf6: {  	[tilespmem:s15+$0x2020] =	vst.add.f32.msk $0xffff, v24  }
0xf7: {  	[tilespmem:s15+$0x2030] =	vst.add.f32.msk $0xffff, v25  }
0xf8: {  	[tilespmem:s15+$0x2040] =	vst.add.f32.msk $0xffff, v26  }
0xf9: {  	[tilespmem:s15+$0x2050] =	vst.add.f32.msk $0xffff, v27  }
0xfa: {  	[tilespmem:s15+$0x2060] =	vst.add.f32.msk $0xffff, v28  }
0xfb: {  	[tilespmem:s15+$0x2070] =	vst.add.f32.msk $0xffff, v29  }
0xfc: {  	[tilespmem:s15+$0x2400] =	vst.add.f32.msk $0xffff, v30  }
0xfd: {  	[tilespmem:s15+$0x2410] =	vst.add.f32.msk $0xffff, v31  }
0xfe: {  	[tilespmem:s15+$0x2420] =	vst.add.f32.msk $0xffff, v32  }
0xff: {  	[tilespmem:s15+$0x2430] =	vst.add.f32.msk $0xffff, v33  }
0x100: {  	[tilespmem:s15+$0x2440] =	vst.add.f32.msk $0xffff, v34  }
0x101: {  	[tilespmem:s15+$0x2450] =	vst.add.f32.msk $0xffff, v35  }
0x102: {  	[tilespmem:s15+$0x2460] =	vst.add.f32.msk $0xffff, v36  }
0x103: {  	[tilespmem:s15+$0x2470] =	vst.add.f32.msk $0xffff, v37  }
0x104: {  	[tilespmem:s15+$0x2800] =	vst.add.f32.msk $0xffff, v38  }
0x105: {  	[tilespmem:s15+$0x2810] =	vst.add.f32.msk $0xffff, v39  }
0x106: {  	[tilespmem:s15+$0x2820] =	vst.add.f32.msk $0xffff, v40  }
0x107: {  	[tilespmem:s15+$0x2830] =	vst.add.f32.msk $0xffff, v41  }
0x108: {  	[tilespmem:s15+$0x2840] =	vst.add.f32.msk $0xffff, v42  }
0x109: {  	[tilespmem:s15+$0x2850] =	vst.add.f32.msk $0xffff, v43  }
0x10a: {  	[tilespmem:s15+$0x2860] =	vst.add.f32.msk $0xffff, v44  }
0x10b: {  	[tilespmem:s15+$0x2870] =	vst.add.f32.msk $0xffff, v45  }
0x10c: {  	[tilespmem:s15+$0x2C00] =	vst.add.f32.msk $0xffff, v46  }
0x10d: {  	[tilespmem:s15+$0x2C10] =	vst.add.f32.msk $0xffff, v47  }
0x10e: {  	s10 =	sor.u32 $0x20, s9;
	[tilespmem:s15+$0x2C20] =	vst.add.f32.msk $0xffff, v48  }
0x10f: {  	s16 =	simm.s32 $0x0;
	s17 =	simm.s32 $0x2;
	s18 =	simm.s32 $0x0;
	[tilespmem:s15+$0x2C30] =	vst.add.f32.msk $0xffff, v49  }
.LBB2_5:
0x110: {  	p0 =	sne.s32 s17, $0xF;
	s18 =	smul.u32 $0x1800, s18;
	[tilespmem:s15+$0x2C40] =	vst.add.f32.msk $0xffff, v5;
	s16 =	sadd.s32 $0x80, s16  }
0x111: {  	s23 =	sand.u32 $0x380, s16;
	[tilespmem:s15+$0x2C50] =	vst.add.f32.msk $0xffff, v4  }
0x112: {  	[tilespmem:s15+$0x2C60] =	vst.add.f32.msk $0xffff, v3;
	s15 =	sor.u32 s23, s18  }
0x113: {  	v3 =	vld [tilespmem:s15+$0x5C70]  }
0x114: {  	v6 =	vld [tilespmem:s15+$0x4800]  }
0x115: {  	v7 =	vld [tilespmem:s15+$0x4810]  }
0x116: {  	v8 =	vld [tilespmem:s15+$0x4820]  }
0x117: {  	v9 =	vld [tilespmem:s15+$0x4830]  }
0x118: {  	[tilespmem:s15+$0x2C70] =	vst.add.f32.msk $0xffff, v3  }
0x119: {  	v10 =	vld [tilespmem:s15+$0x4840]  }
0x11a: {  	v11 =	vld [tilespmem:s15+$0x4850]  }
0x11b: {  	v12 =	vld [tilespmem:s15+$0x4860]  }
0x11c: {  	v13 =	vld [tilespmem:s15+$0x4870]  }
0x11d: {  	v14 =	vld [tilespmem:s15+$0x4C00]  }
0x11e: {  	v15 =	vld [tilespmem:s15+$0x4C10]  }
0x11f: {  	v16 =	vld [tilespmem:s15+$0x4C20]  }
0x120: {  	v17 =	vld [tilespmem:s15+$0x4C30]  }
0x121: {  	v18 =	vld [tilespmem:s15+$0x4C40]  }
0x122: {  	v19 =	vld [tilespmem:s15+$0x4C50]  }
0x123: {  	v20 =	vld [tilespmem:s15+$0x4C60]  }
0x124: {  	v21 =	vld [tilespmem:s15+$0x4C70]  }
0x125: {  	v22 =	vld [tilespmem:s15+$0x5000]  }
0x126: {  	v23 =	vld [tilespmem:s15+$0x5010]  }
0x127: {  	v24 =	vld [tilespmem:s15+$0x5020]  }
0x128: {  	v25 =	vld [tilespmem:s15+$0x5030]  }
0x129: {  	v26 =	vld [tilespmem:s15+$0x5040]  }
0x12a: {  	v27 =	vld [tilespmem:s15+$0x5050]  }
0x12b: {  	v28 =	vld [tilespmem:s15+$0x5060]  }
0x12c: {  	v29 =	vld [tilespmem:s15+$0x5070]  }
0x12d: {  	v30 =	vld [tilespmem:s15+$0x5400]  }
0x12e: {  	v31 =	vld [tilespmem:s15+$0x5410]  }
0x12f: {  	v32 =	vld [tilespmem:s15+$0x5420]  }
0x130: {  	v33 =	vld [tilespmem:s15+$0x5430]  }
0x131: {  	v34 =	vld [tilespmem:s15+$0x5440]  }
0x132: {  	v35 =	vld [tilespmem:s15+$0x5450]  }
0x133: {  	v36 =	vld [tilespmem:s15+$0x5460]  }
0x134: {  	v37 =	vld [tilespmem:s15+$0x5470]  }
0x135: {  	v38 =	vld [tilespmem:s15+$0x5800]  }
0x136: {  	v39 =	vld [tilespmem:s15+$0x5810]  }
0x137: {  	v40 =	vld [tilespmem:s15+$0x5820]  }
0x138: {  	v41 =	vld [tilespmem:s15+$0x5830]  }
0x139: {  	v42 =	vld [tilespmem:s15+$0x5840]  }
0x13a: {  	v43 =	vld [tilespmem:s15+$0x5850]  }
0x13b: {  	v44 =	vld [tilespmem:s15+$0x5860]  }
0x13c: {  	v45 =	vld [tilespmem:s15+$0x5870]  }
0x13d: {  	v46 =	vld [tilespmem:s15+$0x5C00]  }
0x13e: {  	v47 =	vld [tilespmem:s15+$0x5C10]  }
0x13f: {  	v48 =	vld [tilespmem:s15+$0x5C20]  }
0x140: {  	v49 =	vld [tilespmem:s15+$0x5C30]  }
0x141: {  	v5 =	vld [tilespmem:s15+$0x5C40]  }
0x142: {  	v4 =	vld [tilespmem:s15+$0x5C50]  }
0x143: {  	v3 =	vld [tilespmem:s15+$0x5C60]  }
0x144: {  	[tilespmem:s15+$0x1800] =	vst.add.f32.msk $0xffff, v6  }
0x145: {  	[tilespmem:s15+$0x1810] =	vst.add.f32.msk $0xffff, v7  }
0x146: {  	[tilespmem:s15+$0x1820] =	vst.add.f32.msk $0xffff, v8  }
0x147: {  	[tilespmem:s15+$0x1830] =	vst.add.f32.msk $0xffff, v9  }
0x148: {  	[tilespmem:s15+$0x1840] =	vst.add.f32.msk $0xffff, v10  }
0x149: {  	[tilespmem:s15+$0x1850] =	vst.add.f32.msk $0xffff, v11  }
0x14a: {  	[tilespmem:s15+$0x1860] =	vst.add.f32.msk $0xffff, v12  }
0x14b: {  	[tilespmem:s15+$0x1870] =	vst.add.f32.msk $0xffff, v13  }
0x14c: {  	[tilespmem:s15+$0x1C00] =	vst.add.f32.msk $0xffff, v14  }
0x14d: {  	[tilespmem:s15+$0x1C10] =	vst.add.f32.msk $0xffff, v15  }
0x14e: {  	[tilespmem:s15+$0x1C20] =	vst.add.f32.msk $0xffff, v16  }
0x14f: {  	[tilespmem:s15+$0x1C30] =	vst.add.f32.msk $0xffff, v17  }
0x150: {  	[tilespmem:s15+$0x1C40] =	vst.add.f32.msk $0xffff, v18  }
0x151: {  	[tilespmem:s15+$0x1C50] =	vst.add.f32.msk $0xffff, v19  }
0x152: {  	[tilespmem:s15+$0x1C60] =	vst.add.f32.msk $0xffff, v20  }
0x153: {  	[tilespmem:s15+$0x1C70] =	vst.add.f32.msk $0xffff, v21  }
0x154: {  	[tilespmem:s15+$0x2000] =	vst.add.f32.msk $0xffff, v22  }
0x155: {  	[tilespmem:s15+$0x2010] =	vst.add.f32.msk $0xffff, v23  }
0x156: {  	[tilespmem:s15+$0x2020] =	vst.add.f32.msk $0xffff, v24  }
0x157: {  	[tilespmem:s15+$0x2030] =	vst.add.f32.msk $0xffff, v25  }
0x158: {  	[tilespmem:s15+$0x2040] =	vst.add.f32.msk $0xffff, v26  }
0x159: {  	[tilespmem:s15+$0x2050] =	vst.add.f32.msk $0xffff, v27  }
0x15a: {  	[tilespmem:s15+$0x2060] =	vst.add.f32.msk $0xffff, v28  }
0x15b: {  	[tilespmem:s15+$0x2070] =	vst.add.f32.msk $0xffff, v29  }
0x15c: {  	[tilespmem:s15+$0x2400] =	vst.add.f32.msk $0xffff, v30  }
0x15d: {  	[tilespmem:s15+$0x2410] =	vst.add.f32.msk $0xffff, v31  }
0x15e: {  	[tilespmem:s15+$0x2420] =	vst.add.f32.msk $0xffff, v32  }
0x15f: {  	[tilespmem:s15+$0x2430] =	vst.add.f32.msk $0xffff, v33  }
0x160: {  	[tilespmem:s15+$0x2440] =	vst.add.f32.msk $0xffff, v34  }
0x161: {  	[tilespmem:s15+$0x2450] =	vst.add.f32.msk $0xffff, v35  }
0x162: {  	[tilespmem:s15+$0x2460] =	vst.add.f32.msk $0xffff, v36  }
0x163: {  	[tilespmem:s15+$0x2470] =	vst.add.f32.msk $0xffff, v37  }
0x164: {  	[tilespmem:s15+$0x2800] =	vst.add.f32.msk $0xffff, v38  }
0x165: {  	[tilespmem:s15+$0x2810] =	vst.add.f32.msk $0xffff, v39  }
0x166: {  	[tilespmem:s15+$0x2820] =	vst.add.f32.msk $0xffff, v40  }
0x167: {  	[tilespmem:s15+$0x2830] =	vst.add.f32.msk $0xffff, v41  }
0x168: {  	[tilespmem:s15+$0x2840] =	vst.add.f32.msk $0xffff, v42  }
0x169: {  	[tilespmem:s15+$0x2850] =	vst.add.f32.msk $0xffff, v43  }
0x16a: {  	[tilespmem:s15+$0x2860] =	vst.add.f32.msk $0xffff, v44  }
.Ltmp1:
0x16b: {  	[tilespmem:s15+$0x2870] =	vst.add.f32.msk $0xffff, v45;
	(pc) =	sbr.rel @p0 .LBB2_5-.Ltmp1, $4  }
0x16c: {  	[tilespmem:s15+$0x2C00] =	vst.add.f32.msk $0xffff, v46  }
0x16d: {  	[tilespmem:s15+$0x2C10] =	vst.add.f32.msk $0xffff, v47  }
0x16e: {  	[tilespmem:s15+$0x2C20] =	vst.add.f32.msk $0xffff, v48  }
0x16f: {  	s18 =	sshrl.u32 s17, $0x3;
	s17 =	sadd.s32 $0x1, s17;
	[tilespmem:s15+$0x2C30] =	vst.add.f32.msk $0xffff, v49  }
0x170: {  	s17 =	smul.u32 $0x1800, s18;
	[tilespmem:s15+$0x2C40] =	vst.add.f32.msk $0xffff, v5;
	s16 =	sadd.s32 $0x80, s16  }
0x171: {  	[tilespmem:s15+$0x2C50] =	vst.add.f32.msk $0xffff, v4;
	s16 =	sand.u32 $0x380, s16  }
0x172: {  	[tilespmem:s15+$0x2C60] =	vst.add.f32.msk $0xffff, v3;
	s17 =	sor.u32 s16, s17  }
0x173: {  	v3 =	vld [tilespmem:s17+$0x5C70]  }
0x174: {  	v4 =	vld [tilespmem:s17+$0x4800]  }
0x175: {  	v5 =	vld [tilespmem:s17+$0x4810]  }
0x176: {  	v6 =	vld [tilespmem:s17+$0x4820]  }
0x177: {  	v7 =	vld [tilespmem:s17+$0x4830]  }
0x178: {  	v8 =	vld [tilespmem:s17+$0x4850]  }
0x179: {  	v9 =	vld [tilespmem:s17+$0x4860]  }
0x17a: {  	v10 =	vld [tilespmem:s17+$0x4870]  }
0x17b: {  	v11 =	vld [tilespmem:s17+$0x4C00]  }
0x17c: {  	v12 =	vld [tilespmem:s17+$0x4C10]  }
0x17d: {  	v13 =	vld [tilespmem:s17+$0x4C20]  }
0x17e: {  	v14 =	vld [tilespmem:s17+$0x4C30]  }
0x17f: {  	v15 =	vld [tilespmem:s17+$0x4C40]  }
0x180: {  	v16 =	vld [tilespmem:s17+$0x4C50]  }
0x181: {  	v17 =	vld [tilespmem:s17+$0x4C60]  }
0x182: {  	v18 =	vld [tilespmem:s17+$0x4C70]  }
0x183: {  	v19 =	vld [tilespmem:s17+$0x5000]  }
0x184: {  	v20 =	vld [tilespmem:s17+$0x5010]  }
0x185: {  	v21 =	vld [tilespmem:s17+$0x5020]  }
0x186: {  	v22 =	vld [tilespmem:s17+$0x5030]  }
0x187: {  	v23 =	vld [tilespmem:s17+$0x5040]  }
0x188: {  	v24 =	vld [tilespmem:s17+$0x5050]  }
0x189: {  	v25 =	vld [tilespmem:s17+$0x5060]  }
0x18a: {  	v26 =	vld [tilespmem:s17+$0x5070]  }
0x18b: {  	v27 =	vld [tilespmem:s17+$0x5400]  }
0x18c: {  	v28 =	vld [tilespmem:s17+$0x5410]  }
0x18d: {  	v29 =	vld [tilespmem:s17+$0x5420]  }
0x18e: {  	v30 =	vld [tilespmem:s17+$0x5430]  }
0x18f: {  	v31 =	vld [tilespmem:s17+$0x5440]  }
0x190: {  	v32 =	vld [tilespmem:s17+$0x5450]  }
0x191: {  	v33 =	vld [tilespmem:s17+$0x5460]  }
0x192: {  	v34 =	vld [tilespmem:s17+$0x5470]  }
0x193: {  	v35 =	vld [tilespmem:s17+$0x5800]  }
0x194: {  	v36 =	vld [tilespmem:s17+$0x5810]  }
0x195: {  	v37 =	vld [tilespmem:s17+$0x5820]  }
0x196: {  	v38 =	vld [tilespmem:s17+$0x5830]  }
0x197: {  	v39 =	vld [tilespmem:s17+$0x5840]  }
0x198: {  	v40 =	vld [tilespmem:s17+$0x5850]  }
0x199: {  	v41 =	vld [tilespmem:s17+$0x5860]  }
0x19a: {  	v42 =	vld [tilespmem:s17+$0x5870]  }
0x19b: {  	v43 =	vld [tilespmem:s17+$0x5C00]  }
0x19c: {  	v44 =	vld [tilespmem:s17+$0x5C10]  }
0x19d: {  	v45 =	vld [tilespmem:s17+$0x5C20]  }
0x19e: {  	v46 =	vld [tilespmem:s17+$0x5C30]  }
0x19f: {  	v47 =	vld [tilespmem:s17+$0x5C40]  }
0x1a0: {  	v48 =	vld [tilespmem:s17+$0x5C50]  }
0x1a1: {  	v49 =	vld [tilespmem:s17+$0x5C60]  }
0x1a2: {  	[tilespmem:s17+$0x2C70] =	vst.add.f32.msk $0xffff, v3  }
0x1a3: {  	v3 =	vld [tilespmem:s17+$0x4840]  }
0x1a4: {  	[tilespmem:s17+$0x1800] =	vst.add.f32.msk $0xffff, v4  }
0x1a5: {  	[tilespmem:s17+$0x1810] =	vst.add.f32.msk $0xffff, v5  }
0x1a6: {  	[tilespmem:s17+$0x1820] =	vst.add.f32.msk $0xffff, v6  }
0x1a7: {  	[tilespmem:s17+$0x1830] =	vst.add.f32.msk $0xffff, v7  }
0x1a8: {  	[tilespmem:s17+$0x1850] =	vst.add.f32.msk $0xffff, v8  }
0x1a9: {  	[tilespmem:s17+$0x1860] =	vst.add.f32.msk $0xffff, v9  }
0x1aa: {  	[tilespmem:s17+$0x1870] =	vst.add.f32.msk $0xffff, v10  }
0x1ab: {  	[tilespmem:s17+$0x1C00] =	vst.add.f32.msk $0xffff, v11  }
0x1ac: {  	[tilespmem:s17+$0x1C10] =	vst.add.f32.msk $0xffff, v12  }
0x1ad: {  	[tilespmem:s17+$0x1C20] =	vst.add.f32.msk $0xffff, v13  }
0x1ae: {  	[tilespmem:s17+$0x1C30] =	vst.add.f32.msk $0xffff, v14  }
0x1af: {  	[tilespmem:s17+$0x1C40] =	vst.add.f32.msk $0xffff, v15  }
0x1b0: {  	[tilespmem:s17+$0x1C50] =	vst.add.f32.msk $0xffff, v16  }
0x1b1: {  	[tilespmem:s17+$0x1C60] =	vst.add.f32.msk $0xffff, v17  }
0x1b2: {  	[tilespmem:s17+$0x1C70] =	vst.add.f32.msk $0xffff, v18  }
0x1b3: {  	[tilespmem:s17+$0x2000] =	vst.add.f32.msk $0xffff, v19  }
0x1b4: {  	[tilespmem:s17+$0x2010] =	vst.add.f32.msk $0xffff, v20  }
0x1b5: {  	[tilespmem:s17+$0x2020] =	vst.add.f32.msk $0xffff, v21  }
0x1b6: {  	[tilespmem:s17+$0x2030] =	vst.add.f32.msk $0xffff, v22  }
0x1b7: {  	[tilespmem:s17+$0x2040] =	vst.add.f32.msk $0xffff, v23  }
0x1b8: {  	[tilespmem:s17+$0x2050] =	vst.add.f32.msk $0xffff, v24  }
0x1b9: {  	[tilespmem:s17+$0x2060] =	vst.add.f32.msk $0xffff, v25  }
0x1ba: {  	[tilespmem:s17+$0x2070] =	vst.add.f32.msk $0xffff, v26  }
0x1bb: {  	[tilespmem:s17+$0x2400] =	vst.add.f32.msk $0xffff, v27  }
0x1bc: {  	[tilespmem:s17+$0x2410] =	vst.add.f32.msk $0xffff, v28  }
0x1bd: {  	[tilespmem:s17+$0x2420] =	vst.add.f32.msk $0xffff, v29  }
0x1be: {  	[tilespmem:s17+$0x2430] =	vst.add.f32.msk $0xffff, v30  }
0x1bf: {  	[tilespmem:s17+$0x2440] =	vst.add.f32.msk $0xffff, v31  }
0x1c0: {  	[tilespmem:s17+$0x2450] =	vst.add.f32.msk $0xffff, v32  }
0x1c1: {  	[tilespmem:s17+$0x2460] =	vst.add.f32.msk $0xffff, v33  }
0x1c2: {  	[tilespmem:s17+$0x2470] =	vst.add.f32.msk $0xffff, v34  }
0x1c3: {  	[tilespmem:s17+$0x2800] =	vst.add.f32.msk $0xffff, v35  }
0x1c4: {  	[tilespmem:s17+$0x2810] =	vst.add.f32.msk $0xffff, v36  }
0x1c5: {  	[tilespmem:s17+$0x2820] =	vst.add.f32.msk $0xffff, v37  }
0x1c6: {  	[tilespmem:s17+$0x2830] =	vst.add.f32.msk $0xffff, v38  }
0x1c7: {  	[tilespmem:s17+$0x2840] =	vst.add.f32.msk $0xffff, v39  }
0x1c8: {  	[tilespmem:s17+$0x2850] =	vst.add.f32.msk $0xffff, v40  }
0x1c9: {  	[tilespmem:s17+$0x2860] =	vst.add.f32.msk $0xffff, v41  }
0x1ca: {  	[tilespmem:s17+$0x2870] =	vst.add.f32.msk $0xffff, v42  }
0x1cb: {  	[tilespmem:s17+$0x2C00] =	vst.add.f32.msk $0xffff, v43  }
0x1cc: {  	[tilespmem:s17+$0x2C10] =	vst.add.f32.msk $0xffff, v44  }
0x1cd: {  	[tilespmem:s17+$0x2C20] =	vst.add.f32.msk $0xffff, v45  }
0x1ce: {  	s3 =	sor.u32 s4, s9;
	[tilespmem:s17+$0x2C30] =	vst.add.f32.msk $0xffff, v46  }
0x1cf: {  	s15 =	sshrl.u32 s3, $0x3;
	[tilespmem:s17+$0x2C40] =	vst.add.f32.msk $0xffff, v47  }
0x1d0: {  	s16 =	smul.u32 $0x300, s15;
	[tilespmem:s17+$0x2C50] =	vst.add.f32.msk $0xffff, v48  }
0x1d1: {  	[tilespmem:s17+$0x2C60] =	vst.add.f32.msk $0xffff, v49  }
0x1d2: {  	s15 =	sadd.s32 s2, s16;
	[tilespmem:s17+$0x1840] =	vst.add.f32.msk $0xffff, v3;
	s17 =	simm.s32 $0x0  }
0x1d3: {  	[hbm4b:s15+s17] =	stream.linear.scatter [tilespmem:s22], [sflag:$0x5], $0x3000, $0x38;
	[tilespmem:$0x19800] =	vst v63  }
0x1d4: {  	_ =	swait.ge [sflag:s30], $0x3000  }
0x1d5: {  	[sflag:s30] =	ssyncset.done $0x0  }
0x1d6: {  	[sflag:s30] =	ssyncadd.s32 $0xFFFFD000  }
0x1d7: {  	_ =	swait.ge [sflag:s30], $0x3000  }
0x1d8: {  	[sflag:s30] =	ssyncset.done $0x0  }
0x1d9: {  	[sflag:s30] =	ssyncadd.s32 $0xFFFFD000  }
0x1da: {  	_ =	swait.ge [sflag:s31], $0x3000  }
0x1db: {  	[sflag:s31] =	ssyncset.done $0x0  }
0x1dc: {  	[sflag:s31] =	ssyncadd.s32 $0xFFFFD000  }
0x1dd: {  	v3 =	vld [tilespmem:s9+$0x1030];
	_ =	sdelay $0x4  }
0x1de: {  	v4 =	vshrl.u32 v3, $0x3  }
0x1df: {  	v4 =	vmul.u32 $0x30, v4  }
0x1e0: {  	v3 =	vand.u32 $0x7, v3  }
0x1e1: {  	v3 =	vor.u32 v3, v4  }
0x1e2: {  	v4 =	vperm.xlane v3, v0;
	_ =	sdelay $0x1  }
0x1e3: {  	v4 =	vadd.s32 v1, v4;
	_ =	sdelay $0x3  }
0x1e4: {  	v3 =	vperm.xlane v3, v2  }
0x1e5: {  	[tilespmem:s26], [sflag:$0x4] =	stream.indirect_vreg.gather [hbm4b:s5+s17], $0x80, v4, vm0, $0xb8;
	[tilespmem:$0x19800] =	vst v63  }
0x1e6: {  	s3 =	simm.s32 $0x14000;
	v3 =	vadd.s32 v1, v3  }
0x1e7: {  	[tilespmem:s3], [sflag:$0x4] =	stream.indirect_vreg.gather [hbm4b:s11+s17], $0x80, v4, vm0, $0xb8;
	[tilespmem:$0x19800] =	vst v63  }
0x1e8: {  	s15 =	simm.s32 $0x14800  }
0x1e9: {  	[tilespmem:s15], [sflag:$0x4] =	stream.indirect_vreg.gather [hbm4b:s12+s17], $0x80, v4, vm0, $0xb8;
	[tilespmem:$0x19800] =	vst v63  }
0x1ea: {  	s18 =	simm.s32 $0x15000  }
0x1eb: {  	[tilespmem:s18], [sflag:$0x4] =	stream.indirect_vreg.gather [hbm4b:s5+s17], $0x80, v3, vm0, $0xb8;
	[tilespmem:$0x19800] =	vst v63  }
0x1ec: {  	s23 =	simm.s32 $0x15800  }
0x1ed: {  	[tilespmem:s23], [sflag:$0x4] =	stream.indirect_vreg.gather [hbm4b:s11+s17], $0x80, v3, vm0, $0xb8;
	[tilespmem:$0x19800] =	vst v63  }
0x1ee: {  	s24 =	simm.s32 $0x16000  }
0x1ef: {  	[tilespmem:s24], [sflag:$0x4] =	stream.indirect_vreg.gather [hbm4b:s12+s17], $0x80, v3, vm0, $0xb8;
	[tilespmem:$0x19800] =	vst v63  }
0x1f0: {  	v3 =	vld [tilespmem:s9+$0x1430];
	_ =	sdelay $0x4  }
0x1f1: {  	v4 =	vshrl.u32 v3, $0x3  }
0x1f2: {  	v4 =	vmul.u32 $0x30, v4  }
0x1f3: {  	v3 =	vand.u32 $0x7, v3  }
0x1f4: {  	v3 =	vor.u32 v3, v4  }
0x1f5: {  	v4 =	vperm.xlane v3, v0;
	_ =	sdelay $0x1  }
0x1f6: {  	v4 =	vadd.s32 v1, v4;
	_ =	sdelay $0x3  }
0x1f7: {  	s15 =	simm.s32 $0x16800;
	v3 =	vperm.xlane v3, v2  }
0x1f8: {  	[tilespmem:s15], [sflag:$0x4] =	stream.indirect_vreg.gather [hbm4b:s6+s17], $0x80, v4, vm0, $0xb8;
	[tilespmem:$0x19800] =	vst v63  }
0x1f9: {  	s18 =	simm.s32 $0x17000;
	v3 =	vadd.s32 v1, v3  }
0x1fa: {  	[tilespmem:s18], [sflag:$0x4] =	stream.indirect_vreg.gather [hbm4b:s13+s17], $0x80, v4, vm0, $0xb8;
	[tilespmem:$0x19800] =	vst v63  }
0x1fb: {  	s23 =	simm.s32 $0x17800  }
0x1fc: {  	[tilespmem:s23], [sflag:$0x4] =	stream.indirect_vreg.gather [hbm4b:s14+s17], $0x80, v4, vm0, $0xb8;
	[tilespmem:$0x19800] =	vst v63  }
0x1fd: {  	s24 =	simm.s32 $0x18000  }
0x1fe: {  	[tilespmem:s24], [sflag:$0x4] =	stream.indirect_vreg.gather [hbm4b:s6+s17], $0x80, v3, vm0, $0xb8;
	[tilespmem:$0x19800] =	vst v63  }
0x1ff: {  	s15 =	simm.s32 $0x18800;
	s23 =	simm.s32 $0x0  }
0x200: {  	[tilespmem:s15], [sflag:$0x4] =	stream.indirect_vreg.gather [hbm4b:s13+s17], $0x80, v3, vm0, $0xb8;
	[tilespmem:$0x19800] =	vst v63  }
0x201: {  	s18 =	simm.s32 $0x19000;
	s24 =	sand.u32 $0x380, s17;
	s15 =	smul.u32 $0x1800, s23  }
0x202: {  	[tilespmem:s18], [sflag:$0x4] =	stream.indirect_vreg.gather [hbm4b:s14+s17], $0x80, v3, vm0, $0xb8;
	[tilespmem:$0x19800] =	vst v63  }
0x203: {  	s18 =	sor.u32 s24, s15  }
0x204: {  	v3 =	vld [tilespmem:s18+$0xBC70]  }
0x205: {  	v6 =	vld [tilespmem:s18+$0xA800]  }
0x206: {  	v7 =	vld [tilespmem:s18+$0xA810]  }
0x207: {  	v8 =	vld [tilespmem:s18+$0xA820]  }
0x208: {  	v9 =	vld [tilespmem:s18+$0xA830]  }
0x209: {  	v10 =	vld [tilespmem:s18+$0xA840]  }
0x20a: {  	v11 =	vld [tilespmem:s18+$0xA850]  }
0x20b: {  	v12 =	vld [tilespmem:s18+$0xA860]  }
0x20c: {  	v13 =	vld [tilespmem:s18+$0xA870]  }
0x20d: {  	v14 =	vld [tilespmem:s18+$0xAC00]  }
0x20e: {  	v15 =	vld [tilespmem:s18+$0xAC10]  }
0x20f: {  	v16 =	vld [tilespmem:s18+$0xAC20]  }
0x210: {  	v17 =	vld [tilespmem:s18+$0xAC30]  }
0x211: {  	v18 =	vld [tilespmem:s18+$0xAC40]  }
0x212: {  	v19 =	vld [tilespmem:s18+$0xAC50]  }
0x213: {  	v20 =	vld [tilespmem:s18+$0xAC60]  }
0x214: {  	v21 =	vld [tilespmem:s18+$0xAC70]  }
0x215: {  	v22 =	vld [tilespmem:s18+$0xB000]  }
0x216: {  	v23 =	vld [tilespmem:s18+$0xB010]  }
0x217: {  	v24 =	vld [tilespmem:s18+$0xB020]  }
0x218: {  	v25 =	vld [tilespmem:s18+$0xB030]  }
0x219: {  	v26 =	vld [tilespmem:s18+$0xB040]  }
0x21a: {  	v27 =	vld [tilespmem:s18+$0xB050]  }
0x21b: {  	v28 =	vld [tilespmem:s18+$0xB060]  }
0x21c: {  	v29 =	vld [tilespmem:s18+$0xB070]  }
0x21d: {  	v30 =	vld [tilespmem:s18+$0xB400]  }
0x21e: {  	v31 =	vld [tilespmem:s18+$0xB410]  }
0x21f: {  	v32 =	vld [tilespmem:s18+$0xB420]  }
0x220: {  	v33 =	vld [tilespmem:s18+$0xB430]  }
0x221: {  	v34 =	vld [tilespmem:s18+$0xB440]  }
0x222: {  	v35 =	vld [tilespmem:s18+$0xB450]  }
0x223: {  	v36 =	vld [tilespmem:s18+$0xB460]  }
0x224: {  	v37 =	vld [tilespmem:s18+$0xB470]  }
0x225: {  	v52 =	vld [tilespmem:s18+$0xB800]  }
0x226: {  	v53 =	vld [tilespmem:s18+$0xB810]  }
0x227: {  	v54 =	vld [tilespmem:s18+$0xB820]  }
0x228: {  	v55 =	vld [tilespmem:s18+$0xB830]  }
0x229: {  	v56 =	vld [tilespmem:s18+$0xB840]  }
0x22a: {  	v57 =	vld [tilespmem:s18+$0xB850]  }
0x22b: {  	v58 =	vld [tilespmem:s18+$0xB860]  }
0x22c: {  	v59 =	vld [tilespmem:s18+$0xB870]  }
0x22d: {  	v60 =	vld [tilespmem:s18+$0xBC00]  }
0x22e: {  	v61 =	vld [tilespmem:s18+$0xBC10]  }
0x22f: {  	v62 =	vld [tilespmem:s18+$0xBC20]  }
0x230: {  	v63 =	vld [tilespmem:s18+$0xBC30]  }
0x231: {  	v5 =	vld [tilespmem:s18+$0xBC40]  }
0x232: {  	v4 =	vld [tilespmem:s18+$0xBC50]  }
0x233: {  	[tilespmem:s18+$0x8C70] =	vst.add.f32.msk $0xffff, v3  }
0x234: {  	v3 =	vld [tilespmem:s18+$0xBC60]  }
0x235: {  	[tilespmem:s18+$0x7800] =	vst.add.f32.msk $0xffff, v6  }
0x236: {  	[tilespmem:s18+$0x7810] =	vst.add.f32.msk $0xffff, v7  }
0x237: {  	[tilespmem:s18+$0x7820] =	vst.add.f32.msk $0xffff, v8  }
0x238: {  	[tilespmem:s18+$0x7830] =	vst.add.f32.msk $0xffff, v9  }
0x239: {  	[tilespmem:s18+$0x7840] =	vst.add.f32.msk $0xffff, v10  }
0x23a: {  	[tilespmem:s18+$0x7850] =	vst.add.f32.msk $0xffff, v11  }
0x23b: {  	[tilespmem:s18+$0x7860] =	vst.add.f32.msk $0xffff, v12  }
0x23c: {  	[tilespmem:s18+$0x7870] =	vst.add.f32.msk $0xffff, v13  }
0x23d: {  	[tilespmem:s18+$0x7C00] =	vst.add.f32.msk $0xffff, v14  }
0x23e: {  	[tilespmem:s18+$0x7C10] =	vst.add.f32.msk $0xffff, v15  }
0x23f: {  	[tilespmem:s18+$0x7C20] =	vst.add.f32.msk $0xffff, v16  }
0x240: {  	[tilespmem:s18+$0x7C30] =	vst.add.f32.msk $0xffff, v17  }
0x241: {  	[tilespmem:s18+$0x7C40] =	vst.add.f32.msk $0xffff, v18  }
0x242: {  	[tilespmem:s18+$0x7C50] =	vst.add.f32.msk $0xffff, v19  }
0x243: {  	[tilespmem:s18+$0x7C60] =	vst.add.f32.msk $0xffff, v20  }
0x244: {  	[tilespmem:s18+$0x7C70] =	vst.add.f32.msk $0xffff, v21  }
0x245: {  	[tilespmem:s18+$0x8000] =	vst.add.f32.msk $0xffff, v22  }
0x246: {  	[tilespmem:s18+$0x8010] =	vst.add.f32.msk $0xffff, v23  }
0x247: {  	[tilespmem:s18+$0x8020] =	vst.add.f32.msk $0xffff, v24  }
0x248: {  	[tilespmem:s18+$0x8030] =	vst.add.f32.msk $0xffff, v25  }
0x249: {  	[tilespmem:s18+$0x8040] =	vst.add.f32.msk $0xffff, v26  }
0x24a: {  	[tilespmem:s18+$0x8050] =	vst.add.f32.msk $0xffff, v27  }
0x24b: {  	[tilespmem:s18+$0x8060] =	vst.add.f32.msk $0xffff, v28  }
0x24c: {  	[tilespmem:s18+$0x8070] =	vst.add.f32.msk $0xffff, v29  }
0x24d: {  	[tilespmem:s18+$0x8400] =	vst.add.f32.msk $0xffff, v30  }
0x24e: {  	[tilespmem:s18+$0x8410] =	vst.add.f32.msk $0xffff, v31  }
0x24f: {  	[tilespmem:s18+$0x8420] =	vst.add.f32.msk $0xffff, v32  }
0x250: {  	[tilespmem:s18+$0x8430] =	vst.add.f32.msk $0xffff, v33  }
0x251: {  	[tilespmem:s18+$0x8440] =	vst.add.f32.msk $0xffff, v34  }
0x252: {  	[tilespmem:s18+$0x8450] =	vst.add.f32.msk $0xffff, v35  }
0x253: {  	[tilespmem:s18+$0x8460] =	vst.add.f32.msk $0xffff, v36  }
0x254: {  	[tilespmem:s18+$0x8470] =	vst.add.f32.msk $0xffff, v37  }
0x255: {  	[tilespmem:s18+$0x8800] =	vst.add.f32.msk $0xffff, v52  }
0x256: {  	[tilespmem:s18+$0x8810] =	vst.add.f32.msk $0xffff, v53  }
0x257: {  	[tilespmem:s18+$0x8820] =	vst.add.f32.msk $0xffff, v54  }
0x258: {  	[tilespmem:s18+$0x8830] =	vst.add.f32.msk $0xffff, v55  }
0x259: {  	[tilespmem:s18+$0x8840] =	vst.add.f32.msk $0xffff, v56  }
0x25a: {  	[tilespmem:s18+$0x8850] =	vst.add.f32.msk $0xffff, v57  }
0x25b: {  	[tilespmem:s18+$0x8860] =	vst.add.f32.msk $0xffff, v58  }
0x25c: {  	[tilespmem:s18+$0x8870] =	vst.add.f32.msk $0xffff, v59  }
0x25d: {  	[tilespmem:s18+$0x8C00] =	vst.add.f32.msk $0xffff, v60  }
0x25e: {  	[tilespmem:s18+$0x8C10] =	vst.add.f32.msk $0xffff, v61  }
0x25f: {  	[tilespmem:s18+$0x8C20] =	vst.add.f32.msk $0xffff, v62  }
0x260: {  	s23 =	simm.s32 $0x2;
	s15 =	sor.u32 $0x30, s9;
	s24 =	simm.s32 $0x0;
	[tilespmem:s18+$0x8C30] =	vst.add.f32.msk $0xffff, v63  }
.LBB2_7:
0x261: {  	p0 =	sne.s32 s23, $0xF;
	s24 =	smul.u32 $0x1800, s24;
	[tilespmem:s18+$0x8C40] =	vst.add.f32.msk $0xffff, v5;
	s17 =	sadd.s32 $0x80, s17  }
0x262: {  	s3 =	sand.u32 $0x380, s17;
	[tilespmem:s18+$0x8C50] =	vst.add.f32.msk $0xffff, v4  }
0x263: {  	[tilespmem:s18+$0x8C60] =	vst.add.f32.msk $0xffff, v3;
	s18 =	sor.u32 s3, s24  }
0x264: {  	v3 =	vld [tilespmem:s18+$0xBC70]  }
0x265: {  	v6 =	vld [tilespmem:s18+$0xA800]  }
0x266: {  	v7 =	vld [tilespmem:s18+$0xA810]  }
0x267: {  	v8 =	vld [tilespmem:s18+$0xA820]  }
0x268: {  	v9 =	vld [tilespmem:s18+$0xA830]  }
0x269: {  	[tilespmem:s18+$0x8C70] =	vst.add.f32.msk $0xffff, v3  }
0x26a: {  	v10 =	vld [tilespmem:s18+$0xA840]  }
0x26b: {  	v11 =	vld [tilespmem:s18+$0xA850]  }
0x26c: {  	v12 =	vld [tilespmem:s18+$0xA860]  }
0x26d: {  	v13 =	vld [tilespmem:s18+$0xA870]  }
0x26e: {  	v14 =	vld [tilespmem:s18+$0xAC00]  }
0x26f: {  	v15 =	vld [tilespmem:s18+$0xAC10]  }
0x270: {  	v16 =	vld [tilespmem:s18+$0xAC20]  }
0x271: {  	v17 =	vld [tilespmem:s18+$0xAC30]  }
0x272: {  	v18 =	vld [tilespmem:s18+$0xAC40]  }
0x273: {  	v19 =	vld [tilespmem:s18+$0xAC50]  }
0x274: {  	v20 =	vld [tilespmem:s18+$0xAC60]  }
0x275: {  	v21 =	vld [tilespmem:s18+$0xAC70]  }
0x276: {  	v22 =	vld [tilespmem:s18+$0xB000]  }
0x277: {  	v23 =	vld [tilespmem:s18+$0xB010]  }
0x278: {  	v24 =	vld [tilespmem:s18+$0xB020]  }
0x279: {  	v25 =	vld [tilespmem:s18+$0xB030]  }
0x27a: {  	v26 =	vld [tilespmem:s18+$0xB040]  }
0x27b: {  	v27 =	vld [tilespmem:s18+$0xB050]  }
0x27c: {  	v28 =	vld [tilespmem:s18+$0xB060]  }
0x27d: {  	v29 =	vld [tilespmem:s18+$0xB070]  }
0x27e: {  	v30 =	vld [tilespmem:s18+$0xB400]  }
0x27f: {  	v31 =	vld [tilespmem:s18+$0xB410]  }
0x280: {  	v32 =	vld [tilespmem:s18+$0xB420]  }
0x281: {  	v33 =	vld [tilespmem:s18+$0xB430]  }
0x282: {  	v34 =	vld [tilespmem:s18+$0xB440]  }
0x283: {  	v35 =	vld [tilespmem:s18+$0xB450]  }
0x284: {  	v36 =	vld [tilespmem:s18+$0xB460]  }
0x285: {  	v37 =	vld [tilespmem:s18+$0xB470]  }
0x286: {  	v38 =	vld [tilespmem:s18+$0xB800]  }
0x287: {  	v39 =	vld [tilespmem:s18+$0xB810]  }
0x288: {  	v40 =	vld [tilespmem:s18+$0xB820]  }
0x289: {  	v41 =	vld [tilespmem:s18+$0xB830]  }
0x28a: {  	v42 =	vld [tilespmem:s18+$0xB840]  }
0x28b: {  	v43 =	vld [tilespmem:s18+$0xB850]  }
0x28c: {  	v44 =	vld [tilespmem:s18+$0xB860]  }
0x28d: {  	v45 =	vld [tilespmem:s18+$0xB870]  }
0x28e: {  	v46 =	vld [tilespmem:s18+$0xBC00]  }
0x28f: {  	v47 =	vld [tilespmem:s18+$0xBC10]  }
0x290: {  	v48 =	vld [tilespmem:s18+$0xBC20]  }
0x291: {  	v49 =	vld [tilespmem:s18+$0xBC30]  }
0x292: {  	v5 =	vld [tilespmem:s18+$0xBC40]  }
0x293: {  	v4 =	vld [tilespmem:s18+$0xBC50]  }
0x294: {  	v3 =	vld [tilespmem:s18+$0xBC60]  }
0x295: {  	[tilespmem:s18+$0x7800] =	vst.add.f32.msk $0xffff, v6  }
0x296: {  	[tilespmem:s18+$0x7810] =	vst.add.f32.msk $0xffff, v7  }
0x297: {  	[tilespmem:s18+$0x7820] =	vst.add.f32.msk $0xffff, v8  }
0x298: {  	[tilespmem:s18+$0x7830] =	vst.add.f32.msk $0xffff, v9  }
0x299: {  	[tilespmem:s18+$0x7840] =	vst.add.f32.msk $0xffff, v10  }
0x29a: {  	[tilespmem:s18+$0x7850] =	vst.add.f32.msk $0xffff, v11  }
0x29b: {  	[tilespmem:s18+$0x7860] =	vst.add.f32.msk $0xffff, v12  }
0x29c: {  	[tilespmem:s18+$0x7870] =	vst.add.f32.msk $0xffff, v13  }
0x29d: {  	[tilespmem:s18+$0x7C00] =	vst.add.f32.msk $0xffff, v14  }
0x29e: {  	[tilespmem:s18+$0x7C10] =	vst.add.f32.msk $0xffff, v15  }
0x29f: {  	[tilespmem:s18+$0x7C20] =	vst.add.f32.msk $0xffff, v16  }
0x2a0: {  	[tilespmem:s18+$0x7C30] =	vst.add.f32.msk $0xffff, v17  }
0x2a1: {  	[tilespmem:s18+$0x7C40] =	vst.add.f32.msk $0xffff, v18  }
0x2a2: {  	[tilespmem:s18+$0x7C50] =	vst.add.f32.msk $0xffff, v19  }
0x2a3: {  	[tilespmem:s18+$0x7C60] =	vst.add.f32.msk $0xffff, v20  }
0x2a4: {  	[tilespmem:s18+$0x7C70] =	vst.add.f32.msk $0xffff, v21  }
0x2a5: {  	[tilespmem:s18+$0x8000] =	vst.add.f32.msk $0xffff, v22  }
0x2a6: {  	[tilespmem:s18+$0x8010] =	vst.add.f32.msk $0xffff, v23  }
0x2a7: {  	[tilespmem:s18+$0x8020] =	vst.add.f32.msk $0xffff, v24  }
0x2a8: {  	[tilespmem:s18+$0x8030] =	vst.add.f32.msk $0xffff, v25  }
0x2a9: {  	[tilespmem:s18+$0x8040] =	vst.add.f32.msk $0xffff, v26  }
0x2aa: {  	[tilespmem:s18+$0x8050] =	vst.add.f32.msk $0xffff, v27  }
0x2ab: {  	[tilespmem:s18+$0x8060] =	vst.add.f32.msk $0xffff, v28  }
0x2ac: {  	[tilespmem:s18+$0x8070] =	vst.add.f32.msk $0xffff, v29  }
0x2ad: {  	[tilespmem:s18+$0x8400] =	vst.add.f32.msk $0xffff, v30  }
0x2ae: {  	[tilespmem:s18+$0x8410] =	vst.add.f32.msk $0xffff, v31  }
0x2af: {  	[tilespmem:s18+$0x8420] =	vst.add.f32.msk $0xffff, v32  }
0x2b0: {  	[tilespmem:s18+$0x8430] =	vst.add.f32.msk $0xffff, v33  }
0x2b1: {  	[tilespmem:s18+$0x8440] =	vst.add.f32.msk $0xffff, v34  }
0x2b2: {  	[tilespmem:s18+$0x8450] =	vst.add.f32.msk $0xffff, v35  }
0x2b3: {  	[tilespmem:s18+$0x8460] =	vst.add.f32.msk $0xffff, v36  }
0x2b4: {  	[tilespmem:s18+$0x8470] =	vst.add.f32.msk $0xffff, v37  }
0x2b5: {  	[tilespmem:s18+$0x8800] =	vst.add.f32.msk $0xffff, v38  }
0x2b6: {  	[tilespmem:s18+$0x8810] =	vst.add.f32.msk $0xffff, v39  }
0x2b7: {  	[tilespmem:s18+$0x8820] =	vst.add.f32.msk $0xffff, v40  }
0x2b8: {  	[tilespmem:s18+$0x8830] =	vst.add.f32.msk $0xffff, v41  }
0x2b9: {  	[tilespmem:s18+$0x8840] =	vst.add.f32.msk $0xffff, v42  }
0x2ba: {  	[tilespmem:s18+$0x8850] =	vst.add.f32.msk $0xffff, v43  }
0x2bb: {  	[tilespmem:s18+$0x8860] =	vst.add.f32.msk $0xffff, v44  }
.Ltmp2:
0x2bc: {  	[tilespmem:s18+$0x8870] =	vst.add.f32.msk $0xffff, v45;
	(pc) =	sbr.rel @p0 .LBB2_7-.Ltmp2, $4  }
0x2bd: {  	[tilespmem:s18+$0x8C00] =	vst.add.f32.msk $0xffff, v46  }
0x2be: {  	[tilespmem:s18+$0x8C10] =	vst.add.f32.msk $0xffff, v47  }
0x2bf: {  	[tilespmem:s18+$0x8C20] =	vst.add.f32.msk $0xffff, v48  }
0x2c0: {  	s24 =	sshrl.u32 s23, $0x3;
	s23 =	sadd.s32 $0x1, s23;
	[tilespmem:s18+$0x8C30] =	vst.add.f32.msk $0xffff, v49  }
0x2c1: {  	s3 =	smul.u32 $0x1800, s24;
	[tilespmem:s18+$0x8C40] =	vst.add.f32.msk $0xffff, v5;
	s17 =	sadd.s32 $0x80, s17  }
0x2c2: {  	[tilespmem:s18+$0x8C50] =	vst.add.f32.msk $0xffff, v4;
	s17 =	sand.u32 $0x380, s17  }
0x2c3: {  	[tilespmem:s18+$0x8C60] =	vst.add.f32.msk $0xffff, v3;
	s17 =	sor.u32 s17, s3  }
0x2c4: {  	v3 =	vld [tilespmem:s17+$0xBC70]  }
0x2c5: {  	v4 =	vld [tilespmem:s17+$0xA800]  }
0x2c6: {  	v5 =	vld [tilespmem:s17+$0xA810]  }
0x2c7: {  	v6 =	vld [tilespmem:s17+$0xA820]  }
0x2c8: {  	v7 =	vld [tilespmem:s17+$0xA830]  }
0x2c9: {  	v8 =	vld [tilespmem:s17+$0xA850]  }
0x2ca: {  	v9 =	vld [tilespmem:s17+$0xA860]  }
0x2cb: {  	v10 =	vld [tilespmem:s17+$0xA870]  }
0x2cc: {  	v11 =	vld [tilespmem:s17+$0xAC00]  }
0x2cd: {  	v12 =	vld [tilespmem:s17+$0xAC10]  }
0x2ce: {  	v13 =	vld [tilespmem:s17+$0xAC20]  }
0x2cf: {  	v14 =	vld [tilespmem:s17+$0xAC30]  }
0x2d0: {  	v15 =	vld [tilespmem:s17+$0xAC40]  }
0x2d1: {  	v16 =	vld [tilespmem:s17+$0xAC50]  }
0x2d2: {  	v17 =	vld [tilespmem:s17+$0xAC60]  }
0x2d3: {  	v18 =	vld [tilespmem:s17+$0xAC70]  }
0x2d4: {  	v19 =	vld [tilespmem:s17+$0xB000]  }
0x2d5: {  	v20 =	vld [tilespmem:s17+$0xB010]  }
0x2d6: {  	v21 =	vld [tilespmem:s17+$0xB020]  }
0x2d7: {  	v22 =	vld [tilespmem:s17+$0xB030]  }
0x2d8: {  	v23 =	vld [tilespmem:s17+$0xB040]  }
0x2d9: {  	v24 =	vld [tilespmem:s17+$0xB050]  }
0x2da: {  	v25 =	vld [tilespmem:s17+$0xB060]  }
0x2db: {  	v26 =	vld [tilespmem:s17+$0xB070]  }
0x2dc: {  	v27 =	vld [tilespmem:s17+$0xB400]  }
0x2dd: {  	v28 =	vld [tilespmem:s17+$0xB410]  }
0x2de: {  	v29 =	vld [tilespmem:s17+$0xB420]  }
0x2df: {  	v30 =	vld [tilespmem:s17+$0xB430]  }
0x2e0: {  	v31 =	vld [tilespmem:s17+$0xB440]  }
0x2e1: {  	v32 =	vld [tilespmem:s17+$0xB450]  }
0x2e2: {  	v33 =	vld [tilespmem:s17+$0xB460]  }
0x2e3: {  	v34 =	vld [tilespmem:s17+$0xB470]  }
0x2e4: {  	v35 =	vld [tilespmem:s17+$0xB800]  }
0x2e5: {  	v36 =	vld [tilespmem:s17+$0xB810]  }
0x2e6: {  	v37 =	vld [tilespmem:s17+$0xB820]  }
0x2e7: {  	v38 =	vld [tilespmem:s17+$0xB830]  }
0x2e8: {  	v39 =	vld [tilespmem:s17+$0xB840]  }
0x2e9: {  	v40 =	vld [tilespmem:s17+$0xB850]  }
0x2ea: {  	v41 =	vld [tilespmem:s17+$0xB860]  }
0x2eb: {  	v42 =	vld [tilespmem:s17+$0xB870]  }
0x2ec: {  	v43 =	vld [tilespmem:s17+$0xBC00]  }
0x2ed: {  	v44 =	vld [tilespmem:s17+$0xBC10]  }
0x2ee: {  	v45 =	vld [tilespmem:s17+$0xBC20]  }
0x2ef: {  	v46 =	vld [tilespmem:s17+$0xBC30]  }
0x2f0: {  	v47 =	vld [tilespmem:s17+$0xBC40]  }
0x2f1: {  	v48 =	vld [tilespmem:s17+$0xBC50]  }
0x2f2: {  	v49 =	vld [tilespmem:s17+$0xBC60]  }
0x2f3: {  	[tilespmem:s17+$0x8C70] =	vst.add.f32.msk $0xffff, v3  }
0x2f4: {  	v3 =	vld [tilespmem:s17+$0xA840]  }
0x2f5: {  	[tilespmem:s17+$0x7800] =	vst.add.f32.msk $0xffff, v4  }
0x2f6: {  	[tilespmem:s17+$0x7810] =	vst.add.f32.msk $0xffff, v5  }
0x2f7: {  	[tilespmem:s17+$0x7820] =	vst.add.f32.msk $0xffff, v6  }
0x2f8: {  	[tilespmem:s17+$0x7830] =	vst.add.f32.msk $0xffff, v7  }
0x2f9: {  	[tilespmem:s17+$0x7850] =	vst.add.f32.msk $0xffff, v8  }
0x2fa: {  	[tilespmem:s17+$0x7860] =	vst.add.f32.msk $0xffff, v9  }
0x2fb: {  	[tilespmem:s17+$0x7870] =	vst.add.f32.msk $0xffff, v10  }
0x2fc: {  	[tilespmem:s17+$0x7C00] =	vst.add.f32.msk $0xffff, v11  }
0x2fd: {  	[tilespmem:s17+$0x7C10] =	vst.add.f32.msk $0xffff, v12  }
0x2fe: {  	[tilespmem:s17+$0x7C20] =	vst.add.f32.msk $0xffff, v13  }
0x2ff: {  	[tilespmem:s17+$0x7C30] =	vst.add.f32.msk $0xffff, v14  }
0x300: {  	[tilespmem:s17+$0x7C40] =	vst.add.f32.msk $0xffff, v15  }
0x301: {  	[tilespmem:s17+$0x7C50] =	vst.add.f32.msk $0xffff, v16  }
0x302: {  	[tilespmem:s17+$0x7C60] =	vst.add.f32.msk $0xffff, v17  }
0x303: {  	[tilespmem:s17+$0x7C70] =	vst.add.f32.msk $0xffff, v18  }
0x304: {  	[tilespmem:s17+$0x8000] =	vst.add.f32.msk $0xffff, v19  }
0x305: {  	[tilespmem:s17+$0x8010] =	vst.add.f32.msk $0xffff, v20  }
0x306: {  	[tilespmem:s17+$0x8020] =	vst.add.f32.msk $0xffff, v21  }
0x307: {  	[tilespmem:s17+$0x8030] =	vst.add.f32.msk $0xffff, v22  }
0x308: {  	[tilespmem:s17+$0x8040] =	vst.add.f32.msk $0xffff, v23  }
0x309: {  	[tilespmem:s17+$0x8050] =	vst.add.f32.msk $0xffff, v24  }
0x30a: {  	[tilespmem:s17+$0x8060] =	vst.add.f32.msk $0xffff, v25  }
0x30b: {  	[tilespmem:s17+$0x8070] =	vst.add.f32.msk $0xffff, v26  }
0x30c: {  	[tilespmem:s17+$0x8400] =	vst.add.f32.msk $0xffff, v27  }
0x30d: {  	[tilespmem:s17+$0x8410] =	vst.add.f32.msk $0xffff, v28  }
0x30e: {  	[tilespmem:s17+$0x8420] =	vst.add.f32.msk $0xffff, v29  }
0x30f: {  	[tilespmem:s17+$0x8430] =	vst.add.f32.msk $0xffff, v30  }
0x310: {  	[tilespmem:s17+$0x8440] =	vst.add.f32.msk $0xffff, v31  }
0x311: {  	[tilespmem:s17+$0x8450] =	vst.add.f32.msk $0xffff, v32  }
0x312: {  	[tilespmem:s17+$0x8460] =	vst.add.f32.msk $0xffff, v33  }
0x313: {  	[tilespmem:s17+$0x8470] =	vst.add.f32.msk $0xffff, v34  }
0x314: {  	[tilespmem:s17+$0x8800] =	vst.add.f32.msk $0xffff, v35  }
0x315: {  	[tilespmem:s17+$0x8810] =	vst.add.f32.msk $0xffff, v36  }
0x316: {  	[tilespmem:s17+$0x8820] =	vst.add.f32.msk $0xffff, v37  }
0x317: {  	[tilespmem:s17+$0x8830] =	vst.add.f32.msk $0xffff, v38  }
0x318: {  	[tilespmem:s17+$0x8840] =	vst.add.f32.msk $0xffff, v39  }
0x319: {  	[tilespmem:s17+$0x8850] =	vst.add.f32.msk $0xffff, v40  }
0x31a: {  	[tilespmem:s17+$0x8860] =	vst.add.f32.msk $0xffff, v41  }
0x31b: {  	[tilespmem:s17+$0x8870] =	vst.add.f32.msk $0xffff, v42  }
0x31c: {  	[tilespmem:s17+$0x8C00] =	vst.add.f32.msk $0xffff, v43  }
0x31d: {  	[tilespmem:s17+$0x8C10] =	vst.add.f32.msk $0xffff, v44  }
0x31e: {  	[tilespmem:s17+$0x8C20] =	vst.add.f32.msk $0xffff, v45  }
0x31f: {  	[tilespmem:s17+$0x8C30] =	vst.add.f32.msk $0xffff, v46  }
0x320: {  	[tilespmem:s17+$0x8C40] =	vst.add.f32.msk $0xffff, v47  }
0x321: {  	[tilespmem:s17+$0x8C50] =	vst.add.f32.msk $0xffff, v48  }
0x322: {  	s18 =	sadd.s32 s16, s2;
	[tilespmem:s17+$0x8C60] =	vst.add.f32.msk $0xffff, v49  }
0x323: {  	s16 =	simm.s32 $0x0;
	s3 =	sadd.s32 $0x600, s18;
	[tilespmem:s17+$0x7840] =	vst.add.f32.msk $0xffff, v3  }
0x324: {  	[hbm4b:s3+s16] =	stream.linear.scatter [tilespmem:s20], [sflag:$0x6], $0x3000, $0x38;
	[tilespmem:$0x19800] =	vst v63  }
0x325: {  	_ =	swait.ge [sflag:s1], $0x3000  }
0x326: {  	[sflag:s1] =	ssyncset.done $0x0  }
0x327: {  	[sflag:s1] =	ssyncadd.s32 $0xFFFFD000  }
0x328: {  	_ =	swait.ge [sflag:s1], $0x3000  }
0x329: {  	[sflag:s1] =	ssyncset.done $0x0  }
0x32a: {  	[sflag:s1] =	ssyncadd.s32 $0xFFFFD000  }
0x32b: {  	_ =	swait.ge [sflag:s0], $0x3000  }
0x32c: {  	p0 =	seq.s32 s8, $0xF;
	s3 =	sadd.s32 $0x40, s9;
	[sflag:s0] =	ssyncset.done $0x0  }
0x32d: {  	s3 =	simm.s32 @p0 $0x0;
	[sflag:s0] =	ssyncadd.s32 $0xFFFFD000  }
0x32e: {  	v3 =	vld [tilespmem:s3+$0x1000];
	_ =	sdelay $0x4  }
0x32f: {  	v4 =	vshrl.u32 v3, $0x3  }
0x330: {  	v4 =	vmul.u32 $0x30, v4  }
0x331: {  	v3 =	vand.u32 $0x7, v3  }
0x332: {  	v3 =	vor.u32 v3, v4  }
0x333: {  	v4 =	vperm.xlane v3, v0;
	_ =	sdelay $0x1  }
0x334: {  	v4 =	vadd.s32 v1, v4;
	_ =	sdelay $0x3  }
0x335: {  	v3 =	vperm.xlane v3, v2  }
0x336: {  	[tilespmem:s22], [sflag:$0x1] =	stream.indirect_vreg.gather [hbm4b:s5+s16], $0x80, v4, vm0, $0xb8;
	[tilespmem:$0x19800] =	vst v63  }
0x337: {  	s23 =	simm.s32 $0x2000;
	v3 =	vadd.s32 v1, v3  }
0x338: {  	[tilespmem:s23], [sflag:$0x1] =	stream.indirect_vreg.gather [hbm4b:s11+s16], $0x80, v4, vm0, $0xb8;
	[tilespmem:$0x19800] =	vst v63  }
0x339: {  	s24 =	simm.s32 $0x2800  }
0x33a: {  	[tilespmem:s24], [sflag:$0x1] =	stream.indirect_vreg.gather [hbm4b:s12+s16], $0x80, v4, vm0, $0xb8;
	[tilespmem:$0x19800] =	vst v63  }
0x33b: {  	s18 =	simm.s32 $0x3000  }
0x33c: {  	[tilespmem:s18], [sflag:$0x1] =	stream.indirect_vreg.gather [hbm4b:s5+s16], $0x80, v3, vm0, $0xb8;
	[tilespmem:$0x19800] =	vst v63  }
0x33d: {  	s23 =	simm.s32 $0x3800  }
0x33e: {  	[tilespmem:s23], [sflag:$0x1] =	stream.indirect_vreg.gather [hbm4b:s11+s16], $0x80, v3, vm0, $0xb8;
	[tilespmem:$0x19800] =	vst v63  }
0x33f: {  	s24 =	simm.s32 $0x4000  }
0x340: {  	[tilespmem:s24], [sflag:$0x1] =	stream.indirect_vreg.gather [hbm4b:s12+s16], $0x80, v3, vm0, $0xb8;
	[tilespmem:$0x19800] =	vst v63  }
0x341: {  	v3 =	vld [tilespmem:s3+$0x1400];
	_ =	sdelay $0x4  }
0x342: {  	v4 =	vshrl.u32 v3, $0x3  }
0x343: {  	v4 =	vmul.u32 $0x30, v4  }
0x344: {  	v3 =	vand.u32 $0x7, v3  }
0x345: {  	v3 =	vor.u32 v3, v4  }
0x346: {  	v4 =	vperm.xlane v3, v0;
	_ =	sdelay $0x1  }
0x347: {  	v4 =	vadd.s32 v1, v4;
	_ =	sdelay $0x3  }
0x348: {  	s17 =	simm.s32 $0x4800;
	v3 =	vperm.xlane v3, v2  }
0x349: {  	[tilespmem:s17], [sflag:$0x1] =	stream.indirect_vreg.gather [hbm4b:s6+s16], $0x80, v4, vm0, $0xb8;
	[tilespmem:$0x19800] =	vst v63  }
0x34a: {  	s18 =	simm.s32 $0x5000;
	v3 =	vadd.s32 v1, v3  }
0x34b: {  	[tilespmem:s18], [sflag:$0x1] =	stream.indirect_vreg.gather [hbm4b:s13+s16], $0x80, v4, vm0, $0xb8;
	[tilespmem:$0x19800] =	vst v63  }
0x34c: {  	s23 =	simm.s32 $0x5800  }
0x34d: {  	[tilespmem:s23], [sflag:$0x1] =	stream.indirect_vreg.gather [hbm4b:s14+s16], $0x80, v4, vm0, $0xb8;
	[tilespmem:$0x19800] =	vst v63  }
0x34e: {  	s24 =	simm.s32 $0x6000;
	s23 =	simm.s32 $0x0  }
0x34f: {  	[tilespmem:s24], [sflag:$0x1] =	stream.indirect_vreg.gather [hbm4b:s6+s16], $0x80, v3, vm0, $0xb8;
	[tilespmem:$0x19800] =	vst v63  }
0x350: {  	s17 =	simm.s32 $0x6800;
	s3 =	smul.u32 $0x1800, s23;
	s24 =	sand.u32 $0x380, s16  }
0x351: {  	[tilespmem:s17], [sflag:$0x1] =	stream.indirect_vreg.gather [hbm4b:s13+s16], $0x80, v3, vm0, $0xb8;
	[tilespmem:$0x19800] =	vst v63  }
0x352: {  	s18 =	simm.s32 $0x7000;
	s17 =	sor.u32 s24, s3  }
0x353: {  	[tilespmem:s18], [sflag:$0x1] =	stream.indirect_vreg.gather [hbm4b:s14+s16], $0x80, v3, vm0, $0xb8;
	[tilespmem:$0x19800] =	vst v63  }
0x354: {  	v3 =	vld [tilespmem:s17+$0x11C70]  }
0x355: {  	v6 =	vld [tilespmem:s17+$0x10800]  }
0x356: {  	v7 =	vld [tilespmem:s17+$0x10810]  }
0x357: {  	v8 =	vld [tilespmem:s17+$0x10820]  }
0x358: {  	v9 =	vld [tilespmem:s17+$0x10830]  }
0x359: {  	v10 =	vld [tilespmem:s17+$0x10840]  }
0x35a: {  	v11 =	vld [tilespmem:s17+$0x10850]  }
0x35b: {  	v12 =	vld [tilespmem:s17+$0x10860]  }
0x35c: {  	v13 =	vld [tilespmem:s17+$0x10870]  }
0x35d: {  	v14 =	vld [tilespmem:s17+$0x10C00]  }
0x35e: {  	v15 =	vld [tilespmem:s17+$0x10C10]  }
0x35f: {  	v16 =	vld [tilespmem:s17+$0x10C20]  }
0x360: {  	v17 =	vld [tilespmem:s17+$0x10C30]  }
0x361: {  	v18 =	vld [tilespmem:s17+$0x10C40]  }
0x362: {  	v19 =	vld [tilespmem:s17+$0x10C50]  }
0x363: {  	v20 =	vld [tilespmem:s17+$0x10C60]  }
0x364: {  	v21 =	vld [tilespmem:s17+$0x10C70]  }
0x365: {  	v22 =	vld [tilespmem:s17+$0x11000]  }
0x366: {  	v23 =	vld [tilespmem:s17+$0x11010]  }
0x367: {  	v24 =	vld [tilespmem:s17+$0x11020]  }
0x368: {  	v25 =	vld [tilespmem:s17+$0x11030]  }
0x369: {  	v26 =	vld [tilespmem:s17+$0x11040]  }
0x36a: {  	v27 =	vld [tilespmem:s17+$0x11050]  }
0x36b: {  	v28 =	vld [tilespmem:s17+$0x11060]  }
0x36c: {  	v29 =	vld [tilespmem:s17+$0x11070]  }
0x36d: {  	v30 =	vld [tilespmem:s17+$0x11400]  }
0x36e: {  	v31 =	vld [tilespmem:s17+$0x11410]  }
0x36f: {  	v32 =	vld [tilespmem:s17+$0x11420]  }
0x370: {  	v33 =	vld [tilespmem:s17+$0x11430]  }
0x371: {  	v34 =	vld [tilespmem:s17+$0x11440]  }
0x372: {  	v35 =	vld [tilespmem:s17+$0x11450]  }
0x373: {  	v36 =	vld [tilespmem:s17+$0x11460]  }
0x374: {  	v37 =	vld [tilespmem:s17+$0x11470]  }
0x375: {  	v52 =	vld [tilespmem:s17+$0x11800]  }
0x376: {  	v53 =	vld [tilespmem:s17+$0x11810]  }
0x377: {  	v54 =	vld [tilespmem:s17+$0x11820]  }
0x378: {  	v55 =	vld [tilespmem:s17+$0x11830]  }
0x379: {  	v56 =	vld [tilespmem:s17+$0x11840]  }
0x37a: {  	v57 =	vld [tilespmem:s17+$0x11850]  }
0x37b: {  	v58 =	vld [tilespmem:s17+$0x11860]  }
0x37c: {  	v59 =	vld [tilespmem:s17+$0x11870]  }
0x37d: {  	v60 =	vld [tilespmem:s17+$0x11C00]  }
0x37e: {  	v61 =	vld [tilespmem:s17+$0x11C10]  }
0x37f: {  	v62 =	vld [tilespmem:s17+$0x11C20]  }
0x380: {  	v63 =	vld [tilespmem:s17+$0x11C30]  }
0x381: {  	v5 =	vld [tilespmem:s17+$0x11C40]  }
0x382: {  	v4 =	vld [tilespmem:s17+$0x11C50]  }
0x383: {  	[tilespmem:s17+$0xEC70] =	vst.add.f32.msk $0xffff, v3  }
0x384: {  	v3 =	vld [tilespmem:s17+$0x11C60]  }
0x385: {  	[tilespmem:s17+$0xD800] =	vst.add.f32.msk $0xffff, v6  }
0x386: {  	[tilespmem:s17+$0xD810] =	vst.add.f32.msk $0xffff, v7  }
0x387: {  	[tilespmem:s17+$0xD820] =	vst.add.f32.msk $0xffff, v8  }
0x388: {  	[tilespmem:s17+$0xD830] =	vst.add.f32.msk $0xffff, v9  }
0x389: {  	[tilespmem:s17+$0xD840] =	vst.add.f32.msk $0xffff, v10  }
0x38a: {  	[tilespmem:s17+$0xD850] =	vst.add.f32.msk $0xffff, v11  }
0x38b: {  	[tilespmem:s17+$0xD860] =	vst.add.f32.msk $0xffff, v12  }
0x38c: {  	[tilespmem:s17+$0xD870] =	vst.add.f32.msk $0xffff, v13  }
0x38d: {  	[tilespmem:s17+$0xDC00] =	vst.add.f32.msk $0xffff, v14  }
0x38e: {  	[tilespmem:s17+$0xDC10] =	vst.add.f32.msk $0xffff, v15  }
0x38f: {  	[tilespmem:s17+$0xDC20] =	vst.add.f32.msk $0xffff, v16  }
0x390: {  	[tilespmem:s17+$0xDC30] =	vst.add.f32.msk $0xffff, v17  }
0x391: {  	[tilespmem:s17+$0xDC40] =	vst.add.f32.msk $0xffff, v18  }
0x392: {  	[tilespmem:s17+$0xDC50] =	vst.add.f32.msk $0xffff, v19  }
0x393: {  	[tilespmem:s17+$0xDC60] =	vst.add.f32.msk $0xffff, v20  }
0x394: {  	[tilespmem:s17+$0xDC70] =	vst.add.f32.msk $0xffff, v21  }
0x395: {  	[tilespmem:s17+$0xE000] =	vst.add.f32.msk $0xffff, v22  }
0x396: {  	[tilespmem:s17+$0xE010] =	vst.add.f32.msk $0xffff, v23  }
0x397: {  	[tilespmem:s17+$0xE020] =	vst.add.f32.msk $0xffff, v24  }
0x398: {  	[tilespmem:s17+$0xE030] =	vst.add.f32.msk $0xffff, v25  }
0x399: {  	[tilespmem:s17+$0xE040] =	vst.add.f32.msk $0xffff, v26  }
0x39a: {  	[tilespmem:s17+$0xE050] =	vst.add.f32.msk $0xffff, v27  }
0x39b: {  	[tilespmem:s17+$0xE060] =	vst.add.f32.msk $0xffff, v28  }
0x39c: {  	[tilespmem:s17+$0xE070] =	vst.add.f32.msk $0xffff, v29  }
0x39d: {  	[tilespmem:s17+$0xE400] =	vst.add.f32.msk $0xffff, v30  }
0x39e: {  	[tilespmem:s17+$0xE410] =	vst.add.f32.msk $0xffff, v31  }
0x39f: {  	[tilespmem:s17+$0xE420] =	vst.add.f32.msk $0xffff, v32  }
0x3a0: {  	[tilespmem:s17+$0xE430] =	vst.add.f32.msk $0xffff, v33  }
0x3a1: {  	[tilespmem:s17+$0xE440] =	vst.add.f32.msk $0xffff, v34  }
0x3a2: {  	[tilespmem:s17+$0xE450] =	vst.add.f32.msk $0xffff, v35  }
0x3a3: {  	[tilespmem:s17+$0xE460] =	vst.add.f32.msk $0xffff, v36  }
0x3a4: {  	[tilespmem:s17+$0xE470] =	vst.add.f32.msk $0xffff, v37  }
0x3a5: {  	[tilespmem:s17+$0xE800] =	vst.add.f32.msk $0xffff, v52  }
0x3a6: {  	[tilespmem:s17+$0xE810] =	vst.add.f32.msk $0xffff, v53  }
0x3a7: {  	[tilespmem:s17+$0xE820] =	vst.add.f32.msk $0xffff, v54  }
0x3a8: {  	[tilespmem:s17+$0xE830] =	vst.add.f32.msk $0xffff, v55  }
0x3a9: {  	[tilespmem:s17+$0xE840] =	vst.add.f32.msk $0xffff, v56  }
0x3aa: {  	[tilespmem:s17+$0xE850] =	vst.add.f32.msk $0xffff, v57  }
0x3ab: {  	[tilespmem:s17+$0xE860] =	vst.add.f32.msk $0xffff, v58  }
0x3ac: {  	[tilespmem:s17+$0xE870] =	vst.add.f32.msk $0xffff, v59  }
0x3ad: {  	[tilespmem:s17+$0xEC00] =	vst.add.f32.msk $0xffff, v60  }
0x3ae: {  	[tilespmem:s17+$0xEC10] =	vst.add.f32.msk $0xffff, v61  }
0x3af: {  	[tilespmem:s17+$0xEC20] =	vst.add.f32.msk $0xffff, v62  }
0x3b0: {  	s23 =	simm.s32 $0x0;
	s18 =	simm.s32 $0x2;
	[tilespmem:s17+$0xEC30] =	vst.add.f32.msk $0xffff, v63  }
.LBB2_9:
0x3b1: {  	p1 =	sne.s32 s18, $0xF;
	s3 =	smul.u32 $0x1800, s23;
	[tilespmem:s17+$0xEC40] =	vst.add.f32.msk $0xffff, v5;
	s16 =	sadd.s32 $0x80, s16  }
0x3b2: {  	s23 =	sand.u32 $0x380, s16;
	[tilespmem:s17+$0xEC50] =	vst.add.f32.msk $0xffff, v4  }
0x3b3: {  	[tilespmem:s17+$0xEC60] =	vst.add.f32.msk $0xffff, v3;
	s17 =	sor.u32 s23, s3  }
0x3b4: {  	v3 =	vld [tilespmem:s17+$0x11C70]  }
0x3b5: {  	v6 =	vld [tilespmem:s17+$0x10800]  }
0x3b6: {  	v7 =	vld [tilespmem:s17+$0x10810]  }
0x3b7: {  	v8 =	vld [tilespmem:s17+$0x10820]  }
0x3b8: {  	v9 =	vld [tilespmem:s17+$0x10830]  }
0x3b9: {  	[tilespmem:s17+$0xEC70] =	vst.add.f32.msk $0xffff, v3  }
0x3ba: {  	v10 =	vld [tilespmem:s17+$0x10840]  }
0x3bb: {  	v11 =	vld [tilespmem:s17+$0x10850]  }
0x3bc: {  	v12 =	vld [tilespmem:s17+$0x10860]  }
0x3bd: {  	v13 =	vld [tilespmem:s17+$0x10870]  }
0x3be: {  	v14 =	vld [tilespmem:s17+$0x10C00]  }
0x3bf: {  	v15 =	vld [tilespmem:s17+$0x10C10]  }
0x3c0: {  	v16 =	vld [tilespmem:s17+$0x10C20]  }
0x3c1: {  	v17 =	vld [tilespmem:s17+$0x10C30]  }
0x3c2: {  	v18 =	vld [tilespmem:s17+$0x10C40]  }
0x3c3: {  	v19 =	vld [tilespmem:s17+$0x10C50]  }
0x3c4: {  	v20 =	vld [tilespmem:s17+$0x10C60]  }
0x3c5: {  	v21 =	vld [tilespmem:s17+$0x10C70]  }
0x3c6: {  	v22 =	vld [tilespmem:s17+$0x11000]  }
0x3c7: {  	v23 =	vld [tilespmem:s17+$0x11010]  }
0x3c8: {  	v24 =	vld [tilespmem:s17+$0x11020]  }
0x3c9: {  	v25 =	vld [tilespmem:s17+$0x11030]  }
0x3ca: {  	v26 =	vld [tilespmem:s17+$0x11040]  }
0x3cb: {  	v27 =	vld [tilespmem:s17+$0x11050]  }
0x3cc: {  	v28 =	vld [tilespmem:s17+$0x11060]  }
0x3cd: {  	v29 =	vld [tilespmem:s17+$0x11070]  }
0x3ce: {  	v30 =	vld [tilespmem:s17+$0x11400]  }
0x3cf: {  	v31 =	vld [tilespmem:s17+$0x11410]  }
0x3d0: {  	v32 =	vld [tilespmem:s17+$0x11420]  }
0x3d1: {  	v33 =	vld [tilespmem:s17+$0x11430]  }
0x3d2: {  	v34 =	vld [tilespmem:s17+$0x11440]  }
0x3d3: {  	v35 =	vld [tilespmem:s17+$0x11450]  }
0x3d4: {  	v36 =	vld [tilespmem:s17+$0x11460]  }
0x3d5: {  	v37 =	vld [tilespmem:s17+$0x11470]  }
0x3d6: {  	v38 =	vld [tilespmem:s17+$0x11800]  }
0x3d7: {  	v39 =	vld [tilespmem:s17+$0x11810]  }
0x3d8: {  	v40 =	vld [tilespmem:s17+$0x11820]  }
0x3d9: {  	v41 =	vld [tilespmem:s17+$0x11830]  }
0x3da: {  	v42 =	vld [tilespmem:s17+$0x11840]  }
0x3db: {  	v43 =	vld [tilespmem:s17+$0x11850]  }
0x3dc: {  	v44 =	vld [tilespmem:s17+$0x11860]  }
0x3dd: {  	v45 =	vld [tilespmem:s17+$0x11870]  }
0x3de: {  	v46 =	vld [tilespmem:s17+$0x11C00]  }
0x3df: {  	v47 =	vld [tilespmem:s17+$0x11C10]  }
0x3e0: {  	v48 =	vld [tilespmem:s17+$0x11C20]  }
0x3e1: {  	v49 =	vld [tilespmem:s17+$0x11C30]  }
0x3e2: {  	v5 =	vld [tilespmem:s17+$0x11C40]  }
0x3e3: {  	v4 =	vld [tilespmem:s17+$0x11C50]  }
0x3e4: {  	v3 =	vld [tilespmem:s17+$0x11C60]  }
0x3e5: {  	[tilespmem:s17+$0xD800] =	vst.add.f32.msk $0xffff, v6  }
0x3e6: {  	[tilespmem:s17+$0xD810] =	vst.add.f32.msk $0xffff, v7  }
0x3e7: {  	[tilespmem:s17+$0xD820] =	vst.add.f32.msk $0xffff, v8  }
0x3e8: {  	[tilespmem:s17+$0xD830] =	vst.add.f32.msk $0xffff, v9  }
0x3e9: {  	[tilespmem:s17+$0xD840] =	vst.add.f32.msk $0xffff, v10  }
0x3ea: {  	[tilespmem:s17+$0xD850] =	vst.add.f32.msk $0xffff, v11  }
0x3eb: {  	[tilespmem:s17+$0xD860] =	vst.add.f32.msk $0xffff, v12  }
0x3ec: {  	[tilespmem:s17+$0xD870] =	vst.add.f32.msk $0xffff, v13  }
0x3ed: {  	[tilespmem:s17+$0xDC00] =	vst.add.f32.msk $0xffff, v14  }
0x3ee: {  	[tilespmem:s17+$0xDC10] =	vst.add.f32.msk $0xffff, v15  }
0x3ef: {  	[tilespmem:s17+$0xDC20] =	vst.add.f32.msk $0xffff, v16  }
0x3f0: {  	[tilespmem:s17+$0xDC30] =	vst.add.f32.msk $0xffff, v17  }
0x3f1: {  	[tilespmem:s17+$0xDC40] =	vst.add.f32.msk $0xffff, v18  }
0x3f2: {  	[tilespmem:s17+$0xDC50] =	vst.add.f32.msk $0xffff, v19  }
0x3f3: {  	[tilespmem:s17+$0xDC60] =	vst.add.f32.msk $0xffff, v20  }
0x3f4: {  	[tilespmem:s17+$0xDC70] =	vst.add.f32.msk $0xffff, v21  }
0x3f5: {  	[tilespmem:s17+$0xE000] =	vst.add.f32.msk $0xffff, v22  }
0x3f6: {  	[tilespmem:s17+$0xE010] =	vst.add.f32.msk $0xffff, v23  }
0x3f7: {  	[tilespmem:s17+$0xE020] =	vst.add.f32.msk $0xffff, v24  }
0x3f8: {  	[tilespmem:s17+$0xE030] =	vst.add.f32.msk $0xffff, v25  }
0x3f9: {  	[tilespmem:s17+$0xE040] =	vst.add.f32.msk $0xffff, v26  }
0x3fa: {  	[tilespmem:s17+$0xE050] =	vst.add.f32.msk $0xffff, v27  }
0x3fb: {  	[tilespmem:s17+$0xE060] =	vst.add.f32.msk $0xffff, v28  }
0x3fc: {  	[tilespmem:s17+$0xE070] =	vst.add.f32.msk $0xffff, v29  }
0x3fd: {  	[tilespmem:s17+$0xE400] =	vst.add.f32.msk $0xffff, v30  }
0x3fe: {  	[tilespmem:s17+$0xE410] =	vst.add.f32.msk $0xffff, v31  }
0x3ff: {  	[tilespmem:s17+$0xE420] =	vst.add.f32.msk $0xffff, v32  }
0x400: {  	[tilespmem:s17+$0xE430] =	vst.add.f32.msk $0xffff, v33  }
0x401: {  	[tilespmem:s17+$0xE440] =	vst.add.f32.msk $0xffff, v34  }
0x402: {  	[tilespmem:s17+$0xE450] =	vst.add.f32.msk $0xffff, v35  }
0x403: {  	[tilespmem:s17+$0xE460] =	vst.add.f32.msk $0xffff, v36  }
0x404: {  	[tilespmem:s17+$0xE470] =	vst.add.f32.msk $0xffff, v37  }
0x405: {  	[tilespmem:s17+$0xE800] =	vst.add.f32.msk $0xffff, v38  }
0x406: {  	[tilespmem:s17+$0xE810] =	vst.add.f32.msk $0xffff, v39  }
0x407: {  	[tilespmem:s17+$0xE820] =	vst.add.f32.msk $0xffff, v40  }
0x408: {  	[tilespmem:s17+$0xE830] =	vst.add.f32.msk $0xffff, v41  }
0x409: {  	[tilespmem:s17+$0xE840] =	vst.add.f32.msk $0xffff, v42  }
0x40a: {  	[tilespmem:s17+$0xE850] =	vst.add.f32.msk $0xffff, v43  }
0x40b: {  	[tilespmem:s17+$0xE860] =	vst.add.f32.msk $0xffff, v44  }
.Ltmp3:
0x40c: {  	[tilespmem:s17+$0xE870] =	vst.add.f32.msk $0xffff, v45;
	(pc) =	sbr.rel @p1 .LBB2_9-.Ltmp3, $4  }
0x40d: {  	[tilespmem:s17+$0xEC00] =	vst.add.f32.msk $0xffff, v46  }
0x40e: {  	[tilespmem:s17+$0xEC10] =	vst.add.f32.msk $0xffff, v47  }
0x40f: {  	[tilespmem:s17+$0xEC20] =	vst.add.f32.msk $0xffff, v48  }
0x410: {  	s23 =	sshrl.u32 s18, $0x3;
	s18 =	sadd.s32 $0x1, s18;
	[tilespmem:s17+$0xEC30] =	vst.add.f32.msk $0xffff, v49  }
0x411: {  	s3 =	smul.u32 $0x1800, s23;
	[tilespmem:s17+$0xEC40] =	vst.add.f32.msk $0xffff, v5;
	s16 =	sadd.s32 $0x80, s16  }
0x412: {  	[tilespmem:s17+$0xEC50] =	vst.add.f32.msk $0xffff, v4;
	s16 =	sand.u32 $0x380, s16  }
0x413: {  	[tilespmem:s17+$0xEC60] =	vst.add.f32.msk $0xffff, v3;
	s16 =	sor.u32 s16, s3  }
0x414: {  	v3 =	vld [tilespmem:s16+$0x11C70]  }
0x415: {  	v4 =	vld [tilespmem:s16+$0x10800]  }
0x416: {  	v5 =	vld [tilespmem:s16+$0x10810]  }
0x417: {  	v6 =	vld [tilespmem:s16+$0x10820]  }
0x418: {  	v7 =	vld [tilespmem:s16+$0x10830]  }
0x419: {  	v8 =	vld [tilespmem:s16+$0x10850]  }
0x41a: {  	v9 =	vld [tilespmem:s16+$0x10860]  }
0x41b: {  	v10 =	vld [tilespmem:s16+$0x10870]  }
0x41c: {  	v11 =	vld [tilespmem:s16+$0x10C00]  }
0x41d: {  	v12 =	vld [tilespmem:s16+$0x10C10]  }
0x41e: {  	v13 =	vld [tilespmem:s16+$0x10C20]  }
0x41f: {  	v14 =	vld [tilespmem:s16+$0x10C30]  }
0x420: {  	v15 =	vld [tilespmem:s16+$0x10C40]  }
0x421: {  	v16 =	vld [tilespmem:s16+$0x10C50]  }
0x422: {  	v17 =	vld [tilespmem:s16+$0x10C60]  }
0x423: {  	v18 =	vld [tilespmem:s16+$0x10C70]  }
0x424: {  	v19 =	vld [tilespmem:s16+$0x11000]  }
0x425: {  	v20 =	vld [tilespmem:s16+$0x11010]  }
0x426: {  	v21 =	vld [tilespmem:s16+$0x11020]  }
0x427: {  	v22 =	vld [tilespmem:s16+$0x11030]  }
0x428: {  	v23 =	vld [tilespmem:s16+$0x11040]  }
0x429: {  	v24 =	vld [tilespmem:s16+$0x11050]  }
0x42a: {  	v25 =	vld [tilespmem:s16+$0x11060]  }
0x42b: {  	v26 =	vld [tilespmem:s16+$0x11070]  }
0x42c: {  	v27 =	vld [tilespmem:s16+$0x11400]  }
0x42d: {  	v28 =	vld [tilespmem:s16+$0x11410]  }
0x42e: {  	v29 =	vld [tilespmem:s16+$0x11420]  }
0x42f: {  	v30 =	vld [tilespmem:s16+$0x11430]  }
0x430: {  	v31 =	vld [tilespmem:s16+$0x11440]  }
0x431: {  	v32 =	vld [tilespmem:s16+$0x11450]  }
0x432: {  	v33 =	vld [tilespmem:s16+$0x11460]  }
0x433: {  	v34 =	vld [tilespmem:s16+$0x11470]  }
0x434: {  	v35 =	vld [tilespmem:s16+$0x11800]  }
0x435: {  	v36 =	vld [tilespmem:s16+$0x11810]  }
0x436: {  	v37 =	vld [tilespmem:s16+$0x11820]  }
0x437: {  	v38 =	vld [tilespmem:s16+$0x11830]  }
0x438: {  	v39 =	vld [tilespmem:s16+$0x11840]  }
0x439: {  	v40 =	vld [tilespmem:s16+$0x11850]  }
0x43a: {  	v41 =	vld [tilespmem:s16+$0x11860]  }
0x43b: {  	v42 =	vld [tilespmem:s16+$0x11870]  }
0x43c: {  	v43 =	vld [tilespmem:s16+$0x11C00]  }
0x43d: {  	v44 =	vld [tilespmem:s16+$0x11C10]  }
0x43e: {  	v45 =	vld [tilespmem:s16+$0x11C20]  }
0x43f: {  	v46 =	vld [tilespmem:s16+$0x11C30]  }
0x440: {  	v47 =	vld [tilespmem:s16+$0x11C40]  }
0x441: {  	v48 =	vld [tilespmem:s16+$0x11C50]  }
0x442: {  	v49 =	vld [tilespmem:s16+$0x11C60]  }
0x443: {  	[tilespmem:s16+$0xEC70] =	vst.add.f32.msk $0xffff, v3  }
0x444: {  	v3 =	vld [tilespmem:s16+$0x10840]  }
0x445: {  	[tilespmem:s16+$0xD800] =	vst.add.f32.msk $0xffff, v4  }
0x446: {  	[tilespmem:s16+$0xD810] =	vst.add.f32.msk $0xffff, v5  }
0x447: {  	[tilespmem:s16+$0xD820] =	vst.add.f32.msk $0xffff, v6  }
0x448: {  	[tilespmem:s16+$0xD830] =	vst.add.f32.msk $0xffff, v7  }
0x449: {  	[tilespmem:s16+$0xD850] =	vst.add.f32.msk $0xffff, v8  }
0x44a: {  	[tilespmem:s16+$0xD860] =	vst.add.f32.msk $0xffff, v9  }
0x44b: {  	[tilespmem:s16+$0xD870] =	vst.add.f32.msk $0xffff, v10  }
0x44c: {  	[tilespmem:s16+$0xDC00] =	vst.add.f32.msk $0xffff, v11  }
0x44d: {  	[tilespmem:s16+$0xDC10] =	vst.add.f32.msk $0xffff, v12  }
0x44e: {  	[tilespmem:s16+$0xDC20] =	vst.add.f32.msk $0xffff, v13  }
0x44f: {  	[tilespmem:s16+$0xDC30] =	vst.add.f32.msk $0xffff, v14  }
0x450: {  	[tilespmem:s16+$0xDC40] =	vst.add.f32.msk $0xffff, v15  }
0x451: {  	[tilespmem:s16+$0xDC50] =	vst.add.f32.msk $0xffff, v16  }
0x452: {  	[tilespmem:s16+$0xDC60] =	vst.add.f32.msk $0xffff, v17  }
0x453: {  	[tilespmem:s16+$0xDC70] =	vst.add.f32.msk $0xffff, v18  }
0x454: {  	[tilespmem:s16+$0xE000] =	vst.add.f32.msk $0xffff, v19  }
0x455: {  	[tilespmem:s16+$0xE010] =	vst.add.f32.msk $0xffff, v20  }
0x456: {  	[tilespmem:s16+$0xE020] =	vst.add.f32.msk $0xffff, v21  }
0x457: {  	[tilespmem:s16+$0xE030] =	vst.add.f32.msk $0xffff, v22  }
0x458: {  	[tilespmem:s16+$0xE040] =	vst.add.f32.msk $0xffff, v23  }
0x459: {  	[tilespmem:s16+$0xE050] =	vst.add.f32.msk $0xffff, v24  }
0x45a: {  	[tilespmem:s16+$0xE060] =	vst.add.f32.msk $0xffff, v25  }
0x45b: {  	[tilespmem:s16+$0xE070] =	vst.add.f32.msk $0xffff, v26  }
0x45c: {  	[tilespmem:s16+$0xE400] =	vst.add.f32.msk $0xffff, v27  }
0x45d: {  	[tilespmem:s16+$0xE410] =	vst.add.f32.msk $0xffff, v28  }
0x45e: {  	[tilespmem:s16+$0xE420] =	vst.add.f32.msk $0xffff, v29  }
0x45f: {  	[tilespmem:s16+$0xE430] =	vst.add.f32.msk $0xffff, v30  }
0x460: {  	[tilespmem:s16+$0xE440] =	vst.add.f32.msk $0xffff, v31  }
0x461: {  	[tilespmem:s16+$0xE450] =	vst.add.f32.msk $0xffff, v32  }
0x462: {  	[tilespmem:s16+$0xE460] =	vst.add.f32.msk $0xffff, v33  }
0x463: {  	[tilespmem:s16+$0xE470] =	vst.add.f32.msk $0xffff, v34  }
0x464: {  	[tilespmem:s16+$0xE800] =	vst.add.f32.msk $0xffff, v35  }
0x465: {  	[tilespmem:s16+$0xE810] =	vst.add.f32.msk $0xffff, v36  }
0x466: {  	[tilespmem:s16+$0xE820] =	vst.add.f32.msk $0xffff, v37  }
0x467: {  	[tilespmem:s16+$0xE830] =	vst.add.f32.msk $0xffff, v38  }
0x468: {  	[tilespmem:s16+$0xE840] =	vst.add.f32.msk $0xffff, v39  }
0x469: {  	[tilespmem:s16+$0xE850] =	vst.add.f32.msk $0xffff, v40  }
0x46a: {  	[tilespmem:s16+$0xE860] =	vst.add.f32.msk $0xffff, v41  }
0x46b: {  	[tilespmem:s16+$0xE870] =	vst.add.f32.msk $0xffff, v42  }
0x46c: {  	[tilespmem:s16+$0xEC00] =	vst.add.f32.msk $0xffff, v43  }
0x46d: {  	[tilespmem:s16+$0xEC10] =	vst.add.f32.msk $0xffff, v44  }
0x46e: {  	[tilespmem:s16+$0xEC20] =	vst.add.f32.msk $0xffff, v45  }
0x46f: {  	s18 =	sor.u32 s4, s10;
	[tilespmem:s16+$0xEC30] =	vst.add.f32.msk $0xffff, v46  }
0x470: {  	s3 =	sshrl.u32 s18, $0x3;
	[tilespmem:s16+$0xEC40] =	vst.add.f32.msk $0xffff, v47  }
0x471: {  	s3 =	smul.u32 $0x300, s3;
	[tilespmem:s16+$0xEC50] =	vst.add.f32.msk $0xffff, v48  }
0x472: {  	[tilespmem:s16+$0xEC60] =	vst.add.f32.msk $0xffff, v49  }
0x473: {  	s10 =	simm.s32 $0x0;
	s3 =	sadd.s32 s2, s3;
	[tilespmem:s16+$0xD840] =	vst.add.f32.msk $0xffff, v3  }
0x474: {  	[hbm4b:s3+s10] =	stream.linear.scatter [tilespmem:s25], [sflag:$0x7], $0x3000, $0x38;
	[tilespmem:$0x19800] =	vst v63  }
0x475: {  	_ =	swait.ge [sflag:s19], $0x3000  }
0x476: {  	[sflag:s19] =	ssyncset.done $0x0  }
0x477: {  	[sflag:s19] =	ssyncadd.s32 $0xFFFFD000  }
0x478: {  	_ =	swait.ge [sflag:s19], $0x3000  }
0x479: {  	[sflag:s19] =	ssyncset.done $0x0  }
0x47a: {  	[sflag:s19] =	ssyncadd.s32 $0xFFFFD000  }
0x47b: {  	_ =	swait.ge [sflag:s21], $0x3000  }
0x47c: {  	s3 =	sadd.s32 $0x50, s9;
	[sflag:s21] =	ssyncset.done $0x0  }
0x47d: {  	s3 =	simm.s32 @p0 $0x0;
	[sflag:s21] =	ssyncadd.s32 $0xFFFFD000  }
0x47e: {  	v3 =	vld [tilespmem:s3+$0x1000];
	_ =	sdelay $0x4  }
0x47f: {  	v4 =	vshrl.u32 v3, $0x3  }
0x480: {  	v4 =	vmul.u32 $0x30, v4  }
0x481: {  	v3 =	vand.u32 $0x7, v3  }
0x482: {  	v3 =	vor.u32 v3, v4  }
0x483: {  	v4 =	vperm.xlane v3, v0;
	_ =	sdelay $0x1  }
0x484: {  	v4 =	vadd.s32 v1, v4;
	_ =	sdelay $0x3  }
0x485: {  	v3 =	vperm.xlane v3, v2  }
0x486: {  	[tilespmem:s20], [sflag:$0x2] =	stream.indirect_vreg.gather [hbm4b:s5+s10], $0x80, v4, vm0, $0xb8;
	[tilespmem:$0x19800] =	vst v63  }
0x487: {  	s23 =	simm.s32 $0x8000;
	v3 =	vadd.s32 v1, v3  }
0x488: {  	[tilespmem:s23], [sflag:$0x2] =	stream.indirect_vreg.gather [hbm4b:s11+s10], $0x80, v4, vm0, $0xb8;
	[tilespmem:$0x19800] =	vst v63  }
0x489: {  	s24 =	simm.s32 $0x8800  }
0x48a: {  	[tilespmem:s24], [sflag:$0x2] =	stream.indirect_vreg.gather [hbm4b:s12+s10], $0x80, v4, vm0, $0xb8;
	[tilespmem:$0x19800] =	vst v63  }
0x48b: {  	s16 =	simm.s32 $0x9000  }
0x48c: {  	[tilespmem:s16], [sflag:$0x2] =	stream.indirect_vreg.gather [hbm4b:s5+s10], $0x80, v3, vm0, $0xb8;
	[tilespmem:$0x19800] =	vst v63  }
0x48d: {  	s17 =	simm.s32 $0x9800  }
0x48e: {  	[tilespmem:s17], [sflag:$0x2] =	stream.indirect_vreg.gather [hbm4b:s11+s10], $0x80, v3, vm0, $0xb8;
	[tilespmem:$0x19800] =	vst v63  }
0x48f: {  	s18 =	simm.s32 $0xA000  }
0x490: {  	[tilespmem:s18], [sflag:$0x2] =	stream.indirect_vreg.gather [hbm4b:s12+s10], $0x80, v3, vm0, $0xb8;
	[tilespmem:$0x19800] =	vst v63  }
0x491: {  	v3 =	vld [tilespmem:s3+$0x1400];
	_ =	sdelay $0x4  }
0x492: {  	v4 =	vshrl.u32 v3, $0x3  }
0x493: {  	v4 =	vmul.u32 $0x30, v4  }
0x494: {  	v3 =	vand.u32 $0x7, v3  }
0x495: {  	v3 =	vor.u32 v3, v4  }
0x496: {  	v4 =	vperm.xlane v3, v0;
	_ =	sdelay $0x1  }
0x497: {  	v4 =	vadd.s32 v1, v4;
	_ =	sdelay $0x3  }
0x498: {  	s23 =	simm.s32 $0xA800;
	v3 =	vperm.xlane v3, v2  }
0x499: {  	[tilespmem:s23], [sflag:$0x2] =	stream.indirect_vreg.gather [hbm4b:s6+s10], $0x80, v4, vm0, $0xb8;
	[tilespmem:$0x19800] =	vst v63  }
0x49a: {  	s24 =	simm.s32 $0xB000;
	v3 =	vadd.s32 v1, v3  }
0x49b: {  	[tilespmem:s24], [sflag:$0x2] =	stream.indirect_vreg.gather [hbm4b:s13+s10], $0x80, v4, vm0, $0xb8;
	[tilespmem:$0x19800] =	vst v63  }
0x49c: {  	s9 =	simm.s32 $0xB800  }
0x49d: {  	[tilespmem:s9], [sflag:$0x2] =	stream.indirect_vreg.gather [hbm4b:s14+s10], $0x80, v4, vm0, $0xb8;
	[tilespmem:$0x19800] =	vst v63  }
0x49e: {  	s16 =	simm.s32 $0xC000;
	s23 =	simm.s32 $0x0  }
0x49f: {  	[tilespmem:s16], [sflag:$0x2] =	stream.indirect_vreg.gather [hbm4b:s6+s10], $0x80, v3, vm0, $0xb8;
	[tilespmem:$0x19800] =	vst v63  }
0x4a0: {  	s17 =	simm.s32 $0xC800;
	s3 =	smul.u32 $0x1800, s23;
	s24 =	sand.u32 $0x380, s10  }
0x4a1: {  	[tilespmem:s17], [sflag:$0x2] =	stream.indirect_vreg.gather [hbm4b:s13+s10], $0x80, v3, vm0, $0xb8;
	[tilespmem:$0x19800] =	vst v63  }
0x4a2: {  	s18 =	simm.s32 $0xD000;
	s9 =	sor.u32 s24, s3  }
0x4a3: {  	[tilespmem:s18], [sflag:$0x2] =	stream.indirect_vreg.gather [hbm4b:s14+s10], $0x80, v3, vm0, $0xb8;
	[tilespmem:$0x19800] =	vst v63  }
0x4a4: {  	v3 =	vld [tilespmem:s9+$0x17C70]  }
0x4a5: {  	v6 =	vld [tilespmem:s9+$0x16800]  }
0x4a6: {  	v7 =	vld [tilespmem:s9+$0x16810]  }
0x4a7: {  	v8 =	vld [tilespmem:s9+$0x16820]  }
0x4a8: {  	v9 =	vld [tilespmem:s9+$0x16830]  }
0x4a9: {  	v10 =	vld [tilespmem:s9+$0x16840]  }
0x4aa: {  	v11 =	vld [tilespmem:s9+$0x16850]  }
0x4ab: {  	v12 =	vld [tilespmem:s9+$0x16860]  }
0x4ac: {  	v13 =	vld [tilespmem:s9+$0x16870]  }
0x4ad: {  	v14 =	vld [tilespmem:s9+$0x16C00]  }
0x4ae: {  	v15 =	vld [tilespmem:s9+$0x16C10]  }
0x4af: {  	v16 =	vld [tilespmem:s9+$0x16C20]  }
0x4b0: {  	v17 =	vld [tilespmem:s9+$0x16C30]  }
0x4b1: {  	v18 =	vld [tilespmem:s9+$0x16C40]  }
0x4b2: {  	v19 =	vld [tilespmem:s9+$0x16C50]  }
0x4b3: {  	v20 =	vld [tilespmem:s9+$0x16C60]  }
0x4b4: {  	v21 =	vld [tilespmem:s9+$0x16C70]  }
0x4b5: {  	v22 =	vld [tilespmem:s9+$0x17000]  }
0x4b6: {  	v23 =	vld [tilespmem:s9+$0x17010]  }
0x4b7: {  	v24 =	vld [tilespmem:s9+$0x17020]  }
0x4b8: {  	v25 =	vld [tilespmem:s9+$0x17030]  }
0x4b9: {  	v26 =	vld [tilespmem:s9+$0x17040]  }
0x4ba: {  	v27 =	vld [tilespmem:s9+$0x17050]  }
0x4bb: {  	v28 =	vld [tilespmem:s9+$0x17060]  }
0x4bc: {  	v29 =	vld [tilespmem:s9+$0x17070]  }
0x4bd: {  	v30 =	vld [tilespmem:s9+$0x17400]  }
0x4be: {  	v31 =	vld [tilespmem:s9+$0x17410]  }
0x4bf: {  	v32 =	vld [tilespmem:s9+$0x17420]  }
0x4c0: {  	v33 =	vld [tilespmem:s9+$0x17430]  }
0x4c1: {  	v34 =	vld [tilespmem:s9+$0x17440]  }
0x4c2: {  	v35 =	vld [tilespmem:s9+$0x17450]  }
0x4c3: {  	v36 =	vld [tilespmem:s9+$0x17460]  }
0x4c4: {  	v37 =	vld [tilespmem:s9+$0x17470]  }
0x4c5: {  	v52 =	vld [tilespmem:s9+$0x17800]  }
0x4c6: {  	v53 =	vld [tilespmem:s9+$0x17810]  }
0x4c7: {  	v54 =	vld [tilespmem:s9+$0x17820]  }
0x4c8: {  	v55 =	vld [tilespmem:s9+$0x17830]  }
0x4c9: {  	v56 =	vld [tilespmem:s9+$0x17840]  }
0x4ca: {  	v57 =	vld [tilespmem:s9+$0x17850]  }
0x4cb: {  	v58 =	vld [tilespmem:s9+$0x17860]  }
0x4cc: {  	v59 =	vld [tilespmem:s9+$0x17870]  }
0x4cd: {  	v60 =	vld [tilespmem:s9+$0x17C00]  }
0x4ce: {  	v61 =	vld [tilespmem:s9+$0x17C10]  }
0x4cf: {  	v62 =	vld [tilespmem:s9+$0x17C20]  }
0x4d0: {  	v63 =	vld [tilespmem:s9+$0x17C30]  }
0x4d1: {  	v5 =	vld [tilespmem:s9+$0x17C40]  }
0x4d2: {  	v4 =	vld [tilespmem:s9+$0x17C50]  }
0x4d3: {  	[tilespmem:s9+$0x14C70] =	vst.add.f32.msk $0xffff, v3  }
0x4d4: {  	v3 =	vld [tilespmem:s9+$0x17C60]  }
0x4d5: {  	[tilespmem:s9+$0x13800] =	vst.add.f32.msk $0xffff, v6  }
0x4d6: {  	[tilespmem:s9+$0x13810] =	vst.add.f32.msk $0xffff, v7  }
0x4d7: {  	[tilespmem:s9+$0x13820] =	vst.add.f32.msk $0xffff, v8  }
0x4d8: {  	[tilespmem:s9+$0x13830] =	vst.add.f32.msk $0xffff, v9  }
0x4d9: {  	[tilespmem:s9+$0x13840] =	vst.add.f32.msk $0xffff, v10  }
0x4da: {  	[tilespmem:s9+$0x13850] =	vst.add.f32.msk $0xffff, v11  }
0x4db: {  	[tilespmem:s9+$0x13860] =	vst.add.f32.msk $0xffff, v12  }
0x4dc: {  	[tilespmem:s9+$0x13870] =	vst.add.f32.msk $0xffff, v13  }
0x4dd: {  	[tilespmem:s9+$0x13C00] =	vst.add.f32.msk $0xffff, v14  }
0x4de: {  	[tilespmem:s9+$0x13C10] =	vst.add.f32.msk $0xffff, v15  }
0x4df: {  	[tilespmem:s9+$0x13C20] =	vst.add.f32.msk $0xffff, v16  }
0x4e0: {  	[tilespmem:s9+$0x13C30] =	vst.add.f32.msk $0xffff, v17  }
0x4e1: {  	[tilespmem:s9+$0x13C40] =	vst.add.f32.msk $0xffff, v18  }
0x4e2: {  	[tilespmem:s9+$0x13C50] =	vst.add.f32.msk $0xffff, v19  }
0x4e3: {  	[tilespmem:s9+$0x13C60] =	vst.add.f32.msk $0xffff, v20  }
0x4e4: {  	[tilespmem:s9+$0x13C70] =	vst.add.f32.msk $0xffff, v21  }
0x4e5: {  	[tilespmem:s9+$0x14000] =	vst.add.f32.msk $0xffff, v22  }
0x4e6: {  	[tilespmem:s9+$0x14010] =	vst.add.f32.msk $0xffff, v23  }
0x4e7: {  	[tilespmem:s9+$0x14020] =	vst.add.f32.msk $0xffff, v24  }
0x4e8: {  	[tilespmem:s9+$0x14030] =	vst.add.f32.msk $0xffff, v25  }
0x4e9: {  	[tilespmem:s9+$0x14040] =	vst.add.f32.msk $0xffff, v26  }
0x4ea: {  	[tilespmem:s9+$0x14050] =	vst.add.f32.msk $0xffff, v27  }
0x4eb: {  	[tilespmem:s9+$0x14060] =	vst.add.f32.msk $0xffff, v28  }
0x4ec: {  	[tilespmem:s9+$0x14070] =	vst.add.f32.msk $0xffff, v29  }
0x4ed: {  	[tilespmem:s9+$0x14400] =	vst.add.f32.msk $0xffff, v30  }
0x4ee: {  	[tilespmem:s9+$0x14410] =	vst.add.f32.msk $0xffff, v31  }
0x4ef: {  	[tilespmem:s9+$0x14420] =	vst.add.f32.msk $0xffff, v32  }
0x4f0: {  	[tilespmem:s9+$0x14430] =	vst.add.f32.msk $0xffff, v33  }
0x4f1: {  	[tilespmem:s9+$0x14440] =	vst.add.f32.msk $0xffff, v34  }
0x4f2: {  	[tilespmem:s9+$0x14450] =	vst.add.f32.msk $0xffff, v35  }
0x4f3: {  	[tilespmem:s9+$0x14460] =	vst.add.f32.msk $0xffff, v36  }
0x4f4: {  	[tilespmem:s9+$0x14470] =	vst.add.f32.msk $0xffff, v37  }
0x4f5: {  	[tilespmem:s9+$0x14800] =	vst.add.f32.msk $0xffff, v52  }
0x4f6: {  	[tilespmem:s9+$0x14810] =	vst.add.f32.msk $0xffff, v53  }
0x4f7: {  	[tilespmem:s9+$0x14820] =	vst.add.f32.msk $0xffff, v54  }
0x4f8: {  	[tilespmem:s9+$0x14830] =	vst.add.f32.msk $0xffff, v55  }
0x4f9: {  	[tilespmem:s9+$0x14840] =	vst.add.f32.msk $0xffff, v56  }
0x4fa: {  	[tilespmem:s9+$0x14850] =	vst.add.f32.msk $0xffff, v57  }
0x4fb: {  	[tilespmem:s9+$0x14860] =	vst.add.f32.msk $0xffff, v58  }
0x4fc: {  	[tilespmem:s9+$0x14870] =	vst.add.f32.msk $0xffff, v59  }
0x4fd: {  	[tilespmem:s9+$0x14C00] =	vst.add.f32.msk $0xffff, v60  }
0x4fe: {  	[tilespmem:s9+$0x14C10] =	vst.add.f32.msk $0xffff, v61  }
0x4ff: {  	[tilespmem:s9+$0x14C20] =	vst.add.f32.msk $0xffff, v62  }
0x500: {  	s16 =	simm.s32 $0x2;
	s17 =	simm.s32 $0x0;
	[tilespmem:s9+$0x14C30] =	vst.add.f32.msk $0xffff, v63  }
.LBB2_11:
0x501: {  	p0 =	sne.s32 s16, $0xF;
	s3 =	smul.u32 $0x1800, s17;
	[tilespmem:s9+$0x14C40] =	vst.add.f32.msk $0xffff, v5;
	s10 =	sadd.s32 $0x80, s10  }
0x502: {  	s17 =	sand.u32 $0x380, s10;
	[tilespmem:s9+$0x14C50] =	vst.add.f32.msk $0xffff, v4  }
0x503: {  	[tilespmem:s9+$0x14C60] =	vst.add.f32.msk $0xffff, v3;
	s9 =	sor.u32 s17, s3  }
0x504: {  	v3 =	vld [tilespmem:s9+$0x17C70]  }
0x505: {  	v6 =	vld [tilespmem:s9+$0x16800]  }
0x506: {  	v7 =	vld [tilespmem:s9+$0x16810]  }
0x507: {  	v8 =	vld [tilespmem:s9+$0x16820]  }
0x508: {  	v9 =	vld [tilespmem:s9+$0x16830]  }
0x509: {  	[tilespmem:s9+$0x14C70] =	vst.add.f32.msk $0xffff, v3  }
0x50a: {  	v10 =	vld [tilespmem:s9+$0x16840]  }
0x50b: {  	v11 =	vld [tilespmem:s9+$0x16850]  }
0x50c: {  	v12 =	vld [tilespmem:s9+$0x16860]  }
0x50d: {  	v13 =	vld [tilespmem:s9+$0x16870]  }
0x50e: {  	v14 =	vld [tilespmem:s9+$0x16C00]  }
0x50f: {  	v15 =	vld [tilespmem:s9+$0x16C10]  }
0x510: {  	v16 =	vld [tilespmem:s9+$0x16C20]  }
0x511: {  	v17 =	vld [tilespmem:s9+$0x16C30]  }
0x512: {  	v18 =	vld [tilespmem:s9+$0x16C40]  }
0x513: {  	v19 =	vld [tilespmem:s9+$0x16C50]  }
0x514: {  	v20 =	vld [tilespmem:s9+$0x16C60]  }
0x515: {  	v21 =	vld [tilespmem:s9+$0x16C70]  }
0x516: {  	v22 =	vld [tilespmem:s9+$0x17000]  }
0x517: {  	v23 =	vld [tilespmem:s9+$0x17010]  }
0x518: {  	v24 =	vld [tilespmem:s9+$0x17020]  }
0x519: {  	v25 =	vld [tilespmem:s9+$0x17030]  }
0x51a: {  	v26 =	vld [tilespmem:s9+$0x17040]  }
0x51b: {  	v27 =	vld [tilespmem:s9+$0x17050]  }
0x51c: {  	v28 =	vld [tilespmem:s9+$0x17060]  }
0x51d: {  	v29 =	vld [tilespmem:s9+$0x17070]  }
0x51e: {  	v30 =	vld [tilespmem:s9+$0x17400]  }
0x51f: {  	v31 =	vld [tilespmem:s9+$0x17410]  }
0x520: {  	v32 =	vld [tilespmem:s9+$0x17420]  }
0x521: {  	v33 =	vld [tilespmem:s9+$0x17430]  }
0x522: {  	v34 =	vld [tilespmem:s9+$0x17440]  }
0x523: {  	v35 =	vld [tilespmem:s9+$0x17450]  }
0x524: {  	v36 =	vld [tilespmem:s9+$0x17460]  }
0x525: {  	v37 =	vld [tilespmem:s9+$0x17470]  }
0x526: {  	v38 =	vld [tilespmem:s9+$0x17800]  }
0x527: {  	v39 =	vld [tilespmem:s9+$0x17810]  }
0x528: {  	v40 =	vld [tilespmem:s9+$0x17820]  }
0x529: {  	v41 =	vld [tilespmem:s9+$0x17830]  }
0x52a: {  	v42 =	vld [tilespmem:s9+$0x17840]  }
0x52b: {  	v43 =	vld [tilespmem:s9+$0x17850]  }
0x52c: {  	v44 =	vld [tilespmem:s9+$0x17860]  }
0x52d: {  	v45 =	vld [tilespmem:s9+$0x17870]  }
0x52e: {  	v46 =	vld [tilespmem:s9+$0x17C00]  }
0x52f: {  	v47 =	vld [tilespmem:s9+$0x17C10]  }
0x530: {  	v48 =	vld [tilespmem:s9+$0x17C20]  }
0x531: {  	v49 =	vld [tilespmem:s9+$0x17C30]  }
0x532: {  	v5 =	vld [tilespmem:s9+$0x17C40]  }
0x533: {  	v4 =	vld [tilespmem:s9+$0x17C50]  }
0x534: {  	v3 =	vld [tilespmem:s9+$0x17C60]  }
0x535: {  	[tilespmem:s9+$0x13800] =	vst.add.f32.msk $0xffff, v6  }
0x536: {  	[tilespmem:s9+$0x13810] =	vst.add.f32.msk $0xffff, v7  }
0x537: {  	[tilespmem:s9+$0x13820] =	vst.add.f32.msk $0xffff, v8  }
0x538: {  	[tilespmem:s9+$0x13830] =	vst.add.f32.msk $0xffff, v9  }
0x539: {  	[tilespmem:s9+$0x13840] =	vst.add.f32.msk $0xffff, v10  }
0x53a: {  	[tilespmem:s9+$0x13850] =	vst.add.f32.msk $0xffff, v11  }
0x53b: {  	[tilespmem:s9+$0x13860] =	vst.add.f32.msk $0xffff, v12  }
0x53c: {  	[tilespmem:s9+$0x13870] =	vst.add.f32.msk $0xffff, v13  }
0x53d: {  	[tilespmem:s9+$0x13C00] =	vst.add.f32.msk $0xffff, v14  }
0x53e: {  	[tilespmem:s9+$0x13C10] =	vst.add.f32.msk $0xffff, v15  }
0x53f: {  	[tilespmem:s9+$0x13C20] =	vst.add.f32.msk $0xffff, v16  }
0x540: {  	[tilespmem:s9+$0x13C30] =	vst.add.f32.msk $0xffff, v17  }
0x541: {  	[tilespmem:s9+$0x13C40] =	vst.add.f32.msk $0xffff, v18  }
0x542: {  	[tilespmem:s9+$0x13C50] =	vst.add.f32.msk $0xffff, v19  }
0x543: {  	[tilespmem:s9+$0x13C60] =	vst.add.f32.msk $0xffff, v20  }
0x544: {  	[tilespmem:s9+$0x13C70] =	vst.add.f32.msk $0xffff, v21  }
0x545: {  	[tilespmem:s9+$0x14000] =	vst.add.f32.msk $0xffff, v22  }
0x546: {  	[tilespmem:s9+$0x14010] =	vst.add.f32.msk $0xffff, v23  }
0x547: {  	[tilespmem:s9+$0x14020] =	vst.add.f32.msk $0xffff, v24  }
0x548: {  	[tilespmem:s9+$0x14030] =	vst.add.f32.msk $0xffff, v25  }
0x549: {  	[tilespmem:s9+$0x14040] =	vst.add.f32.msk $0xffff, v26  }
0x54a: {  	[tilespmem:s9+$0x14050] =	vst.add.f32.msk $0xffff, v27  }
0x54b: {  	[tilespmem:s9+$0x14060] =	vst.add.f32.msk $0xffff, v28  }
0x54c: {  	[tilespmem:s9+$0x14070] =	vst.add.f32.msk $0xffff, v29  }
0x54d: {  	[tilespmem:s9+$0x14400] =	vst.add.f32.msk $0xffff, v30  }
0x54e: {  	[tilespmem:s9+$0x14410] =	vst.add.f32.msk $0xffff, v31  }
0x54f: {  	[tilespmem:s9+$0x14420] =	vst.add.f32.msk $0xffff, v32  }
0x550: {  	[tilespmem:s9+$0x14430] =	vst.add.f32.msk $0xffff, v33  }
0x551: {  	[tilespmem:s9+$0x14440] =	vst.add.f32.msk $0xffff, v34  }
0x552: {  	[tilespmem:s9+$0x14450] =	vst.add.f32.msk $0xffff, v35  }
0x553: {  	[tilespmem:s9+$0x14460] =	vst.add.f32.msk $0xffff, v36  }
0x554: {  	[tilespmem:s9+$0x14470] =	vst.add.f32.msk $0xffff, v37  }
0x555: {  	[tilespmem:s9+$0x14800] =	vst.add.f32.msk $0xffff, v38  }
0x556: {  	[tilespmem:s9+$0x14810] =	vst.add.f32.msk $0xffff, v39  }
0x557: {  	[tilespmem:s9+$0x14820] =	vst.add.f32.msk $0xffff, v40  }
0x558: {  	[tilespmem:s9+$0x14830] =	vst.add.f32.msk $0xffff, v41  }
0x559: {  	[tilespmem:s9+$0x14840] =	vst.add.f32.msk $0xffff, v42  }
0x55a: {  	[tilespmem:s9+$0x14850] =	vst.add.f32.msk $0xffff, v43  }
0x55b: {  	[tilespmem:s9+$0x14860] =	vst.add.f32.msk $0xffff, v44  }
.Ltmp4:
0x55c: {  	[tilespmem:s9+$0x14870] =	vst.add.f32.msk $0xffff, v45;
	(pc) =	sbr.rel @p0 .LBB2_11-.Ltmp4, $4  }
0x55d: {  	[tilespmem:s9+$0x14C00] =	vst.add.f32.msk $0xffff, v46  }
0x55e: {  	[tilespmem:s9+$0x14C10] =	vst.add.f32.msk $0xffff, v47  }
0x55f: {  	[tilespmem:s9+$0x14C20] =	vst.add.f32.msk $0xffff, v48  }
0x560: {  	s17 =	sshrl.u32 s16, $0x3;
	s16 =	sadd.s32 $0x1, s16;
	[tilespmem:s9+$0x14C30] =	vst.add.f32.msk $0xffff, v49  }
0x561: {  	s3 =	smul.u32 $0x1800, s17;
	[tilespmem:s9+$0x14C40] =	vst.add.f32.msk $0xffff, v5;
	s10 =	sadd.s32 $0x80, s10  }
0x562: {  	[tilespmem:s9+$0x14C50] =	vst.add.f32.msk $0xffff, v4;
	s10 =	sand.u32 $0x380, s10  }
0x563: {  	[tilespmem:s9+$0x14C60] =	vst.add.f32.msk $0xffff, v3;
	s10 =	sor.u32 s10, s3  }
0x564: {  	v3 =	vld [tilespmem:s10+$0x17C70]  }
0x565: {  	v4 =	vld [tilespmem:s10+$0x16800]  }
0x566: {  	v5 =	vld [tilespmem:s10+$0x16810]  }
0x567: {  	v6 =	vld [tilespmem:s10+$0x16820]  }
0x568: {  	v7 =	vld [tilespmem:s10+$0x16830]  }
0x569: {  	v8 =	vld [tilespmem:s10+$0x16850]  }
0x56a: {  	v9 =	vld [tilespmem:s10+$0x16860]  }
0x56b: {  	v10 =	vld [tilespmem:s10+$0x16870]  }
0x56c: {  	v11 =	vld [tilespmem:s10+$0x16C00]  }
0x56d: {  	v12 =	vld [tilespmem:s10+$0x16C10]  }
0x56e: {  	v13 =	vld [tilespmem:s10+$0x16C20]  }
0x56f: {  	v14 =	vld [tilespmem:s10+$0x16C30]  }
0x570: {  	v15 =	vld [tilespmem:s10+$0x16C40]  }
0x571: {  	v16 =	vld [tilespmem:s10+$0x16C50]  }
0x572: {  	v17 =	vld [tilespmem:s10+$0x16C60]  }
0x573: {  	v18 =	vld [tilespmem:s10+$0x16C70]  }
0x574: {  	v19 =	vld [tilespmem:s10+$0x17000]  }
0x575: {  	v20 =	vld [tilespmem:s10+$0x17010]  }
0x576: {  	v21 =	vld [tilespmem:s10+$0x17020]  }
0x577: {  	v22 =	vld [tilespmem:s10+$0x17030]  }
0x578: {  	v23 =	vld [tilespmem:s10+$0x17040]  }
0x579: {  	v24 =	vld [tilespmem:s10+$0x17050]  }
0x57a: {  	v25 =	vld [tilespmem:s10+$0x17060]  }
0x57b: {  	v26 =	vld [tilespmem:s10+$0x17070]  }
0x57c: {  	v27 =	vld [tilespmem:s10+$0x17400]  }
0x57d: {  	v28 =	vld [tilespmem:s10+$0x17410]  }
0x57e: {  	v29 =	vld [tilespmem:s10+$0x17420]  }
0x57f: {  	v30 =	vld [tilespmem:s10+$0x17430]  }
0x580: {  	v31 =	vld [tilespmem:s10+$0x17440]  }
0x581: {  	v32 =	vld [tilespmem:s10+$0x17450]  }
0x582: {  	v33 =	vld [tilespmem:s10+$0x17460]  }
0x583: {  	v34 =	vld [tilespmem:s10+$0x17470]  }
0x584: {  	v35 =	vld [tilespmem:s10+$0x17800]  }
0x585: {  	v36 =	vld [tilespmem:s10+$0x17810]  }
0x586: {  	v37 =	vld [tilespmem:s10+$0x17820]  }
0x587: {  	v38 =	vld [tilespmem:s10+$0x17830]  }
0x588: {  	v39 =	vld [tilespmem:s10+$0x17840]  }
0x589: {  	v40 =	vld [tilespmem:s10+$0x17850]  }
0x58a: {  	v41 =	vld [tilespmem:s10+$0x17860]  }
0x58b: {  	v42 =	vld [tilespmem:s10+$0x17870]  }
0x58c: {  	v43 =	vld [tilespmem:s10+$0x17C00]  }
0x58d: {  	v44 =	vld [tilespmem:s10+$0x17C10]  }
0x58e: {  	v45 =	vld [tilespmem:s10+$0x17C20]  }
0x58f: {  	v46 =	vld [tilespmem:s10+$0x17C30]  }
0x590: {  	v47 =	vld [tilespmem:s10+$0x17C40]  }
0x591: {  	v48 =	vld [tilespmem:s10+$0x17C50]  }
0x592: {  	v49 =	vld [tilespmem:s10+$0x17C60]  }
0x593: {  	[tilespmem:s10+$0x14C70] =	vst.add.f32.msk $0xffff, v3  }
0x594: {  	v3 =	vld [tilespmem:s10+$0x16840]  }
0x595: {  	[tilespmem:s10+$0x13800] =	vst.add.f32.msk $0xffff, v4  }
0x596: {  	[tilespmem:s10+$0x13810] =	vst.add.f32.msk $0xffff, v5  }
0x597: {  	[tilespmem:s10+$0x13820] =	vst.add.f32.msk $0xffff, v6  }
0x598: {  	[tilespmem:s10+$0x13830] =	vst.add.f32.msk $0xffff, v7  }
0x599: {  	[tilespmem:s10+$0x13850] =	vst.add.f32.msk $0xffff, v8  }
0x59a: {  	[tilespmem:s10+$0x13860] =	vst.add.f32.msk $0xffff, v9  }
0x59b: {  	[tilespmem:s10+$0x13870] =	vst.add.f32.msk $0xffff, v10  }
0x59c: {  	[tilespmem:s10+$0x13C00] =	vst.add.f32.msk $0xffff, v11  }
0x59d: {  	[tilespmem:s10+$0x13C10] =	vst.add.f32.msk $0xffff, v12  }
0x59e: {  	[tilespmem:s10+$0x13C20] =	vst.add.f32.msk $0xffff, v13  }
0x59f: {  	[tilespmem:s10+$0x13C30] =	vst.add.f32.msk $0xffff, v14  }
0x5a0: {  	[tilespmem:s10+$0x13C40] =	vst.add.f32.msk $0xffff, v15  }
0x5a1: {  	[tilespmem:s10+$0x13C50] =	vst.add.f32.msk $0xffff, v16  }
0x5a2: {  	[tilespmem:s10+$0x13C60] =	vst.add.f32.msk $0xffff, v17  }
0x5a3: {  	[tilespmem:s10+$0x13C70] =	vst.add.f32.msk $0xffff, v18  }
0x5a4: {  	[tilespmem:s10+$0x14000] =	vst.add.f32.msk $0xffff, v19  }
0x5a5: {  	[tilespmem:s10+$0x14010] =	vst.add.f32.msk $0xffff, v20  }
0x5a6: {  	[tilespmem:s10+$0x14020] =	vst.add.f32.msk $0xffff, v21  }
0x5a7: {  	[tilespmem:s10+$0x14030] =	vst.add.f32.msk $0xffff, v22  }
0x5a8: {  	[tilespmem:s10+$0x14040] =	vst.add.f32.msk $0xffff, v23  }
0x5a9: {  	[tilespmem:s10+$0x14050] =	vst.add.f32.msk $0xffff, v24  }
0x5aa: {  	[tilespmem:s10+$0x14060] =	vst.add.f32.msk $0xffff, v25  }
0x5ab: {  	[tilespmem:s10+$0x14070] =	vst.add.f32.msk $0xffff, v26  }
0x5ac: {  	[tilespmem:s10+$0x14400] =	vst.add.f32.msk $0xffff, v27  }
0x5ad: {  	[tilespmem:s10+$0x14410] =	vst.add.f32.msk $0xffff, v28  }
0x5ae: {  	[tilespmem:s10+$0x14420] =	vst.add.f32.msk $0xffff, v29  }
0x5af: {  	[tilespmem:s10+$0x14430] =	vst.add.f32.msk $0xffff, v30  }
0x5b0: {  	[tilespmem:s10+$0x14440] =	vst.add.f32.msk $0xffff, v31  }
0x5b1: {  	[tilespmem:s10+$0x14450] =	vst.add.f32.msk $0xffff, v32  }
0x5b2: {  	[tilespmem:s10+$0x14460] =	vst.add.f32.msk $0xffff, v33  }
0x5b3: {  	[tilespmem:s10+$0x14470] =	vst.add.f32.msk $0xffff, v34  }
0x5b4: {  	[tilespmem:s10+$0x14800] =	vst.add.f32.msk $0xffff, v35  }
0x5b5: {  	[tilespmem:s10+$0x14810] =	vst.add.f32.msk $0xffff, v36  }
0x5b6: {  	[tilespmem:s10+$0x14820] =	vst.add.f32.msk $0xffff, v37  }
0x5b7: {  	[tilespmem:s10+$0x14830] =	vst.add.f32.msk $0xffff, v38  }
0x5b8: {  	[tilespmem:s10+$0x14840] =	vst.add.f32.msk $0xffff, v39  }
0x5b9: {  	[tilespmem:s10+$0x14850] =	vst.add.f32.msk $0xffff, v40  }
0x5ba: {  	[tilespmem:s10+$0x14860] =	vst.add.f32.msk $0xffff, v41  }
0x5bb: {  	[tilespmem:s10+$0x14870] =	vst.add.f32.msk $0xffff, v42  }
0x5bc: {  	[tilespmem:s10+$0x14C00] =	vst.add.f32.msk $0xffff, v43  }
0x5bd: {  	[tilespmem:s10+$0x14C10] =	vst.add.f32.msk $0xffff, v44  }
0x5be: {  	s8 =	sadd.s32 $0x1, s8;
	[tilespmem:s10+$0x14C20] =	vst.add.f32.msk $0xffff, v45  }
0x5bf: {  	s23 =	sor.u32 s4, s15;
	p0 =	sne.s32 s8, $0x10;
	[tilespmem:s10+$0x14C30] =	vst.add.f32.msk $0xffff, v46  }
.Ltmp5:
0x5c0: {  	s3 =	sshrl.u32 s23, $0x3;
	[tilespmem:s10+$0x14C40] =	vst.add.f32.msk $0xffff, v47;
	(pc) =	sbr.rel @p0 .LBB2_4-.Ltmp5, $4  }
0x5c1: {  	s3 =	smul.u32 $0x300, s3;
	[tilespmem:s10+$0x14C50] =	vst.add.f32.msk $0xffff, v48  }
0x5c2: {  	[tilespmem:s10+$0x14C60] =	vst.add.f32.msk $0xffff, v49  }
0x5c3: {  	s24 =	simm.s32 $0x0;
	s3 =	sadd.s32 s2, s3;
	[tilespmem:s10+$0x13840] =	vst.add.f32.msk $0xffff, v3  }
0x5c4: {  	[hbm4b:s3+s24] =	stream.linear.scatter [tilespmem:s26], [sflag:$0x8], $0x3000, $0x38;
	[tilespmem:$0x19800] =	vst v63  }
0x5c5: {  	_ =	swait.ge [sflag:s28], $0x3000  }
0x5c6: {  	[sflag:s28] =	ssyncset.done $0x0  }
0x5c7: {  	[sflag:s28] =	ssyncadd.s32 $0xFFFFD000  }
0x5c8: {  	_ =	swait.ge [sflag:s28], $0x3000  }
0x5c9: {  	[sflag:s28] =	ssyncset.done $0x0  }
0x5ca: {  	[sflag:s28] =	ssyncadd.s32 $0xFFFFD000  }
0x5cb: {  	_ =	swait.ge [sflag:s30], $0x3000  }
0x5cc: {  	[sflag:s30] =	ssyncset.done $0x0  }
0x5cd: {  	[sflag:s30] =	ssyncadd.s32 $0xFFFFD000  }
0x5ce: {  	_ =	swait.ge [sflag:s30], $0x3000  }
0x5cf: {  	[sflag:s30] =	ssyncset.done $0x0  }
0x5d0: {  	[sflag:s30] =	ssyncadd.s32 $0xFFFFD000  }
0x5d1: {  	_ =	swait.ge [sflag:s29], $0x3000  }
0x5d2: {  	[sflag:s29] =	ssyncset.done $0x0  }
0x5d3: {  	[sflag:s29] =	ssyncadd.s32 $0xFFFFD000  }
0x5d4: {  	_ =	swait.ge [sflag:s31], $0x3000  }
0x5d5: {  	s7 =	rddreg [dreg:$0xa]  }
0x5d6: {  	s3 =	rddreg [dreg:$0x9];
	s7 =	sadd.s32 $0x1, s7  }
0x5d7: {  	p0 =	sne.s32 s7, s3  }
.Ltmp6:
0x5d8: {  	_ = 	snop;
	(pc) =	sbr.rel @p0 .LBB2_1-.Ltmp6, $3  }
0x5d9: {  	_ =	sdelay $0x1  }
0x5da: {  	[sflag:s31] =	ssyncset.done $0x0  }
0x5db: {  	[sflag:s31] =	ssyncadd.s32 $0xFFFFD000  }
0x5dc: {  	_ =	sfence.sel $0x180000  }
0x5dd: {  	[bflag:$0x0] =	sbarrier.arrive $0xFFFF  }
0x5de: {  	_ =	strace $0x90000047  }
0x5df: {  	s0 =	stileid.u32;
	[bflag:$0x2] =	sbarrier.arrive $0xFFFF  }
0x5e0: {  	p0 =	sne.s32 s0, $0x0;
	s0 =	rddreg [dreg:$0x2]  }
0x5e1: {  	s0 =	sadd.s32 @!p0 $0x100000, s0  }
0x5e2: {  	[sflag:s0] =	ssyncadd.tile.s32 @!p0 $0x1;
	_ =	shalt  }
.Lfunc_end2:
_tile_overlayer_lowered:
.L_overlay_start_2:
0x5e3: {  	(tag) =	ssettag $0x2  }
0x5e4: {  	s0 =	rddreg [dreg:$0x0];
	s2 =	stileid.u32  }
0x5e5: {  	s1 =	rddreg [dreg:$0x1];
	p0 =	sne.s32 s2, $0x0  }
0x5e6: {  	s3 =	rddreg [dreg:$0x2];
	[bflag:$0x3] =	sbarrier.arrive $0xFFFF;
	s2 =	simm.s32 @!p0 $0x1C09  }
0x5e7: {  	[timem:s3], [sflag:s2] =	dma.local @!p0 [hbm:s0], s1  }
0x5e8: {  	s0 =	simm.s32 @!p0 $0x9  }
0x5e9: {  	_ =	swait.ge @!p0 [sflag:s0], s1  }
0x5ea: {  	s1 =	ssub.s32 @!p0 $0x0, s1;
	[sflag:s0] =	ssyncset.done @!p0 $0x0  }
0x5eb: {  	[sflag:s0] =	ssyncadd.s32 @!p0 s1  }
0x5ec: {  	[bflag:$0x3] =	sbarrier.arrive $0xFFFF  }
0x5ed: {  	_ =	shalt  }

</sc_bundles>
